<compile_context>
chip_gen: v7x
topology: tpu7x:2x2x1
jax: 0.10.2.dev20260603
libtpu: 0.0.44.dev20260713+nightly
codegen_flags: <defaults>
</compile_context>

<pallas_src>
import functools

import jax
import jax.numpy as jnp
from jax import lax
from jax.experimental import pallas as pl
from jax.experimental.pallas import tpu as pltpu
from jax.experimental.pallas import tpu_sc as plsc

D_MODEL = 2048
NUM_CORES = 2
NUM_SUBCORES = 16
NUM_WORKERS = NUM_CORES * NUM_SUBCORES
CHUNK = 8
NBUF = 6


@jax.jit
def _sc_gather(idx, wte):
    batch, seq = idx.shape
    rows_per_worker = batch * seq // NUM_WORKERS
    n_chunks = rows_per_worker // CHUNK
    w_per_batch = seq // rows_per_worker
    mesh = plsc.VectorSubcoreMesh(core_axis_name="c", subcore_axis_name="s")

    @functools.partial(
        pl.kernel,
        out_type=jax.ShapeDtypeStruct((batch, seq, D_MODEL), jnp.float32),
        mesh=mesh,
        scratch_types=[
            pltpu.VMEM((rows_per_worker,), jnp.int32),
            pltpu.VMEM((NBUF, CHUNK, D_MODEL), jnp.float32),
            [pltpu.SemaphoreType.DMA] * NBUF,
            [pltpu.SemaphoreType.DMA] * NBUF,
        ],
    )
    def gather_kernel(idx_hbm, wte_hbm, out_hbm, idx_v, rows_v, gsem, ssem):
        wid = lax.axis_index("s") * NUM_CORES + lax.axis_index("c")
        b = wid // w_per_batch
        off = (wid % w_per_batch) * rows_per_worker
        pltpu.sync_copy(idx_hbm.at[b, pl.ds(off, rows_per_worker)], idx_v)

        def gather(j):
            slot = j % NBUF
            return pltpu.async_copy(
                wte_hbm.at[idx_v.at[pl.ds(j * CHUNK, CHUNK)]],
                rows_v.at[slot],
                gsem[slot],
            )

        def store(j):
            slot = j % NBUF
            return pltpu.async_copy(
                rows_v.at[slot],
                out_hbm.at[b, pl.ds(off + j * CHUNK, CHUNK)],
                ssem[slot],
            )

        gd = {}
        sd = {}
        for j in range(min(NBUF - 1, n_chunks)):
            gd[j] = gather(j)
        for j in range(n_chunks):
            gd[j].wait()
            nxt = j + NBUF - 1
            if nxt < n_chunks:
                prev = nxt - NBUF
                if prev >= 0:
                    sd[prev].wait()
                gd[nxt] = gather(nxt)
            sd[j] = store(j)
        for j in range(max(0, n_chunks - NBUF), n_chunks):
            sd[j].wait()

    return gather_kernel(idx, wte)


def kernel(inputs, wte):
    return _sc_gather(inputs.astype(jnp.int32), wte)

# --- scband reference (transcript-rebuilt; emitter-appended) ---
"""Pipeline reference for scband-fernando-gpt-42606075577008 (READ-ONLY COPY).

The authoritative reference and input builder live on the scoring server;
editing this copy changes nothing except your own understanding.
"""

import jax, jax.numpy as jnp
import numpy as np

VOCAB = 100000
D_MODEL = 2048
BATCH = 4
SEQ = 2048

def setup_inputs(seed: int = 0) -> dict:
    key = jax.random.key(seed)
    k1, k2 = jax.random.split(key)
    inputs = jax.random.randint(k1, (BATCH, SEQ), 0, VOCAB, dtype=jnp.int64 if jax.config.read('jax_enable_x64') else jnp.int32)
    wte = jax.random.normal(k2, (VOCAB, D_MODEL), dtype=jnp.float32) * 0.02
    return {"inputs": inputs, "wte": wte}

def reference(inputs, wte):
    # FernandoGPT.forward with targets=None: logits = self.wte(inputs); loss = None
    logits = jnp.take(wte, inputs, axis=0)
    return logits

if __name__ == "__main__":
    import jax
    _d = setup_inputs()
    print(jax.jit(kernel)(*tuple(_d.values())))

</pallas_src>

<mosaic_0001>
#map = affine_map<(d0, d1) -> (0, 0)>
#map1 = affine_map<(d0, d1) -> (0, 0, 0)>
module attributes {stable_mosaic.version = 14 : i64} {
  func.func @gather_kernel(%arg0: i32, %arg1: i32, %arg2: memref<4x2048xi32, #tpu.memory_space<hbm>>, %arg3: memref<100000x2048xf32, #tpu.memory_space<hbm>>, %arg4: memref<4x2048x2048xf32, #tpu.memory_space<hbm>>, %arg5: memref<256xi32, #tpu.memory_space<vmem>>, %arg6: memref<6x8x2048xf32, #tpu.memory_space<vmem>>, %arg7: memref<!tpu.dma_semaphore, #tpu.memory_space<semaphore_mem>>, %arg8: memref<!tpu.dma_semaphore, #tpu.memory_space<semaphore_mem>>, %arg9: memref<!tpu.dma_semaphore, #tpu.memory_space<semaphore_mem>>, %arg10: memref<!tpu.dma_semaphore, #tpu.memory_space<semaphore_mem>>, %arg11: memref<!tpu.dma_semaphore, #tpu.memory_space<semaphore_mem>>, %arg12: memref<!tpu.dma_semaphore, #tpu.memory_space<semaphore_mem>>, %arg13: memref<!tpu.dma_semaphore, #tpu.memory_space<semaphore_mem>>, %arg14: memref<!tpu.dma_semaphore, #tpu.memory_space<semaphore_mem>>, %arg15: memref<!tpu.dma_semaphore, #tpu.memory_space<semaphore_mem>>, %arg16: memref<!tpu.dma_semaphore, #tpu.memory_space<semaphore_mem>>, %arg17: memref<!tpu.dma_semaphore, #tpu.memory_space<semaphore_mem>>, %arg18: memref<!tpu.dma_semaphore, #tpu.memory_space<semaphore_mem>>) attributes {dimension_semantics = [#tpu.dimension_semantics<core_parallel>, #tpu.dimension_semantics<subcore_parallel>], iteration_bounds = array<i64: 2, 16>, scalar_prefetch = 0 : i64, scratch_operands = 14 : i64, tpu.core_type = #tpu.core_type<sc_vector_subcore>, window_params = [{transform_indices = #map}, {transform_indices = #map}, {transform_indices = #map1}]} {
    %mul3A = arith.constant 2 : i32
    %mul3A_0 = arith.muli %arg1, %mul3A : i32
    %add3A = arith.addi %mul3A_0, %arg0 : i32
    %jit3A = arith.constant 8 : i32
    %div3A = arith.divsi %add3A, %jit3A : i32
    %sign3A = arith.constant 0 : i32
    %sign3A_1 = arith.cmpi sgt, %add3A, %sign3A : i32
    %sign3A_2 = arith.extui %sign3A_1 : i1 to i32
    %sign3A_3 = arith.constant 0 : i32
    %sign3A_4 = arith.cmpi slt, %add3A, %sign3A_3 : i32
    %sign3A_5 = arith.extui %sign3A_4 : i1 to i32
    %sign3A_6 = arith.subi %sign3A_2, %sign3A_5 : i32
    %sign3A_7 = arith.constant 0 : i32
    %sign3A_8 = arith.cmpi sgt, %jit3A, %sign3A_7 : i32
    %sign3A_9 = arith.extui %sign3A_8 : i1 to i32
    %sign3A_10 = arith.constant 0 : i32
    %sign3A_11 = arith.cmpi slt, %jit3A, %sign3A_10 : i32
    %sign3A_12 = arith.extui %sign3A_11 : i1 to i32
    %sign3A_13 = arith.subi %sign3A_9, %sign3A_12 : i32
    %ne3A = arith.cmpi ne, %sign3A_6, %sign3A_13 : i32
    %rem3A = arith.remsi %add3A, %jit3A : i32
    %ne3A_14 = arith.constant 0 : i32
    %ne3A_15 = arith.cmpi ne, %rem3A, %ne3A_14 : i32
    %and3A = arith.andi %ne3A, %ne3A_15 : i1
    %sub3A = arith.constant 1 : i32
    %sub3A_16 = arith.subi %div3A, %sub3A : i32
    %select_n3A = arith.select %and3A, %sub3A_16, %div3A : i32
    %jit3A_17 = arith.constant 8 : i32
    %eq3A = arith.constant 0 : i32
    %eq3A_18 = arith.cmpi eq, %jit3A_17, %eq3A : i32
    %jit3A_19 = arith.constant 1 : i32
    %select_n3A_20 = arith.select %eq3A_18, %jit3A_19, %jit3A_17 : i32
    %rem3A_21 = arith.remsi %add3A, %select_n3A_20 : i32
    %ne3A_22 = arith.constant 0 : i32
    %ne3A_23 = arith.cmpi ne, %rem3A_21, %ne3A_22 : i32
    %lt3A = arith.constant 0 : i32
    %lt3A_24 = arith.cmpi slt, %rem3A_21, %lt3A : i32
    %lt3A_25 = arith.constant 0 : i32
    %lt3A_26 = arith.cmpi slt, %select_n3A_20, %lt3A_25 : i32
    %ne3A_27 = arith.xori %lt3A_24, %lt3A_26 : i1
    %and3A_28 = arith.andi %ne3A_27, %ne3A_23 : i1
    %add3A_29 = arith.addi %rem3A_21, %select_n3A_20 : i32
    %select_n3A_30 = arith.select %and3A_28, %add3A_29, %rem3A_21 : i32
    %mul3A_31 = arith.constant 256 : i32
    %mul3A_32 = arith.muli %select_n3A_30, %mul3A_31 : i32
    "tpu.region"() ({
      %run_scoped3A = tpu.sem_alloc : memref<!tpu.dma_semaphore, #tpu.memory_space<semaphore_mem>>
      %dma_start3A_1695 = tpu.memref_slice %arg2[%select_n3A, %mul3A_32] : memref<4x2048xi32, #tpu.memory_space<hbm>> -> memref<1x256xi32, #tpu.memory_space<hbm>>
      %dma_start3A_1696 = tpu.memref_squeeze %dma_start3A_1695 : memref<1x256xi32, #tpu.memory_space<hbm>> -> memref<256xi32, #tpu.memory_space<hbm>>
      %dma_start3A_1697 = tpu.memref_slice %arg2[%select_n3A, %mul3A_32] : memref<4x2048xi32, #tpu.memory_space<hbm>> -> memref<1x256xi32, #tpu.memory_space<hbm>>
      %dma_start3A_1698 = tpu.memref_squeeze %dma_start3A_1697 : memref<1x256xi32, #tpu.memory_space<hbm>> -> memref<256xi32, #tpu.memory_space<hbm>>
      tpu.enqueue_dma source(%dma_start3A_1698 : memref<256xi32, #tpu.memory_space<hbm>>) target(%arg5 : memref<256xi32, #tpu.memory_space<vmem>>) target_semaphore(%run_scoped3A : memref<!tpu.dma_semaphore, #tpu.memory_space<semaphore_mem>>)
      %dma_wait3A_1699 = tpu.memref_slice %arg2[%select_n3A, %mul3A_32] : memref<4x2048xi32, #tpu.memory_space<hbm>> -> memref<1x256xi32, #tpu.memory_space<hbm>>
      %dma_wait3A_1700 = tpu.memref_squeeze %dma_wait3A_1699 : memref<1x256xi32, #tpu.memory_space<hbm>> -> memref<256xi32, #tpu.memory_space<hbm>>
      %dma_wait3A_1701 = tpu.memref_slice %arg2[%select_n3A, %mul3A_32] : memref<4x2048xi32, #tpu.memory_space<hbm>> -> memref<1x256xi32, #tpu.memory_space<hbm>>
      %dma_wait3A_1702 = tpu.memref_squeeze %dma_wait3A_1701 : memref<1x256xi32, #tpu.memory_space<hbm>> -> memref<256xi32, #tpu.memory_space<hbm>>
      tpu.wait_dma2 semaphore(%run_scoped3A : memref<!tpu.dma_semaphore, #tpu.memory_space<semaphore_mem>>) src(%dma_wait3A_1702 : memref<256xi32, #tpu.memory_space<hbm>>) dst(%arg5 : memref<256xi32, #tpu.memory_space<vmem>>)
      tpu.yield
    }) : () -> ()
    %dma_start3A = arith.constant 0 : i32
    %dma_start3A_33 = arith.constant 0 : i32
    %dma_start3A_34 = arith.constant 0 : i32
    %dma_start3A_35 = tpu.memref_slice %arg6[%dma_start3A, %dma_start3A_33, %dma_start3A_34] : memref<6x8x2048xf32, #tpu.memory_space<vmem>> -> memref<1x8x2048xf32, #tpu.memory_space<vmem>>
    %dma_start3A_36 = tpu.memref_squeeze %dma_start3A_35 : memref<1x8x2048xf32, #tpu.memory_space<vmem>> -> memref<8x2048xf32, #tpu.memory_space<vmem>>
    %dma_start3A_37 = arith.constant 0 : i32
    %dma_start3A_38 = tpu.memref_slice %arg5[%dma_start3A_37] : memref<256xi32, #tpu.memory_space<vmem>> -> memref<8xi32, #tpu.memory_space<vmem>>
    %dma_start3A_39 = arith.constant 0 : i32
    %dma_start3A_40 = arith.constant 0 : i32
    %dma_start3A_41 = tpu.memref_slice %arg3[%dma_start3A_39, %dma_start3A_40] : memref<100000x2048xf32, #tpu.memory_space<hbm>> -> memref<100000x2048xf32, #tpu.memory_space<hbm>>
    tpu.enqueue_indirect_dma source(%dma_start3A_41 : memref<100000x2048xf32, #tpu.memory_space<hbm>>) target(%dma_start3A_36 : memref<8x2048xf32, #tpu.memory_space<vmem>>) offsets(%dma_start3A_38 : memref<8xi32, #tpu.memory_space<vmem>>) semaphore(%arg7 : memref<!tpu.dma_semaphore, #tpu.memory_space<semaphore_mem>>)
    %dma_start3A_42 = arith.constant 1 : i32
    %dma_start3A_43 = arith.constant 0 : i32
    %dma_start3A_44 = arith.constant 0 : i32
    %dma_start3A_45 = tpu.memref_slice %arg6[%dma_start3A_42, %dma_start3A_43, %dma_start3A_44] : memref<6x8x2048xf32, #tpu.memory_space<vmem>> -> memref<1x8x2048xf32, #tpu.memory_space<vmem>>
    %dma_start3A_46 = tpu.memref_squeeze %dma_start3A_45 : memref<1x8x2048xf32, #tpu.memory_space<vmem>> -> memref<8x2048xf32, #tpu.memory_space<vmem>>
    %dma_start3A_47 = arith.constant 8 : i32
    %dma_start3A_48 = tpu.memref_slice %arg5[%dma_start3A_47] : memref<256xi32, #tpu.memory_space<vmem>> -> memref<8xi32, #tpu.memory_space<vmem>>
    %dma_start3A_49 = arith.constant 0 : i32
    %dma_start3A_50 = arith.constant 0 : i32
    %dma_start3A_51 = tpu.memref_slice %arg3[%dma_start3A_49, %dma_start3A_50] : memref<100000x2048xf32, #tpu.memory_space<hbm>> -> memref<100000x2048xf32, #tpu.memory_space<hbm>>
    tpu.enqueue_indirect_dma source(%dma_start3A_51 : memref<100000x2048xf32, #tpu.memory_space<hbm>>) target(%dma_start3A_46 : memref<8x2048xf32, #tpu.memory_space<vmem>>) offsets(%dma_start3A_48 : memref<8xi32, #tpu.memory_space<vmem>>) semaphore(%arg8 : memref<!tpu.dma_semaphore, #tpu.memory_space<semaphore_mem>>)
    %dma_start3A_52 = arith.constant 2 : i32
    %dma_start3A_53 = arith.constant 0 : i32
    %dma_start3A_54 = arith.constant 0 : i32
    %dma_start3A_55 = tpu.memref_slice %arg6[%dma_start3A_52, %dma_start3A_53, %dma_start3A_54] : memref<6x8x2048xf32, #tpu.memory_space<vmem>> -> memref<1x8x2048xf32, #tpu.memory_space<vmem>>
    %dma_start3A_56 = tpu.memref_squeeze %dma_start3A_55 : memref<1x8x2048xf32, #tpu.memory_space<vmem>> -> memref<8x2048xf32, #tpu.memory_space<vmem>>
    %dma_start3A_57 = arith.constant 16 : i32
    %dma_start3A_58 = tpu.memref_slice %arg5[%dma_start3A_57] : memref<256xi32, #tpu.memory_space<vmem>> -> memref<8xi32, #tpu.memory_space<vmem>>
    %dma_start3A_59 = arith.constant 0 : i32
    %dma_start3A_60 = arith.constant 0 : i32
    %dma_start3A_61 = tpu.memref_slice %arg3[%dma_start3A_59, %dma_start3A_60] : memref<100000x2048xf32, #tpu.memory_space<hbm>> -> memref<100000x2048xf32, #tpu.memory_space<hbm>>
    tpu.enqueue_indirect_dma source(%dma_start3A_61 : memref<100000x2048xf32, #tpu.memory_space<hbm>>) target(%dma_start3A_56 : memref<8x2048xf32, #tpu.memory_space<vmem>>) offsets(%dma_start3A_58 : memref<8xi32, #tpu.memory_space<vmem>>) semaphore(%arg9 : memref<!tpu.dma_semaphore, #tpu.memory_space<semaphore_mem>>)
    %dma_start3A_62 = arith.constant 3 : i32
    %dma_start3A_63 = arith.constant 0 : i32
    %dma_start3A_64 = arith.constant 0 : i32
    %dma_start3A_65 = tpu.memref_slice %arg6[%dma_start3A_62, %dma_start3A_63, %dma_start3A_64] : memref<6x8x2048xf32, #tpu.memory_space<vmem>> -> memref<1x8x2048xf32, #tpu.memory_space<vmem>>
    %dma_start3A_66 = tpu.memref_squeeze %dma_start3A_65 : memref<1x8x2048xf32, #tpu.memory_space<vmem>> -> memref<8x2048xf32, #tpu.memory_space<vmem>>
    %dma_start3A_67 = arith.constant 24 : i32
    %dma_start3A_68 = tpu.memref_slice %arg5[%dma_start3A_67] : memref<256xi32, #tpu.memory_space<vmem>> -> memref<8xi32, #tpu.memory_space<vmem>>
    %dma_start3A_69 = arith.constant 0 : i32
    %dma_start3A_70 = arith.constant 0 : i32
    %dma_start3A_71 = tpu.memref_slice %arg3[%dma_start3A_69, %dma_start3A_70] : memref<100000x2048xf32, #tpu.memory_space<hbm>> -> memref<100000x2048xf32, #tpu.memory_space<hbm>>
    tpu.enqueue_indirect_dma source(%dma_start3A_71 : memref<100000x2048xf32, #tpu.memory_space<hbm>>) target(%dma_start3A_66 : memref<8x2048xf32, #tpu.memory_space<vmem>>) offsets(%dma_start3A_68 : memref<8xi32, #tpu.memory_space<vmem>>) semaphore(%arg10 : memref<!tpu.dma_semaphore, #tpu.memory_space<semaphore_mem>>)
    %dma_start3A_72 = arith.constant 4 : i32
    %dma_start3A_73 = arith.constant 0 : i32
    %dma_start3A_74 = arith.constant 0 : i32
    %dma_start3A_75 = tpu.memref_slice %arg6[%dma_start3A_72, %dma_start3A_73, %dma_start3A_74] : memref<6x8x2048xf32, #tpu.memory_space<vmem>> -> memref<1x8x2048xf32, #tpu.memory_space<vmem>>
    %dma_start3A_76 = tpu.memref_squeeze %dma_start3A_75 : memref<1x8x2048xf32, #tpu.memory_space<vmem>> -> memref<8x2048xf32, #tpu.memory_space<vmem>>
    %dma_start3A_77 = arith.constant 32 : i32
    %dma_start3A_78 = tpu.memref_slice %arg5[%dma_start3A_77] : memref<256xi32, #tpu.memory_space<vmem>> -> memref<8xi32, #tpu.memory_space<vmem>>
    %dma_start3A_79 = arith.constant 0 : i32
    %dma_start3A_80 = arith.constant 0 : i32
    %dma_start3A_81 = tpu.memref_slice %arg3[%dma_start3A_79, %dma_start3A_80] : memref<100000x2048xf32, #tpu.memory_space<hbm>> -> memref<100000x2048xf32, #tpu.memory_space<hbm>>
    tpu.enqueue_indirect_dma source(%dma_start3A_81 : memref<100000x2048xf32, #tpu.memory_space<hbm>>) target(%dma_start3A_76 : memref<8x2048xf32, #tpu.memory_space<vmem>>) offsets(%dma_start3A_78 : memref<8xi32, #tpu.memory_space<vmem>>) semaphore(%arg11 : memref<!tpu.dma_semaphore, #tpu.memory_space<semaphore_mem>>)
    %dma_wait3A = arith.constant 0 : i32
    %dma_wait3A_82 = arith.constant 0 : i32
    %dma_wait3A_83 = arith.constant 0 : i32
    %dma_wait3A_84 = tpu.memref_slice %arg6[%dma_wait3A, %dma_wait3A_82, %dma_wait3A_83] : memref<6x8x2048xf32, #tpu.memory_space<vmem>> -> memref<1x8x2048xf32, #tpu.memory_space<vmem>>
    %dma_wait3A_85 = tpu.memref_squeeze %dma_wait3A_84 : memref<1x8x2048xf32, #tpu.memory_space<vmem>> -> memref<8x2048xf32, #tpu.memory_space<vmem>>
    %dma_wait3A_86 = arith.constant 0 : i32
    %dma_wait3A_87 = tpu.memref_slice %arg5[%dma_wait3A_86] : memref<256xi32, #tpu.memory_space<vmem>> -> memref<8xi32, #tpu.memory_space<vmem>>
    %dma_wait3A_88 = arith.constant 0 : i32
    %dma_wait3A_89 = arith.constant 0 : i32
    %dma_wait3A_90 = tpu.memref_slice %arg3[%dma_wait3A_88, %dma_wait3A_89] : memref<100000x2048xf32, #tpu.memory_space<hbm>> -> memref<100000x2048xf32, #tpu.memory_space<hbm>>
    tpu.wait_indirect_dma semaphore(%arg7 : memref<!tpu.dma_semaphore, #tpu.memory_space<semaphore_mem>>) src(%dma_wait3A_90 : memref<100000x2048xf32, #tpu.memory_space<hbm>>) dst(%dma_wait3A_85 : memref<8x2048xf32, #tpu.memory_space<vmem>>)
    %dma_start3A_91 = arith.constant 5 : i32
    %dma_start3A_92 = arith.constant 0 : i32
    %dma_start3A_93 = arith.constant 0 : i32
    %dma_start3A_94 = tpu.memref_slice %arg6[%dma_start3A_91, %dma_start3A_92, %dma_start3A_93] : memref<6x8x2048xf32, #tpu.memory_space<vmem>> -> memref<1x8x2048xf32, #tpu.memory_space<vmem>>
    %dma_start3A_95 = tpu.memref_squeeze %dma_start3A_94 : memref<1x8x2048xf32, #tpu.memory_space<vmem>> -> memref<8x2048xf32, #tpu.memory_space<vmem>>
    %dma_start3A_96 = arith.constant 40 : i32
    %dma_start3A_97 = tpu.memref_slice %arg5[%dma_start3A_96] : memref<256xi32, #tpu.memory_space<vmem>> -> memref<8xi32, #tpu.memory_space<vmem>>
    %dma_start3A_98 = arith.constant 0 : i32
    %dma_start3A_99 = arith.constant 0 : i32
    %dma_start3A_100 = tpu.memref_slice %arg3[%dma_start3A_98, %dma_start3A_99] : memref<100000x2048xf32, #tpu.memory_space<hbm>> -> memref<100000x2048xf32, #tpu.memory_space<hbm>>
    tpu.enqueue_indirect_dma source(%dma_start3A_100 : memref<100000x2048xf32, #tpu.memory_space<hbm>>) target(%dma_start3A_95 : memref<8x2048xf32, #tpu.memory_space<vmem>>) offsets(%dma_start3A_97 : memref<8xi32, #tpu.memory_space<vmem>>) semaphore(%arg12 : memref<!tpu.dma_semaphore, #tpu.memory_space<semaphore_mem>>)
    %add3A_101 = arith.constant 0 : i32
    %add3A_102 = arith.addi %mul3A_32, %add3A_101 : i32
    %dma_start3A_103 = arith.constant 0 : i32
    %dma_start3A_104 = arith.constant 0 : i32
    %dma_start3A_105 = arith.constant 0 : i32
    %dma_start3A_106 = tpu.memref_slice %arg6[%dma_start3A_103, %dma_start3A_104, %dma_start3A_105] : memref<6x8x2048xf32, #tpu.memory_space<vmem>> -> memref<1x8x2048xf32, #tpu.memory_space<vmem>>
    %dma_start3A_107 = tpu.memref_squeeze %dma_start3A_106 : memref<1x8x2048xf32, #tpu.memory_space<vmem>> -> memref<8x2048xf32, #tpu.memory_space<vmem>>
    %dma_start3A_108 = arith.constant 0 : i32
    %dma_start3A_109 = tpu.memref_slice %arg4[%select_n3A, %add3A_102, %dma_start3A_108] : memref<4x2048x2048xf32, #tpu.memory_space<hbm>> -> memref<1x8x2048xf32, #tpu.memory_space<hbm>>
    %dma_start3A_110 = tpu.memref_squeeze %dma_start3A_109 : memref<1x8x2048xf32, #tpu.memory_space<hbm>> -> memref<8x2048xf32, #tpu.memory_space<hbm>>
    %dma_start3A_111 = arith.constant 0 : i32
    %dma_start3A_112 = tpu.memref_slice %arg4[%select_n3A, %add3A_102, %dma_start3A_111] : memref<4x2048x2048xf32, #tpu.memory_space<hbm>> -> memref<1x8x2048xf32, #tpu.memory_space<hbm>>
    %dma_start3A_113 = tpu.memref_squeeze %dma_start3A_112 : memref<1x8x2048xf32, #tpu.memory_space<hbm>> -> memref<8x2048xf32, #tpu.memory_space<hbm>>
    %dma_start3A_114 = arith.constant 0 : i32
    %dma_start3A_115 = arith.constant 0 : i32
    %dma_start3A_116 = tpu.memref_slice %arg6[%dma_start3A_103, %dma_start3A_114, %dma_start3A_115] : memref<6x8x2048xf32, #tpu.memory_space<vmem>> -> memref<1x8x2048xf32, #tpu.memory_space<vmem>>
    %dma_start3A_117 = tpu.memref_squeeze %dma_start3A_116 : memref<1x8x2048xf32, #tpu.memory_space<vmem>> -> memref<8x2048xf32, #tpu.memory_space<vmem>>
    tpu.enqueue_dma source(%dma_start3A_117 : memref<8x2048xf32, #tpu.memory_space<vmem>>) target(%dma_start3A_113 : memref<8x2048xf32, #tpu.memory_space<hbm>>) target_semaphore(%arg13 : memref<!tpu.dma_semaphore, #tpu.memory_space<semaphore_mem>>)
    %dma_wait3A_118 = arith.constant 1 : i32
    %dma_wait3A_119 = arith.constant 0 : i32
    %dma_wait3A_120 = arith.constant 0 : i32
    %dma_wait3A_121 = tpu.memref_slice %arg6[%dma_wait3A_118, %dma_wait3A_119, %dma_wait3A_120] : memref<6x8x2048xf32, #tpu.memory_space<vmem>> -> memref<1x8x2048xf32, #tpu.memory_space<vmem>>
    %dma_wait3A_122 = tpu.memref_squeeze %dma_wait3A_121 : memref<1x8x2048xf32, #tpu.memory_space<vmem>> -> memref<8x2048xf32, #tpu.memory_space<vmem>>
    %dma_wait3A_123 = arith.constant 8 : i32
    %dma_wait3A_124 = tpu.memref_slice %arg5[%dma_wait3A_123] : memref<256xi32, #tpu.memory_space<vmem>> -> memref<8xi32, #tpu.memory_space<vmem>>
    %dma_wait3A_125 = arith.constant 0 : i32
    %dma_wait3A_126 = arith.constant 0 : i32
    %dma_wait3A_127 = tpu.memref_slice %arg3[%dma_wait3A_125, %dma_wait3A_126] : memref<100000x2048xf32, #tpu.memory_space<hbm>> -> memref<100000x2048xf32, #tpu.memory_space<hbm>>
    tpu.wait_indirect_dma semaphore(%arg8 : memref<!tpu.dma_semaphore, #tpu.memory_space<semaphore_mem>>) src(%dma_wait3A_127 : memref<100000x2048xf32, #tpu.memory_space<hbm>>) dst(%dma_wait3A_122 : memref<8x2048xf32, #tpu.memory_space<vmem>>)
    %dma_wait3A_128 = arith.constant 0 : i32
    %dma_wait3A_129 = arith.constant 0 : i32
    %dma_wait3A_130 = arith.constant 0 : i32
    %dma_wait3A_131 = tpu.memref_slice %arg6[%dma_wait3A_128, %dma_wait3A_129, %dma_wait3A_130] : memref<6x8x2048xf32, #tpu.memory_space<vmem>> -> memref<1x8x2048xf32, #tpu.memory_space<vmem>>
    %dma_wait3A_132 = tpu.memref_squeeze %dma_wait3A_131 : memref<1x8x2048xf32, #tpu.memory_space<vmem>> -> memref<8x2048xf32, #tpu.memory_space<vmem>>
    %dma_wait3A_133 = arith.constant 0 : i32
    %dma_wait3A_134 = tpu.memref_slice %arg4[%select_n3A, %add3A_102, %dma_wait3A_133] : memref<4x2048x2048xf32, #tpu.memory_space<hbm>> -> memref<1x8x2048xf32, #tpu.memory_space<hbm>>
    %dma_wait3A_135 = tpu.memref_squeeze %dma_wait3A_134 : memref<1x8x2048xf32, #tpu.memory_space<hbm>> -> memref<8x2048xf32, #tpu.memory_space<hbm>>
    %dma_wait3A_136 = arith.constant 0 : i32
    %dma_wait3A_137 = tpu.memref_slice %arg4[%select_n3A, %add3A_102, %dma_wait3A_136] : memref<4x2048x2048xf32, #tpu.memory_space<hbm>> -> memref<1x8x2048xf32, #tpu.memory_space<hbm>>
    %dma_wait3A_138 = tpu.memref_squeeze %dma_wait3A_137 : memref<1x8x2048xf32, #tpu.memory_space<hbm>> -> memref<8x2048xf32, #tpu.memory_space<hbm>>
    %dma_wait3A_139 = arith.constant 0 : i32
    %dma_wait3A_140 = arith.constant 0 : i32
    %dma_wait3A_141 = tpu.memref_slice %arg6[%dma_wait3A_128, %dma_wait3A_139, %dma_wait3A_140] : memref<6x8x2048xf32, #tpu.memory_space<vmem>> -> memref<1x8x2048xf32, #tpu.memory_space<vmem>>
    %dma_wait3A_142 = tpu.memref_squeeze %dma_wait3A_141 : memref<1x8x2048xf32, #tpu.memory_space<vmem>> -> memref<8x2048xf32, #tpu.memory_space<vmem>>
    tpu.wait_dma2 semaphore(%arg13 : memref<!tpu.dma_semaphore, #tpu.memory_space<semaphore_mem>>) src(%dma_wait3A_142 : memref<8x2048xf32, #tpu.memory_space<vmem>>) dst(%dma_wait3A_138 : memref<8x2048xf32, #tpu.memory_space<hbm>>)
    %dma_start3A_143 = arith.constant 0 : i32
    %dma_start3A_144 = arith.constant 0 : i32
    %dma_start3A_145 = arith.constant 0 : i32
    %dma_start3A_146 = tpu.memref_slice %arg6[%dma_start3A_143, %dma_start3A_144, %dma_start3A_145] : memref<6x8x2048xf32, #tpu.memory_space<vmem>> -> memref<1x8x2048xf32, #tpu.memory_space<vmem>>
    %dma_start3A_147 = tpu.memref_squeeze %dma_start3A_146 : memref<1x8x2048xf32, #tpu.memory_space<vmem>> -> memref<8x2048xf32, #tpu.memory_space<vmem>>
    %dma_start3A_148 = arith.constant 48 : i32
    %dma_start3A_149 = tpu.memref_slice %arg5[%dma_start3A_148] : memref<256xi32, #tpu.memory_space<vmem>> -> memref<8xi32, #tpu.memory_space<vmem>>
    %dma_start3A_150 = arith.constant 0 : i32
    %dma_start3A_151 = arith.constant 0 : i32
    %dma_start3A_152 = tpu.memref_slice %arg3[%dma_start3A_150, %dma_start3A_151] : memref<100000x2048xf32, #tpu.memory_space<hbm>> -> memref<100000x2048xf32, #tpu.memory_space<hbm>>
    tpu.enqueue_indirect_dma source(%dma_start3A_152 : memref<100000x2048xf32, #tpu.memory_space<hbm>>) target(%dma_start3A_147 : memref<8x2048xf32, #tpu.memory_space<vmem>>) offsets(%dma_start3A_149 : memref<8xi32, #tpu.memory_space<vmem>>) semaphore(%arg7 : memref<!tpu.dma_semaphore, #tpu.memory_space<semaphore_mem>>)
    %add3A_153 = arith.constant 8 : i32
    %add3A_154 = arith.addi %mul3A_32, %add3A_153 : i32
    %dma_start3A_155 = arith.constant 1 : i32
    %dma_start3A_156 = arith.constant 0 : i32
    %dma_start3A_157 = arith.constant 0 : i32
    %dma_start3A_158 = tpu.memref_slice %arg6[%dma_start3A_155, %dma_start3A_156, %dma_start3A_157] : memref<6x8x2048xf32, #tpu.memory_space<vmem>> -> memref<1x8x2048xf32, #tpu.memory_space<vmem>>
    %dma_start3A_159 = tpu.memref_squeeze %dma_start3A_158 : memref<1x8x2048xf32, #tpu.memory_space<vmem>> -> memref<8x2048xf32, #tpu.memory_space<vmem>>
    %dma_start3A_160 = arith.constant 0 : i32
    %dma_start3A_161 = tpu.memref_slice %arg4[%select_n3A, %add3A_154, %dma_start3A_160] : memref<4x2048x2048xf32, #tpu.memory_space<hbm>> -> memref<1x8x2048xf32, #tpu.memory_space<hbm>>
    %dma_start3A_162 = tpu.memref_squeeze %dma_start3A_161 : memref<1x8x2048xf32, #tpu.memory_space<hbm>> -> memref<8x2048xf32, #tpu.memory_space<hbm>>
    %dma_start3A_163 = arith.constant 0 : i32
    %dma_start3A_164 = tpu.memref_slice %arg4[%select_n3A, %add3A_154, %dma_start3A_163] : memref<4x2048x2048xf32, #tpu.memory_space<hbm>> -> memref<1x8x2048xf32, #tpu.memory_space<hbm>>
    %dma_start3A_165 = tpu.memref_squeeze %dma_start3A_164 : memref<1x8x2048xf32, #tpu.memory_space<hbm>> -> memref<8x2048xf32, #tpu.memory_space<hbm>>
    %dma_start3A_166 = arith.constant 0 : i32
    %dma_start3A_167 = arith.constant 0 : i32
    %dma_start3A_168 = tpu.memref_slice %arg6[%dma_start3A_155, %dma_start3A_166, %dma_start3A_167] : memref<6x8x2048xf32, #tpu.memory_space<vmem>> -> memref<1x8x2048xf32, #tpu.memory_space<vmem>>
    %dma_start3A_169 = tpu.memref_squeeze %dma_start3A_168 : memref<1x8x2048xf32, #tpu.memory_space<vmem>> -> memref<8x2048xf32, #tpu.memory_space<vmem>>
    tpu.enqueue_dma source(%dma_start3A_169 : memref<8x2048xf32, #tpu.memory_space<vmem>>) target(%dma_start3A_165 : memref<8x2048xf32, #tpu.memory_space<hbm>>) target_semaphore(%arg14 : memref<!tpu.dma_semaphore, #tpu.memory_space<semaphore_mem>>)
    %dma_wait3A_170 = arith.constant 2 : i32
    %dma_wait3A_171 = arith.constant 0 : i32
    %dma_wait3A_172 = arith.constant 0 : i32
    %dma_wait3A_173 = tpu.memref_slice %arg6[%dma_wait3A_170, %dma_wait3A_171, %dma_wait3A_172] : memref<6x8x2048xf32, #tpu.memory_space<vmem>> -> memref<1x8x2048xf32, #tpu.memory_space<vmem>>
    %dma_wait3A_174 = tpu.memref_squeeze %dma_wait3A_173 : memref<1x8x2048xf32, #tpu.memory_space<vmem>> -> memref<8x2048xf32, #tpu.memory_space<vmem>>
    %dma_wait3A_175 = arith.constant 16 : i32
    %dma_wait3A_176 = tpu.memref_slice %arg5[%dma_wait3A_175] : memref<256xi32, #tpu.memory_space<vmem>> -> memref<8xi32, #tpu.memory_space<vmem>>
    %dma_wait3A_177 = arith.constant 0 : i32
    %dma_wait3A_178 = arith.constant 0 : i32
    %dma_wait3A_179 = tpu.memref_slice %arg3[%dma_wait3A_177, %dma_wait3A_178] : memref<100000x2048xf32, #tpu.memory_space<hbm>> -> memref<100000x2048xf32, #tpu.memory_space<hbm>>
    tpu.wait_indirect_dma semaphore(%arg9 : memref<!tpu.dma_semaphore, #tpu.memory_space<semaphore_mem>>) src(%dma_wait3A_179 : memref<100000x2048xf32, #tpu.memory_space<hbm>>) dst(%dma_wait3A_174 : memref<8x2048xf32, #tpu.memory_space<vmem>>)
    %dma_wait3A_180 = arith.constant 1 : i32
    %dma_wait3A_181 = arith.constant 0 : i32
    %dma_wait3A_182 = arith.constant 0 : i32
    %dma_wait3A_183 = tpu.memref_slice %arg6[%dma_wait3A_180, %dma_wait3A_181, %dma_wait3A_182] : memref<6x8x2048xf32, #tpu.memory_space<vmem>> -> memref<1x8x2048xf32, #tpu.memory_space<vmem>>
    %dma_wait3A_184 = tpu.memref_squeeze %dma_wait3A_183 : memref<1x8x2048xf32, #tpu.memory_space<vmem>> -> memref<8x2048xf32, #tpu.memory_space<vmem>>
    %dma_wait3A_185 = arith.constant 0 : i32
    %dma_wait3A_186 = tpu.memref_slice %arg4[%select_n3A, %add3A_154, %dma_wait3A_185] : memref<4x2048x2048xf32, #tpu.memory_space<hbm>> -> memref<1x8x2048xf32, #tpu.memory_space<hbm>>
    %dma_wait3A_187 = tpu.memref_squeeze %dma_wait3A_186 : memref<1x8x2048xf32, #tpu.memory_space<hbm>> -> memref<8x2048xf32, #tpu.memory_space<hbm>>
    %dma_wait3A_188 = arith.constant 0 : i32
    %dma_wait3A_189 = tpu.memref_slice %arg4[%select_n3A, %add3A_154, %dma_wait3A_188] : memref<4x2048x2048xf32, #tpu.memory_space<hbm>> -> memref<1x8x2048xf32, #tpu.memory_space<hbm>>
    %dma_wait3A_190 = tpu.memref_squeeze %dma_wait3A_189 : memref<1x8x2048xf32, #tpu.memory_space<hbm>> -> memref<8x2048xf32, #tpu.memory_space<hbm>>
    %dma_wait3A_191 = arith.constant 0 : i32
    %dma_wait3A_192 = arith.constant 0 : i32
    %dma_wait3A_193 = tpu.memref_slice %arg6[%dma_wait3A_180, %dma_wait3A_191, %dma_wait3A_192] : memref<6x8x2048xf32, #tpu.memory_space<vmem>> -> memref<1x8x2048xf32, #tpu.memory_space<vmem>>
    %dma_wait3A_194 = tpu.memref_squeeze %dma_wait3A_193 : memref<1x8x2048xf32, #tpu.memory_space<vmem>> -> memref<8x2048xf32, #tpu.memory_space<vmem>>
    tpu.wait_dma2 semaphore(%arg14 : memref<!tpu.dma_semaphore, #tpu.memory_space<semaphore_mem>>) src(%dma_wait3A_194 : memref<8x2048xf32, #tpu.memory_space<vmem>>) dst(%dma_wait3A_190 : memref<8x2048xf32, #tpu.memory_space<hbm>>)
    %dma_start3A_195 = arith.constant 1 : i32
    %dma_start3A_196 = arith.constant 0 : i32
    %dma_start3A_197 = arith.constant 0 : i32
    %dma_start3A_198 = tpu.memref_slice %arg6[%dma_start3A_195, %dma_start3A_196, %dma_start3A_197] : memref<6x8x2048xf32, #tpu.memory_space<vmem>> -> memref<1x8x2048xf32, #tpu.memory_space<vmem>>
    %dma_start3A_199 = tpu.memref_squeeze %dma_start3A_198 : memref<1x8x2048xf32, #tpu.memory_space<vmem>> -> memref<8x2048xf32, #tpu.memory_space<vmem>>
    %dma_start3A_200 = arith.constant 56 : i32
    %dma_start3A_201 = tpu.memref_slice %arg5[%dma_start3A_200] : memref<256xi32, #tpu.memory_space<vmem>> -> memref<8xi32, #tpu.memory_space<vmem>>
    %dma_start3A_202 = arith.constant 0 : i32
    %dma_start3A_203 = arith.constant 0 : i32
    %dma_start3A_204 = tpu.memref_slice %arg3[%dma_start3A_202, %dma_start3A_203] : memref<100000x2048xf32, #tpu.memory_space<hbm>> -> memref<100000x2048xf32, #tpu.memory_space<hbm>>
    tpu.enqueue_indirect_dma source(%dma_start3A_204 : memref<100000x2048xf32, #tpu.memory_space<hbm>>) target(%dma_start3A_199 : memref<8x2048xf32, #tpu.memory_space<vmem>>) offsets(%dma_start3A_201 : memref<8xi32, #tpu.memory_space<vmem>>) semaphore(%arg8 : memref<!tpu.dma_semaphore, #tpu.memory_space<semaphore_mem>>)
    %add3A_205 = arith.constant 16 : i32
    %add3A_206 = arith.addi %mul3A_32, %add3A_205 : i32
    %dma_start3A_207 = arith.constant 2 : i32
    %dma_start3A_208 = arith.constant 0 : i32
    %dma_start3A_209 = arith.constant 0 : i32
    %dma_start3A_210 = tpu.memref_slice %arg6[%dma_start3A_207, %dma_start3A_208, %dma_start3A_209] : memref<6x8x2048xf32, #tpu.memory_space<vmem>> -> memref<1x8x2048xf32, #tpu.memory_space<vmem>>
    %dma_start3A_211 = tpu.memref_squeeze %dma_start3A_210 : memref<1x8x2048xf32, #tpu.memory_space<vmem>> -> memref<8x2048xf32, #tpu.memory_space<vmem>>
    %dma_start3A_212 = arith.constant 0 : i32
    %dma_start3A_213 = tpu.memref_slice %arg4[%select_n3A, %add3A_206, %dma_start3A_212] : memref<4x2048x2048xf32, #tpu.memory_space<hbm>> -> memref<1x8x2048xf32, #tpu.memory_space<hbm>>
    %dma_start3A_214 = tpu.memref_squeeze %dma_start3A_213 : memref<1x8x2048xf32, #tpu.memory_space<hbm>> -> memref<8x2048xf32, #tpu.memory_space<hbm>>
    %dma_start3A_215 = arith.constant 0 : i32
    %dma_start3A_216 = tpu.memref_slice %arg4[%select_n3A, %add3A_206, %dma_start3A_215] : memref<4x2048x2048xf32, #tpu.memory_space<hbm>> -> memref<1x8x2048xf32, #tpu.memory_space<hbm>>
    %dma_start3A_217 = tpu.memref_squeeze %dma_start3A_216 : memref<1x8x2048xf32, #tpu.memory_space<hbm>> -> memref<8x2048xf32, #tpu.memory_space<hbm>>
    %dma_start3A_218 = arith.constant 0 : i32
    %dma_start3A_219 = arith.constant 0 : i32
    %dma_start3A_220 = tpu.memref_slice %arg6[%dma_start3A_207, %dma_start3A_218, %dma_start3A_219] : memref<6x8x2048xf32, #tpu.memory_space<vmem>> -> memref<1x8x2048xf32, #tpu.memory_space<vmem>>
    %dma_start3A_221 = tpu.memref_squeeze %dma_start3A_220 : memref<1x8x2048xf32, #tpu.memory_space<vmem>> -> memref<8x2048xf32, #tpu.memory_space<vmem>>
    tpu.enqueue_dma source(%dma_start3A_221 : memref<8x2048xf32, #tpu.memory_space<vmem>>) target(%dma_start3A_217 : memref<8x2048xf32, #tpu.memory_space<hbm>>) target_semaphore(%arg15 : memref<!tpu.dma_semaphore, #tpu.memory_space<semaphore_mem>>)
    %dma_wait3A_222 = arith.constant 3 : i32
    %dma_wait3A_223 = arith.constant 0 : i32
    %dma_wait3A_224 = arith.constant 0 : i32
    %dma_wait3A_225 = tpu.memref_slice %arg6[%dma_wait3A_222, %dma_wait3A_223, %dma_wait3A_224] : memref<6x8x2048xf32, #tpu.memory_space<vmem>> -> memref<1x8x2048xf32, #tpu.memory_space<vmem>>
    %dma_wait3A_226 = tpu.memref_squeeze %dma_wait3A_225 : memref<1x8x2048xf32, #tpu.memory_space<vmem>> -> memref<8x2048xf32, #tpu.memory_space<vmem>>
    %dma_wait3A_227 = arith.constant 24 : i32
    %dma_wait3A_228 = tpu.memref_slice %arg5[%dma_wait3A_227] : memref<256xi32, #tpu.memory_space<vmem>> -> memref<8xi32, #tpu.memory_space<vmem>>
    %dma_wait3A_229 = arith.constant 0 : i32
    %dma_wait3A_230 = arith.constant 0 : i32
    %dma_wait3A_231 = tpu.memref_slice %arg3[%dma_wait3A_229, %dma_wait3A_230] : memref<100000x2048xf32, #tpu.memory_space<hbm>> -> memref<100000x2048xf32, #tpu.memory_space<hbm>>
    tpu.wait_indirect_dma semaphore(%arg10 : memref<!tpu.dma_semaphore, #tpu.memory_space<semaphore_mem>>) src(%dma_wait3A_231 : memref<100000x2048xf32, #tpu.memory_space<hbm>>) dst(%dma_wait3A_226 : memref<8x2048xf32, #tpu.memory_space<vmem>>)
    %dma_wait3A_232 = arith.constant 2 : i32
    %dma_wait3A_233 = arith.constant 0 : i32
    %dma_wait3A_234 = arith.constant 0 : i32
    %dma_wait3A_235 = tpu.memref_slice %arg6[%dma_wait3A_232, %dma_wait3A_233, %dma_wait3A_234] : memref<6x8x2048xf32, #tpu.memory_space<vmem>> -> memref<1x8x2048xf32, #tpu.memory_space<vmem>>
    %dma_wait3A_236 = tpu.memref_squeeze %dma_wait3A_235 : memref<1x8x2048xf32, #tpu.memory_space<vmem>> -> memref<8x2048xf32, #tpu.memory_space<vmem>>
    %dma_wait3A_237 = arith.constant 0 : i32
    %dma_wait3A_238 = tpu.memref_slice %arg4[%select_n3A, %add3A_206, %dma_wait3A_237] : memref<4x2048x2048xf32, #tpu.memory_space<hbm>> -> memref<1x8x2048xf32, #tpu.memory_space<hbm>>
    %dma_wait3A_239 = tpu.memref_squeeze %dma_wait3A_238 : memref<1x8x2048xf32, #tpu.memory_space<hbm>> -> memref<8x2048xf32, #tpu.memory_space<hbm>>
    %dma_wait3A_240 = arith.constant 0 : i32
    %dma_wait3A_241 = tpu.memref_slice %arg4[%select_n3A, %add3A_206, %dma_wait3A_240] : memref<4x2048x2048xf32, #tpu.memory_space<hbm>> -> memref<1x8x2048xf32, #tpu.memory_space<hbm>>
    %dma_wait3A_242 = tpu.memref_squeeze %dma_wait3A_241 : memref<1x8x2048xf32, #tpu.memory_space<hbm>> -> memref<8x2048xf32, #tpu.memory_space<hbm>>
    %dma_wait3A_243 = arith.constant 0 : i32
    %dma_wait3A_244 = arith.constant 0 : i32
    %dma_wait3A_245 = tpu.memref_slice %arg6[%dma_wait3A_232, %dma_wait3A_243, %dma_wait3A_244] : memref<6x8x2048xf32, #tpu.memory_space<vmem>> -> memref<1x8x2048xf32, #tpu.memory_space<vmem>>
    %dma_wait3A_246 = tpu.memref_squeeze %dma_wait3A_245 : memref<1x8x2048xf32, #tpu.memory_space<vmem>> -> memref<8x2048xf32, #tpu.memory_space<vmem>>
    tpu.wait_dma2 semaphore(%arg15 : memref<!tpu.dma_semaphore, #tpu.memory_space<semaphore_mem>>) src(%dma_wait3A_246 : memref<8x2048xf32, #tpu.memory_space<vmem>>) dst(%dma_wait3A_242 : memref<8x2048xf32, #tpu.memory_space<hbm>>)
    %dma_start3A_247 = arith.constant 2 : i32
    %dma_start3A_248 = arith.constant 0 : i32
    %dma_start3A_249 = arith.constant 0 : i32
    %dma_start3A_250 = tpu.memref_slice %arg6[%dma_start3A_247, %dma_start3A_248, %dma_start3A_249] : memref<6x8x2048xf32, #tpu.memory_space<vmem>> -> memref<1x8x2048xf32, #tpu.memory_space<vmem>>
    %dma_start3A_251 = tpu.memref_squeeze %dma_start3A_250 : memref<1x8x2048xf32, #tpu.memory_space<vmem>> -> memref<8x2048xf32, #tpu.memory_space<vmem>>
    %dma_start3A_252 = arith.constant 64 : i32
    %dma_start3A_253 = tpu.memref_slice %arg5[%dma_start3A_252] : memref<256xi32, #tpu.memory_space<vmem>> -> memref<8xi32, #tpu.memory_space<vmem>>
    %dma_start3A_254 = arith.constant 0 : i32
    %dma_start3A_255 = arith.constant 0 : i32
    %dma_start3A_256 = tpu.memref_slice %arg3[%dma_start3A_254, %dma_start3A_255] : memref<100000x2048xf32, #tpu.memory_space<hbm>> -> memref<100000x2048xf32, #tpu.memory_space<hbm>>
    tpu.enqueue_indirect_dma source(%dma_start3A_256 : memref<100000x2048xf32, #tpu.memory_space<hbm>>) target(%dma_start3A_251 : memref<8x2048xf32, #tpu.memory_space<vmem>>) offsets(%dma_start3A_253 : memref<8xi32, #tpu.memory_space<vmem>>) semaphore(%arg9 : memref<!tpu.dma_semaphore, #tpu.memory_space<semaphore_mem>>)
    %add3A_257 = arith.constant 24 : i32
    %add3A_258 = arith.addi %mul3A_32, %add3A_257 : i32
    %dma_start3A_259 = arith.constant 3 : i32
    %dma_start3A_260 = arith.constant 0 : i32
    %dma_start3A_261 = arith.constant 0 : i32
    %dma_start3A_262 = tpu.memref_slice %arg6[%dma_start3A_259, %dma_start3A_260, %dma_start3A_261] : memref<6x8x2048xf32, #tpu.memory_space<vmem>> -> memref<1x8x2048xf32, #tpu.memory_space<vmem>>
    %dma_start3A_263 = tpu.memref_squeeze %dma_start3A_262 : memref<1x8x2048xf32, #tpu.memory_space<vmem>> -> memref<8x2048xf32, #tpu.memory_space<vmem>>
    %dma_start3A_264 = arith.constant 0 : i32
    %dma_start3A_265 = tpu.memref_slice %arg4[%select_n3A, %add3A_258, %dma_start3A_264] : memref<4x2048x2048xf32, #tpu.memory_space<hbm>> -> memref<1x8x2048xf32, #tpu.memory_space<hbm>>
    %dma_start3A_266 = tpu.memref_squeeze %dma_start3A_265 : memref<1x8x2048xf32, #tpu.memory_space<hbm>> -> memref<8x2048xf32, #tpu.memory_space<hbm>>
    %dma_start3A_267 = arith.constant 0 : i32
    %dma_start3A_268 = tpu.memref_slice %arg4[%select_n3A, %add3A_258, %dma_start3A_267] : memref<4x2048x2048xf32, #tpu.memory_space<hbm>> -> memref<1x8x2048xf32, #tpu.memory_space<hbm>>
    %dma_start3A_269 = tpu.memref_squeeze %dma_start3A_268 : memref<1x8x2048xf32, #tpu.memory_space<hbm>> -> memref<8x2048xf32, #tpu.memory_space<hbm>>
    %dma_start3A_270 = arith.constant 0 : i32
    %dma_start3A_271 = arith.constant 0 : i32
    %dma_start3A_272 = tpu.memref_slice %arg6[%dma_start3A_259, %dma_start3A_270, %dma_start3A_271] : memref<6x8x2048xf32, #tpu.memory_space<vmem>> -> memref<1x8x2048xf32, #tpu.memory_space<vmem>>
    %dma_start3A_273 = tpu.memref_squeeze %dma_start3A_272 : memref<1x8x2048xf32, #tpu.memory_space<vmem>> -> memref<8x2048xf32, #tpu.memory_space<vmem>>
    tpu.enqueue_dma source(%dma_start3A_273 : memref<8x2048xf32, #tpu.memory_space<vmem>>) target(%dma_start3A_269 : memref<8x2048xf32, #tpu.memory_space<hbm>>) target_semaphore(%arg16 : memref<!tpu.dma_semaphore, #tpu.memory_space<semaphore_mem>>)
    %dma_wait3A_274 = arith.constant 4 : i32
    %dma_wait3A_275 = arith.constant 0 : i32
    %dma_wait3A_276 = arith.constant 0 : i32
    %dma_wait3A_277 = tpu.memref_slice %arg6[%dma_wait3A_274, %dma_wait3A_275, %dma_wait3A_276] : memref<6x8x2048xf32, #tpu.memory_space<vmem>> -> memref<1x8x2048xf32, #tpu.memory_space<vmem>>
    %dma_wait3A_278 = tpu.memref_squeeze %dma_wait3A_277 : memref<1x8x2048xf32, #tpu.memory_space<vmem>> -> memref<8x2048xf32, #tpu.memory_space<vmem>>
    %dma_wait3A_279 = arith.constant 32 : i32
    %dma_wait3A_280 = tpu.memref_slice %arg5[%dma_wait3A_279] : memref<256xi32, #tpu.memory_space<vmem>> -> memref<8xi32, #tpu.memory_space<vmem>>
    %dma_wait3A_281 = arith.constant 0 : i32
    %dma_wait3A_282 = arith.constant 0 : i32
    %dma_wait3A_283 = tpu.memref_slice %arg3[%dma_wait3A_281, %dma_wait3A_282] : memref<100000x2048xf32, #tpu.memory_space<hbm>> -> memref<100000x2048xf32, #tpu.memory_space<hbm>>
    tpu.wait_indirect_dma semaphore(%arg11 : memref<!tpu.dma_semaphore, #tpu.memory_space<semaphore_mem>>) src(%dma_wait3A_283 : memref<100000x2048xf32, #tpu.memory_space<hbm>>) dst(%dma_wait3A_278 : memref<8x2048xf32, #tpu.memory_space<vmem>>)
    %dma_wait3A_284 = arith.constant 3 : i32
    %dma_wait3A_285 = arith.constant 0 : i32
    %dma_wait3A_286 = arith.constant 0 : i32
    %dma_wait3A_287 = tpu.memref_slice %arg6[%dma_wait3A_284, %dma_wait3A_285, %dma_wait3A_286] : memref<6x8x2048xf32, #tpu.memory_space<vmem>> -> memref<1x8x2048xf32, #tpu.memory_space<vmem>>
    %dma_wait3A_288 = tpu.memref_squeeze %dma_wait3A_287 : memref<1x8x2048xf32, #tpu.memory_space<vmem>> -> memref<8x2048xf32, #tpu.memory_space<vmem>>
    %dma_wait3A_289 = arith.constant 0 : i32
    %dma_wait3A_290 = tpu.memref_slice %arg4[%select_n3A, %add3A_258, %dma_wait3A_289] : memref<4x2048x2048xf32, #tpu.memory_space<hbm>> -> memref<1x8x2048xf32, #tpu.memory_space<hbm>>
    %dma_wait3A_291 = tpu.memref_squeeze %dma_wait3A_290 : memref<1x8x2048xf32, #tpu.memory_space<hbm>> -> memref<8x2048xf32, #tpu.memory_space<hbm>>
    %dma_wait3A_292 = arith.constant 0 : i32
    %dma_wait3A_293 = tpu.memref_slice %arg4[%select_n3A, %add3A_258, %dma_wait3A_292] : memref<4x2048x2048xf32, #tpu.memory_space<hbm>> -> memref<1x8x2048xf32, #tpu.memory_space<hbm>>
    %dma_wait3A_294 = tpu.memref_squeeze %dma_wait3A_293 : memref<1x8x2048xf32, #tpu.memory_space<hbm>> -> memref<8x2048xf32, #tpu.memory_space<hbm>>
    %dma_wait3A_295 = arith.constant 0 : i32
    %dma_wait3A_296 = arith.constant 0 : i32
    %dma_wait3A_297 = tpu.memref_slice %arg6[%dma_wait3A_284, %dma_wait3A_295, %dma_wait3A_296] : memref<6x8x2048xf32, #tpu.memory_space<vmem>> -> memref<1x8x2048xf32, #tpu.memory_space<vmem>>
    %dma_wait3A_298 = tpu.memref_squeeze %dma_wait3A_297 : memref<1x8x2048xf32, #tpu.memory_space<vmem>> -> memref<8x2048xf32, #tpu.memory_space<vmem>>
    tpu.wait_dma2 semaphore(%arg16 : memref<!tpu.dma_semaphore, #tpu.memory_space<semaphore_mem>>) src(%dma_wait3A_298 : memref<8x2048xf32, #tpu.memory_space<vmem>>) dst(%dma_wait3A_294 : memref<8x2048xf32, #tpu.memory_space<hbm>>)
    %dma_start3A_299 = arith.constant 3 : i32
    %dma_start3A_300 = arith.constant 0 : i32
    %dma_start3A_301 = arith.constant 0 : i32
    %dma_start3A_302 = tpu.memref_slice %arg6[%dma_start3A_299, %dma_start3A_300, %dma_start3A_301] : memref<6x8x2048xf32, #tpu.memory_space<vmem>> -> memref<1x8x2048xf32, #tpu.memory_space<vmem>>
    %dma_start3A_303 = tpu.memref_squeeze %dma_start3A_302 : memref<1x8x2048xf32, #tpu.memory_space<vmem>> -> memref<8x2048xf32, #tpu.memory_space<vmem>>
    %dma_start3A_304 = arith.constant 72 : i32
    %dma_start3A_305 = tpu.memref_slice %arg5[%dma_start3A_304] : memref<256xi32, #tpu.memory_space<vmem>> -> memref<8xi32, #tpu.memory_space<vmem>>
    %dma_start3A_306 = arith.constant 0 : i32
    %dma_start3A_307 = arith.constant 0 : i32
    %dma_start3A_308 = tpu.memref_slice %arg3[%dma_start3A_306, %dma_start3A_307] : memref<100000x2048xf32, #tpu.memory_space<hbm>> -> memref<100000x2048xf32, #tpu.memory_space<hbm>>
    tpu.enqueue_indirect_dma source(%dma_start3A_308 : memref<100000x2048xf32, #tpu.memory_space<hbm>>) target(%dma_start3A_303 : memref<8x2048xf32, #tpu.memory_space<vmem>>) offsets(%dma_start3A_305 : memref<8xi32, #tpu.memory_space<vmem>>) semaphore(%arg10 : memref<!tpu.dma_semaphore, #tpu.memory_space<semaphore_mem>>)
    %add3A_309 = arith.constant 32 : i32
    %add3A_310 = arith.addi %mul3A_32, %add3A_309 : i32
    %dma_start3A_311 = arith.constant 4 : i32
    %dma_start3A_312 = arith.constant 0 : i32
    %dma_start3A_313 = arith.constant 0 : i32
    %dma_start3A_314 = tpu.memref_slice %arg6[%dma_start3A_311, %dma_start3A_312, %dma_start3A_313] : memref<6x8x2048xf32, #tpu.memory_space<vmem>> -> memref<1x8x2048xf32, #tpu.memory_space<vmem>>
    %dma_start3A_315 = tpu.memref_squeeze %dma_start3A_314 : memref<1x8x2048xf32, #tpu.memory_space<vmem>> -> memref<8x2048xf32, #tpu.memory_space<vmem>>
    %dma_start3A_316 = arith.constant 0 : i32
    %dma_start3A_317 = tpu.memref_slice %arg4[%select_n3A, %add3A_310, %dma_start3A_316] : memref<4x2048x2048xf32, #tpu.memory_space<hbm>> -> memref<1x8x2048xf32, #tpu.memory_space<hbm>>
    %dma_start3A_318 = tpu.memref_squeeze %dma_start3A_317 : memref<1x8x2048xf32, #tpu.memory_space<hbm>> -> memref<8x2048xf32, #tpu.memory_space<hbm>>
    %dma_start3A_319 = arith.constant 0 : i32
    %dma_start3A_320 = tpu.memref_slice %arg4[%select_n3A, %add3A_310, %dma_start3A_319] : memref<4x2048x2048xf32, #tpu.memory_space<hbm>> -> memref<1x8x2048xf32, #tpu.memory_space<hbm>>
    %dma_start3A_321 = tpu.memref_squeeze %dma_start3A_320 : memref<1x8x2048xf32, #tpu.memory_space<hbm>> -> memref<8x2048xf32, #tpu.memory_space<hbm>>
    %dma_start3A_322 = arith.constant 0 : i32
    %dma_start3A_323 = arith.constant 0 : i32
    %dma_start3A_324 = tpu.memref_slice %arg6[%dma_start3A_311, %dma_start3A_322, %dma_start3A_323] : memref<6x8x2048xf32, #tpu.memory_space<vmem>> -> memref<1x8x2048xf32, #tpu.memory_space<vmem>>
    %dma_start3A_325 = tpu.memref_squeeze %dma_start3A_324 : memref<1x8x2048xf32, #tpu.memory_space<vmem>> -> memref<8x2048xf32, #tpu.memory_space<vmem>>
    tpu.enqueue_dma source(%dma_start3A_325 : memref<8x2048xf32, #tpu.memory_space<vmem>>) target(%dma_start3A_321 : memref<8x2048xf32, #tpu.memory_space<hbm>>) target_semaphore(%arg17 : memref<!tpu.dma_semaphore, #tpu.memory_space<semaphore_mem>>)
    %dma_wait3A_326 = arith.constant 5 : i32
    %dma_wait3A_327 = arith.constant 0 : i32
    %dma_wait3A_328 = arith.constant 0 : i32
    %dma_wait3A_329 = tpu.memref_slice %arg6[%dma_wait3A_326, %dma_wait3A_327, %dma_wait3A_328] : memref<6x8x2048xf32, #tpu.memory_space<vmem>> -> memref<1x8x2048xf32, #tpu.memory_space<vmem>>
    %dma_wait3A_330 = tpu.memref_squeeze %dma_wait3A_329 : memref<1x8x2048xf32, #tpu.memory_space<vmem>> -> memref<8x2048xf32, #tpu.memory_space<vmem>>
    %dma_wait3A_331 = arith.constant 40 : i32
    %dma_wait3A_332 = tpu.memref_slice %arg5[%dma_wait3A_331] : memref<256xi32, #tpu.memory_space<vmem>> -> memref<8xi32, #tpu.memory_space<vmem>>
    %dma_wait3A_333 = arith.constant 0 : i32
    %dma_wait3A_334 = arith.constant 0 : i32
    %dma_wait3A_335 = tpu.memref_slice %arg3[%dma_wait3A_333, %dma_wait3A_334] : memref<100000x2048xf32, #tpu.memory_space<hbm>> -> memref<100000x2048xf32, #tpu.memory_space<hbm>>
    tpu.wait_indirect_dma semaphore(%arg12 : memref<!tpu.dma_semaphore, #tpu.memory_space<semaphore_mem>>) src(%dma_wait3A_335 : memref<100000x2048xf32, #tpu.memory_space<hbm>>) dst(%dma_wait3A_330 : memref<8x2048xf32, #tpu.memory_space<vmem>>)
    %dma_wait3A_336 = arith.constant 4 : i32
    %dma_wait3A_337 = arith.constant 0 : i32
    %dma_wait3A_338 = arith.constant 0 : i32
    %dma_wait3A_339 = tpu.memref_slice %arg6[%dma_wait3A_336, %dma_wait3A_337, %dma_wait3A_338] : memref<6x8x2048xf32, #tpu.memory_space<vmem>> -> memref<1x8x2048xf32, #tpu.memory_space<vmem>>
    %dma_wait3A_340 = tpu.memref_squeeze %dma_wait3A_339 : memref<1x8x2048xf32, #tpu.memory_space<vmem>> -> memref<8x2048xf32, #tpu.memory_space<vmem>>
    %dma_wait3A_341 = arith.constant 0 : i32
    %dma_wait3A_342 = tpu.memref_slice %arg4[%select_n3A, %add3A_310, %dma_wait3A_341] : memref<4x2048x2048xf32, #tpu.memory_space<hbm>> -> memref<1x8x2048xf32, #tpu.memory_space<hbm>>
    %dma_wait3A_343 = tpu.memref_squeeze %dma_wait3A_342 : memref<1x8x2048xf32, #tpu.memory_space<hbm>> -> memref<8x2048xf32, #tpu.memory_space<hbm>>
    %dma_wait3A_344 = arith.constant 0 : i32
    %dma_wait3A_345 = tpu.memref_slice %arg4[%select_n3A, %add3A_310, %dma_wait3A_344] : memref<4x2048x2048xf32, #tpu.memory_space<hbm>> -> memref<1x8x2048xf32, #tpu.memory_space<hbm>>
    %dma_wait3A_346 = tpu.memref_squeeze %dma_wait3A_345 : memref<1x8x2048xf32, #tpu.memory_space<hbm>> -> memref<8x2048xf32, #tpu.memory_space<hbm>>
    %dma_wait3A_347 = arith.constant 0 : i32
    %dma_wait3A_348 = arith.constant 0 : i32
    %dma_wait3A_349 = tpu.memref_slice %arg6[%dma_wait3A_336, %dma_wait3A_347, %dma_wait3A_348] : memref<6x8x2048xf32, #tpu.memory_space<vmem>> -> memref<1x8x2048xf32, #tpu.memory_space<vmem>>
    %dma_wait3A_350 = tpu.memref_squeeze %dma_wait3A_349 : memref<1x8x2048xf32, #tpu.memory_space<vmem>> -> memref<8x2048xf32, #tpu.memory_space<vmem>>
    tpu.wait_dma2 semaphore(%arg17 : memref<!tpu.dma_semaphore, #tpu.memory_space<semaphore_mem>>) src(%dma_wait3A_350 : memref<8x2048xf32, #tpu.memory_space<vmem>>) dst(%dma_wait3A_346 : memref<8x2048xf32, #tpu.memory_space<hbm>>)
    %dma_start3A_351 = arith.constant 4 : i32
    %dma_start3A_352 = arith.constant 0 : i32
    %dma_start3A_353 = arith.constant 0 : i32
    %dma_start3A_354 = tpu.memref_slice %arg6[%dma_start3A_351, %dma_start3A_352, %dma_start3A_353] : memref<6x8x2048xf32, #tpu.memory_space<vmem>> -> memref<1x8x2048xf32, #tpu.memory_space<vmem>>
    %dma_start3A_355 = tpu.memref_squeeze %dma_start3A_354 : memref<1x8x2048xf32, #tpu.memory_space<vmem>> -> memref<8x2048xf32, #tpu.memory_space<vmem>>
    %dma_start3A_356 = arith.constant 80 : i32
    %dma_start3A_357 = tpu.memref_slice %arg5[%dma_start3A_356] : memref<256xi32, #tpu.memory_space<vmem>> -> memref<8xi32, #tpu.memory_space<vmem>>
    %dma_start3A_358 = arith.constant 0 : i32
    %dma_start3A_359 = arith.constant 0 : i32
    %dma_start3A_360 = tpu.memref_slice %arg3[%dma_start3A_358, %dma_start3A_359] : memref<100000x2048xf32, #tpu.memory_space<hbm>> -> memref<100000x2048xf32, #tpu.memory_space<hbm>>
    tpu.enqueue_indirect_dma source(%dma_start3A_360 : memref<100000x2048xf32, #tpu.memory_space<hbm>>) target(%dma_start3A_355 : memref<8x2048xf32, #tpu.memory_space<vmem>>) offsets(%dma_start3A_357 : memref<8xi32, #tpu.memory_space<vmem>>) semaphore(%arg11 : memref<!tpu.dma_semaphore, #tpu.memory_space<semaphore_mem>>)
    %add3A_361 = arith.constant 40 : i32
    %add3A_362 = arith.addi %mul3A_32, %add3A_361 : i32
    %dma_start3A_363 = arith.constant 5 : i32
    %dma_start3A_364 = arith.constant 0 : i32
    %dma_start3A_365 = arith.constant 0 : i32
    %dma_start3A_366 = tpu.memref_slice %arg6[%dma_start3A_363, %dma_start3A_364, %dma_start3A_365] : memref<6x8x2048xf32, #tpu.memory_space<vmem>> -> memref<1x8x2048xf32, #tpu.memory_space<vmem>>
    %dma_start3A_367 = tpu.memref_squeeze %dma_start3A_366 : memref<1x8x2048xf32, #tpu.memory_space<vmem>> -> memref<8x2048xf32, #tpu.memory_space<vmem>>
    %dma_start3A_368 = arith.constant 0 : i32
    %dma_start3A_369 = tpu.memref_slice %arg4[%select_n3A, %add3A_362, %dma_start3A_368] : memref<4x2048x2048xf32, #tpu.memory_space<hbm>> -> memref<1x8x2048xf32, #tpu.memory_space<hbm>>
    %dma_start3A_370 = tpu.memref_squeeze %dma_start3A_369 : memref<1x8x2048xf32, #tpu.memory_space<hbm>> -> memref<8x2048xf32, #tpu.memory_space<hbm>>
    %dma_start3A_371 = arith.constant 0 : i32
    %dma_start3A_372 = tpu.memref_slice %arg4[%select_n3A, %add3A_362, %dma_start3A_371] : memref<4x2048x2048xf32, #tpu.memory_space<hbm>> -> memref<1x8x2048xf32, #tpu.memory_space<hbm>>
    %dma_start3A_373 = tpu.memref_squeeze %dma_start3A_372 : memref<1x8x2048xf32, #tpu.memory_space<hbm>> -> memref<8x2048xf32, #tpu.memory_space<hbm>>
    %dma_start3A_374 = arith.constant 0 : i32
    %dma_start3A_375 = arith.constant 0 : i32
    %dma_start3A_376 = tpu.memref_slice %arg6[%dma_start3A_363, %dma_start3A_374, %dma_start3A_375] : memref<6x8x2048xf32, #tpu.memory_space<vmem>> -> memref<1x8x2048xf32, #tpu.memory_space<vmem>>
    %dma_start3A_377 = tpu.memref_squeeze %dma_start3A_376 : memref<1x8x2048xf32, #tpu.memory_space<vmem>> -> memref<8x2048xf32, #tpu.memory_space<vmem>>
    tpu.enqueue_dma source(%dma_start3A_377 : memref<8x2048xf32, #tpu.memory_space<vmem>>) target(%dma_start3A_373 : memref<8x2048xf32, #tpu.memory_space<hbm>>) target_semaphore(%arg18 : memref<!tpu.dma_semaphore, #tpu.memory_space<semaphore_mem>>)
    %dma_wait3A_378 = arith.constant 0 : i32
    %dma_wait3A_379 = arith.constant 0 : i32
    %dma_wait3A_380 = arith.constant 0 : i32
    %dma_wait3A_381 = tpu.memref_slice %arg6[%dma_wait3A_378, %dma_wait3A_379, %dma_wait3A_380] : memref<6x8x2048xf32, #tpu.memory_space<vmem>> -> memref<1x8x2048xf32, #tpu.memory_space<vmem>>
    %dma_wait3A_382 = tpu.memref_squeeze %dma_wait3A_381 : memref<1x8x2048xf32, #tpu.memory_space<vmem>> -> memref<8x2048xf32, #tpu.memory_space<vmem>>
    %dma_wait3A_383 = arith.constant 48 : i32
    %dma_wait3A_384 = tpu.memref_slice %arg5[%dma_wait3A_383] : memref<256xi32, #tpu.memory_space<vmem>> -> memref<8xi32, #tpu.memory_space<vmem>>
    %dma_wait3A_385 = arith.constant 0 : i32
    %dma_wait3A_386 = arith.constant 0 : i32
    %dma_wait3A_387 = tpu.memref_slice %arg3[%dma_wait3A_385, %dma_wait3A_386] : memref<100000x2048xf32, #tpu.memory_space<hbm>> -> memref<100000x2048xf32, #tpu.memory_space<hbm>>
    tpu.wait_indirect_dma semaphore(%arg7 : memref<!tpu.dma_semaphore, #tpu.memory_space<semaphore_mem>>) src(%dma_wait3A_387 : memref<100000x2048xf32, #tpu.memory_space<hbm>>) dst(%dma_wait3A_382 : memref<8x2048xf32, #tpu.memory_space<vmem>>)
    %dma_wait3A_388 = arith.constant 5 : i32
    %dma_wait3A_389 = arith.constant 0 : i32
    %dma_wait3A_390 = arith.constant 0 : i32
    %dma_wait3A_391 = tpu.memref_slice %arg6[%dma_wait3A_388, %dma_wait3A_389, %dma_wait3A_390] : memref<6x8x2048xf32, #tpu.memory_space<vmem>> -> memref<1x8x2048xf32, #tpu.memory_space<vmem>>
    %dma_wait3A_392 = tpu.memref_squeeze %dma_wait3A_391 : memref<1x8x2048xf32, #tpu.memory_space<vmem>> -> memref<8x2048xf32, #tpu.memory_space<vmem>>
    %dma_wait3A_393 = arith.constant 0 : i32
    %dma_wait3A_394 = tpu.memref_slice %arg4[%select_n3A, %add3A_362, %dma_wait3A_393] : memref<4x2048x2048xf32, #tpu.memory_space<hbm>> -> memref<1x8x2048xf32, #tpu.memory_space<hbm>>
    %dma_wait3A_395 = tpu.memref_squeeze %dma_wait3A_394 : memref<1x8x2048xf32, #tpu.memory_space<hbm>> -> memref<8x2048xf32, #tpu.memory_space<hbm>>
    %dma_wait3A_396 = arith.constant 0 : i32
    %dma_wait3A_397 = tpu.memref_slice %arg4[%select_n3A, %add3A_362, %dma_wait3A_396] : memref<4x2048x2048xf32, #tpu.memory_space<hbm>> -> memref<1x8x2048xf32, #tpu.memory_space<hbm>>
    %dma_wait3A_398 = tpu.memref_squeeze %dma_wait3A_397 : memref<1x8x2048xf32, #tpu.memory_space<hbm>> -> memref<8x2048xf32, #tpu.memory_space<hbm>>
    %dma_wait3A_399 = arith.constant 0 : i32
    %dma_wait3A_400 = arith.constant 0 : i32
    %dma_wait3A_401 = tpu.memref_slice %arg6[%dma_wait3A_388, %dma_wait3A_399, %dma_wait3A_400] : memref<6x8x2048xf32, #tpu.memory_space<vmem>> -> memref<1x8x2048xf32, #tpu.memory_space<vmem>>
    %dma_wait3A_402 = tpu.memref_squeeze %dma_wait3A_401 : memref<1x8x2048xf32, #tpu.memory_space<vmem>> -> memref<8x2048xf32, #tpu.memory_space<vmem>>
    tpu.wait_dma2 semaphore(%arg18 : memref<!tpu.dma_semaphore, #tpu.memory_space<semaphore_mem>>) src(%dma_wait3A_402 : memref<8x2048xf32, #tpu.memory_space<vmem>>) dst(%dma_wait3A_398 : memref<8x2048xf32, #tpu.memory_space<hbm>>)
    %dma_start3A_403 = arith.constant 5 : i32
    %dma_start3A_404 = arith.constant 0 : i32
    %dma_start3A_405 = arith.constant 0 : i32
    %dma_start3A_406 = tpu.memref_slice %arg6[%dma_start3A_403, %dma_start3A_404, %dma_start3A_405] : memref<6x8x2048xf32, #tpu.memory_space<vmem>> -> memref<1x8x2048xf32, #tpu.memory_space<vmem>>
    %dma_start3A_407 = tpu.memref_squeeze %dma_start3A_406 : memref<1x8x2048xf32, #tpu.memory_space<vmem>> -> memref<8x2048xf32, #tpu.memory_space<vmem>>
    %dma_start3A_408 = arith.constant 88 : i32
    %dma_start3A_409 = tpu.memref_slice %arg5[%dma_start3A_408] : memref<256xi32, #tpu.memory_space<vmem>> -> memref<8xi32, #tpu.memory_space<vmem>>
    %dma_start3A_410 = arith.constant 0 : i32
    %dma_start3A_411 = arith.constant 0 : i32
    %dma_start3A_412 = tpu.memref_slice %arg3[%dma_start3A_410, %dma_start3A_411] : memref<100000x2048xf32, #tpu.memory_space<hbm>> -> memref<100000x2048xf32, #tpu.memory_space<hbm>>
    tpu.enqueue_indirect_dma source(%dma_start3A_412 : memref<100000x2048xf32, #tpu.memory_space<hbm>>) target(%dma_start3A_407 : memref<8x2048xf32, #tpu.memory_space<vmem>>) offsets(%dma_start3A_409 : memref<8xi32, #tpu.memory_space<vmem>>) semaphore(%arg12 : memref<!tpu.dma_semaphore, #tpu.memory_space<semaphore_mem>>)
    %add3A_413 = arith.constant 48 : i32
    %add3A_414 = arith.addi %mul3A_32, %add3A_413 : i32
    %dma_start3A_415 = arith.constant 0 : i32
    %dma_start3A_416 = arith.constant 0 : i32
    %dma_start3A_417 = arith.constant 0 : i32
    %dma_start3A_418 = tpu.memref_slice %arg6[%dma_start3A_415, %dma_start3A_416, %dma_start3A_417] : memref<6x8x2048xf32, #tpu.memory_space<vmem>> -> memref<1x8x2048xf32, #tpu.memory_space<vmem>>
    %dma_start3A_419 = tpu.memref_squeeze %dma_start3A_418 : memref<1x8x2048xf32, #tpu.memory_space<vmem>> -> memref<8x2048xf32, #tpu.memory_space<vmem>>
    %dma_start3A_420 = arith.constant 0 : i32
    %dma_start3A_421 = tpu.memref_slice %arg4[%select_n3A, %add3A_414, %dma_start3A_420] : memref<4x2048x2048xf32, #tpu.memory_space<hbm>> -> memref<1x8x2048xf32, #tpu.memory_space<hbm>>
    %dma_start3A_422 = tpu.memref_squeeze %dma_start3A_421 : memref<1x8x2048xf32, #tpu.memory_space<hbm>> -> memref<8x2048xf32, #tpu.memory_space<hbm>>
    %dma_start3A_423 = arith.constant 0 : i32
    %dma_start3A_424 = tpu.memref_slice %arg4[%select_n3A, %add3A_414, %dma_start3A_423] : memref<4x2048x2048xf32, #tpu.memory_space<hbm>> -> memref<1x8x2048xf32, #tpu.memory_space<hbm>>
    %dma_start3A_425 = tpu.memref_squeeze %dma_start3A_424 : memref<1x8x2048xf32, #tpu.memory_space<hbm>> -> memref<8x2048xf32, #tpu.memory_space<hbm>>
    %dma_start3A_426 = arith.constant 0 : i32
    %dma_start3A_427 = arith.constant 0 : i32
    %dma_start3A_428 = tpu.memref_slice %arg6[%dma_start3A_415, %dma_start3A_426, %dma_start3A_427] : memref<6x8x2048xf32, #tpu.memory_space<vmem>> -> memref<1x8x2048xf32, #tpu.memory_space<vmem>>
    %dma_start3A_429 = tpu.memref_squeeze %dma_start3A_428 : memref<1x8x2048xf32, #tpu.memory_space<vmem>> -> memref<8x2048xf32, #tpu.memory_space<vmem>>
    tpu.enqueue_dma source(%dma_start3A_429 : memref<8x2048xf32, #tpu.memory_space<vmem>>) target(%dma_start3A_425 : memref<8x2048xf32, #tpu.memory_space<hbm>>) target_semaphore(%arg13 : memref<!tpu.dma_semaphore, #tpu.memory_space<semaphore_mem>>)
    %dma_wait3A_430 = arith.constant 1 : i32
    %dma_wait3A_431 = arith.constant 0 : i32
    %dma_wait3A_432 = arith.constant 0 : i32
    %dma_wait3A_433 = tpu.memref_slice %arg6[%dma_wait3A_430, %dma_wait3A_431, %dma_wait3A_432] : memref<6x8x2048xf32, #tpu.memory_space<vmem>> -> memref<1x8x2048xf32, #tpu.memory_space<vmem>>
    %dma_wait3A_434 = tpu.memref_squeeze %dma_wait3A_433 : memref<1x8x2048xf32, #tpu.memory_space<vmem>> -> memref<8x2048xf32, #tpu.memory_space<vmem>>
    %dma_wait3A_435 = arith.constant 56 : i32
    %dma_wait3A_436 = tpu.memref_slice %arg5[%dma_wait3A_435] : memref<256xi32, #tpu.memory_space<vmem>> -> memref<8xi32, #tpu.memory_space<vmem>>
    %dma_wait3A_437 = arith.constant 0 : i32
    %dma_wait3A_438 = arith.constant 0 : i32
    %dma_wait3A_439 = tpu.memref_slice %arg3[%dma_wait3A_437, %dma_wait3A_438] : memref<100000x2048xf32, #tpu.memory_space<hbm>> -> memref<100000x2048xf32, #tpu.memory_space<hbm>>
    tpu.wait_indirect_dma semaphore(%arg8 : memref<!tpu.dma_semaphore, #tpu.memory_space<semaphore_mem>>) src(%dma_wait3A_439 : memref<100000x2048xf32, #tpu.memory_space<hbm>>) dst(%dma_wait3A_434 : memref<8x2048xf32, #tpu.memory_space<vmem>>)
    %dma_wait3A_440 = arith.constant 0 : i32
    %dma_wait3A_441 = arith.constant 0 : i32
    %dma_wait3A_442 = arith.constant 0 : i32
    %dma_wait3A_443 = tpu.memref_slice %arg6[%dma_wait3A_440, %dma_wait3A_441, %dma_wait3A_442] : memref<6x8x2048xf32, #tpu.memory_space<vmem>> -> memref<1x8x2048xf32, #tpu.memory_space<vmem>>
    %dma_wait3A_444 = tpu.memref_squeeze %dma_wait3A_443 : memref<1x8x2048xf32, #tpu.memory_space<vmem>> -> memref<8x2048xf32, #tpu.memory_space<vmem>>
    %dma_wait3A_445 = arith.constant 0 : i32
    %dma_wait3A_446 = tpu.memref_slice %arg4[%select_n3A, %add3A_414, %dma_wait3A_445] : memref<4x2048x2048xf32, #tpu.memory_space<hbm>> -> memref<1x8x2048xf32, #tpu.memory_space<hbm>>
    %dma_wait3A_447 = tpu.memref_squeeze %dma_wait3A_446 : memref<1x8x2048xf32, #tpu.memory_space<hbm>> -> memref<8x2048xf32, #tpu.memory_space<hbm>>
    %dma_wait3A_448 = arith.constant 0 : i32
    %dma_wait3A_449 = tpu.memref_slice %arg4[%select_n3A, %add3A_414, %dma_wait3A_448] : memref<4x2048x2048xf32, #tpu.memory_space<hbm>> -> memref<1x8x2048xf32, #tpu.memory_space<hbm>>
    %dma_wait3A_450 = tpu.memref_squeeze %dma_wait3A_449 : memref<1x8x2048xf32, #tpu.memory_space<hbm>> -> memref<8x2048xf32, #tpu.memory_space<hbm>>
    %dma_wait3A_451 = arith.constant 0 : i32
    %dma_wait3A_452 = arith.constant 0 : i32
    %dma_wait3A_453 = tpu.memref_slice %arg6[%dma_wait3A_440, %dma_wait3A_451, %dma_wait3A_452] : memref<6x8x2048xf32, #tpu.memory_space<vmem>> -> memref<1x8x2048xf32, #tpu.memory_space<vmem>>
    %dma_wait3A_454 = tpu.memref_squeeze %dma_wait3A_453 : memref<1x8x2048xf32, #tpu.memory_space<vmem>> -> memref<8x2048xf32, #tpu.memory_space<vmem>>
    tpu.wait_dma2 semaphore(%arg13 : memref<!tpu.dma_semaphore, #tpu.memory_space<semaphore_mem>>) src(%dma_wait3A_454 : memref<8x2048xf32, #tpu.memory_space<vmem>>) dst(%dma_wait3A_450 : memref<8x2048xf32, #tpu.memory_space<hbm>>)
    %dma_start3A_455 = arith.constant 0 : i32
    %dma_start3A_456 = arith.constant 0 : i32
    %dma_start3A_457 = arith.constant 0 : i32
    %dma_start3A_458 = tpu.memref_slice %arg6[%dma_start3A_455, %dma_start3A_456, %dma_start3A_457] : memref<6x8x2048xf32, #tpu.memory_space<vmem>> -> memref<1x8x2048xf32, #tpu.memory_space<vmem>>
    %dma_start3A_459 = tpu.memref_squeeze %dma_start3A_458 : memref<1x8x2048xf32, #tpu.memory_space<vmem>> -> memref<8x2048xf32, #tpu.memory_space<vmem>>
    %dma_start3A_460 = arith.constant 96 : i32
    %dma_start3A_461 = tpu.memref_slice %arg5[%dma_start3A_460] : memref<256xi32, #tpu.memory_space<vmem>> -> memref<8xi32, #tpu.memory_space<vmem>>
    %dma_start3A_462 = arith.constant 0 : i32
    %dma_start3A_463 = arith.constant 0 : i32
    %dma_start3A_464 = tpu.memref_slice %arg3[%dma_start3A_462, %dma_start3A_463] : memref<100000x2048xf32, #tpu.memory_space<hbm>> -> memref<100000x2048xf32, #tpu.memory_space<hbm>>
    tpu.enqueue_indirect_dma source(%dma_start3A_464 : memref<100000x2048xf32, #tpu.memory_space<hbm>>) target(%dma_start3A_459 : memref<8x2048xf32, #tpu.memory_space<vmem>>) offsets(%dma_start3A_461 : memref<8xi32, #tpu.memory_space<vmem>>) semaphore(%arg7 : memref<!tpu.dma_semaphore, #tpu.memory_space<semaphore_mem>>)
    %add3A_465 = arith.constant 56 : i32
    %add3A_466 = arith.addi %mul3A_32, %add3A_465 : i32
    %dma_start3A_467 = arith.constant 1 : i32
    %dma_start3A_468 = arith.constant 0 : i32
    %dma_start3A_469 = arith.constant 0 : i32
    %dma_start3A_470 = tpu.memref_slice %arg6[%dma_start3A_467, %dma_start3A_468, %dma_start3A_469] : memref<6x8x2048xf32, #tpu.memory_space<vmem>> -> memref<1x8x2048xf32, #tpu.memory_space<vmem>>
    %dma_start3A_471 = tpu.memref_squeeze %dma_start3A_470 : memref<1x8x2048xf32, #tpu.memory_space<vmem>> -> memref<8x2048xf32, #tpu.memory_space<vmem>>
    %dma_start3A_472 = arith.constant 0 : i32
    %dma_start3A_473 = tpu.memref_slice %arg4[%select_n3A, %add3A_466, %dma_start3A_472] : memref<4x2048x2048xf32, #tpu.memory_space<hbm>> -> memref<1x8x2048xf32, #tpu.memory_space<hbm>>
    %dma_start3A_474 = tpu.memref_squeeze %dma_start3A_473 : memref<1x8x2048xf32, #tpu.memory_space<hbm>> -> memref<8x2048xf32, #tpu.memory_space<hbm>>
    %dma_start3A_475 = arith.constant 0 : i32
    %dma_start3A_476 = tpu.memref_slice %arg4[%select_n3A, %add3A_466, %dma_start3A_475] : memref<4x2048x2048xf32, #tpu.memory_space<hbm>> -> memref<1x8x2048xf32, #tpu.memory_space<hbm>>
    %dma_start3A_477 = tpu.memref_squeeze %dma_start3A_476 : memref<1x8x2048xf32, #tpu.memory_space<hbm>> -> memref<8x2048xf32, #tpu.memory_space<hbm>>
    %dma_start3A_478 = arith.constant 0 : i32
    %dma_start3A_479 = arith.constant 0 : i32
    %dma_start3A_480 = tpu.memref_slice %arg6[%dma_start3A_467, %dma_start3A_478, %dma_start3A_479] : memref<6x8x2048xf32, #tpu.memory_space<vmem>> -> memref<1x8x2048xf32, #tpu.memory_space<vmem>>
    %dma_start3A_481 = tpu.memref_squeeze %dma_start3A_480 : memref<1x8x2048xf32, #tpu.memory_space<vmem>> -> memref<8x2048xf32, #tpu.memory_space<vmem>>
    tpu.enqueue_dma source(%dma_start3A_481 : memref<8x2048xf32, #tpu.memory_space<vmem>>) target(%dma_start3A_477 : memref<8x2048xf32, #tpu.memory_space<hbm>>) target_semaphore(%arg14 : memref<!tpu.dma_semaphore, #tpu.memory_space<semaphore_mem>>)
    %dma_wait3A_482 = arith.constant 2 : i32
    %dma_wait3A_483 = arith.constant 0 : i32
    %dma_wait3A_484 = arith.constant 0 : i32
    %dma_wait3A_485 = tpu.memref_slice %arg6[%dma_wait3A_482, %dma_wait3A_483, %dma_wait3A_484] : memref<6x8x2048xf32, #tpu.memory_space<vmem>> -> memref<1x8x2048xf32, #tpu.memory_space<vmem>>
    %dma_wait3A_486 = tpu.memref_squeeze %dma_wait3A_485 : memref<1x8x2048xf32, #tpu.memory_space<vmem>> -> memref<8x2048xf32, #tpu.memory_space<vmem>>
    %dma_wait3A_487 = arith.constant 64 : i32
    %dma_wait3A_488 = tpu.memref_slice %arg5[%dma_wait3A_487] : memref<256xi32, #tpu.memory_space<vmem>> -> memref<8xi32, #tpu.memory_space<vmem>>
    %dma_wait3A_489 = arith.constant 0 : i32
    %dma_wait3A_490 = arith.constant 0 : i32
    %dma_wait3A_491 = tpu.memref_slice %arg3[%dma_wait3A_489, %dma_wait3A_490] : memref<100000x2048xf32, #tpu.memory_space<hbm>> -> memref<100000x2048xf32, #tpu.memory_space<hbm>>
    tpu.wait_indirect_dma semaphore(%arg9 : memref<!tpu.dma_semaphore, #tpu.memory_space<semaphore_mem>>) src(%dma_wait3A_491 : memref<100000x2048xf32, #tpu.memory_space<hbm>>) dst(%dma_wait3A_486 : memref<8x2048xf32, #tpu.memory_space<vmem>>)
    %dma_wait3A_492 = arith.constant 1 : i32
    %dma_wait3A_493 = arith.constant 0 : i32
    %dma_wait3A_494 = arith.constant 0 : i32
    %dma_wait3A_495 = tpu.memref_slice %arg6[%dma_wait3A_492, %dma_wait3A_493, %dma_wait3A_494] : memref<6x8x2048xf32, #tpu.memory_space<vmem>> -> memref<1x8x2048xf32, #tpu.memory_space<vmem>>
    %dma_wait3A_496 = tpu.memref_squeeze %dma_wait3A_495 : memref<1x8x2048xf32, #tpu.memory_space<vmem>> -> memref<8x2048xf32, #tpu.memory_space<vmem>>
    %dma_wait3A_497 = arith.constant 0 : i32
    %dma_wait3A_498 = tpu.memref_slice %arg4[%select_n3A, %add3A_466, %dma_wait3A_497] : memref<4x2048x2048xf32, #tpu.memory_space<hbm>> -> memref<1x8x2048xf32, #tpu.memory_space<hbm>>
    %dma_wait3A_499 = tpu.memref_squeeze %dma_wait3A_498 : memref<1x8x2048xf32, #tpu.memory_space<hbm>> -> memref<8x2048xf32, #tpu.memory_space<hbm>>
    %dma_wait3A_500 = arith.constant 0 : i32
    %dma_wait3A_501 = tpu.memref_slice %arg4[%select_n3A, %add3A_466, %dma_wait3A_500] : memref<4x2048x2048xf32, #tpu.memory_space<hbm>> -> memref<1x8x2048xf32, #tpu.memory_space<hbm>>
    %dma_wait3A_502 = tpu.memref_squeeze %dma_wait3A_501 : memref<1x8x2048xf32, #tpu.memory_space<hbm>> -> memref<8x2048xf32, #tpu.memory_space<hbm>>
    %dma_wait3A_503 = arith.constant 0 : i32
    %dma_wait3A_504 = arith.constant 0 : i32
    %dma_wait3A_505 = tpu.memref_slice %arg6[%dma_wait3A_492, %dma_wait3A_503, %dma_wait3A_504] : memref<6x8x2048xf32, #tpu.memory_space<vmem>> -> memref<1x8x2048xf32, #tpu.memory_space<vmem>>
    %dma_wait3A_506 = tpu.memref_squeeze %dma_wait3A_505 : memref<1x8x2048xf32, #tpu.memory_space<vmem>> -> memref<8x2048xf32, #tpu.memory_space<vmem>>
    tpu.wait_dma2 semaphore(%arg14 : memref<!tpu.dma_semaphore, #tpu.memory_space<semaphore_mem>>) src(%dma_wait3A_506 : memref<8x2048xf32, #tpu.memory_space<vmem>>) dst(%dma_wait3A_502 : memref<8x2048xf32, #tpu.memory_space<hbm>>)
    %dma_start3A_507 = arith.constant 1 : i32
    %dma_start3A_508 = arith.constant 0 : i32
    %dma_start3A_509 = arith.constant 0 : i32
    %dma_start3A_510 = tpu.memref_slice %arg6[%dma_start3A_507, %dma_start3A_508, %dma_start3A_509] : memref<6x8x2048xf32, #tpu.memory_space<vmem>> -> memref<1x8x2048xf32, #tpu.memory_space<vmem>>
    %dma_start3A_511 = tpu.memref_squeeze %dma_start3A_510 : memref<1x8x2048xf32, #tpu.memory_space<vmem>> -> memref<8x2048xf32, #tpu.memory_space<vmem>>
    %dma_start3A_512 = arith.constant 104 : i32
    %dma_start3A_513 = tpu.memref_slice %arg5[%dma_start3A_512] : memref<256xi32, #tpu.memory_space<vmem>> -> memref<8xi32, #tpu.memory_space<vmem>>
    %dma_start3A_514 = arith.constant 0 : i32
    %dma_start3A_515 = arith.constant 0 : i32
    %dma_start3A_516 = tpu.memref_slice %arg3[%dma_start3A_514, %dma_start3A_515] : memref<100000x2048xf32, #tpu.memory_space<hbm>> -> memref<100000x2048xf32, #tpu.memory_space<hbm>>
    tpu.enqueue_indirect_dma source(%dma_start3A_516 : memref<100000x2048xf32, #tpu.memory_space<hbm>>) target(%dma_start3A_511 : memref<8x2048xf32, #tpu.memory_space<vmem>>) offsets(%dma_start3A_513 : memref<8xi32, #tpu.memory_space<vmem>>) semaphore(%arg8 : memref<!tpu.dma_semaphore, #tpu.memory_space<semaphore_mem>>)
    %add3A_517 = arith.constant 64 : i32
    %add3A_518 = arith.addi %mul3A_32, %add3A_517 : i32
    %dma_start3A_519 = arith.constant 2 : i32
    %dma_start3A_520 = arith.constant 0 : i32
    %dma_start3A_521 = arith.constant 0 : i32
    %dma_start3A_522 = tpu.memref_slice %arg6[%dma_start3A_519, %dma_start3A_520, %dma_start3A_521] : memref<6x8x2048xf32, #tpu.memory_space<vmem>> -> memref<1x8x2048xf32, #tpu.memory_space<vmem>>
    %dma_start3A_523 = tpu.memref_squeeze %dma_start3A_522 : memref<1x8x2048xf32, #tpu.memory_space<vmem>> -> memref<8x2048xf32, #tpu.memory_space<vmem>>
    %dma_start3A_524 = arith.constant 0 : i32
    %dma_start3A_525 = tpu.memref_slice %arg4[%select_n3A, %add3A_518, %dma_start3A_524] : memref<4x2048x2048xf32, #tpu.memory_space<hbm>> -> memref<1x8x2048xf32, #tpu.memory_space<hbm>>
    %dma_start3A_526 = tpu.memref_squeeze %dma_start3A_525 : memref<1x8x2048xf32, #tpu.memory_space<hbm>> -> memref<8x2048xf32, #tpu.memory_space<hbm>>
    %dma_start3A_527 = arith.constant 0 : i32
    %dma_start3A_528 = tpu.memref_slice %arg4[%select_n3A, %add3A_518, %dma_start3A_527] : memref<4x2048x2048xf32, #tpu.memory_space<hbm>> -> memref<1x8x2048xf32, #tpu.memory_space<hbm>>
    %dma_start3A_529 = tpu.memref_squeeze %dma_start3A_528 : memref<1x8x2048xf32, #tpu.memory_space<hbm>> -> memref<8x2048xf32, #tpu.memory_space<hbm>>
    %dma_start3A_530 = arith.constant 0 : i32
    %dma_start3A_531 = arith.constant 0 : i32
    %dma_start3A_532 = tpu.memref_slice %arg6[%dma_start3A_519, %dma_start3A_530, %dma_start3A_531] : memref<6x8x2048xf32, #tpu.memory_space<vmem>> -> memref<1x8x2048xf32, #tpu.memory_space<vmem>>
    %dma_start3A_533 = tpu.memref_squeeze %dma_start3A_532 : memref<1x8x2048xf32, #tpu.memory_space<vmem>> -> memref<8x2048xf32, #tpu.memory_space<vmem>>
    tpu.enqueue_dma source(%dma_start3A_533 : memref<8x2048xf32, #tpu.memory_space<vmem>>) target(%dma_start3A_529 : memref<8x2048xf32, #tpu.memory_space<hbm>>) target_semaphore(%arg15 : memref<!tpu.dma_semaphore, #tpu.memory_space<semaphore_mem>>)
    %dma_wait3A_534 = arith.constant 3 : i32
    %dma_wait3A_535 = arith.constant 0 : i32
    %dma_wait3A_536 = arith.constant 0 : i32
    %dma_wait3A_537 = tpu.memref_slice %arg6[%dma_wait3A_534, %dma_wait3A_535, %dma_wait3A_536] : memref<6x8x2048xf32, #tpu.memory_space<vmem>> -> memref<1x8x2048xf32, #tpu.memory_space<vmem>>
    %dma_wait3A_538 = tpu.memref_squeeze %dma_wait3A_537 : memref<1x8x2048xf32, #tpu.memory_space<vmem>> -> memref<8x2048xf32, #tpu.memory_space<vmem>>
    %dma_wait3A_539 = arith.constant 72 : i32
    %dma_wait3A_540 = tpu.memref_slice %arg5[%dma_wait3A_539] : memref<256xi32, #tpu.memory_space<vmem>> -> memref<8xi32, #tpu.memory_space<vmem>>
    %dma_wait3A_541 = arith.constant 0 : i32
    %dma_wait3A_542 = arith.constant 0 : i32
    %dma_wait3A_543 = tpu.memref_slice %arg3[%dma_wait3A_541, %dma_wait3A_542] : memref<100000x2048xf32, #tpu.memory_space<hbm>> -> memref<100000x2048xf32, #tpu.memory_space<hbm>>
    tpu.wait_indirect_dma semaphore(%arg10 : memref<!tpu.dma_semaphore, #tpu.memory_space<semaphore_mem>>) src(%dma_wait3A_543 : memref<100000x2048xf32, #tpu.memory_space<hbm>>) dst(%dma_wait3A_538 : memref<8x2048xf32, #tpu.memory_space<vmem>>)
    %dma_wait3A_544 = arith.constant 2 : i32
    %dma_wait3A_545 = arith.constant 0 : i32
    %dma_wait3A_546 = arith.constant 0 : i32
    %dma_wait3A_547 = tpu.memref_slice %arg6[%dma_wait3A_544, %dma_wait3A_545, %dma_wait3A_546] : memref<6x8x2048xf32, #tpu.memory_space<vmem>> -> memref<1x8x2048xf32, #tpu.memory_space<vmem>>
    %dma_wait3A_548 = tpu.memref_squeeze %dma_wait3A_547 : memref<1x8x2048xf32, #tpu.memory_space<vmem>> -> memref<8x2048xf32, #tpu.memory_space<vmem>>
    %dma_wait3A_549 = arith.constant 0 : i32
    %dma_wait3A_550 = tpu.memref_slice %arg4[%select_n3A, %add3A_518, %dma_wait3A_549] : memref<4x2048x2048xf32, #tpu.memory_space<hbm>> -> memref<1x8x2048xf32, #tpu.memory_space<hbm>>
    %dma_wait3A_551 = tpu.memref_squeeze %dma_wait3A_550 : memref<1x8x2048xf32, #tpu.memory_space<hbm>> -> memref<8x2048xf32, #tpu.memory_space<hbm>>
    %dma_wait3A_552 = arith.constant 0 : i32
    %dma_wait3A_553 = tpu.memref_slice %arg4[%select_n3A, %add3A_518, %dma_wait3A_552] : memref<4x2048x2048xf32, #tpu.memory_space<hbm>> -> memref<1x8x2048xf32, #tpu.memory_space<hbm>>
    %dma_wait3A_554 = tpu.memref_squeeze %dma_wait3A_553 : memref<1x8x2048xf32, #tpu.memory_space<hbm>> -> memref<8x2048xf32, #tpu.memory_space<hbm>>
    %dma_wait3A_555 = arith.constant 0 : i32
    %dma_wait3A_556 = arith.constant 0 : i32
    %dma_wait3A_557 = tpu.memref_slice %arg6[%dma_wait3A_544, %dma_wait3A_555, %dma_wait3A_556] : memref<6x8x2048xf32, #tpu.memory_space<vmem>> -> memref<1x8x2048xf32, #tpu.memory_space<vmem>>
    %dma_wait3A_558 = tpu.memref_squeeze %dma_wait3A_557 : memref<1x8x2048xf32, #tpu.memory_space<vmem>> -> memref<8x2048xf32, #tpu.memory_space<vmem>>
    tpu.wait_dma2 semaphore(%arg15 : memref<!tpu.dma_semaphore, #tpu.memory_space<semaphore_mem>>) src(%dma_wait3A_558 : memref<8x2048xf32, #tpu.memory_space<vmem>>) dst(%dma_wait3A_554 : memref<8x2048xf32, #tpu.memory_space<hbm>>)
    %dma_start3A_559 = arith.constant 2 : i32
    %dma_start3A_560 = arith.constant 0 : i32
    %dma_start3A_561 = arith.constant 0 : i32
    %dma_start3A_562 = tpu.memref_slice %arg6[%dma_start3A_559, %dma_start3A_560, %dma_start3A_561] : memref<6x8x2048xf32, #tpu.memory_space<vmem>> -> memref<1x8x2048xf32, #tpu.memory_space<vmem>>
    %dma_start3A_563 = tpu.memref_squeeze %dma_start3A_562 : memref<1x8x2048xf32, #tpu.memory_space<vmem>> -> memref<8x2048xf32, #tpu.memory_space<vmem>>
    %dma_start3A_564 = arith.constant 112 : i32
    %dma_start3A_565 = tpu.memref_slice %arg5[%dma_start3A_564] : memref<256xi32, #tpu.memory_space<vmem>> -> memref<8xi32, #tpu.memory_space<vmem>>
    %dma_start3A_566 = arith.constant 0 : i32
    %dma_start3A_567 = arith.constant 0 : i32
    %dma_start3A_568 = tpu.memref_slice %arg3[%dma_start3A_566, %dma_start3A_567] : memref<100000x2048xf32, #tpu.memory_space<hbm>> -> memref<100000x2048xf32, #tpu.memory_space<hbm>>
    tpu.enqueue_indirect_dma source(%dma_start3A_568 : memref<100000x2048xf32, #tpu.memory_space<hbm>>) target(%dma_start3A_563 : memref<8x2048xf32, #tpu.memory_space<vmem>>) offsets(%dma_start3A_565 : memref<8xi32, #tpu.memory_space<vmem>>) semaphore(%arg9 : memref<!tpu.dma_semaphore, #tpu.memory_space<semaphore_mem>>)
    %add3A_569 = arith.constant 72 : i32
    %add3A_570 = arith.addi %mul3A_32, %add3A_569 : i32
    %dma_start3A_571 = arith.constant 3 : i32
    %dma_start3A_572 = arith.constant 0 : i32
    %dma_start3A_573 = arith.constant 0 : i32
    %dma_start3A_574 = tpu.memref_slice %arg6[%dma_start3A_571, %dma_start3A_572, %dma_start3A_573] : memref<6x8x2048xf32, #tpu.memory_space<vmem>> -> memref<1x8x2048xf32, #tpu.memory_space<vmem>>
    %dma_start3A_575 = tpu.memref_squeeze %dma_start3A_574 : memref<1x8x2048xf32, #tpu.memory_space<vmem>> -> memref<8x2048xf32, #tpu.memory_space<vmem>>
    %dma_start3A_576 = arith.constant 0 : i32
    %dma_start3A_577 = tpu.memref_slice %arg4[%select_n3A, %add3A_570, %dma_start3A_576] : memref<4x2048x2048xf32, #tpu.memory_space<hbm>> -> memref<1x8x2048xf32, #tpu.memory_space<hbm>>
    %dma_start3A_578 = tpu.memref_squeeze %dma_start3A_577 : memref<1x8x2048xf32, #tpu.memory_space<hbm>> -> memref<8x2048xf32, #tpu.memory_space<hbm>>
    %dma_start3A_579 = arith.constant 0 : i32
    %dma_start3A_580 = tpu.memref_slice %arg4[%select_n3A, %add3A_570, %dma_start3A_579] : memref<4x2048x2048xf32, #tpu.memory_space<hbm>> -> memref<1x8x2048xf32, #tpu.memory_space<hbm>>
    %dma_start3A_581 = tpu.memref_squeeze %dma_start3A_580 : memref<1x8x2048xf32, #tpu.memory_space<hbm>> -> memref<8x2048xf32, #tpu.memory_space<hbm>>
    %dma_start3A_582 = arith.constant 0 : i32
    %dma_start3A_583 = arith.constant 0 : i32
    %dma_start3A_584 = tpu.memref_slice %arg6[%dma_start3A_571, %dma_start3A_582, %dma_start3A_583] : memref<6x8x2048xf32, #tpu.memory_space<vmem>> -> memref<1x8x2048xf32, #tpu.memory_space<vmem>>
    %dma_start3A_585 = tpu.memref_squeeze %dma_start3A_584 : memref<1x8x2048xf32, #tpu.memory_space<vmem>> -> memref<8x2048xf32, #tpu.memory_space<vmem>>
    tpu.enqueue_dma source(%dma_start3A_585 : memref<8x2048xf32, #tpu.memory_space<vmem>>) target(%dma_start3A_581 : memref<8x2048xf32, #tpu.memory_space<hbm>>) target_semaphore(%arg16 : memref<!tpu.dma_semaphore, #tpu.memory_space<semaphore_mem>>)
    %dma_wait3A_586 = arith.constant 4 : i32
    %dma_wait3A_587 = arith.constant 0 : i32
    %dma_wait3A_588 = arith.constant 0 : i32
    %dma_wait3A_589 = tpu.memref_slice %arg6[%dma_wait3A_586, %dma_wait3A_587, %dma_wait3A_588] : memref<6x8x2048xf32, #tpu.memory_space<vmem>> -> memref<1x8x2048xf32, #tpu.memory_space<vmem>>
    %dma_wait3A_590 = tpu.memref_squeeze %dma_wait3A_589 : memref<1x8x2048xf32, #tpu.memory_space<vmem>> -> memref<8x2048xf32, #tpu.memory_space<vmem>>
    %dma_wait3A_591 = arith.constant 80 : i32
    %dma_wait3A_592 = tpu.memref_slice %arg5[%dma_wait3A_591] : memref<256xi32, #tpu.memory_space<vmem>> -> memref<8xi32, #tpu.memory_space<vmem>>
    %dma_wait3A_593 = arith.constant 0 : i32
    %dma_wait3A_594 = arith.constant 0 : i32
    %dma_wait3A_595 = tpu.memref_slice %arg3[%dma_wait3A_593, %dma_wait3A_594] : memref<100000x2048xf32, #tpu.memory_space<hbm>> -> memref<100000x2048xf32, #tpu.memory_space<hbm>>
    tpu.wait_indirect_dma semaphore(%arg11 : memref<!tpu.dma_semaphore, #tpu.memory_space<semaphore_mem>>) src(%dma_wait3A_595 : memref<100000x2048xf32, #tpu.memory_space<hbm>>) dst(%dma_wait3A_590 : memref<8x2048xf32, #tpu.memory_space<vmem>>)
    %dma_wait3A_596 = arith.constant 3 : i32
    %dma_wait3A_597 = arith.constant 0 : i32
    %dma_wait3A_598 = arith.constant 0 : i32
    %dma_wait3A_599 = tpu.memref_slice %arg6[%dma_wait3A_596, %dma_wait3A_597, %dma_wait3A_598] : memref<6x8x2048xf32, #tpu.memory_space<vmem>> -> memref<1x8x2048xf32, #tpu.memory_space<vmem>>
    %dma_wait3A_600 = tpu.memref_squeeze %dma_wait3A_599 : memref<1x8x2048xf32, #tpu.memory_space<vmem>> -> memref<8x2048xf32, #tpu.memory_space<vmem>>
    %dma_wait3A_601 = arith.constant 0 : i32
    %dma_wait3A_602 = tpu.memref_slice %arg4[%select_n3A, %add3A_570, %dma_wait3A_601] : memref<4x2048x2048xf32, #tpu.memory_space<hbm>> -> memref<1x8x2048xf32, #tpu.memory_space<hbm>>
    %dma_wait3A_603 = tpu.memref_squeeze %dma_wait3A_602 : memref<1x8x2048xf32, #tpu.memory_space<hbm>> -> memref<8x2048xf32, #tpu.memory_space<hbm>>
    %dma_wait3A_604 = arith.constant 0 : i32
    %dma_wait3A_605 = tpu.memref_slice %arg4[%select_n3A, %add3A_570, %dma_wait3A_604] : memref<4x2048x2048xf32, #tpu.memory_space<hbm>> -> memref<1x8x2048xf32, #tpu.memory_space<hbm>>
    %dma_wait3A_606 = tpu.memref_squeeze %dma_wait3A_605 : memref<1x8x2048xf32, #tpu.memory_space<hbm>> -> memref<8x2048xf32, #tpu.memory_space<hbm>>
    %dma_wait3A_607 = arith.constant 0 : i32
    %dma_wait3A_608 = arith.constant 0 : i32
    %dma_wait3A_609 = tpu.memref_slice %arg6[%dma_wait3A_596, %dma_wait3A_607, %dma_wait3A_608] : memref<6x8x2048xf32, #tpu.memory_space<vmem>> -> memref<1x8x2048xf32, #tpu.memory_space<vmem>>
    %dma_wait3A_610 = tpu.memref_squeeze %dma_wait3A_609 : memref<1x8x2048xf32, #tpu.memory_space<vmem>> -> memref<8x2048xf32, #tpu.memory_space<vmem>>
    tpu.wait_dma2 semaphore(%arg16 : memref<!tpu.dma_semaphore, #tpu.memory_space<semaphore_mem>>) src(%dma_wait3A_610 : memref<8x2048xf32, #tpu.memory_space<vmem>>) dst(%dma_wait3A_606 : memref<8x2048xf32, #tpu.memory_space<hbm>>)
    %dma_start3A_611 = arith.constant 3 : i32
    %dma_start3A_612 = arith.constant 0 : i32
    %dma_start3A_613 = arith.constant 0 : i32
    %dma_start3A_614 = tpu.memref_slice %arg6[%dma_start3A_611, %dma_start3A_612, %dma_start3A_613] : memref<6x8x2048xf32, #tpu.memory_space<vmem>> -> memref<1x8x2048xf32, #tpu.memory_space<vmem>>
    %dma_start3A_615 = tpu.memref_squeeze %dma_start3A_614 : memref<1x8x2048xf32, #tpu.memory_space<vmem>> -> memref<8x2048xf32, #tpu.memory_space<vmem>>
    %dma_start3A_616 = arith.constant 120 : i32
    %dma_start3A_617 = tpu.memref_slice %arg5[%dma_start3A_616] : memref<256xi32, #tpu.memory_space<vmem>> -> memref<8xi32, #tpu.memory_space<vmem>>
    %dma_start3A_618 = arith.constant 0 : i32
    %dma_start3A_619 = arith.constant 0 : i32
    %dma_start3A_620 = tpu.memref_slice %arg3[%dma_start3A_618, %dma_start3A_619] : memref<100000x2048xf32, #tpu.memory_space<hbm>> -> memref<100000x2048xf32, #tpu.memory_space<hbm>>
    tpu.enqueue_indirect_dma source(%dma_start3A_620 : memref<100000x2048xf32, #tpu.memory_space<hbm>>) target(%dma_start3A_615 : memref<8x2048xf32, #tpu.memory_space<vmem>>) offsets(%dma_start3A_617 : memref<8xi32, #tpu.memory_space<vmem>>) semaphore(%arg10 : memref<!tpu.dma_semaphore, #tpu.memory_space<semaphore_mem>>)
    %add3A_621 = arith.constant 80 : i32
    %add3A_622 = arith.addi %mul3A_32, %add3A_621 : i32
    %dma_start3A_623 = arith.constant 4 : i32
    %dma_start3A_624 = arith.constant 0 : i32
    %dma_start3A_625 = arith.constant 0 : i32
    %dma_start3A_626 = tpu.memref_slice %arg6[%dma_start3A_623, %dma_start3A_624, %dma_start3A_625] : memref<6x8x2048xf32, #tpu.memory_space<vmem>> -> memref<1x8x2048xf32, #tpu.memory_space<vmem>>
    %dma_start3A_627 = tpu.memref_squeeze %dma_start3A_626 : memref<1x8x2048xf32, #tpu.memory_space<vmem>> -> memref<8x2048xf32, #tpu.memory_space<vmem>>
    %dma_start3A_628 = arith.constant 0 : i32
    %dma_start3A_629 = tpu.memref_slice %arg4[%select_n3A, %add3A_622, %dma_start3A_628] : memref<4x2048x2048xf32, #tpu.memory_space<hbm>> -> memref<1x8x2048xf32, #tpu.memory_space<hbm>>
    %dma_start3A_630 = tpu.memref_squeeze %dma_start3A_629 : memref<1x8x2048xf32, #tpu.memory_space<hbm>> -> memref<8x2048xf32, #tpu.memory_space<hbm>>
    %dma_start3A_631 = arith.constant 0 : i32
    %dma_start3A_632 = tpu.memref_slice %arg4[%select_n3A, %add3A_622, %dma_start3A_631] : memref<4x2048x2048xf32, #tpu.memory_space<hbm>> -> memref<1x8x2048xf32, #tpu.memory_space<hbm>>
    %dma_start3A_633 = tpu.memref_squeeze %dma_start3A_632 : memref<1x8x2048xf32, #tpu.memory_space<hbm>> -> memref<8x2048xf32, #tpu.memory_space<hbm>>
    %dma_start3A_634 = arith.constant 0 : i32
    %dma_start3A_635 = arith.constant 0 : i32
    %dma_start3A_636 = tpu.memref_slice %arg6[%dma_start3A_623, %dma_start3A_634, %dma_start3A_635] : memref<6x8x2048xf32, #tpu.memory_space<vmem>> -> memref<1x8x2048xf32, #tpu.memory_space<vmem>>
    %dma_start3A_637 = tpu.memref_squeeze %dma_start3A_636 : memref<1x8x2048xf32, #tpu.memory_space<vmem>> -> memref<8x2048xf32, #tpu.memory_space<vmem>>
    tpu.enqueue_dma source(%dma_start3A_637 : memref<8x2048xf32, #tpu.memory_space<vmem>>) target(%dma_start3A_633 : memref<8x2048xf32, #tpu.memory_space<hbm>>) target_semaphore(%arg17 : memref<!tpu.dma_semaphore, #tpu.memory_space<semaphore_mem>>)
    %dma_wait3A_638 = arith.constant 5 : i32
    %dma_wait3A_639 = arith.constant 0 : i32
    %dma_wait3A_640 = arith.constant 0 : i32
    %dma_wait3A_641 = tpu.memref_slice %arg6[%dma_wait3A_638, %dma_wait3A_639, %dma_wait3A_640] : memref<6x8x2048xf32, #tpu.memory_space<vmem>> -> memref<1x8x2048xf32, #tpu.memory_space<vmem>>
    %dma_wait3A_642 = tpu.memref_squeeze %dma_wait3A_641 : memref<1x8x2048xf32, #tpu.memory_space<vmem>> -> memref<8x2048xf32, #tpu.memory_space<vmem>>
    %dma_wait3A_643 = arith.constant 88 : i32
    %dma_wait3A_644 = tpu.memref_slice %arg5[%dma_wait3A_643] : memref<256xi32, #tpu.memory_space<vmem>> -> memref<8xi32, #tpu.memory_space<vmem>>
    %dma_wait3A_645 = arith.constant 0 : i32
    %dma_wait3A_646 = arith.constant 0 : i32
    %dma_wait3A_647 = tpu.memref_slice %arg3[%dma_wait3A_645, %dma_wait3A_646] : memref<100000x2048xf32, #tpu.memory_space<hbm>> -> memref<100000x2048xf32, #tpu.memory_space<hbm>>
    tpu.wait_indirect_dma semaphore(%arg12 : memref<!tpu.dma_semaphore, #tpu.memory_space<semaphore_mem>>) src(%dma_wait3A_647 : memref<100000x2048xf32, #tpu.memory_space<hbm>>) dst(%dma_wait3A_642 : memref<8x2048xf32, #tpu.memory_space<vmem>>)
    %dma_wait3A_648 = arith.constant 4 : i32
    %dma_wait3A_649 = arith.constant 0 : i32
    %dma_wait3A_650 = arith.constant 0 : i32
    %dma_wait3A_651 = tpu.memref_slice %arg6[%dma_wait3A_648, %dma_wait3A_649, %dma_wait3A_650] : memref<6x8x2048xf32, #tpu.memory_space<vmem>> -> memref<1x8x2048xf32, #tpu.memory_space<vmem>>
    %dma_wait3A_652 = tpu.memref_squeeze %dma_wait3A_651 : memref<1x8x2048xf32, #tpu.memory_space<vmem>> -> memref<8x2048xf32, #tpu.memory_space<vmem>>
    %dma_wait3A_653 = arith.constant 0 : i32
    %dma_wait3A_654 = tpu.memref_slice %arg4[%select_n3A, %add3A_622, %dma_wait3A_653] : memref<4x2048x2048xf32, #tpu.memory_space<hbm>> -> memref<1x8x2048xf32, #tpu.memory_space<hbm>>
    %dma_wait3A_655 = tpu.memref_squeeze %dma_wait3A_654 : memref<1x8x2048xf32, #tpu.memory_space<hbm>> -> memref<8x2048xf32, #tpu.memory_space<hbm>>
    %dma_wait3A_656 = arith.constant 0 : i32
    %dma_wait3A_657 = tpu.memref_slice %arg4[%select_n3A, %add3A_622, %dma_wait3A_656] : memref<4x2048x2048xf32, #tpu.memory_space<hbm>> -> memref<1x8x2048xf32, #tpu.memory_space<hbm>>
    %dma_wait3A_658 = tpu.memref_squeeze %dma_wait3A_657 : memref<1x8x2048xf32, #tpu.memory_space<hbm>> -> memref<8x2048xf32, #tpu.memory_space<hbm>>
    %dma_wait3A_659 = arith.constant 0 : i32
    %dma_wait3A_660 = arith.constant 0 : i32
    %dma_wait3A_661 = tpu.memref_slice %arg6[%dma_wait3A_648, %dma_wait3A_659, %dma_wait3A_660] : memref<6x8x2048xf32, #tpu.memory_space<vmem>> -> memref<1x8x2048xf32, #tpu.memory_space<vmem>>
    %dma_wait3A_662 = tpu.memref_squeeze %dma_wait3A_661 : memref<1x8x2048xf32, #tpu.memory_space<vmem>> -> memref<8x2048xf32, #tpu.memory_space<vmem>>
    tpu.wait_dma2 semaphore(%arg17 : memref<!tpu.dma_semaphore, #tpu.memory_space<semaphore_mem>>) src(%dma_wait3A_662 : memref<8x2048xf32, #tpu.memory_space<vmem>>) dst(%dma_wait3A_658 : memref<8x2048xf32, #tpu.memory_space<hbm>>)
    %dma_start3A_663 = arith.constant 4 : i32
    %dma_start3A_664 = arith.constant 0 : i32
    %dma_start3A_665 = arith.constant 0 : i32
    %dma_start3A_666 = tpu.memref_slice %arg6[%dma_start3A_663, %dma_start3A_664, %dma_start3A_665] : memref<6x8x2048xf32, #tpu.memory_space<vmem>> -> memref<1x8x2048xf32, #tpu.memory_space<vmem>>
    %dma_start3A_667 = tpu.memref_squeeze %dma_start3A_666 : memref<1x8x2048xf32, #tpu.memory_space<vmem>> -> memref<8x2048xf32, #tpu.memory_space<vmem>>
    %dma_start3A_668 = arith.constant 128 : i32
    %dma_start3A_669 = tpu.memref_slice %arg5[%dma_start3A_668] : memref<256xi32, #tpu.memory_space<vmem>> -> memref<8xi32, #tpu.memory_space<vmem>>
    %dma_start3A_670 = arith.constant 0 : i32
    %dma_start3A_671 = arith.constant 0 : i32
    %dma_start3A_672 = tpu.memref_slice %arg3[%dma_start3A_670, %dma_start3A_671] : memref<100000x2048xf32, #tpu.memory_space<hbm>> -> memref<100000x2048xf32, #tpu.memory_space<hbm>>
    tpu.enqueue_indirect_dma source(%dma_start3A_672 : memref<100000x2048xf32, #tpu.memory_space<hbm>>) target(%dma_start3A_667 : memref<8x2048xf32, #tpu.memory_space<vmem>>) offsets(%dma_start3A_669 : memref<8xi32, #tpu.memory_space<vmem>>) semaphore(%arg11 : memref<!tpu.dma_semaphore, #tpu.memory_space<semaphore_mem>>)
    %add3A_673 = arith.constant 88 : i32
    %add3A_674 = arith.addi %mul3A_32, %add3A_673 : i32
    %dma_start3A_675 = arith.constant 5 : i32
    %dma_start3A_676 = arith.constant 0 : i32
    %dma_start3A_677 = arith.constant 0 : i32
    %dma_start3A_678 = tpu.memref_slice %arg6[%dma_start3A_675, %dma_start3A_676, %dma_start3A_677] : memref<6x8x2048xf32, #tpu.memory_space<vmem>> -> memref<1x8x2048xf32, #tpu.memory_space<vmem>>
    %dma_start3A_679 = tpu.memref_squeeze %dma_start3A_678 : memref<1x8x2048xf32, #tpu.memory_space<vmem>> -> memref<8x2048xf32, #tpu.memory_space<vmem>>
    %dma_start3A_680 = arith.constant 0 : i32
    %dma_start3A_681 = tpu.memref_slice %arg4[%select_n3A, %add3A_674, %dma_start3A_680] : memref<4x2048x2048xf32, #tpu.memory_space<hbm>> -> memref<1x8x2048xf32, #tpu.memory_space<hbm>>
    %dma_start3A_682 = tpu.memref_squeeze %dma_start3A_681 : memref<1x8x2048xf32, #tpu.memory_space<hbm>> -> memref<8x2048xf32, #tpu.memory_space<hbm>>
    %dma_start3A_683 = arith.constant 0 : i32
    %dma_start3A_684 = tpu.memref_slice %arg4[%select_n3A, %add3A_674, %dma_start3A_683] : memref<4x2048x2048xf32, #tpu.memory_space<hbm>> -> memref<1x8x2048xf32, #tpu.memory_space<hbm>>
    %dma_start3A_685 = tpu.memref_squeeze %dma_start3A_684 : memref<1x8x2048xf32, #tpu.memory_space<hbm>> -> memref<8x2048xf32, #tpu.memory_space<hbm>>
    %dma_start3A_686 = arith.constant 0 : i32
    %dma_start3A_687 = arith.constant 0 : i32
    %dma_start3A_688 = tpu.memref_slice %arg6[%dma_start3A_675, %dma_start3A_686, %dma_start3A_687] : memref<6x8x2048xf32, #tpu.memory_space<vmem>> -> memref<1x8x2048xf32, #tpu.memory_space<vmem>>
    %dma_start3A_689 = tpu.memref_squeeze %dma_start3A_688 : memref<1x8x2048xf32, #tpu.memory_space<vmem>> -> memref<8x2048xf32, #tpu.memory_space<vmem>>
    tpu.enqueue_dma source(%dma_start3A_689 : memref<8x2048xf32, #tpu.memory_space<vmem>>) target(%dma_start3A_685 : memref<8x2048xf32, #tpu.memory_space<hbm>>) target_semaphore(%arg18 : memref<!tpu.dma_semaphore, #tpu.memory_space<semaphore_mem>>)
    %dma_wait3A_690 = arith.constant 0 : i32
    %dma_wait3A_691 = arith.constant 0 : i32
    %dma_wait3A_692 = arith.constant 0 : i32
    %dma_wait3A_693 = tpu.memref_slice %arg6[%dma_wait3A_690, %dma_wait3A_691, %dma_wait3A_692] : memref<6x8x2048xf32, #tpu.memory_space<vmem>> -> memref<1x8x2048xf32, #tpu.memory_space<vmem>>
    %dma_wait3A_694 = tpu.memref_squeeze %dma_wait3A_693 : memref<1x8x2048xf32, #tpu.memory_space<vmem>> -> memref<8x2048xf32, #tpu.memory_space<vmem>>
    %dma_wait3A_695 = arith.constant 96 : i32
    %dma_wait3A_696 = tpu.memref_slice %arg5[%dma_wait3A_695] : memref<256xi32, #tpu.memory_space<vmem>> -> memref<8xi32, #tpu.memory_space<vmem>>
    %dma_wait3A_697 = arith.constant 0 : i32
    %dma_wait3A_698 = arith.constant 0 : i32
    %dma_wait3A_699 = tpu.memref_slice %arg3[%dma_wait3A_697, %dma_wait3A_698] : memref<100000x2048xf32, #tpu.memory_space<hbm>> -> memref<100000x2048xf32, #tpu.memory_space<hbm>>
    tpu.wait_indirect_dma semaphore(%arg7 : memref<!tpu.dma_semaphore, #tpu.memory_space<semaphore_mem>>) src(%dma_wait3A_699 : memref<100000x2048xf32, #tpu.memory_space<hbm>>) dst(%dma_wait3A_694 : memref<8x2048xf32, #tpu.memory_space<vmem>>)
    %dma_wait3A_700 = arith.constant 5 : i32
    %dma_wait3A_701 = arith.constant 0 : i32
    %dma_wait3A_702 = arith.constant 0 : i32
    %dma_wait3A_703 = tpu.memref_slice %arg6[%dma_wait3A_700, %dma_wait3A_701, %dma_wait3A_702] : memref<6x8x2048xf32, #tpu.memory_space<vmem>> -> memref<1x8x2048xf32, #tpu.memory_space<vmem>>
    %dma_wait3A_704 = tpu.memref_squeeze %dma_wait3A_703 : memref<1x8x2048xf32, #tpu.memory_space<vmem>> -> memref<8x2048xf32, #tpu.memory_space<vmem>>
    %dma_wait3A_705 = arith.constant 0 : i32
    %dma_wait3A_706 = tpu.memref_slice %arg4[%select_n3A, %add3A_674, %dma_wait3A_705] : memref<4x2048x2048xf32, #tpu.memory_space<hbm>> -> memref<1x8x2048xf32, #tpu.memory_space<hbm>>
    %dma_wait3A_707 = tpu.memref_squeeze %dma_wait3A_706 : memref<1x8x2048xf32, #tpu.memory_space<hbm>> -> memref<8x2048xf32, #tpu.memory_space<hbm>>
    %dma_wait3A_708 = arith.constant 0 : i32
    %dma_wait3A_709 = tpu.memref_slice %arg4[%select_n3A, %add3A_674, %dma_wait3A_708] : memref<4x2048x2048xf32, #tpu.memory_space<hbm>> -> memref<1x8x2048xf32, #tpu.memory_space<hbm>>
    %dma_wait3A_710 = tpu.memref_squeeze %dma_wait3A_709 : memref<1x8x2048xf32, #tpu.memory_space<hbm>> -> memref<8x2048xf32, #tpu.memory_space<hbm>>
    %dma_wait3A_711 = arith.constant 0 : i32
    %dma_wait3A_712 = arith.constant 0 : i32
    %dma_wait3A_713 = tpu.memref_slice %arg6[%dma_wait3A_700, %dma_wait3A_711, %dma_wait3A_712] : memref<6x8x2048xf32, #tpu.memory_space<vmem>> -> memref<1x8x2048xf32, #tpu.memory_space<vmem>>
    %dma_wait3A_714 = tpu.memref_squeeze %dma_wait3A_713 : memref<1x8x2048xf32, #tpu.memory_space<vmem>> -> memref<8x2048xf32, #tpu.memory_space<vmem>>
    tpu.wait_dma2 semaphore(%arg18 : memref<!tpu.dma_semaphore, #tpu.memory_space<semaphore_mem>>) src(%dma_wait3A_714 : memref<8x2048xf32, #tpu.memory_space<vmem>>) dst(%dma_wait3A_710 : memref<8x2048xf32, #tpu.memory_space<hbm>>)
    %dma_start3A_715 = arith.constant 5 : i32
    %dma_start3A_716 = arith.constant 0 : i32
    %dma_start3A_717 = arith.constant 0 : i32
    %dma_start3A_718 = tpu.memref_slice %arg6[%dma_start3A_715, %dma_start3A_716, %dma_start3A_717] : memref<6x8x2048xf32, #tpu.memory_space<vmem>> -> memref<1x8x2048xf32, #tpu.memory_space<vmem>>
    %dma_start3A_719 = tpu.memref_squeeze %dma_start3A_718 : memref<1x8x2048xf32, #tpu.memory_space<vmem>> -> memref<8x2048xf32, #tpu.memory_space<vmem>>
    %dma_start3A_720 = arith.constant 136 : i32
    %dma_start3A_721 = tpu.memref_slice %arg5[%dma_start3A_720] : memref<256xi32, #tpu.memory_space<vmem>> -> memref<8xi32, #tpu.memory_space<vmem>>
    %dma_start3A_722 = arith.constant 0 : i32
    %dma_start3A_723 = arith.constant 0 : i32
    %dma_start3A_724 = tpu.memref_slice %arg3[%dma_start3A_722, %dma_start3A_723] : memref<100000x2048xf32, #tpu.memory_space<hbm>> -> memref<100000x2048xf32, #tpu.memory_space<hbm>>
    tpu.enqueue_indirect_dma source(%dma_start3A_724 : memref<100000x2048xf32, #tpu.memory_space<hbm>>) target(%dma_start3A_719 : memref<8x2048xf32, #tpu.memory_space<vmem>>) offsets(%dma_start3A_721 : memref<8xi32, #tpu.memory_space<vmem>>) semaphore(%arg12 : memref<!tpu.dma_semaphore, #tpu.memory_space<semaphore_mem>>)
    %add3A_725 = arith.constant 96 : i32
    %add3A_726 = arith.addi %mul3A_32, %add3A_725 : i32
    %dma_start3A_727 = arith.constant 0 : i32
    %dma_start3A_728 = arith.constant 0 : i32
    %dma_start3A_729 = arith.constant 0 : i32
    %dma_start3A_730 = tpu.memref_slice %arg6[%dma_start3A_727, %dma_start3A_728, %dma_start3A_729] : memref<6x8x2048xf32, #tpu.memory_space<vmem>> -> memref<1x8x2048xf32, #tpu.memory_space<vmem>>
    %dma_start3A_731 = tpu.memref_squeeze %dma_start3A_730 : memref<1x8x2048xf32, #tpu.memory_space<vmem>> -> memref<8x2048xf32, #tpu.memory_space<vmem>>
    %dma_start3A_732 = arith.constant 0 : i32
    %dma_start3A_733 = tpu.memref_slice %arg4[%select_n3A, %add3A_726, %dma_start3A_732] : memref<4x2048x2048xf32, #tpu.memory_space<hbm>> -> memref<1x8x2048xf32, #tpu.memory_space<hbm>>
    %dma_start3A_734 = tpu.memref_squeeze %dma_start3A_733 : memref<1x8x2048xf32, #tpu.memory_space<hbm>> -> memref<8x2048xf32, #tpu.memory_space<hbm>>
    %dma_start3A_735 = arith.constant 0 : i32
    %dma_start3A_736 = tpu.memref_slice %arg4[%select_n3A, %add3A_726, %dma_start3A_735] : memref<4x2048x2048xf32, #tpu.memory_space<hbm>> -> memref<1x8x2048xf32, #tpu.memory_space<hbm>>
    %dma_start3A_737 = tpu.memref_squeeze %dma_start3A_736 : memref<1x8x2048xf32, #tpu.memory_space<hbm>> -> memref<8x2048xf32, #tpu.memory_space<hbm>>
    %dma_start3A_738 = arith.constant 0 : i32
    %dma_start3A_739 = arith.constant 0 : i32
    %dma_start3A_740 = tpu.memref_slice %arg6[%dma_start3A_727, %dma_start3A_738, %dma_start3A_739] : memref<6x8x2048xf32, #tpu.memory_space<vmem>> -> memref<1x8x2048xf32, #tpu.memory_space<vmem>>
    %dma_start3A_741 = tpu.memref_squeeze %dma_start3A_740 : memref<1x8x2048xf32, #tpu.memory_space<vmem>> -> memref<8x2048xf32, #tpu.memory_space<vmem>>
    tpu.enqueue_dma source(%dma_start3A_741 : memref<8x2048xf32, #tpu.memory_space<vmem>>) target(%dma_start3A_737 : memref<8x2048xf32, #tpu.memory_space<hbm>>) target_semaphore(%arg13 : memref<!tpu.dma_semaphore, #tpu.memory_space<semaphore_mem>>)
    %dma_wait3A_742 = arith.constant 1 : i32
    %dma_wait3A_743 = arith.constant 0 : i32
    %dma_wait3A_744 = arith.constant 0 : i32
    %dma_wait3A_745 = tpu.memref_slice %arg6[%dma_wait3A_742, %dma_wait3A_743, %dma_wait3A_744] : memref<6x8x2048xf32, #tpu.memory_space<vmem>> -> memref<1x8x2048xf32, #tpu.memory_space<vmem>>
    %dma_wait3A_746 = tpu.memref_squeeze %dma_wait3A_745 : memref<1x8x2048xf32, #tpu.memory_space<vmem>> -> memref<8x2048xf32, #tpu.memory_space<vmem>>
    %dma_wait3A_747 = arith.constant 104 : i32
    %dma_wait3A_748 = tpu.memref_slice %arg5[%dma_wait3A_747] : memref<256xi32, #tpu.memory_space<vmem>> -> memref<8xi32, #tpu.memory_space<vmem>>
    %dma_wait3A_749 = arith.constant 0 : i32
    %dma_wait3A_750 = arith.constant 0 : i32
    %dma_wait3A_751 = tpu.memref_slice %arg3[%dma_wait3A_749, %dma_wait3A_750] : memref<100000x2048xf32, #tpu.memory_space<hbm>> -> memref<100000x2048xf32, #tpu.memory_space<hbm>>
    tpu.wait_indirect_dma semaphore(%arg8 : memref<!tpu.dma_semaphore, #tpu.memory_space<semaphore_mem>>) src(%dma_wait3A_751 : memref<100000x2048xf32, #tpu.memory_space<hbm>>) dst(%dma_wait3A_746 : memref<8x2048xf32, #tpu.memory_space<vmem>>)
    %dma_wait3A_752 = arith.constant 0 : i32
    %dma_wait3A_753 = arith.constant 0 : i32
    %dma_wait3A_754 = arith.constant 0 : i32
    %dma_wait3A_755 = tpu.memref_slice %arg6[%dma_wait3A_752, %dma_wait3A_753, %dma_wait3A_754] : memref<6x8x2048xf32, #tpu.memory_space<vmem>> -> memref<1x8x2048xf32, #tpu.memory_space<vmem>>
    %dma_wait3A_756 = tpu.memref_squeeze %dma_wait3A_755 : memref<1x8x2048xf32, #tpu.memory_space<vmem>> -> memref<8x2048xf32, #tpu.memory_space<vmem>>
    %dma_wait3A_757 = arith.constant 0 : i32
    %dma_wait3A_758 = tpu.memref_slice %arg4[%select_n3A, %add3A_726, %dma_wait3A_757] : memref<4x2048x2048xf32, #tpu.memory_space<hbm>> -> memref<1x8x2048xf32, #tpu.memory_space<hbm>>
    %dma_wait3A_759 = tpu.memref_squeeze %dma_wait3A_758 : memref<1x8x2048xf32, #tpu.memory_space<hbm>> -> memref<8x2048xf32, #tpu.memory_space<hbm>>
    %dma_wait3A_760 = arith.constant 0 : i32
    %dma_wait3A_761 = tpu.memref_slice %arg4[%select_n3A, %add3A_726, %dma_wait3A_760] : memref<4x2048x2048xf32, #tpu.memory_space<hbm>> -> memref<1x8x2048xf32, #tpu.memory_space<hbm>>
    %dma_wait3A_762 = tpu.memref_squeeze %dma_wait3A_761 : memref<1x8x2048xf32, #tpu.memory_space<hbm>> -> memref<8x2048xf32, #tpu.memory_space<hbm>>
    %dma_wait3A_763 = arith.constant 0 : i32
    %dma_wait3A_764 = arith.constant 0 : i32
    %dma_wait3A_765 = tpu.memref_slice %arg6[%dma_wait3A_752, %dma_wait3A_763, %dma_wait3A_764] : memref<6x8x2048xf32, #tpu.memory_space<vmem>> -> memref<1x8x2048xf32, #tpu.memory_space<vmem>>
    %dma_wait3A_766 = tpu.memref_squeeze %dma_wait3A_765 : memref<1x8x2048xf32, #tpu.memory_space<vmem>> -> memref<8x2048xf32, #tpu.memory_space<vmem>>
    tpu.wait_dma2 semaphore(%arg13 : memref<!tpu.dma_semaphore, #tpu.memory_space<semaphore_mem>>) src(%dma_wait3A_766 : memref<8x2048xf32, #tpu.memory_space<vmem>>) dst(%dma_wait3A_762 : memref<8x2048xf32, #tpu.memory_space<hbm>>)
    %dma_start3A_767 = arith.constant 0 : i32
    %dma_start3A_768 = arith.constant 0 : i32
    %dma_start3A_769 = arith.constant 0 : i32
    %dma_start3A_770 = tpu.memref_slice %arg6[%dma_start3A_767, %dma_start3A_768, %dma_start3A_769] : memref<6x8x2048xf32, #tpu.memory_space<vmem>> -> memref<1x8x2048xf32, #tpu.memory_space<vmem>>
    %dma_start3A_771 = tpu.memref_squeeze %dma_start3A_770 : memref<1x8x2048xf32, #tpu.memory_space<vmem>> -> memref<8x2048xf32, #tpu.memory_space<vmem>>
    %dma_start3A_772 = arith.constant 144 : i32
    %dma_start3A_773 = tpu.memref_slice %arg5[%dma_start3A_772] : memref<256xi32, #tpu.memory_space<vmem>> -> memref<8xi32, #tpu.memory_space<vmem>>
    %dma_start3A_774 = arith.constant 0 : i32
    %dma_start3A_775 = arith.constant 0 : i32
    %dma_start3A_776 = tpu.memref_slice %arg3[%dma_start3A_774, %dma_start3A_775] : memref<100000x2048xf32, #tpu.memory_space<hbm>> -> memref<100000x2048xf32, #tpu.memory_space<hbm>>
    tpu.enqueue_indirect_dma source(%dma_start3A_776 : memref<100000x2048xf32, #tpu.memory_space<hbm>>) target(%dma_start3A_771 : memref<8x2048xf32, #tpu.memory_space<vmem>>) offsets(%dma_start3A_773 : memref<8xi32, #tpu.memory_space<vmem>>) semaphore(%arg7 : memref<!tpu.dma_semaphore, #tpu.memory_space<semaphore_mem>>)
    %add3A_777 = arith.constant 104 : i32
    %add3A_778 = arith.addi %mul3A_32, %add3A_777 : i32
    %dma_start3A_779 = arith.constant 1 : i32
    %dma_start3A_780 = arith.constant 0 : i32
    %dma_start3A_781 = arith.constant 0 : i32
    %dma_start3A_782 = tpu.memref_slice %arg6[%dma_start3A_779, %dma_start3A_780, %dma_start3A_781] : memref<6x8x2048xf32, #tpu.memory_space<vmem>> -> memref<1x8x2048xf32, #tpu.memory_space<vmem>>
    %dma_start3A_783 = tpu.memref_squeeze %dma_start3A_782 : memref<1x8x2048xf32, #tpu.memory_space<vmem>> -> memref<8x2048xf32, #tpu.memory_space<vmem>>
    %dma_start3A_784 = arith.constant 0 : i32
    %dma_start3A_785 = tpu.memref_slice %arg4[%select_n3A, %add3A_778, %dma_start3A_784] : memref<4x2048x2048xf32, #tpu.memory_space<hbm>> -> memref<1x8x2048xf32, #tpu.memory_space<hbm>>
    %dma_start3A_786 = tpu.memref_squeeze %dma_start3A_785 : memref<1x8x2048xf32, #tpu.memory_space<hbm>> -> memref<8x2048xf32, #tpu.memory_space<hbm>>
    %dma_start3A_787 = arith.constant 0 : i32
    %dma_start3A_788 = tpu.memref_slice %arg4[%select_n3A, %add3A_778, %dma_start3A_787] : memref<4x2048x2048xf32, #tpu.memory_space<hbm>> -> memref<1x8x2048xf32, #tpu.memory_space<hbm>>
    %dma_start3A_789 = tpu.memref_squeeze %dma_start3A_788 : memref<1x8x2048xf32, #tpu.memory_space<hbm>> -> memref<8x2048xf32, #tpu.memory_space<hbm>>
    %dma_start3A_790 = arith.constant 0 : i32
    %dma_start3A_791 = arith.constant 0 : i32
    %dma_start3A_792 = tpu.memref_slice %arg6[%dma_start3A_779, %dma_start3A_790, %dma_start3A_791] : memref<6x8x2048xf32, #tpu.memory_space<vmem>> -> memref<1x8x2048xf32, #tpu.memory_space<vmem>>
    %dma_start3A_793 = tpu.memref_squeeze %dma_start3A_792 : memref<1x8x2048xf32, #tpu.memory_space<vmem>> -> memref<8x2048xf32, #tpu.memory_space<vmem>>
    tpu.enqueue_dma source(%dma_start3A_793 : memref<8x2048xf32, #tpu.memory_space<vmem>>) target(%dma_start3A_789 : memref<8x2048xf32, #tpu.memory_space<hbm>>) target_semaphore(%arg14 : memref<!tpu.dma_semaphore, #tpu.memory_space<semaphore_mem>>)
    %dma_wait3A_794 = arith.constant 2 : i32
    %dma_wait3A_795 = arith.constant 0 : i32
    %dma_wait3A_796 = arith.constant 0 : i32
    %dma_wait3A_797 = tpu.memref_slice %arg6[%dma_wait3A_794, %dma_wait3A_795, %dma_wait3A_796] : memref<6x8x2048xf32, #tpu.memory_space<vmem>> -> memref<1x8x2048xf32, #tpu.memory_space<vmem>>
    %dma_wait3A_798 = tpu.memref_squeeze %dma_wait3A_797 : memref<1x8x2048xf32, #tpu.memory_space<vmem>> -> memref<8x2048xf32, #tpu.memory_space<vmem>>
    %dma_wait3A_799 = arith.constant 112 : i32
    %dma_wait3A_800 = tpu.memref_slice %arg5[%dma_wait3A_799] : memref<256xi32, #tpu.memory_space<vmem>> -> memref<8xi32, #tpu.memory_space<vmem>>
    %dma_wait3A_801 = arith.constant 0 : i32
    %dma_wait3A_802 = arith.constant 0 : i32
    %dma_wait3A_803 = tpu.memref_slice %arg3[%dma_wait3A_801, %dma_wait3A_802] : memref<100000x2048xf32, #tpu.memory_space<hbm>> -> memref<100000x2048xf32, #tpu.memory_space<hbm>>
    tpu.wait_indirect_dma semaphore(%arg9 : memref<!tpu.dma_semaphore, #tpu.memory_space<semaphore_mem>>) src(%dma_wait3A_803 : memref<100000x2048xf32, #tpu.memory_space<hbm>>) dst(%dma_wait3A_798 : memref<8x2048xf32, #tpu.memory_space<vmem>>)
    %dma_wait3A_804 = arith.constant 1 : i32
    %dma_wait3A_805 = arith.constant 0 : i32
    %dma_wait3A_806 = arith.constant 0 : i32
    %dma_wait3A_807 = tpu.memref_slice %arg6[%dma_wait3A_804, %dma_wait3A_805, %dma_wait3A_806] : memref<6x8x2048xf32, #tpu.memory_space<vmem>> -> memref<1x8x2048xf32, #tpu.memory_space<vmem>>
    %dma_wait3A_808 = tpu.memref_squeeze %dma_wait3A_807 : memref<1x8x2048xf32, #tpu.memory_space<vmem>> -> memref<8x2048xf32, #tpu.memory_space<vmem>>
    %dma_wait3A_809 = arith.constant 0 : i32
    %dma_wait3A_810 = tpu.memref_slice %arg4[%select_n3A, %add3A_778, %dma_wait3A_809] : memref<4x2048x2048xf32, #tpu.memory_space<hbm>> -> memref<1x8x2048xf32, #tpu.memory_space<hbm>>
    %dma_wait3A_811 = tpu.memref_squeeze %dma_wait3A_810 : memref<1x8x2048xf32, #tpu.memory_space<hbm>> -> memref<8x2048xf32, #tpu.memory_space<hbm>>
    %dma_wait3A_812 = arith.constant 0 : i32
    %dma_wait3A_813 = tpu.memref_slice %arg4[%select_n3A, %add3A_778, %dma_wait3A_812] : memref<4x2048x2048xf32, #tpu.memory_space<hbm>> -> memref<1x8x2048xf32, #tpu.memory_space<hbm>>
    %dma_wait3A_814 = tpu.memref_squeeze %dma_wait3A_813 : memref<1x8x2048xf32, #tpu.memory_space<hbm>> -> memref<8x2048xf32, #tpu.memory_space<hbm>>
    %dma_wait3A_815 = arith.constant 0 : i32
    %dma_wait3A_816 = arith.constant 0 : i32
    %dma_wait3A_817 = tpu.memref_slice %arg6[%dma_wait3A_804, %dma_wait3A_815, %dma_wait3A_816] : memref<6x8x2048xf32, #tpu.memory_space<vmem>> -> memref<1x8x2048xf32, #tpu.memory_space<vmem>>
    %dma_wait3A_818 = tpu.memref_squeeze %dma_wait3A_817 : memref<1x8x2048xf32, #tpu.memory_space<vmem>> -> memref<8x2048xf32, #tpu.memory_space<vmem>>
    tpu.wait_dma2 semaphore(%arg14 : memref<!tpu.dma_semaphore, #tpu.memory_space<semaphore_mem>>) src(%dma_wait3A_818 : memref<8x2048xf32, #tpu.memory_space<vmem>>) dst(%dma_wait3A_814 : memref<8x2048xf32, #tpu.memory_space<hbm>>)
    %dma_start3A_819 = arith.constant 1 : i32
    %dma_start3A_820 = arith.constant 0 : i32
    %dma_start3A_821 = arith.constant 0 : i32
    %dma_start3A_822 = tpu.memref_slice %arg6[%dma_start3A_819, %dma_start3A_820, %dma_start3A_821] : memref<6x8x2048xf32, #tpu.memory_space<vmem>> -> memref<1x8x2048xf32, #tpu.memory_space<vmem>>
    %dma_start3A_823 = tpu.memref_squeeze %dma_start3A_822 : memref<1x8x2048xf32, #tpu.memory_space<vmem>> -> memref<8x2048xf32, #tpu.memory_space<vmem>>
    %dma_start3A_824 = arith.constant 152 : i32
    %dma_start3A_825 = tpu.memref_slice %arg5[%dma_start3A_824] : memref<256xi32, #tpu.memory_space<vmem>> -> memref<8xi32, #tpu.memory_space<vmem>>
    %dma_start3A_826 = arith.constant 0 : i32
    %dma_start3A_827 = arith.constant 0 : i32
    %dma_start3A_828 = tpu.memref_slice %arg3[%dma_start3A_826, %dma_start3A_827] : memref<100000x2048xf32, #tpu.memory_space<hbm>> -> memref<100000x2048xf32, #tpu.memory_space<hbm>>
    tpu.enqueue_indirect_dma source(%dma_start3A_828 : memref<100000x2048xf32, #tpu.memory_space<hbm>>) target(%dma_start3A_823 : memref<8x2048xf32, #tpu.memory_space<vmem>>) offsets(%dma_start3A_825 : memref<8xi32, #tpu.memory_space<vmem>>) semaphore(%arg8 : memref<!tpu.dma_semaphore, #tpu.memory_space<semaphore_mem>>)
    %add3A_829 = arith.constant 112 : i32
    %add3A_830 = arith.addi %mul3A_32, %add3A_829 : i32
    %dma_start3A_831 = arith.constant 2 : i32
    %dma_start3A_832 = arith.constant 0 : i32
    %dma_start3A_833 = arith.constant 0 : i32
    %dma_start3A_834 = tpu.memref_slice %arg6[%dma_start3A_831, %dma_start3A_832, %dma_start3A_833] : memref<6x8x2048xf32, #tpu.memory_space<vmem>> -> memref<1x8x2048xf32, #tpu.memory_space<vmem>>
    %dma_start3A_835 = tpu.memref_squeeze %dma_start3A_834 : memref<1x8x2048xf32, #tpu.memory_space<vmem>> -> memref<8x2048xf32, #tpu.memory_space<vmem>>
    %dma_start3A_836 = arith.constant 0 : i32
    %dma_start3A_837 = tpu.memref_slice %arg4[%select_n3A, %add3A_830, %dma_start3A_836] : memref<4x2048x2048xf32, #tpu.memory_space<hbm>> -> memref<1x8x2048xf32, #tpu.memory_space<hbm>>
    %dma_start3A_838 = tpu.memref_squeeze %dma_start3A_837 : memref<1x8x2048xf32, #tpu.memory_space<hbm>> -> memref<8x2048xf32, #tpu.memory_space<hbm>>
    %dma_start3A_839 = arith.constant 0 : i32
    %dma_start3A_840 = tpu.memref_slice %arg4[%select_n3A, %add3A_830, %dma_start3A_839] : memref<4x2048x2048xf32, #tpu.memory_space<hbm>> -> memref<1x8x2048xf32, #tpu.memory_space<hbm>>
    %dma_start3A_841 = tpu.memref_squeeze %dma_start3A_840 : memref<1x8x2048xf32, #tpu.memory_space<hbm>> -> memref<8x2048xf32, #tpu.memory_space<hbm>>
    %dma_start3A_842 = arith.constant 0 : i32
    %dma_start3A_843 = arith.constant 0 : i32
    %dma_start3A_844 = tpu.memref_slice %arg6[%dma_start3A_831, %dma_start3A_842, %dma_start3A_843] : memref<6x8x2048xf32, #tpu.memory_space<vmem>> -> memref<1x8x2048xf32, #tpu.memory_space<vmem>>
    %dma_start3A_845 = tpu.memref_squeeze %dma_start3A_844 : memref<1x8x2048xf32, #tpu.memory_space<vmem>> -> memref<8x2048xf32, #tpu.memory_space<vmem>>
    tpu.enqueue_dma source(%dma_start3A_845 : memref<8x2048xf32, #tpu.memory_space<vmem>>) target(%dma_start3A_841 : memref<8x2048xf32, #tpu.memory_space<hbm>>) target_semaphore(%arg15 : memref<!tpu.dma_semaphore, #tpu.memory_space<semaphore_mem>>)
    %dma_wait3A_846 = arith.constant 3 : i32
    %dma_wait3A_847 = arith.constant 0 : i32
    %dma_wait3A_848 = arith.constant 0 : i32
    %dma_wait3A_849 = tpu.memref_slice %arg6[%dma_wait3A_846, %dma_wait3A_847, %dma_wait3A_848] : memref<6x8x2048xf32, #tpu.memory_space<vmem>> -> memref<1x8x2048xf32, #tpu.memory_space<vmem>>
    %dma_wait3A_850 = tpu.memref_squeeze %dma_wait3A_849 : memref<1x8x2048xf32, #tpu.memory_space<vmem>> -> memref<8x2048xf32, #tpu.memory_space<vmem>>
    %dma_wait3A_851 = arith.constant 120 : i32
    %dma_wait3A_852 = tpu.memref_slice %arg5[%dma_wait3A_851] : memref<256xi32, #tpu.memory_space<vmem>> -> memref<8xi32, #tpu.memory_space<vmem>>
    %dma_wait3A_853 = arith.constant 0 : i32
    %dma_wait3A_854 = arith.constant 0 : i32
    %dma_wait3A_855 = tpu.memref_slice %arg3[%dma_wait3A_853, %dma_wait3A_854] : memref<100000x2048xf32, #tpu.memory_space<hbm>> -> memref<100000x2048xf32, #tpu.memory_space<hbm>>
    tpu.wait_indirect_dma semaphore(%arg10 : memref<!tpu.dma_semaphore, #tpu.memory_space<semaphore_mem>>) src(%dma_wait3A_855 : memref<100000x2048xf32, #tpu.memory_space<hbm>>) dst(%dma_wait3A_850 : memref<8x2048xf32, #tpu.memory_space<vmem>>)
    %dma_wait3A_856 = arith.constant 2 : i32
    %dma_wait3A_857 = arith.constant 0 : i32
    %dma_wait3A_858 = arith.constant 0 : i32
    %dma_wait3A_859 = tpu.memref_slice %arg6[%dma_wait3A_856, %dma_wait3A_857, %dma_wait3A_858] : memref<6x8x2048xf32, #tpu.memory_space<vmem>> -> memref<1x8x2048xf32, #tpu.memory_space<vmem>>
    %dma_wait3A_860 = tpu.memref_squeeze %dma_wait3A_859 : memref<1x8x2048xf32, #tpu.memory_space<vmem>> -> memref<8x2048xf32, #tpu.memory_space<vmem>>
    %dma_wait3A_861 = arith.constant 0 : i32
    %dma_wait3A_862 = tpu.memref_slice %arg4[%select_n3A, %add3A_830, %dma_wait3A_861] : memref<4x2048x2048xf32, #tpu.memory_space<hbm>> -> memref<1x8x2048xf32, #tpu.memory_space<hbm>>
    %dma_wait3A_863 = tpu.memref_squeeze %dma_wait3A_862 : memref<1x8x2048xf32, #tpu.memory_space<hbm>> -> memref<8x2048xf32, #tpu.memory_space<hbm>>
    %dma_wait3A_864 = arith.constant 0 : i32
    %dma_wait3A_865 = tpu.memref_slice %arg4[%select_n3A, %add3A_830, %dma_wait3A_864] : memref<4x2048x2048xf32, #tpu.memory_space<hbm>> -> memref<1x8x2048xf32, #tpu.memory_space<hbm>>
    %dma_wait3A_866 = tpu.memref_squeeze %dma_wait3A_865 : memref<1x8x2048xf32, #tpu.memory_space<hbm>> -> memref<8x2048xf32, #tpu.memory_space<hbm>>
    %dma_wait3A_867 = arith.constant 0 : i32
    %dma_wait3A_868 = arith.constant 0 : i32
    %dma_wait3A_869 = tpu.memref_slice %arg6[%dma_wait3A_856, %dma_wait3A_867, %dma_wait3A_868] : memref<6x8x2048xf32, #tpu.memory_space<vmem>> -> memref<1x8x2048xf32, #tpu.memory_space<vmem>>
    %dma_wait3A_870 = tpu.memref_squeeze %dma_wait3A_869 : memref<1x8x2048xf32, #tpu.memory_space<vmem>> -> memref<8x2048xf32, #tpu.memory_space<vmem>>
    tpu.wait_dma2 semaphore(%arg15 : memref<!tpu.dma_semaphore, #tpu.memory_space<semaphore_mem>>) src(%dma_wait3A_870 : memref<8x2048xf32, #tpu.memory_space<vmem>>) dst(%dma_wait3A_866 : memref<8x2048xf32, #tpu.memory_space<hbm>>)
    %dma_start3A_871 = arith.constant 2 : i32
    %dma_start3A_872 = arith.constant 0 : i32
    %dma_start3A_873 = arith.constant 0 : i32
    %dma_start3A_874 = tpu.memref_slice %arg6[%dma_start3A_871, %dma_start3A_872, %dma_start3A_873] : memref<6x8x2048xf32, #tpu.memory_space<vmem>> -> memref<1x8x2048xf32, #tpu.memory_space<vmem>>
    %dma_start3A_875 = tpu.memref_squeeze %dma_start3A_874 : memref<1x8x2048xf32, #tpu.memory_space<vmem>> -> memref<8x2048xf32, #tpu.memory_space<vmem>>
    %dma_start3A_876 = arith.constant 160 : i32
    %dma_start3A_877 = tpu.memref_slice %arg5[%dma_start3A_876] : memref<256xi32, #tpu.memory_space<vmem>> -> memref<8xi32, #tpu.memory_space<vmem>>
    %dma_start3A_878 = arith.constant 0 : i32
    %dma_start3A_879 = arith.constant 0 : i32
    %dma_start3A_880 = tpu.memref_slice %arg3[%dma_start3A_878, %dma_start3A_879] : memref<100000x2048xf32, #tpu.memory_space<hbm>> -> memref<100000x2048xf32, #tpu.memory_space<hbm>>
    tpu.enqueue_indirect_dma source(%dma_start3A_880 : memref<100000x2048xf32, #tpu.memory_space<hbm>>) target(%dma_start3A_875 : memref<8x2048xf32, #tpu.memory_space<vmem>>) offsets(%dma_start3A_877 : memref<8xi32, #tpu.memory_space<vmem>>) semaphore(%arg9 : memref<!tpu.dma_semaphore, #tpu.memory_space<semaphore_mem>>)
    %add3A_881 = arith.constant 120 : i32
    %add3A_882 = arith.addi %mul3A_32, %add3A_881 : i32
    %dma_start3A_883 = arith.constant 3 : i32
    %dma_start3A_884 = arith.constant 0 : i32
    %dma_start3A_885 = arith.constant 0 : i32
    %dma_start3A_886 = tpu.memref_slice %arg6[%dma_start3A_883, %dma_start3A_884, %dma_start3A_885] : memref<6x8x2048xf32, #tpu.memory_space<vmem>> -> memref<1x8x2048xf32, #tpu.memory_space<vmem>>
    %dma_start3A_887 = tpu.memref_squeeze %dma_start3A_886 : memref<1x8x2048xf32, #tpu.memory_space<vmem>> -> memref<8x2048xf32, #tpu.memory_space<vmem>>
    %dma_start3A_888 = arith.constant 0 : i32
    %dma_start3A_889 = tpu.memref_slice %arg4[%select_n3A, %add3A_882, %dma_start3A_888] : memref<4x2048x2048xf32, #tpu.memory_space<hbm>> -> memref<1x8x2048xf32, #tpu.memory_space<hbm>>
    %dma_start3A_890 = tpu.memref_squeeze %dma_start3A_889 : memref<1x8x2048xf32, #tpu.memory_space<hbm>> -> memref<8x2048xf32, #tpu.memory_space<hbm>>
    %dma_start3A_891 = arith.constant 0 : i32
    %dma_start3A_892 = tpu.memref_slice %arg4[%select_n3A, %add3A_882, %dma_start3A_891] : memref<4x2048x2048xf32, #tpu.memory_space<hbm>> -> memref<1x8x2048xf32, #tpu.memory_space<hbm>>
    %dma_start3A_893 = tpu.memref_squeeze %dma_start3A_892 : memref<1x8x2048xf32, #tpu.memory_space<hbm>> -> memref<8x2048xf32, #tpu.memory_space<hbm>>
    %dma_start3A_894 = arith.constant 0 : i32
    %dma_start3A_895 = arith.constant 0 : i32
    %dma_start3A_896 = tpu.memref_slice %arg6[%dma_start3A_883, %dma_start3A_894, %dma_start3A_895] : memref<6x8x2048xf32, #tpu.memory_space<vmem>> -> memref<1x8x2048xf32, #tpu.memory_space<vmem>>
    %dma_start3A_897 = tpu.memref_squeeze %dma_start3A_896 : memref<1x8x2048xf32, #tpu.memory_space<vmem>> -> memref<8x2048xf32, #tpu.memory_space<vmem>>
    tpu.enqueue_dma source(%dma_start3A_897 : memref<8x2048xf32, #tpu.memory_space<vmem>>) target(%dma_start3A_893 : memref<8x2048xf32, #tpu.memory_space<hbm>>) target_semaphore(%arg16 : memref<!tpu.dma_semaphore, #tpu.memory_space<semaphore_mem>>)
    %dma_wait3A_898 = arith.constant 4 : i32
    %dma_wait3A_899 = arith.constant 0 : i32
    %dma_wait3A_900 = arith.constant 0 : i32
    %dma_wait3A_901 = tpu.memref_slice %arg6[%dma_wait3A_898, %dma_wait3A_899, %dma_wait3A_900] : memref<6x8x2048xf32, #tpu.memory_space<vmem>> -> memref<1x8x2048xf32, #tpu.memory_space<vmem>>
    %dma_wait3A_902 = tpu.memref_squeeze %dma_wait3A_901 : memref<1x8x2048xf32, #tpu.memory_space<vmem>> -> memref<8x2048xf32, #tpu.memory_space<vmem>>
    %dma_wait3A_903 = arith.constant 128 : i32
    %dma_wait3A_904 = tpu.memref_slice %arg5[%dma_wait3A_903] : memref<256xi32, #tpu.memory_space<vmem>> -> memref<8xi32, #tpu.memory_space<vmem>>
    %dma_wait3A_905 = arith.constant 0 : i32
    %dma_wait3A_906 = arith.constant 0 : i32
    %dma_wait3A_907 = tpu.memref_slice %arg3[%dma_wait3A_905, %dma_wait3A_906] : memref<100000x2048xf32, #tpu.memory_space<hbm>> -> memref<100000x2048xf32, #tpu.memory_space<hbm>>
    tpu.wait_indirect_dma semaphore(%arg11 : memref<!tpu.dma_semaphore, #tpu.memory_space<semaphore_mem>>) src(%dma_wait3A_907 : memref<100000x2048xf32, #tpu.memory_space<hbm>>) dst(%dma_wait3A_902 : memref<8x2048xf32, #tpu.memory_space<vmem>>)
    %dma_wait3A_908 = arith.constant 3 : i32
    %dma_wait3A_909 = arith.constant 0 : i32
    %dma_wait3A_910 = arith.constant 0 : i32
    %dma_wait3A_911 = tpu.memref_slice %arg6[%dma_wait3A_908, %dma_wait3A_909, %dma_wait3A_910] : memref<6x8x2048xf32, #tpu.memory_space<vmem>> -> memref<1x8x2048xf32, #tpu.memory_space<vmem>>
    %dma_wait3A_912 = tpu.memref_squeeze %dma_wait3A_911 : memref<1x8x2048xf32, #tpu.memory_space<vmem>> -> memref<8x2048xf32, #tpu.memory_space<vmem>>
    %dma_wait3A_913 = arith.constant 0 : i32
    %dma_wait3A_914 = tpu.memref_slice %arg4[%select_n3A, %add3A_882, %dma_wait3A_913] : memref<4x2048x2048xf32, #tpu.memory_space<hbm>> -> memref<1x8x2048xf32, #tpu.memory_space<hbm>>
    %dma_wait3A_915 = tpu.memref_squeeze %dma_wait3A_914 : memref<1x8x2048xf32, #tpu.memory_space<hbm>> -> memref<8x2048xf32, #tpu.memory_space<hbm>>
    %dma_wait3A_916 = arith.constant 0 : i32
    %dma_wait3A_917 = tpu.memref_slice %arg4[%select_n3A, %add3A_882, %dma_wait3A_916] : memref<4x2048x2048xf32, #tpu.memory_space<hbm>> -> memref<1x8x2048xf32, #tpu.memory_space<hbm>>
    %dma_wait3A_918 = tpu.memref_squeeze %dma_wait3A_917 : memref<1x8x2048xf32, #tpu.memory_space<hbm>> -> memref<8x2048xf32, #tpu.memory_space<hbm>>
    %dma_wait3A_919 = arith.constant 0 : i32
    %dma_wait3A_920 = arith.constant 0 : i32
    %dma_wait3A_921 = tpu.memref_slice %arg6[%dma_wait3A_908, %dma_wait3A_919, %dma_wait3A_920] : memref<6x8x2048xf32, #tpu.memory_space<vmem>> -> memref<1x8x2048xf32, #tpu.memory_space<vmem>>
    %dma_wait3A_922 = tpu.memref_squeeze %dma_wait3A_921 : memref<1x8x2048xf32, #tpu.memory_space<vmem>> -> memref<8x2048xf32, #tpu.memory_space<vmem>>
    tpu.wait_dma2 semaphore(%arg16 : memref<!tpu.dma_semaphore, #tpu.memory_space<semaphore_mem>>) src(%dma_wait3A_922 : memref<8x2048xf32, #tpu.memory_space<vmem>>) dst(%dma_wait3A_918 : memref<8x2048xf32, #tpu.memory_space<hbm>>)
    %dma_start3A_923 = arith.constant 3 : i32
    %dma_start3A_924 = arith.constant 0 : i32
    %dma_start3A_925 = arith.constant 0 : i32
    %dma_start3A_926 = tpu.memref_slice %arg6[%dma_start3A_923, %dma_start3A_924, %dma_start3A_925] : memref<6x8x2048xf32, #tpu.memory_space<vmem>> -> memref<1x8x2048xf32, #tpu.memory_space<vmem>>
    %dma_start3A_927 = tpu.memref_squeeze %dma_start3A_926 : memref<1x8x2048xf32, #tpu.memory_space<vmem>> -> memref<8x2048xf32, #tpu.memory_space<vmem>>
    %dma_start3A_928 = arith.constant 168 : i32
    %dma_start3A_929 = tpu.memref_slice %arg5[%dma_start3A_928] : memref<256xi32, #tpu.memory_space<vmem>> -> memref<8xi32, #tpu.memory_space<vmem>>
    %dma_start3A_930 = arith.constant 0 : i32
    %dma_start3A_931 = arith.constant 0 : i32
    %dma_start3A_932 = tpu.memref_slice %arg3[%dma_start3A_930, %dma_start3A_931] : memref<100000x2048xf32, #tpu.memory_space<hbm>> -> memref<100000x2048xf32, #tpu.memory_space<hbm>>
    tpu.enqueue_indirect_dma source(%dma_start3A_932 : memref<100000x2048xf32, #tpu.memory_space<hbm>>) target(%dma_start3A_927 : memref<8x2048xf32, #tpu.memory_space<vmem>>) offsets(%dma_start3A_929 : memref<8xi32, #tpu.memory_space<vmem>>) semaphore(%arg10 : memref<!tpu.dma_semaphore, #tpu.memory_space<semaphore_mem>>)
    %add3A_933 = arith.constant 128 : i32
    %add3A_934 = arith.addi %mul3A_32, %add3A_933 : i32
    %dma_start3A_935 = arith.constant 4 : i32
    %dma_start3A_936 = arith.constant 0 : i32
    %dma_start3A_937 = arith.constant 0 : i32
    %dma_start3A_938 = tpu.memref_slice %arg6[%dma_start3A_935, %dma_start3A_936, %dma_start3A_937] : memref<6x8x2048xf32, #tpu.memory_space<vmem>> -> memref<1x8x2048xf32, #tpu.memory_space<vmem>>
    %dma_start3A_939 = tpu.memref_squeeze %dma_start3A_938 : memref<1x8x2048xf32, #tpu.memory_space<vmem>> -> memref<8x2048xf32, #tpu.memory_space<vmem>>
    %dma_start3A_940 = arith.constant 0 : i32
    %dma_start3A_941 = tpu.memref_slice %arg4[%select_n3A, %add3A_934, %dma_start3A_940] : memref<4x2048x2048xf32, #tpu.memory_space<hbm>> -> memref<1x8x2048xf32, #tpu.memory_space<hbm>>
    %dma_start3A_942 = tpu.memref_squeeze %dma_start3A_941 : memref<1x8x2048xf32, #tpu.memory_space<hbm>> -> memref<8x2048xf32, #tpu.memory_space<hbm>>
    %dma_start3A_943 = arith.constant 0 : i32
    %dma_start3A_944 = tpu.memref_slice %arg4[%select_n3A, %add3A_934, %dma_start3A_943] : memref<4x2048x2048xf32, #tpu.memory_space<hbm>> -> memref<1x8x2048xf32, #tpu.memory_space<hbm>>
    %dma_start3A_945 = tpu.memref_squeeze %dma_start3A_944 : memref<1x8x2048xf32, #tpu.memory_space<hbm>> -> memref<8x2048xf32, #tpu.memory_space<hbm>>
    %dma_start3A_946 = arith.constant 0 : i32
    %dma_start3A_947 = arith.constant 0 : i32
    %dma_start3A_948 = tpu.memref_slice %arg6[%dma_start3A_935, %dma_start3A_946, %dma_start3A_947] : memref<6x8x2048xf32, #tpu.memory_space<vmem>> -> memref<1x8x2048xf32, #tpu.memory_space<vmem>>
    %dma_start3A_949 = tpu.memref_squeeze %dma_start3A_948 : memref<1x8x2048xf32, #tpu.memory_space<vmem>> -> memref<8x2048xf32, #tpu.memory_space<vmem>>
    tpu.enqueue_dma source(%dma_start3A_949 : memref<8x2048xf32, #tpu.memory_space<vmem>>) target(%dma_start3A_945 : memref<8x2048xf32, #tpu.memory_space<hbm>>) target_semaphore(%arg17 : memref<!tpu.dma_semaphore, #tpu.memory_space<semaphore_mem>>)
    %dma_wait3A_950 = arith.constant 5 : i32
    %dma_wait3A_951 = arith.constant 0 : i32
    %dma_wait3A_952 = arith.constant 0 : i32
    %dma_wait3A_953 = tpu.memref_slice %arg6[%dma_wait3A_950, %dma_wait3A_951, %dma_wait3A_952] : memref<6x8x2048xf32, #tpu.memory_space<vmem>> -> memref<1x8x2048xf32, #tpu.memory_space<vmem>>
    %dma_wait3A_954 = tpu.memref_squeeze %dma_wait3A_953 : memref<1x8x2048xf32, #tpu.memory_space<vmem>> -> memref<8x2048xf32, #tpu.memory_space<vmem>>
    %dma_wait3A_955 = arith.constant 136 : i32
    %dma_wait3A_956 = tpu.memref_slice %arg5[%dma_wait3A_955] : memref<256xi32, #tpu.memory_space<vmem>> -> memref<8xi32, #tpu.memory_space<vmem>>
    %dma_wait3A_957 = arith.constant 0 : i32
    %dma_wait3A_958 = arith.constant 0 : i32
    %dma_wait3A_959 = tpu.memref_slice %arg3[%dma_wait3A_957, %dma_wait3A_958] : memref<100000x2048xf32, #tpu.memory_space<hbm>> -> memref<100000x2048xf32, #tpu.memory_space<hbm>>
    tpu.wait_indirect_dma semaphore(%arg12 : memref<!tpu.dma_semaphore, #tpu.memory_space<semaphore_mem>>) src(%dma_wait3A_959 : memref<100000x2048xf32, #tpu.memory_space<hbm>>) dst(%dma_wait3A_954 : memref<8x2048xf32, #tpu.memory_space<vmem>>)
    %dma_wait3A_960 = arith.constant 4 : i32
    %dma_wait3A_961 = arith.constant 0 : i32
    %dma_wait3A_962 = arith.constant 0 : i32
    %dma_wait3A_963 = tpu.memref_slice %arg6[%dma_wait3A_960, %dma_wait3A_961, %dma_wait3A_962] : memref<6x8x2048xf32, #tpu.memory_space<vmem>> -> memref<1x8x2048xf32, #tpu.memory_space<vmem>>
    %dma_wait3A_964 = tpu.memref_squeeze %dma_wait3A_963 : memref<1x8x2048xf32, #tpu.memory_space<vmem>> -> memref<8x2048xf32, #tpu.memory_space<vmem>>
    %dma_wait3A_965 = arith.constant 0 : i32
    %dma_wait3A_966 = tpu.memref_slice %arg4[%select_n3A, %add3A_934, %dma_wait3A_965] : memref<4x2048x2048xf32, #tpu.memory_space<hbm>> -> memref<1x8x2048xf32, #tpu.memory_space<hbm>>
    %dma_wait3A_967 = tpu.memref_squeeze %dma_wait3A_966 : memref<1x8x2048xf32, #tpu.memory_space<hbm>> -> memref<8x2048xf32, #tpu.memory_space<hbm>>
    %dma_wait3A_968 = arith.constant 0 : i32
    %dma_wait3A_969 = tpu.memref_slice %arg4[%select_n3A, %add3A_934, %dma_wait3A_968] : memref<4x2048x2048xf32, #tpu.memory_space<hbm>> -> memref<1x8x2048xf32, #tpu.memory_space<hbm>>
    %dma_wait3A_970 = tpu.memref_squeeze %dma_wait3A_969 : memref<1x8x2048xf32, #tpu.memory_space<hbm>> -> memref<8x2048xf32, #tpu.memory_space<hbm>>
    %dma_wait3A_971 = arith.constant 0 : i32
    %dma_wait3A_972 = arith.constant 0 : i32
    %dma_wait3A_973 = tpu.memref_slice %arg6[%dma_wait3A_960, %dma_wait3A_971, %dma_wait3A_972] : memref<6x8x2048xf32, #tpu.memory_space<vmem>> -> memref<1x8x2048xf32, #tpu.memory_space<vmem>>
    %dma_wait3A_974 = tpu.memref_squeeze %dma_wait3A_973 : memref<1x8x2048xf32, #tpu.memory_space<vmem>> -> memref<8x2048xf32, #tpu.memory_space<vmem>>
    tpu.wait_dma2 semaphore(%arg17 : memref<!tpu.dma_semaphore, #tpu.memory_space<semaphore_mem>>) src(%dma_wait3A_974 : memref<8x2048xf32, #tpu.memory_space<vmem>>) dst(%dma_wait3A_970 : memref<8x2048xf32, #tpu.memory_space<hbm>>)
    %dma_start3A_975 = arith.constant 4 : i32
    %dma_start3A_976 = arith.constant 0 : i32
    %dma_start3A_977 = arith.constant 0 : i32
    %dma_start3A_978 = tpu.memref_slice %arg6[%dma_start3A_975, %dma_start3A_976, %dma_start3A_977] : memref<6x8x2048xf32, #tpu.memory_space<vmem>> -> memref<1x8x2048xf32, #tpu.memory_space<vmem>>
    %dma_start3A_979 = tpu.memref_squeeze %dma_start3A_978 : memref<1x8x2048xf32, #tpu.memory_space<vmem>> -> memref<8x2048xf32, #tpu.memory_space<vmem>>
    %dma_start3A_980 = arith.constant 176 : i32
    %dma_start3A_981 = tpu.memref_slice %arg5[%dma_start3A_980] : memref<256xi32, #tpu.memory_space<vmem>> -> memref<8xi32, #tpu.memory_space<vmem>>
    %dma_start3A_982 = arith.constant 0 : i32
    %dma_start3A_983 = arith.constant 0 : i32
    %dma_start3A_984 = tpu.memref_slice %arg3[%dma_start3A_982, %dma_start3A_983] : memref<100000x2048xf32, #tpu.memory_space<hbm>> -> memref<100000x2048xf32, #tpu.memory_space<hbm>>
    tpu.enqueue_indirect_dma source(%dma_start3A_984 : memref<100000x2048xf32, #tpu.memory_space<hbm>>) target(%dma_start3A_979 : memref<8x2048xf32, #tpu.memory_space<vmem>>) offsets(%dma_start3A_981 : memref<8xi32, #tpu.memory_space<vmem>>) semaphore(%arg11 : memref<!tpu.dma_semaphore, #tpu.memory_space<semaphore_mem>>)
    %add3A_985 = arith.constant 136 : i32
    %add3A_986 = arith.addi %mul3A_32, %add3A_985 : i32
    %dma_start3A_987 = arith.constant 5 : i32
    %dma_start3A_988 = arith.constant 0 : i32
    %dma_start3A_989 = arith.constant 0 : i32
    %dma_start3A_990 = tpu.memref_slice %arg6[%dma_start3A_987, %dma_start3A_988, %dma_start3A_989] : memref<6x8x2048xf32, #tpu.memory_space<vmem>> -> memref<1x8x2048xf32, #tpu.memory_space<vmem>>
    %dma_start3A_991 = tpu.memref_squeeze %dma_start3A_990 : memref<1x8x2048xf32, #tpu.memory_space<vmem>> -> memref<8x2048xf32, #tpu.memory_space<vmem>>
    %dma_start3A_992 = arith.constant 0 : i32
    %dma_start3A_993 = tpu.memref_slice %arg4[%select_n3A, %add3A_986, %dma_start3A_992] : memref<4x2048x2048xf32, #tpu.memory_space<hbm>> -> memref<1x8x2048xf32, #tpu.memory_space<hbm>>
    %dma_start3A_994 = tpu.memref_squeeze %dma_start3A_993 : memref<1x8x2048xf32, #tpu.memory_space<hbm>> -> memref<8x2048xf32, #tpu.memory_space<hbm>>
    %dma_start3A_995 = arith.constant 0 : i32
    %dma_start3A_996 = tpu.memref_slice %arg4[%select_n3A, %add3A_986, %dma_start3A_995] : memref<4x2048x2048xf32, #tpu.memory_space<hbm>> -> memref<1x8x2048xf32, #tpu.memory_space<hbm>>
    %dma_start3A_997 = tpu.memref_squeeze %dma_start3A_996 : memref<1x8x2048xf32, #tpu.memory_space<hbm>> -> memref<8x2048xf32, #tpu.memory_space<hbm>>
    %dma_start3A_998 = arith.constant 0 : i32
    %dma_start3A_999 = arith.constant 0 : i32
    %dma_start3A_1000 = tpu.memref_slice %arg6[%dma_start3A_987, %dma_start3A_998, %dma_start3A_999] : memref<6x8x2048xf32, #tpu.memory_space<vmem>> -> memref<1x8x2048xf32, #tpu.memory_space<vmem>>
    %dma_start3A_1001 = tpu.memref_squeeze %dma_start3A_1000 : memref<1x8x2048xf32, #tpu.memory_space<vmem>> -> memref<8x2048xf32, #tpu.memory_space<vmem>>
    tpu.enqueue_dma source(%dma_start3A_1001 : memref<8x2048xf32, #tpu.memory_space<vmem>>) target(%dma_start3A_997 : memref<8x2048xf32, #tpu.memory_space<hbm>>) target_semaphore(%arg18 : memref<!tpu.dma_semaphore, #tpu.memory_space<semaphore_mem>>)
    %dma_wait3A_1002 = arith.constant 0 : i32
    %dma_wait3A_1003 = arith.constant 0 : i32
    %dma_wait3A_1004 = arith.constant 0 : i32
    %dma_wait3A_1005 = tpu.memref_slice %arg6[%dma_wait3A_1002, %dma_wait3A_1003, %dma_wait3A_1004] : memref<6x8x2048xf32, #tpu.memory_space<vmem>> -> memref<1x8x2048xf32, #tpu.memory_space<vmem>>
    %dma_wait3A_1006 = tpu.memref_squeeze %dma_wait3A_1005 : memref<1x8x2048xf32, #tpu.memory_space<vmem>> -> memref<8x2048xf32, #tpu.memory_space<vmem>>
    %dma_wait3A_1007 = arith.constant 144 : i32
    %dma_wait3A_1008 = tpu.memref_slice %arg5[%dma_wait3A_1007] : memref<256xi32, #tpu.memory_space<vmem>> -> memref<8xi32, #tpu.memory_space<vmem>>
    %dma_wait3A_1009 = arith.constant 0 : i32
    %dma_wait3A_1010 = arith.constant 0 : i32
    %dma_wait3A_1011 = tpu.memref_slice %arg3[%dma_wait3A_1009, %dma_wait3A_1010] : memref<100000x2048xf32, #tpu.memory_space<hbm>> -> memref<100000x2048xf32, #tpu.memory_space<hbm>>
    tpu.wait_indirect_dma semaphore(%arg7 : memref<!tpu.dma_semaphore, #tpu.memory_space<semaphore_mem>>) src(%dma_wait3A_1011 : memref<100000x2048xf32, #tpu.memory_space<hbm>>) dst(%dma_wait3A_1006 : memref<8x2048xf32, #tpu.memory_space<vmem>>)
    %dma_wait3A_1012 = arith.constant 5 : i32
    %dma_wait3A_1013 = arith.constant 0 : i32
    %dma_wait3A_1014 = arith.constant 0 : i32
    %dma_wait3A_1015 = tpu.memref_slice %arg6[%dma_wait3A_1012, %dma_wait3A_1013, %dma_wait3A_1014] : memref<6x8x2048xf32, #tpu.memory_space<vmem>> -> memref<1x8x2048xf32, #tpu.memory_space<vmem>>
    %dma_wait3A_1016 = tpu.memref_squeeze %dma_wait3A_1015 : memref<1x8x2048xf32, #tpu.memory_space<vmem>> -> memref<8x2048xf32, #tpu.memory_space<vmem>>
    %dma_wait3A_1017 = arith.constant 0 : i32
    %dma_wait3A_1018 = tpu.memref_slice %arg4[%select_n3A, %add3A_986, %dma_wait3A_1017] : memref<4x2048x2048xf32, #tpu.memory_space<hbm>> -> memref<1x8x2048xf32, #tpu.memory_space<hbm>>
    %dma_wait3A_1019 = tpu.memref_squeeze %dma_wait3A_1018 : memref<1x8x2048xf32, #tpu.memory_space<hbm>> -> memref<8x2048xf32, #tpu.memory_space<hbm>>
    %dma_wait3A_1020 = arith.constant 0 : i32
    %dma_wait3A_1021 = tpu.memref_slice %arg4[%select_n3A, %add3A_986, %dma_wait3A_1020] : memref<4x2048x2048xf32, #tpu.memory_space<hbm>> -> memref<1x8x2048xf32, #tpu.memory_space<hbm>>
    %dma_wait3A_1022 = tpu.memref_squeeze %dma_wait3A_1021 : memref<1x8x2048xf32, #tpu.memory_space<hbm>> -> memref<8x2048xf32, #tpu.memory_space<hbm>>
    %dma_wait3A_1023 = arith.constant 0 : i32
    %dma_wait3A_1024 = arith.constant 0 : i32
    %dma_wait3A_1025 = tpu.memref_slice %arg6[%dma_wait3A_1012, %dma_wait3A_1023, %dma_wait3A_1024] : memref<6x8x2048xf32, #tpu.memory_space<vmem>> -> memref<1x8x2048xf32, #tpu.memory_space<vmem>>
    %dma_wait3A_1026 = tpu.memref_squeeze %dma_wait3A_1025 : memref<1x8x2048xf32, #tpu.memory_space<vmem>> -> memref<8x2048xf32, #tpu.memory_space<vmem>>
    tpu.wait_dma2 semaphore(%arg18 : memref<!tpu.dma_semaphore, #tpu.memory_space<semaphore_mem>>) src(%dma_wait3A_1026 : memref<8x2048xf32, #tpu.memory_space<vmem>>) dst(%dma_wait3A_1022 : memref<8x2048xf32, #tpu.memory_space<hbm>>)
    %dma_start3A_1027 = arith.constant 5 : i32
    %dma_start3A_1028 = arith.constant 0 : i32
    %dma_start3A_1029 = arith.constant 0 : i32
    %dma_start3A_1030 = tpu.memref_slice %arg6[%dma_start3A_1027, %dma_start3A_1028, %dma_start3A_1029] : memref<6x8x2048xf32, #tpu.memory_space<vmem>> -> memref<1x8x2048xf32, #tpu.memory_space<vmem>>
    %dma_start3A_1031 = tpu.memref_squeeze %dma_start3A_1030 : memref<1x8x2048xf32, #tpu.memory_space<vmem>> -> memref<8x2048xf32, #tpu.memory_space<vmem>>
    %dma_start3A_1032 = arith.constant 184 : i32
    %dma_start3A_1033 = tpu.memref_slice %arg5[%dma_start3A_1032] : memref<256xi32, #tpu.memory_space<vmem>> -> memref<8xi32, #tpu.memory_space<vmem>>
    %dma_start3A_1034 = arith.constant 0 : i32
    %dma_start3A_1035 = arith.constant 0 : i32
    %dma_start3A_1036 = tpu.memref_slice %arg3[%dma_start3A_1034, %dma_start3A_1035] : memref<100000x2048xf32, #tpu.memory_space<hbm>> -> memref<100000x2048xf32, #tpu.memory_space<hbm>>
    tpu.enqueue_indirect_dma source(%dma_start3A_1036 : memref<100000x2048xf32, #tpu.memory_space<hbm>>) target(%dma_start3A_1031 : memref<8x2048xf32, #tpu.memory_space<vmem>>) offsets(%dma_start3A_1033 : memref<8xi32, #tpu.memory_space<vmem>>) semaphore(%arg12 : memref<!tpu.dma_semaphore, #tpu.memory_space<semaphore_mem>>)
    %add3A_1037 = arith.constant 144 : i32
    %add3A_1038 = arith.addi %mul3A_32, %add3A_1037 : i32
    %dma_start3A_1039 = arith.constant 0 : i32
    %dma_start3A_1040 = arith.constant 0 : i32
    %dma_start3A_1041 = arith.constant 0 : i32
    %dma_start3A_1042 = tpu.memref_slice %arg6[%dma_start3A_1039, %dma_start3A_1040, %dma_start3A_1041] : memref<6x8x2048xf32, #tpu.memory_space<vmem>> -> memref<1x8x2048xf32, #tpu.memory_space<vmem>>
    %dma_start3A_1043 = tpu.memref_squeeze %dma_start3A_1042 : memref<1x8x2048xf32, #tpu.memory_space<vmem>> -> memref<8x2048xf32, #tpu.memory_space<vmem>>
    %dma_start3A_1044 = arith.constant 0 : i32
    %dma_start3A_1045 = tpu.memref_slice %arg4[%select_n3A, %add3A_1038, %dma_start3A_1044] : memref<4x2048x2048xf32, #tpu.memory_space<hbm>> -> memref<1x8x2048xf32, #tpu.memory_space<hbm>>
    %dma_start3A_1046 = tpu.memref_squeeze %dma_start3A_1045 : memref<1x8x2048xf32, #tpu.memory_space<hbm>> -> memref<8x2048xf32, #tpu.memory_space<hbm>>
    %dma_start3A_1047 = arith.constant 0 : i32
    %dma_start3A_1048 = tpu.memref_slice %arg4[%select_n3A, %add3A_1038, %dma_start3A_1047] : memref<4x2048x2048xf32, #tpu.memory_space<hbm>> -> memref<1x8x2048xf32, #tpu.memory_space<hbm>>
    %dma_start3A_1049 = tpu.memref_squeeze %dma_start3A_1048 : memref<1x8x2048xf32, #tpu.memory_space<hbm>> -> memref<8x2048xf32, #tpu.memory_space<hbm>>
    %dma_start3A_1050 = arith.constant 0 : i32
    %dma_start3A_1051 = arith.constant 0 : i32
    %dma_start3A_1052 = tpu.memref_slice %arg6[%dma_start3A_1039, %dma_start3A_1050, %dma_start3A_1051] : memref<6x8x2048xf32, #tpu.memory_space<vmem>> -> memref<1x8x2048xf32, #tpu.memory_space<vmem>>
    %dma_start3A_1053 = tpu.memref_squeeze %dma_start3A_1052 : memref<1x8x2048xf32, #tpu.memory_space<vmem>> -> memref<8x2048xf32, #tpu.memory_space<vmem>>
    tpu.enqueue_dma source(%dma_start3A_1053 : memref<8x2048xf32, #tpu.memory_space<vmem>>) target(%dma_start3A_1049 : memref<8x2048xf32, #tpu.memory_space<hbm>>) target_semaphore(%arg13 : memref<!tpu.dma_semaphore, #tpu.memory_space<semaphore_mem>>)
    %dma_wait3A_1054 = arith.constant 1 : i32
    %dma_wait3A_1055 = arith.constant 0 : i32
    %dma_wait3A_1056 = arith.constant 0 : i32
    %dma_wait3A_1057 = tpu.memref_slice %arg6[%dma_wait3A_1054, %dma_wait3A_1055, %dma_wait3A_1056] : memref<6x8x2048xf32, #tpu.memory_space<vmem>> -> memref<1x8x2048xf32, #tpu.memory_space<vmem>>
    %dma_wait3A_1058 = tpu.memref_squeeze %dma_wait3A_1057 : memref<1x8x2048xf32, #tpu.memory_space<vmem>> -> memref<8x2048xf32, #tpu.memory_space<vmem>>
    %dma_wait3A_1059 = arith.constant 152 : i32
    %dma_wait3A_1060 = tpu.memref_slice %arg5[%dma_wait3A_1059] : memref<256xi32, #tpu.memory_space<vmem>> -> memref<8xi32, #tpu.memory_space<vmem>>
    %dma_wait3A_1061 = arith.constant 0 : i32
    %dma_wait3A_1062 = arith.constant 0 : i32
    %dma_wait3A_1063 = tpu.memref_slice %arg3[%dma_wait3A_1061, %dma_wait3A_1062] : memref<100000x2048xf32, #tpu.memory_space<hbm>> -> memref<100000x2048xf32, #tpu.memory_space<hbm>>
    tpu.wait_indirect_dma semaphore(%arg8 : memref<!tpu.dma_semaphore, #tpu.memory_space<semaphore_mem>>) src(%dma_wait3A_1063 : memref<100000x2048xf32, #tpu.memory_space<hbm>>) dst(%dma_wait3A_1058 : memref<8x2048xf32, #tpu.memory_space<vmem>>)
    %dma_wait3A_1064 = arith.constant 0 : i32
    %dma_wait3A_1065 = arith.constant 0 : i32
    %dma_wait3A_1066 = arith.constant 0 : i32
    %dma_wait3A_1067 = tpu.memref_slice %arg6[%dma_wait3A_1064, %dma_wait3A_1065, %dma_wait3A_1066] : memref<6x8x2048xf32, #tpu.memory_space<vmem>> -> memref<1x8x2048xf32, #tpu.memory_space<vmem>>
    %dma_wait3A_1068 = tpu.memref_squeeze %dma_wait3A_1067 : memref<1x8x2048xf32, #tpu.memory_space<vmem>> -> memref<8x2048xf32, #tpu.memory_space<vmem>>
    %dma_wait3A_1069 = arith.constant 0 : i32
    %dma_wait3A_1070 = tpu.memref_slice %arg4[%select_n3A, %add3A_1038, %dma_wait3A_1069] : memref<4x2048x2048xf32, #tpu.memory_space<hbm>> -> memref<1x8x2048xf32, #tpu.memory_space<hbm>>
    %dma_wait3A_1071 = tpu.memref_squeeze %dma_wait3A_1070 : memref<1x8x2048xf32, #tpu.memory_space<hbm>> -> memref<8x2048xf32, #tpu.memory_space<hbm>>
    %dma_wait3A_1072 = arith.constant 0 : i32
    %dma_wait3A_1073 = tpu.memref_slice %arg4[%select_n3A, %add3A_1038, %dma_wait3A_1072] : memref<4x2048x2048xf32, #tpu.memory_space<hbm>> -> memref<1x8x2048xf32, #tpu.memory_space<hbm>>
    %dma_wait3A_1074 = tpu.memref_squeeze %dma_wait3A_1073 : memref<1x8x2048xf32, #tpu.memory_space<hbm>> -> memref<8x2048xf32, #tpu.memory_space<hbm>>
    %dma_wait3A_1075 = arith.constant 0 : i32
    %dma_wait3A_1076 = arith.constant 0 : i32
    %dma_wait3A_1077 = tpu.memref_slice %arg6[%dma_wait3A_1064, %dma_wait3A_1075, %dma_wait3A_1076] : memref<6x8x2048xf32, #tpu.memory_space<vmem>> -> memref<1x8x2048xf32, #tpu.memory_space<vmem>>
    %dma_wait3A_1078 = tpu.memref_squeeze %dma_wait3A_1077 : memref<1x8x2048xf32, #tpu.memory_space<vmem>> -> memref<8x2048xf32, #tpu.memory_space<vmem>>
    tpu.wait_dma2 semaphore(%arg13 : memref<!tpu.dma_semaphore, #tpu.memory_space<semaphore_mem>>) src(%dma_wait3A_1078 : memref<8x2048xf32, #tpu.memory_space<vmem>>) dst(%dma_wait3A_1074 : memref<8x2048xf32, #tpu.memory_space<hbm>>)
    %dma_start3A_1079 = arith.constant 0 : i32
    %dma_start3A_1080 = arith.constant 0 : i32
    %dma_start3A_1081 = arith.constant 0 : i32
    %dma_start3A_1082 = tpu.memref_slice %arg6[%dma_start3A_1079, %dma_start3A_1080, %dma_start3A_1081] : memref<6x8x2048xf32, #tpu.memory_space<vmem>> -> memref<1x8x2048xf32, #tpu.memory_space<vmem>>
    %dma_start3A_1083 = tpu.memref_squeeze %dma_start3A_1082 : memref<1x8x2048xf32, #tpu.memory_space<vmem>> -> memref<8x2048xf32, #tpu.memory_space<vmem>>
    %dma_start3A_1084 = arith.constant 192 : i32
    %dma_start3A_1085 = tpu.memref_slice %arg5[%dma_start3A_1084] : memref<256xi32, #tpu.memory_space<vmem>> -> memref<8xi32, #tpu.memory_space<vmem>>
    %dma_start3A_1086 = arith.constant 0 : i32
    %dma_start3A_1087 = arith.constant 0 : i32
    %dma_start3A_1088 = tpu.memref_slice %arg3[%dma_start3A_1086, %dma_start3A_1087] : memref<100000x2048xf32, #tpu.memory_space<hbm>> -> memref<100000x2048xf32, #tpu.memory_space<hbm>>
    tpu.enqueue_indirect_dma source(%dma_start3A_1088 : memref<100000x2048xf32, #tpu.memory_space<hbm>>) target(%dma_start3A_1083 : memref<8x2048xf32, #tpu.memory_space<vmem>>) offsets(%dma_start3A_1085 : memref<8xi32, #tpu.memory_space<vmem>>) semaphore(%arg7 : memref<!tpu.dma_semaphore, #tpu.memory_space<semaphore_mem>>)
    %add3A_1089 = arith.constant 152 : i32
    %add3A_1090 = arith.addi %mul3A_32, %add3A_1089 : i32
    %dma_start3A_1091 = arith.constant 1 : i32
    %dma_start3A_1092 = arith.constant 0 : i32
    %dma_start3A_1093 = arith.constant 0 : i32
    %dma_start3A_1094 = tpu.memref_slice %arg6[%dma_start3A_1091, %dma_start3A_1092, %dma_start3A_1093] : memref<6x8x2048xf32, #tpu.memory_space<vmem>> -> memref<1x8x2048xf32, #tpu.memory_space<vmem>>
    %dma_start3A_1095 = tpu.memref_squeeze %dma_start3A_1094 : memref<1x8x2048xf32, #tpu.memory_space<vmem>> -> memref<8x2048xf32, #tpu.memory_space<vmem>>
    %dma_start3A_1096 = arith.constant 0 : i32
    %dma_start3A_1097 = tpu.memref_slice %arg4[%select_n3A, %add3A_1090, %dma_start3A_1096] : memref<4x2048x2048xf32, #tpu.memory_space<hbm>> -> memref<1x8x2048xf32, #tpu.memory_space<hbm>>
    %dma_start3A_1098 = tpu.memref_squeeze %dma_start3A_1097 : memref<1x8x2048xf32, #tpu.memory_space<hbm>> -> memref<8x2048xf32, #tpu.memory_space<hbm>>
    %dma_start3A_1099 = arith.constant 0 : i32
    %dma_start3A_1100 = tpu.memref_slice %arg4[%select_n3A, %add3A_1090, %dma_start3A_1099] : memref<4x2048x2048xf32, #tpu.memory_space<hbm>> -> memref<1x8x2048xf32, #tpu.memory_space<hbm>>
    %dma_start3A_1101 = tpu.memref_squeeze %dma_start3A_1100 : memref<1x8x2048xf32, #tpu.memory_space<hbm>> -> memref<8x2048xf32, #tpu.memory_space<hbm>>
    %dma_start3A_1102 = arith.constant 0 : i32
    %dma_start3A_1103 = arith.constant 0 : i32
    %dma_start3A_1104 = tpu.memref_slice %arg6[%dma_start3A_1091, %dma_start3A_1102, %dma_start3A_1103] : memref<6x8x2048xf32, #tpu.memory_space<vmem>> -> memref<1x8x2048xf32, #tpu.memory_space<vmem>>
    %dma_start3A_1105 = tpu.memref_squeeze %dma_start3A_1104 : memref<1x8x2048xf32, #tpu.memory_space<vmem>> -> memref<8x2048xf32, #tpu.memory_space<vmem>>
    tpu.enqueue_dma source(%dma_start3A_1105 : memref<8x2048xf32, #tpu.memory_space<vmem>>) target(%dma_start3A_1101 : memref<8x2048xf32, #tpu.memory_space<hbm>>) target_semaphore(%arg14 : memref<!tpu.dma_semaphore, #tpu.memory_space<semaphore_mem>>)
    %dma_wait3A_1106 = arith.constant 2 : i32
    %dma_wait3A_1107 = arith.constant 0 : i32
    %dma_wait3A_1108 = arith.constant 0 : i32
    %dma_wait3A_1109 = tpu.memref_slice %arg6[%dma_wait3A_1106, %dma_wait3A_1107, %dma_wait3A_1108] : memref<6x8x2048xf32, #tpu.memory_space<vmem>> -> memref<1x8x2048xf32, #tpu.memory_space<vmem>>
    %dma_wait3A_1110 = tpu.memref_squeeze %dma_wait3A_1109 : memref<1x8x2048xf32, #tpu.memory_space<vmem>> -> memref<8x2048xf32, #tpu.memory_space<vmem>>
    %dma_wait3A_1111 = arith.constant 160 : i32
    %dma_wait3A_1112 = tpu.memref_slice %arg5[%dma_wait3A_1111] : memref<256xi32, #tpu.memory_space<vmem>> -> memref<8xi32, #tpu.memory_space<vmem>>
    %dma_wait3A_1113 = arith.constant 0 : i32
    %dma_wait3A_1114 = arith.constant 0 : i32
    %dma_wait3A_1115 = tpu.memref_slice %arg3[%dma_wait3A_1113, %dma_wait3A_1114] : memref<100000x2048xf32, #tpu.memory_space<hbm>> -> memref<100000x2048xf32, #tpu.memory_space<hbm>>
    tpu.wait_indirect_dma semaphore(%arg9 : memref<!tpu.dma_semaphore, #tpu.memory_space<semaphore_mem>>) src(%dma_wait3A_1115 : memref<100000x2048xf32, #tpu.memory_space<hbm>>) dst(%dma_wait3A_1110 : memref<8x2048xf32, #tpu.memory_space<vmem>>)
    %dma_wait3A_1116 = arith.constant 1 : i32
    %dma_wait3A_1117 = arith.constant 0 : i32
    %dma_wait3A_1118 = arith.constant 0 : i32
    %dma_wait3A_1119 = tpu.memref_slice %arg6[%dma_wait3A_1116, %dma_wait3A_1117, %dma_wait3A_1118] : memref<6x8x2048xf32, #tpu.memory_space<vmem>> -> memref<1x8x2048xf32, #tpu.memory_space<vmem>>
    %dma_wait3A_1120 = tpu.memref_squeeze %dma_wait3A_1119 : memref<1x8x2048xf32, #tpu.memory_space<vmem>> -> memref<8x2048xf32, #tpu.memory_space<vmem>>
    %dma_wait3A_1121 = arith.constant 0 : i32
    %dma_wait3A_1122 = tpu.memref_slice %arg4[%select_n3A, %add3A_1090, %dma_wait3A_1121] : memref<4x2048x2048xf32, #tpu.memory_space<hbm>> -> memref<1x8x2048xf32, #tpu.memory_space<hbm>>
    %dma_wait3A_1123 = tpu.memref_squeeze %dma_wait3A_1122 : memref<1x8x2048xf32, #tpu.memory_space<hbm>> -> memref<8x2048xf32, #tpu.memory_space<hbm>>
    %dma_wait3A_1124 = arith.constant 0 : i32
    %dma_wait3A_1125 = tpu.memref_slice %arg4[%select_n3A, %add3A_1090, %dma_wait3A_1124] : memref<4x2048x2048xf32, #tpu.memory_space<hbm>> -> memref<1x8x2048xf32, #tpu.memory_space<hbm>>
    %dma_wait3A_1126 = tpu.memref_squeeze %dma_wait3A_1125 : memref<1x8x2048xf32, #tpu.memory_space<hbm>> -> memref<8x2048xf32, #tpu.memory_space<hbm>>
    %dma_wait3A_1127 = arith.constant 0 : i32
    %dma_wait3A_1128 = arith.constant 0 : i32
    %dma_wait3A_1129 = tpu.memref_slice %arg6[%dma_wait3A_1116, %dma_wait3A_1127, %dma_wait3A_1128] : memref<6x8x2048xf32, #tpu.memory_space<vmem>> -> memref<1x8x2048xf32, #tpu.memory_space<vmem>>
    %dma_wait3A_1130 = tpu.memref_squeeze %dma_wait3A_1129 : memref<1x8x2048xf32, #tpu.memory_space<vmem>> -> memref<8x2048xf32, #tpu.memory_space<vmem>>
    tpu.wait_dma2 semaphore(%arg14 : memref<!tpu.dma_semaphore, #tpu.memory_space<semaphore_mem>>) src(%dma_wait3A_1130 : memref<8x2048xf32, #tpu.memory_space<vmem>>) dst(%dma_wait3A_1126 : memref<8x2048xf32, #tpu.memory_space<hbm>>)
    %dma_start3A_1131 = arith.constant 1 : i32
    %dma_start3A_1132 = arith.constant 0 : i32
    %dma_start3A_1133 = arith.constant 0 : i32
    %dma_start3A_1134 = tpu.memref_slice %arg6[%dma_start3A_1131, %dma_start3A_1132, %dma_start3A_1133] : memref<6x8x2048xf32, #tpu.memory_space<vmem>> -> memref<1x8x2048xf32, #tpu.memory_space<vmem>>
    %dma_start3A_1135 = tpu.memref_squeeze %dma_start3A_1134 : memref<1x8x2048xf32, #tpu.memory_space<vmem>> -> memref<8x2048xf32, #tpu.memory_space<vmem>>
    %dma_start3A_1136 = arith.constant 200 : i32
    %dma_start3A_1137 = tpu.memref_slice %arg5[%dma_start3A_1136] : memref<256xi32, #tpu.memory_space<vmem>> -> memref<8xi32, #tpu.memory_space<vmem>>
    %dma_start3A_1138 = arith.constant 0 : i32
    %dma_start3A_1139 = arith.constant 0 : i32
    %dma_start3A_1140 = tpu.memref_slice %arg3[%dma_start3A_1138, %dma_start3A_1139] : memref<100000x2048xf32, #tpu.memory_space<hbm>> -> memref<100000x2048xf32, #tpu.memory_space<hbm>>
    tpu.enqueue_indirect_dma source(%dma_start3A_1140 : memref<100000x2048xf32, #tpu.memory_space<hbm>>) target(%dma_start3A_1135 : memref<8x2048xf32, #tpu.memory_space<vmem>>) offsets(%dma_start3A_1137 : memref<8xi32, #tpu.memory_space<vmem>>) semaphore(%arg8 : memref<!tpu.dma_semaphore, #tpu.memory_space<semaphore_mem>>)
    %add3A_1141 = arith.constant 160 : i32
    %add3A_1142 = arith.addi %mul3A_32, %add3A_1141 : i32
    %dma_start3A_1143 = arith.constant 2 : i32
    %dma_start3A_1144 = arith.constant 0 : i32
    %dma_start3A_1145 = arith.constant 0 : i32
    %dma_start3A_1146 = tpu.memref_slice %arg6[%dma_start3A_1143, %dma_start3A_1144, %dma_start3A_1145] : memref<6x8x2048xf32, #tpu.memory_space<vmem>> -> memref<1x8x2048xf32, #tpu.memory_space<vmem>>
    %dma_start3A_1147 = tpu.memref_squeeze %dma_start3A_1146 : memref<1x8x2048xf32, #tpu.memory_space<vmem>> -> memref<8x2048xf32, #tpu.memory_space<vmem>>
    %dma_start3A_1148 = arith.constant 0 : i32
    %dma_start3A_1149 = tpu.memref_slice %arg4[%select_n3A, %add3A_1142, %dma_start3A_1148] : memref<4x2048x2048xf32, #tpu.memory_space<hbm>> -> memref<1x8x2048xf32, #tpu.memory_space<hbm>>
    %dma_start3A_1150 = tpu.memref_squeeze %dma_start3A_1149 : memref<1x8x2048xf32, #tpu.memory_space<hbm>> -> memref<8x2048xf32, #tpu.memory_space<hbm>>
    %dma_start3A_1151 = arith.constant 0 : i32
    %dma_start3A_1152 = tpu.memref_slice %arg4[%select_n3A, %add3A_1142, %dma_start3A_1151] : memref<4x2048x2048xf32, #tpu.memory_space<hbm>> -> memref<1x8x2048xf32, #tpu.memory_space<hbm>>
    %dma_start3A_1153 = tpu.memref_squeeze %dma_start3A_1152 : memref<1x8x2048xf32, #tpu.memory_space<hbm>> -> memref<8x2048xf32, #tpu.memory_space<hbm>>
    %dma_start3A_1154 = arith.constant 0 : i32
    %dma_start3A_1155 = arith.constant 0 : i32
    %dma_start3A_1156 = tpu.memref_slice %arg6[%dma_start3A_1143, %dma_start3A_1154, %dma_start3A_1155] : memref<6x8x2048xf32, #tpu.memory_space<vmem>> -> memref<1x8x2048xf32, #tpu.memory_space<vmem>>
    %dma_start3A_1157 = tpu.memref_squeeze %dma_start3A_1156 : memref<1x8x2048xf32, #tpu.memory_space<vmem>> -> memref<8x2048xf32, #tpu.memory_space<vmem>>
    tpu.enqueue_dma source(%dma_start3A_1157 : memref<8x2048xf32, #tpu.memory_space<vmem>>) target(%dma_start3A_1153 : memref<8x2048xf32, #tpu.memory_space<hbm>>) target_semaphore(%arg15 : memref<!tpu.dma_semaphore, #tpu.memory_space<semaphore_mem>>)
    %dma_wait3A_1158 = arith.constant 3 : i32
    %dma_wait3A_1159 = arith.constant 0 : i32
    %dma_wait3A_1160 = arith.constant 0 : i32
    %dma_wait3A_1161 = tpu.memref_slice %arg6[%dma_wait3A_1158, %dma_wait3A_1159, %dma_wait3A_1160] : memref<6x8x2048xf32, #tpu.memory_space<vmem>> -> memref<1x8x2048xf32, #tpu.memory_space<vmem>>
    %dma_wait3A_1162 = tpu.memref_squeeze %dma_wait3A_1161 : memref<1x8x2048xf32, #tpu.memory_space<vmem>> -> memref<8x2048xf32, #tpu.memory_space<vmem>>
    %dma_wait3A_1163 = arith.constant 168 : i32
    %dma_wait3A_1164 = tpu.memref_slice %arg5[%dma_wait3A_1163] : memref<256xi32, #tpu.memory_space<vmem>> -> memref<8xi32, #tpu.memory_space<vmem>>
    %dma_wait3A_1165 = arith.constant 0 : i32
    %dma_wait3A_1166 = arith.constant 0 : i32
    %dma_wait3A_1167 = tpu.memref_slice %arg3[%dma_wait3A_1165, %dma_wait3A_1166] : memref<100000x2048xf32, #tpu.memory_space<hbm>> -> memref<100000x2048xf32, #tpu.memory_space<hbm>>
    tpu.wait_indirect_dma semaphore(%arg10 : memref<!tpu.dma_semaphore, #tpu.memory_space<semaphore_mem>>) src(%dma_wait3A_1167 : memref<100000x2048xf32, #tpu.memory_space<hbm>>) dst(%dma_wait3A_1162 : memref<8x2048xf32, #tpu.memory_space<vmem>>)
    %dma_wait3A_1168 = arith.constant 2 : i32
    %dma_wait3A_1169 = arith.constant 0 : i32
    %dma_wait3A_1170 = arith.constant 0 : i32
    %dma_wait3A_1171 = tpu.memref_slice %arg6[%dma_wait3A_1168, %dma_wait3A_1169, %dma_wait3A_1170] : memref<6x8x2048xf32, #tpu.memory_space<vmem>> -> memref<1x8x2048xf32, #tpu.memory_space<vmem>>
    %dma_wait3A_1172 = tpu.memref_squeeze %dma_wait3A_1171 : memref<1x8x2048xf32, #tpu.memory_space<vmem>> -> memref<8x2048xf32, #tpu.memory_space<vmem>>
    %dma_wait3A_1173 = arith.constant 0 : i32
    %dma_wait3A_1174 = tpu.memref_slice %arg4[%select_n3A, %add3A_1142, %dma_wait3A_1173] : memref<4x2048x2048xf32, #tpu.memory_space<hbm>> -> memref<1x8x2048xf32, #tpu.memory_space<hbm>>
    %dma_wait3A_1175 = tpu.memref_squeeze %dma_wait3A_1174 : memref<1x8x2048xf32, #tpu.memory_space<hbm>> -> memref<8x2048xf32, #tpu.memory_space<hbm>>
    %dma_wait3A_1176 = arith.constant 0 : i32
    %dma_wait3A_1177 = tpu.memref_slice %arg4[%select_n3A, %add3A_1142, %dma_wait3A_1176] : memref<4x2048x2048xf32, #tpu.memory_space<hbm>> -> memref<1x8x2048xf32, #tpu.memory_space<hbm>>
    %dma_wait3A_1178 = tpu.memref_squeeze %dma_wait3A_1177 : memref<1x8x2048xf32, #tpu.memory_space<hbm>> -> memref<8x2048xf32, #tpu.memory_space<hbm>>
    %dma_wait3A_1179 = arith.constant 0 : i32
    %dma_wait3A_1180 = arith.constant 0 : i32
    %dma_wait3A_1181 = tpu.memref_slice %arg6[%dma_wait3A_1168, %dma_wait3A_1179, %dma_wait3A_1180] : memref<6x8x2048xf32, #tpu.memory_space<vmem>> -> memref<1x8x2048xf32, #tpu.memory_space<vmem>>
    %dma_wait3A_1182 = tpu.memref_squeeze %dma_wait3A_1181 : memref<1x8x2048xf32, #tpu.memory_space<vmem>> -> memref<8x2048xf32, #tpu.memory_space<vmem>>
    tpu.wait_dma2 semaphore(%arg15 : memref<!tpu.dma_semaphore, #tpu.memory_space<semaphore_mem>>) src(%dma_wait3A_1182 : memref<8x2048xf32, #tpu.memory_space<vmem>>) dst(%dma_wait3A_1178 : memref<8x2048xf32, #tpu.memory_space<hbm>>)
    %dma_start3A_1183 = arith.constant 2 : i32
    %dma_start3A_1184 = arith.constant 0 : i32
    %dma_start3A_1185 = arith.constant 0 : i32
    %dma_start3A_1186 = tpu.memref_slice %arg6[%dma_start3A_1183, %dma_start3A_1184, %dma_start3A_1185] : memref<6x8x2048xf32, #tpu.memory_space<vmem>> -> memref<1x8x2048xf32, #tpu.memory_space<vmem>>
    %dma_start3A_1187 = tpu.memref_squeeze %dma_start3A_1186 : memref<1x8x2048xf32, #tpu.memory_space<vmem>> -> memref<8x2048xf32, #tpu.memory_space<vmem>>
    %dma_start3A_1188 = arith.constant 208 : i32
    %dma_start3A_1189 = tpu.memref_slice %arg5[%dma_start3A_1188] : memref<256xi32, #tpu.memory_space<vmem>> -> memref<8xi32, #tpu.memory_space<vmem>>
    %dma_start3A_1190 = arith.constant 0 : i32
    %dma_start3A_1191 = arith.constant 0 : i32
    %dma_start3A_1192 = tpu.memref_slice %arg3[%dma_start3A_1190, %dma_start3A_1191] : memref<100000x2048xf32, #tpu.memory_space<hbm>> -> memref<100000x2048xf32, #tpu.memory_space<hbm>>
    tpu.enqueue_indirect_dma source(%dma_start3A_1192 : memref<100000x2048xf32, #tpu.memory_space<hbm>>) target(%dma_start3A_1187 : memref<8x2048xf32, #tpu.memory_space<vmem>>) offsets(%dma_start3A_1189 : memref<8xi32, #tpu.memory_space<vmem>>) semaphore(%arg9 : memref<!tpu.dma_semaphore, #tpu.memory_space<semaphore_mem>>)
    %add3A_1193 = arith.constant 168 : i32
    %add3A_1194 = arith.addi %mul3A_32, %add3A_1193 : i32
    %dma_start3A_1195 = arith.constant 3 : i32
    %dma_start3A_1196 = arith.constant 0 : i32
    %dma_start3A_1197 = arith.constant 0 : i32
    %dma_start3A_1198 = tpu.memref_slice %arg6[%dma_start3A_1195, %dma_start3A_1196, %dma_start3A_1197] : memref<6x8x2048xf32, #tpu.memory_space<vmem>> -> memref<1x8x2048xf32, #tpu.memory_space<vmem>>
    %dma_start3A_1199 = tpu.memref_squeeze %dma_start3A_1198 : memref<1x8x2048xf32, #tpu.memory_space<vmem>> -> memref<8x2048xf32, #tpu.memory_space<vmem>>
    %dma_start3A_1200 = arith.constant 0 : i32
    %dma_start3A_1201 = tpu.memref_slice %arg4[%select_n3A, %add3A_1194, %dma_start3A_1200] : memref<4x2048x2048xf32, #tpu.memory_space<hbm>> -> memref<1x8x2048xf32, #tpu.memory_space<hbm>>
    %dma_start3A_1202 = tpu.memref_squeeze %dma_start3A_1201 : memref<1x8x2048xf32, #tpu.memory_space<hbm>> -> memref<8x2048xf32, #tpu.memory_space<hbm>>
    %dma_start3A_1203 = arith.constant 0 : i32
    %dma_start3A_1204 = tpu.memref_slice %arg4[%select_n3A, %add3A_1194, %dma_start3A_1203] : memref<4x2048x2048xf32, #tpu.memory_space<hbm>> -> memref<1x8x2048xf32, #tpu.memory_space<hbm>>
    %dma_start3A_1205 = tpu.memref_squeeze %dma_start3A_1204 : memref<1x8x2048xf32, #tpu.memory_space<hbm>> -> memref<8x2048xf32, #tpu.memory_space<hbm>>
    %dma_start3A_1206 = arith.constant 0 : i32
    %dma_start3A_1207 = arith.constant 0 : i32
    %dma_start3A_1208 = tpu.memref_slice %arg6[%dma_start3A_1195, %dma_start3A_1206, %dma_start3A_1207] : memref<6x8x2048xf32, #tpu.memory_space<vmem>> -> memref<1x8x2048xf32, #tpu.memory_space<vmem>>
    %dma_start3A_1209 = tpu.memref_squeeze %dma_start3A_1208 : memref<1x8x2048xf32, #tpu.memory_space<vmem>> -> memref<8x2048xf32, #tpu.memory_space<vmem>>
    tpu.enqueue_dma source(%dma_start3A_1209 : memref<8x2048xf32, #tpu.memory_space<vmem>>) target(%dma_start3A_1205 : memref<8x2048xf32, #tpu.memory_space<hbm>>) target_semaphore(%arg16 : memref<!tpu.dma_semaphore, #tpu.memory_space<semaphore_mem>>)
    %dma_wait3A_1210 = arith.constant 4 : i32
    %dma_wait3A_1211 = arith.constant 0 : i32
    %dma_wait3A_1212 = arith.constant 0 : i32
    %dma_wait3A_1213 = tpu.memref_slice %arg6[%dma_wait3A_1210, %dma_wait3A_1211, %dma_wait3A_1212] : memref<6x8x2048xf32, #tpu.memory_space<vmem>> -> memref<1x8x2048xf32, #tpu.memory_space<vmem>>
    %dma_wait3A_1214 = tpu.memref_squeeze %dma_wait3A_1213 : memref<1x8x2048xf32, #tpu.memory_space<vmem>> -> memref<8x2048xf32, #tpu.memory_space<vmem>>
    %dma_wait3A_1215 = arith.constant 176 : i32
    %dma_wait3A_1216 = tpu.memref_slice %arg5[%dma_wait3A_1215] : memref<256xi32, #tpu.memory_space<vmem>> -> memref<8xi32, #tpu.memory_space<vmem>>
    %dma_wait3A_1217 = arith.constant 0 : i32
    %dma_wait3A_1218 = arith.constant 0 : i32
    %dma_wait3A_1219 = tpu.memref_slice %arg3[%dma_wait3A_1217, %dma_wait3A_1218] : memref<100000x2048xf32, #tpu.memory_space<hbm>> -> memref<100000x2048xf32, #tpu.memory_space<hbm>>
    tpu.wait_indirect_dma semaphore(%arg11 : memref<!tpu.dma_semaphore, #tpu.memory_space<semaphore_mem>>) src(%dma_wait3A_1219 : memref<100000x2048xf32, #tpu.memory_space<hbm>>) dst(%dma_wait3A_1214 : memref<8x2048xf32, #tpu.memory_space<vmem>>)
    %dma_wait3A_1220 = arith.constant 3 : i32
    %dma_wait3A_1221 = arith.constant 0 : i32
    %dma_wait3A_1222 = arith.constant 0 : i32
    %dma_wait3A_1223 = tpu.memref_slice %arg6[%dma_wait3A_1220, %dma_wait3A_1221, %dma_wait3A_1222] : memref<6x8x2048xf32, #tpu.memory_space<vmem>> -> memref<1x8x2048xf32, #tpu.memory_space<vmem>>
    %dma_wait3A_1224 = tpu.memref_squeeze %dma_wait3A_1223 : memref<1x8x2048xf32, #tpu.memory_space<vmem>> -> memref<8x2048xf32, #tpu.memory_space<vmem>>
    %dma_wait3A_1225 = arith.constant 0 : i32
    %dma_wait3A_1226 = tpu.memref_slice %arg4[%select_n3A, %add3A_1194, %dma_wait3A_1225] : memref<4x2048x2048xf32, #tpu.memory_space<hbm>> -> memref<1x8x2048xf32, #tpu.memory_space<hbm>>
    %dma_wait3A_1227 = tpu.memref_squeeze %dma_wait3A_1226 : memref<1x8x2048xf32, #tpu.memory_space<hbm>> -> memref<8x2048xf32, #tpu.memory_space<hbm>>
    %dma_wait3A_1228 = arith.constant 0 : i32
    %dma_wait3A_1229 = tpu.memref_slice %arg4[%select_n3A, %add3A_1194, %dma_wait3A_1228] : memref<4x2048x2048xf32, #tpu.memory_space<hbm>> -> memref<1x8x2048xf32, #tpu.memory_space<hbm>>
    %dma_wait3A_1230 = tpu.memref_squeeze %dma_wait3A_1229 : memref<1x8x2048xf32, #tpu.memory_space<hbm>> -> memref<8x2048xf32, #tpu.memory_space<hbm>>
    %dma_wait3A_1231 = arith.constant 0 : i32
    %dma_wait3A_1232 = arith.constant 0 : i32
    %dma_wait3A_1233 = tpu.memref_slice %arg6[%dma_wait3A_1220, %dma_wait3A_1231, %dma_wait3A_1232] : memref<6x8x2048xf32, #tpu.memory_space<vmem>> -> memref<1x8x2048xf32, #tpu.memory_space<vmem>>
    %dma_wait3A_1234 = tpu.memref_squeeze %dma_wait3A_1233 : memref<1x8x2048xf32, #tpu.memory_space<vmem>> -> memref<8x2048xf32, #tpu.memory_space<vmem>>
    tpu.wait_dma2 semaphore(%arg16 : memref<!tpu.dma_semaphore, #tpu.memory_space<semaphore_mem>>) src(%dma_wait3A_1234 : memref<8x2048xf32, #tpu.memory_space<vmem>>) dst(%dma_wait3A_1230 : memref<8x2048xf32, #tpu.memory_space<hbm>>)
    %dma_start3A_1235 = arith.constant 3 : i32
    %dma_start3A_1236 = arith.constant 0 : i32
    %dma_start3A_1237 = arith.constant 0 : i32
    %dma_start3A_1238 = tpu.memref_slice %arg6[%dma_start3A_1235, %dma_start3A_1236, %dma_start3A_1237] : memref<6x8x2048xf32, #tpu.memory_space<vmem>> -> memref<1x8x2048xf32, #tpu.memory_space<vmem>>
    %dma_start3A_1239 = tpu.memref_squeeze %dma_start3A_1238 : memref<1x8x2048xf32, #tpu.memory_space<vmem>> -> memref<8x2048xf32, #tpu.memory_space<vmem>>
    %dma_start3A_1240 = arith.constant 216 : i32
    %dma_start3A_1241 = tpu.memref_slice %arg5[%dma_start3A_1240] : memref<256xi32, #tpu.memory_space<vmem>> -> memref<8xi32, #tpu.memory_space<vmem>>
    %dma_start3A_1242 = arith.constant 0 : i32
    %dma_start3A_1243 = arith.constant 0 : i32
    %dma_start3A_1244 = tpu.memref_slice %arg3[%dma_start3A_1242, %dma_start3A_1243] : memref<100000x2048xf32, #tpu.memory_space<hbm>> -> memref<100000x2048xf32, #tpu.memory_space<hbm>>
    tpu.enqueue_indirect_dma source(%dma_start3A_1244 : memref<100000x2048xf32, #tpu.memory_space<hbm>>) target(%dma_start3A_1239 : memref<8x2048xf32, #tpu.memory_space<vmem>>) offsets(%dma_start3A_1241 : memref<8xi32, #tpu.memory_space<vmem>>) semaphore(%arg10 : memref<!tpu.dma_semaphore, #tpu.memory_space<semaphore_mem>>)
    %add3A_1245 = arith.constant 176 : i32
    %add3A_1246 = arith.addi %mul3A_32, %add3A_1245 : i32
    %dma_start3A_1247 = arith.constant 4 : i32
    %dma_start3A_1248 = arith.constant 0 : i32
    %dma_start3A_1249 = arith.constant 0 : i32
    %dma_start3A_1250 = tpu.memref_slice %arg6[%dma_start3A_1247, %dma_start3A_1248, %dma_start3A_1249] : memref<6x8x2048xf32, #tpu.memory_space<vmem>> -> memref<1x8x2048xf32, #tpu.memory_space<vmem>>
    %dma_start3A_1251 = tpu.memref_squeeze %dma_start3A_1250 : memref<1x8x2048xf32, #tpu.memory_space<vmem>> -> memref<8x2048xf32, #tpu.memory_space<vmem>>
    %dma_start3A_1252 = arith.constant 0 : i32
    %dma_start3A_1253 = tpu.memref_slice %arg4[%select_n3A, %add3A_1246, %dma_start3A_1252] : memref<4x2048x2048xf32, #tpu.memory_space<hbm>> -> memref<1x8x2048xf32, #tpu.memory_space<hbm>>
    %dma_start3A_1254 = tpu.memref_squeeze %dma_start3A_1253 : memref<1x8x2048xf32, #tpu.memory_space<hbm>> -> memref<8x2048xf32, #tpu.memory_space<hbm>>
    %dma_start3A_1255 = arith.constant 0 : i32
    %dma_start3A_1256 = tpu.memref_slice %arg4[%select_n3A, %add3A_1246, %dma_start3A_1255] : memref<4x2048x2048xf32, #tpu.memory_space<hbm>> -> memref<1x8x2048xf32, #tpu.memory_space<hbm>>
    %dma_start3A_1257 = tpu.memref_squeeze %dma_start3A_1256 : memref<1x8x2048xf32, #tpu.memory_space<hbm>> -> memref<8x2048xf32, #tpu.memory_space<hbm>>
    %dma_start3A_1258 = arith.constant 0 : i32
    %dma_start3A_1259 = arith.constant 0 : i32
    %dma_start3A_1260 = tpu.memref_slice %arg6[%dma_start3A_1247, %dma_start3A_1258, %dma_start3A_1259] : memref<6x8x2048xf32, #tpu.memory_space<vmem>> -> memref<1x8x2048xf32, #tpu.memory_space<vmem>>
    %dma_start3A_1261 = tpu.memref_squeeze %dma_start3A_1260 : memref<1x8x2048xf32, #tpu.memory_space<vmem>> -> memref<8x2048xf32, #tpu.memory_space<vmem>>
    tpu.enqueue_dma source(%dma_start3A_1261 : memref<8x2048xf32, #tpu.memory_space<vmem>>) target(%dma_start3A_1257 : memref<8x2048xf32, #tpu.memory_space<hbm>>) target_semaphore(%arg17 : memref<!tpu.dma_semaphore, #tpu.memory_space<semaphore_mem>>)
    %dma_wait3A_1262 = arith.constant 5 : i32
    %dma_wait3A_1263 = arith.constant 0 : i32
    %dma_wait3A_1264 = arith.constant 0 : i32
    %dma_wait3A_1265 = tpu.memref_slice %arg6[%dma_wait3A_1262, %dma_wait3A_1263, %dma_wait3A_1264] : memref<6x8x2048xf32, #tpu.memory_space<vmem>> -> memref<1x8x2048xf32, #tpu.memory_space<vmem>>
    %dma_wait3A_1266 = tpu.memref_squeeze %dma_wait3A_1265 : memref<1x8x2048xf32, #tpu.memory_space<vmem>> -> memref<8x2048xf32, #tpu.memory_space<vmem>>
    %dma_wait3A_1267 = arith.constant 184 : i32
    %dma_wait3A_1268 = tpu.memref_slice %arg5[%dma_wait3A_1267] : memref<256xi32, #tpu.memory_space<vmem>> -> memref<8xi32, #tpu.memory_space<vmem>>
    %dma_wait3A_1269 = arith.constant 0 : i32
    %dma_wait3A_1270 = arith.constant 0 : i32
    %dma_wait3A_1271 = tpu.memref_slice %arg3[%dma_wait3A_1269, %dma_wait3A_1270] : memref<100000x2048xf32, #tpu.memory_space<hbm>> -> memref<100000x2048xf32, #tpu.memory_space<hbm>>
    tpu.wait_indirect_dma semaphore(%arg12 : memref<!tpu.dma_semaphore, #tpu.memory_space<semaphore_mem>>) src(%dma_wait3A_1271 : memref<100000x2048xf32, #tpu.memory_space<hbm>>) dst(%dma_wait3A_1266 : memref<8x2048xf32, #tpu.memory_space<vmem>>)
    %dma_wait3A_1272 = arith.constant 4 : i32
    %dma_wait3A_1273 = arith.constant 0 : i32
    %dma_wait3A_1274 = arith.constant 0 : i32
    %dma_wait3A_1275 = tpu.memref_slice %arg6[%dma_wait3A_1272, %dma_wait3A_1273, %dma_wait3A_1274] : memref<6x8x2048xf32, #tpu.memory_space<vmem>> -> memref<1x8x2048xf32, #tpu.memory_space<vmem>>
    %dma_wait3A_1276 = tpu.memref_squeeze %dma_wait3A_1275 : memref<1x8x2048xf32, #tpu.memory_space<vmem>> -> memref<8x2048xf32, #tpu.memory_space<vmem>>
    %dma_wait3A_1277 = arith.constant 0 : i32
    %dma_wait3A_1278 = tpu.memref_slice %arg4[%select_n3A, %add3A_1246, %dma_wait3A_1277] : memref<4x2048x2048xf32, #tpu.memory_space<hbm>> -> memref<1x8x2048xf32, #tpu.memory_space<hbm>>
    %dma_wait3A_1279 = tpu.memref_squeeze %dma_wait3A_1278 : memref<1x8x2048xf32, #tpu.memory_space<hbm>> -> memref<8x2048xf32, #tpu.memory_space<hbm>>
    %dma_wait3A_1280 = arith.constant 0 : i32
    %dma_wait3A_1281 = tpu.memref_slice %arg4[%select_n3A, %add3A_1246, %dma_wait3A_1280] : memref<4x2048x2048xf32, #tpu.memory_space<hbm>> -> memref<1x8x2048xf32, #tpu.memory_space<hbm>>
    %dma_wait3A_1282 = tpu.memref_squeeze %dma_wait3A_1281 : memref<1x8x2048xf32, #tpu.memory_space<hbm>> -> memref<8x2048xf32, #tpu.memory_space<hbm>>
    %dma_wait3A_1283 = arith.constant 0 : i32
    %dma_wait3A_1284 = arith.constant 0 : i32
    %dma_wait3A_1285 = tpu.memref_slice %arg6[%dma_wait3A_1272, %dma_wait3A_1283, %dma_wait3A_1284] : memref<6x8x2048xf32, #tpu.memory_space<vmem>> -> memref<1x8x2048xf32, #tpu.memory_space<vmem>>
    %dma_wait3A_1286 = tpu.memref_squeeze %dma_wait3A_1285 : memref<1x8x2048xf32, #tpu.memory_space<vmem>> -> memref<8x2048xf32, #tpu.memory_space<vmem>>
    tpu.wait_dma2 semaphore(%arg17 : memref<!tpu.dma_semaphore, #tpu.memory_space<semaphore_mem>>) src(%dma_wait3A_1286 : memref<8x2048xf32, #tpu.memory_space<vmem>>) dst(%dma_wait3A_1282 : memref<8x2048xf32, #tpu.memory_space<hbm>>)
    %dma_start3A_1287 = arith.constant 4 : i32
    %dma_start3A_1288 = arith.constant 0 : i32
    %dma_start3A_1289 = arith.constant 0 : i32
    %dma_start3A_1290 = tpu.memref_slice %arg6[%dma_start3A_1287, %dma_start3A_1288, %dma_start3A_1289] : memref<6x8x2048xf32, #tpu.memory_space<vmem>> -> memref<1x8x2048xf32, #tpu.memory_space<vmem>>
    %dma_start3A_1291 = tpu.memref_squeeze %dma_start3A_1290 : memref<1x8x2048xf32, #tpu.memory_space<vmem>> -> memref<8x2048xf32, #tpu.memory_space<vmem>>
    %dma_start3A_1292 = arith.constant 224 : i32
    %dma_start3A_1293 = tpu.memref_slice %arg5[%dma_start3A_1292] : memref<256xi32, #tpu.memory_space<vmem>> -> memref<8xi32, #tpu.memory_space<vmem>>
    %dma_start3A_1294 = arith.constant 0 : i32
    %dma_start3A_1295 = arith.constant 0 : i32
    %dma_start3A_1296 = tpu.memref_slice %arg3[%dma_start3A_1294, %dma_start3A_1295] : memref<100000x2048xf32, #tpu.memory_space<hbm>> -> memref<100000x2048xf32, #tpu.memory_space<hbm>>
    tpu.enqueue_indirect_dma source(%dma_start3A_1296 : memref<100000x2048xf32, #tpu.memory_space<hbm>>) target(%dma_start3A_1291 : memref<8x2048xf32, #tpu.memory_space<vmem>>) offsets(%dma_start3A_1293 : memref<8xi32, #tpu.memory_space<vmem>>) semaphore(%arg11 : memref<!tpu.dma_semaphore, #tpu.memory_space<semaphore_mem>>)
    %add3A_1297 = arith.constant 184 : i32
    %add3A_1298 = arith.addi %mul3A_32, %add3A_1297 : i32
    %dma_start3A_1299 = arith.constant 5 : i32
    %dma_start3A_1300 = arith.constant 0 : i32
    %dma_start3A_1301 = arith.constant 0 : i32
    %dma_start3A_1302 = tpu.memref_slice %arg6[%dma_start3A_1299, %dma_start3A_1300, %dma_start3A_1301] : memref<6x8x2048xf32, #tpu.memory_space<vmem>> -> memref<1x8x2048xf32, #tpu.memory_space<vmem>>
    %dma_start3A_1303 = tpu.memref_squeeze %dma_start3A_1302 : memref<1x8x2048xf32, #tpu.memory_space<vmem>> -> memref<8x2048xf32, #tpu.memory_space<vmem>>
    %dma_start3A_1304 = arith.constant 0 : i32
    %dma_start3A_1305 = tpu.memref_slice %arg4[%select_n3A, %add3A_1298, %dma_start3A_1304] : memref<4x2048x2048xf32, #tpu.memory_space<hbm>> -> memref<1x8x2048xf32, #tpu.memory_space<hbm>>
    %dma_start3A_1306 = tpu.memref_squeeze %dma_start3A_1305 : memref<1x8x2048xf32, #tpu.memory_space<hbm>> -> memref<8x2048xf32, #tpu.memory_space<hbm>>
    %dma_start3A_1307 = arith.constant 0 : i32
    %dma_start3A_1308 = tpu.memref_slice %arg4[%select_n3A, %add3A_1298, %dma_start3A_1307] : memref<4x2048x2048xf32, #tpu.memory_space<hbm>> -> memref<1x8x2048xf32, #tpu.memory_space<hbm>>
    %dma_start3A_1309 = tpu.memref_squeeze %dma_start3A_1308 : memref<1x8x2048xf32, #tpu.memory_space<hbm>> -> memref<8x2048xf32, #tpu.memory_space<hbm>>
    %dma_start3A_1310 = arith.constant 0 : i32
    %dma_start3A_1311 = arith.constant 0 : i32
    %dma_start3A_1312 = tpu.memref_slice %arg6[%dma_start3A_1299, %dma_start3A_1310, %dma_start3A_1311] : memref<6x8x2048xf32, #tpu.memory_space<vmem>> -> memref<1x8x2048xf32, #tpu.memory_space<vmem>>
    %dma_start3A_1313 = tpu.memref_squeeze %dma_start3A_1312 : memref<1x8x2048xf32, #tpu.memory_space<vmem>> -> memref<8x2048xf32, #tpu.memory_space<vmem>>
    tpu.enqueue_dma source(%dma_start3A_1313 : memref<8x2048xf32, #tpu.memory_space<vmem>>) target(%dma_start3A_1309 : memref<8x2048xf32, #tpu.memory_space<hbm>>) target_semaphore(%arg18 : memref<!tpu.dma_semaphore, #tpu.memory_space<semaphore_mem>>)
    %dma_wait3A_1314 = arith.constant 0 : i32
    %dma_wait3A_1315 = arith.constant 0 : i32
    %dma_wait3A_1316 = arith.constant 0 : i32
    %dma_wait3A_1317 = tpu.memref_slice %arg6[%dma_wait3A_1314, %dma_wait3A_1315, %dma_wait3A_1316] : memref<6x8x2048xf32, #tpu.memory_space<vmem>> -> memref<1x8x2048xf32, #tpu.memory_space<vmem>>
    %dma_wait3A_1318 = tpu.memref_squeeze %dma_wait3A_1317 : memref<1x8x2048xf32, #tpu.memory_space<vmem>> -> memref<8x2048xf32, #tpu.memory_space<vmem>>
    %dma_wait3A_1319 = arith.constant 192 : i32
    %dma_wait3A_1320 = tpu.memref_slice %arg5[%dma_wait3A_1319] : memref<256xi32, #tpu.memory_space<vmem>> -> memref<8xi32, #tpu.memory_space<vmem>>
    %dma_wait3A_1321 = arith.constant 0 : i32
    %dma_wait3A_1322 = arith.constant 0 : i32
    %dma_wait3A_1323 = tpu.memref_slice %arg3[%dma_wait3A_1321, %dma_wait3A_1322] : memref<100000x2048xf32, #tpu.memory_space<hbm>> -> memref<100000x2048xf32, #tpu.memory_space<hbm>>
    tpu.wait_indirect_dma semaphore(%arg7 : memref<!tpu.dma_semaphore, #tpu.memory_space<semaphore_mem>>) src(%dma_wait3A_1323 : memref<100000x2048xf32, #tpu.memory_space<hbm>>) dst(%dma_wait3A_1318 : memref<8x2048xf32, #tpu.memory_space<vmem>>)
    %dma_wait3A_1324 = arith.constant 5 : i32
    %dma_wait3A_1325 = arith.constant 0 : i32
    %dma_wait3A_1326 = arith.constant 0 : i32
    %dma_wait3A_1327 = tpu.memref_slice %arg6[%dma_wait3A_1324, %dma_wait3A_1325, %dma_wait3A_1326] : memref<6x8x2048xf32, #tpu.memory_space<vmem>> -> memref<1x8x2048xf32, #tpu.memory_space<vmem>>
    %dma_wait3A_1328 = tpu.memref_squeeze %dma_wait3A_1327 : memref<1x8x2048xf32, #tpu.memory_space<vmem>> -> memref<8x2048xf32, #tpu.memory_space<vmem>>
    %dma_wait3A_1329 = arith.constant 0 : i32
    %dma_wait3A_1330 = tpu.memref_slice %arg4[%select_n3A, %add3A_1298, %dma_wait3A_1329] : memref<4x2048x2048xf32, #tpu.memory_space<hbm>> -> memref<1x8x2048xf32, #tpu.memory_space<hbm>>
    %dma_wait3A_1331 = tpu.memref_squeeze %dma_wait3A_1330 : memref<1x8x2048xf32, #tpu.memory_space<hbm>> -> memref<8x2048xf32, #tpu.memory_space<hbm>>
    %dma_wait3A_1332 = arith.constant 0 : i32
    %dma_wait3A_1333 = tpu.memref_slice %arg4[%select_n3A, %add3A_1298, %dma_wait3A_1332] : memref<4x2048x2048xf32, #tpu.memory_space<hbm>> -> memref<1x8x2048xf32, #tpu.memory_space<hbm>>
    %dma_wait3A_1334 = tpu.memref_squeeze %dma_wait3A_1333 : memref<1x8x2048xf32, #tpu.memory_space<hbm>> -> memref<8x2048xf32, #tpu.memory_space<hbm>>
    %dma_wait3A_1335 = arith.constant 0 : i32
    %dma_wait3A_1336 = arith.constant 0 : i32
    %dma_wait3A_1337 = tpu.memref_slice %arg6[%dma_wait3A_1324, %dma_wait3A_1335, %dma_wait3A_1336] : memref<6x8x2048xf32, #tpu.memory_space<vmem>> -> memref<1x8x2048xf32, #tpu.memory_space<vmem>>
    %dma_wait3A_1338 = tpu.memref_squeeze %dma_wait3A_1337 : memref<1x8x2048xf32, #tpu.memory_space<vmem>> -> memref<8x2048xf32, #tpu.memory_space<vmem>>
    tpu.wait_dma2 semaphore(%arg18 : memref<!tpu.dma_semaphore, #tpu.memory_space<semaphore_mem>>) src(%dma_wait3A_1338 : memref<8x2048xf32, #tpu.memory_space<vmem>>) dst(%dma_wait3A_1334 : memref<8x2048xf32, #tpu.memory_space<hbm>>)
    %dma_start3A_1339 = arith.constant 5 : i32
    %dma_start3A_1340 = arith.constant 0 : i32
    %dma_start3A_1341 = arith.constant 0 : i32
    %dma_start3A_1342 = tpu.memref_slice %arg6[%dma_start3A_1339, %dma_start3A_1340, %dma_start3A_1341] : memref<6x8x2048xf32, #tpu.memory_space<vmem>> -> memref<1x8x2048xf32, #tpu.memory_space<vmem>>
    %dma_start3A_1343 = tpu.memref_squeeze %dma_start3A_1342 : memref<1x8x2048xf32, #tpu.memory_space<vmem>> -> memref<8x2048xf32, #tpu.memory_space<vmem>>
    %dma_start3A_1344 = arith.constant 232 : i32
    %dma_start3A_1345 = tpu.memref_slice %arg5[%dma_start3A_1344] : memref<256xi32, #tpu.memory_space<vmem>> -> memref<8xi32, #tpu.memory_space<vmem>>
    %dma_start3A_1346 = arith.constant 0 : i32
    %dma_start3A_1347 = arith.constant 0 : i32
    %dma_start3A_1348 = tpu.memref_slice %arg3[%dma_start3A_1346, %dma_start3A_1347] : memref<100000x2048xf32, #tpu.memory_space<hbm>> -> memref<100000x2048xf32, #tpu.memory_space<hbm>>
    tpu.enqueue_indirect_dma source(%dma_start3A_1348 : memref<100000x2048xf32, #tpu.memory_space<hbm>>) target(%dma_start3A_1343 : memref<8x2048xf32, #tpu.memory_space<vmem>>) offsets(%dma_start3A_1345 : memref<8xi32, #tpu.memory_space<vmem>>) semaphore(%arg12 : memref<!tpu.dma_semaphore, #tpu.memory_space<semaphore_mem>>)
    %add3A_1349 = arith.constant 192 : i32
    %add3A_1350 = arith.addi %mul3A_32, %add3A_1349 : i32
    %dma_start3A_1351 = arith.constant 0 : i32
    %dma_start3A_1352 = arith.constant 0 : i32
    %dma_start3A_1353 = arith.constant 0 : i32
    %dma_start3A_1354 = tpu.memref_slice %arg6[%dma_start3A_1351, %dma_start3A_1352, %dma_start3A_1353] : memref<6x8x2048xf32, #tpu.memory_space<vmem>> -> memref<1x8x2048xf32, #tpu.memory_space<vmem>>
    %dma_start3A_1355 = tpu.memref_squeeze %dma_start3A_1354 : memref<1x8x2048xf32, #tpu.memory_space<vmem>> -> memref<8x2048xf32, #tpu.memory_space<vmem>>
    %dma_start3A_1356 = arith.constant 0 : i32
    %dma_start3A_1357 = tpu.memref_slice %arg4[%select_n3A, %add3A_1350, %dma_start3A_1356] : memref<4x2048x2048xf32, #tpu.memory_space<hbm>> -> memref<1x8x2048xf32, #tpu.memory_space<hbm>>
    %dma_start3A_1358 = tpu.memref_squeeze %dma_start3A_1357 : memref<1x8x2048xf32, #tpu.memory_space<hbm>> -> memref<8x2048xf32, #tpu.memory_space<hbm>>
    %dma_start3A_1359 = arith.constant 0 : i32
    %dma_start3A_1360 = tpu.memref_slice %arg4[%select_n3A, %add3A_1350, %dma_start3A_1359] : memref<4x2048x2048xf32, #tpu.memory_space<hbm>> -> memref<1x8x2048xf32, #tpu.memory_space<hbm>>
    %dma_start3A_1361 = tpu.memref_squeeze %dma_start3A_1360 : memref<1x8x2048xf32, #tpu.memory_space<hbm>> -> memref<8x2048xf32, #tpu.memory_space<hbm>>
    %dma_start3A_1362 = arith.constant 0 : i32
    %dma_start3A_1363 = arith.constant 0 : i32
    %dma_start3A_1364 = tpu.memref_slice %arg6[%dma_start3A_1351, %dma_start3A_1362, %dma_start3A_1363] : memref<6x8x2048xf32, #tpu.memory_space<vmem>> -> memref<1x8x2048xf32, #tpu.memory_space<vmem>>
    %dma_start3A_1365 = tpu.memref_squeeze %dma_start3A_1364 : memref<1x8x2048xf32, #tpu.memory_space<vmem>> -> memref<8x2048xf32, #tpu.memory_space<vmem>>
    tpu.enqueue_dma source(%dma_start3A_1365 : memref<8x2048xf32, #tpu.memory_space<vmem>>) target(%dma_start3A_1361 : memref<8x2048xf32, #tpu.memory_space<hbm>>) target_semaphore(%arg13 : memref<!tpu.dma_semaphore, #tpu.memory_space<semaphore_mem>>)
    %dma_wait3A_1366 = arith.constant 1 : i32
    %dma_wait3A_1367 = arith.constant 0 : i32
    %dma_wait3A_1368 = arith.constant 0 : i32
    %dma_wait3A_1369 = tpu.memref_slice %arg6[%dma_wait3A_1366, %dma_wait3A_1367, %dma_wait3A_1368] : memref<6x8x2048xf32, #tpu.memory_space<vmem>> -> memref<1x8x2048xf32, #tpu.memory_space<vmem>>
    %dma_wait3A_1370 = tpu.memref_squeeze %dma_wait3A_1369 : memref<1x8x2048xf32, #tpu.memory_space<vmem>> -> memref<8x2048xf32, #tpu.memory_space<vmem>>
    %dma_wait3A_1371 = arith.constant 200 : i32
    %dma_wait3A_1372 = tpu.memref_slice %arg5[%dma_wait3A_1371] : memref<256xi32, #tpu.memory_space<vmem>> -> memref<8xi32, #tpu.memory_space<vmem>>
    %dma_wait3A_1373 = arith.constant 0 : i32
    %dma_wait3A_1374 = arith.constant 0 : i32
    %dma_wait3A_1375 = tpu.memref_slice %arg3[%dma_wait3A_1373, %dma_wait3A_1374] : memref<100000x2048xf32, #tpu.memory_space<hbm>> -> memref<100000x2048xf32, #tpu.memory_space<hbm>>
    tpu.wait_indirect_dma semaphore(%arg8 : memref<!tpu.dma_semaphore, #tpu.memory_space<semaphore_mem>>) src(%dma_wait3A_1375 : memref<100000x2048xf32, #tpu.memory_space<hbm>>) dst(%dma_wait3A_1370 : memref<8x2048xf32, #tpu.memory_space<vmem>>)
    %dma_wait3A_1376 = arith.constant 0 : i32
    %dma_wait3A_1377 = arith.constant 0 : i32
    %dma_wait3A_1378 = arith.constant 0 : i32
    %dma_wait3A_1379 = tpu.memref_slice %arg6[%dma_wait3A_1376, %dma_wait3A_1377, %dma_wait3A_1378] : memref<6x8x2048xf32, #tpu.memory_space<vmem>> -> memref<1x8x2048xf32, #tpu.memory_space<vmem>>
    %dma_wait3A_1380 = tpu.memref_squeeze %dma_wait3A_1379 : memref<1x8x2048xf32, #tpu.memory_space<vmem>> -> memref<8x2048xf32, #tpu.memory_space<vmem>>
    %dma_wait3A_1381 = arith.constant 0 : i32
    %dma_wait3A_1382 = tpu.memref_slice %arg4[%select_n3A, %add3A_1350, %dma_wait3A_1381] : memref<4x2048x2048xf32, #tpu.memory_space<hbm>> -> memref<1x8x2048xf32, #tpu.memory_space<hbm>>
    %dma_wait3A_1383 = tpu.memref_squeeze %dma_wait3A_1382 : memref<1x8x2048xf32, #tpu.memory_space<hbm>> -> memref<8x2048xf32, #tpu.memory_space<hbm>>
    %dma_wait3A_1384 = arith.constant 0 : i32
    %dma_wait3A_1385 = tpu.memref_slice %arg4[%select_n3A, %add3A_1350, %dma_wait3A_1384] : memref<4x2048x2048xf32, #tpu.memory_space<hbm>> -> memref<1x8x2048xf32, #tpu.memory_space<hbm>>
    %dma_wait3A_1386 = tpu.memref_squeeze %dma_wait3A_1385 : memref<1x8x2048xf32, #tpu.memory_space<hbm>> -> memref<8x2048xf32, #tpu.memory_space<hbm>>
    %dma_wait3A_1387 = arith.constant 0 : i32
    %dma_wait3A_1388 = arith.constant 0 : i32
    %dma_wait3A_1389 = tpu.memref_slice %arg6[%dma_wait3A_1376, %dma_wait3A_1387, %dma_wait3A_1388] : memref<6x8x2048xf32, #tpu.memory_space<vmem>> -> memref<1x8x2048xf32, #tpu.memory_space<vmem>>
    %dma_wait3A_1390 = tpu.memref_squeeze %dma_wait3A_1389 : memref<1x8x2048xf32, #tpu.memory_space<vmem>> -> memref<8x2048xf32, #tpu.memory_space<vmem>>
    tpu.wait_dma2 semaphore(%arg13 : memref<!tpu.dma_semaphore, #tpu.memory_space<semaphore_mem>>) src(%dma_wait3A_1390 : memref<8x2048xf32, #tpu.memory_space<vmem>>) dst(%dma_wait3A_1386 : memref<8x2048xf32, #tpu.memory_space<hbm>>)
    %dma_start3A_1391 = arith.constant 0 : i32
    %dma_start3A_1392 = arith.constant 0 : i32
    %dma_start3A_1393 = arith.constant 0 : i32
    %dma_start3A_1394 = tpu.memref_slice %arg6[%dma_start3A_1391, %dma_start3A_1392, %dma_start3A_1393] : memref<6x8x2048xf32, #tpu.memory_space<vmem>> -> memref<1x8x2048xf32, #tpu.memory_space<vmem>>
    %dma_start3A_1395 = tpu.memref_squeeze %dma_start3A_1394 : memref<1x8x2048xf32, #tpu.memory_space<vmem>> -> memref<8x2048xf32, #tpu.memory_space<vmem>>
    %dma_start3A_1396 = arith.constant 240 : i32
    %dma_start3A_1397 = tpu.memref_slice %arg5[%dma_start3A_1396] : memref<256xi32, #tpu.memory_space<vmem>> -> memref<8xi32, #tpu.memory_space<vmem>>
    %dma_start3A_1398 = arith.constant 0 : i32
    %dma_start3A_1399 = arith.constant 0 : i32
    %dma_start3A_1400 = tpu.memref_slice %arg3[%dma_start3A_1398, %dma_start3A_1399] : memref<100000x2048xf32, #tpu.memory_space<hbm>> -> memref<100000x2048xf32, #tpu.memory_space<hbm>>
    tpu.enqueue_indirect_dma source(%dma_start3A_1400 : memref<100000x2048xf32, #tpu.memory_space<hbm>>) target(%dma_start3A_1395 : memref<8x2048xf32, #tpu.memory_space<vmem>>) offsets(%dma_start3A_1397 : memref<8xi32, #tpu.memory_space<vmem>>) semaphore(%arg7 : memref<!tpu.dma_semaphore, #tpu.memory_space<semaphore_mem>>)
    %add3A_1401 = arith.constant 200 : i32
    %add3A_1402 = arith.addi %mul3A_32, %add3A_1401 : i32
    %dma_start3A_1403 = arith.constant 1 : i32
    %dma_start3A_1404 = arith.constant 0 : i32
    %dma_start3A_1405 = arith.constant 0 : i32
    %dma_start3A_1406 = tpu.memref_slice %arg6[%dma_start3A_1403, %dma_start3A_1404, %dma_start3A_1405] : memref<6x8x2048xf32, #tpu.memory_space<vmem>> -> memref<1x8x2048xf32, #tpu.memory_space<vmem>>
    %dma_start3A_1407 = tpu.memref_squeeze %dma_start3A_1406 : memref<1x8x2048xf32, #tpu.memory_space<vmem>> -> memref<8x2048xf32, #tpu.memory_space<vmem>>
    %dma_start3A_1408 = arith.constant 0 : i32
    %dma_start3A_1409 = tpu.memref_slice %arg4[%select_n3A, %add3A_1402, %dma_start3A_1408] : memref<4x2048x2048xf32, #tpu.memory_space<hbm>> -> memref<1x8x2048xf32, #tpu.memory_space<hbm>>
    %dma_start3A_1410 = tpu.memref_squeeze %dma_start3A_1409 : memref<1x8x2048xf32, #tpu.memory_space<hbm>> -> memref<8x2048xf32, #tpu.memory_space<hbm>>
    %dma_start3A_1411 = arith.constant 0 : i32
    %dma_start3A_1412 = tpu.memref_slice %arg4[%select_n3A, %add3A_1402, %dma_start3A_1411] : memref<4x2048x2048xf32, #tpu.memory_space<hbm>> -> memref<1x8x2048xf32, #tpu.memory_space<hbm>>
    %dma_start3A_1413 = tpu.memref_squeeze %dma_start3A_1412 : memref<1x8x2048xf32, #tpu.memory_space<hbm>> -> memref<8x2048xf32, #tpu.memory_space<hbm>>
    %dma_start3A_1414 = arith.constant 0 : i32
    %dma_start3A_1415 = arith.constant 0 : i32
    %dma_start3A_1416 = tpu.memref_slice %arg6[%dma_start3A_1403, %dma_start3A_1414, %dma_start3A_1415] : memref<6x8x2048xf32, #tpu.memory_space<vmem>> -> memref<1x8x2048xf32, #tpu.memory_space<vmem>>
    %dma_start3A_1417 = tpu.memref_squeeze %dma_start3A_1416 : memref<1x8x2048xf32, #tpu.memory_space<vmem>> -> memref<8x2048xf32, #tpu.memory_space<vmem>>
    tpu.enqueue_dma source(%dma_start3A_1417 : memref<8x2048xf32, #tpu.memory_space<vmem>>) target(%dma_start3A_1413 : memref<8x2048xf32, #tpu.memory_space<hbm>>) target_semaphore(%arg14 : memref<!tpu.dma_semaphore, #tpu.memory_space<semaphore_mem>>)
    %dma_wait3A_1418 = arith.constant 2 : i32
    %dma_wait3A_1419 = arith.constant 0 : i32
    %dma_wait3A_1420 = arith.constant 0 : i32
    %dma_wait3A_1421 = tpu.memref_slice %arg6[%dma_wait3A_1418, %dma_wait3A_1419, %dma_wait3A_1420] : memref<6x8x2048xf32, #tpu.memory_space<vmem>> -> memref<1x8x2048xf32, #tpu.memory_space<vmem>>
    %dma_wait3A_1422 = tpu.memref_squeeze %dma_wait3A_1421 : memref<1x8x2048xf32, #tpu.memory_space<vmem>> -> memref<8x2048xf32, #tpu.memory_space<vmem>>
    %dma_wait3A_1423 = arith.constant 208 : i32
    %dma_wait3A_1424 = tpu.memref_slice %arg5[%dma_wait3A_1423] : memref<256xi32, #tpu.memory_space<vmem>> -> memref<8xi32, #tpu.memory_space<vmem>>
    %dma_wait3A_1425 = arith.constant 0 : i32
    %dma_wait3A_1426 = arith.constant 0 : i32
    %dma_wait3A_1427 = tpu.memref_slice %arg3[%dma_wait3A_1425, %dma_wait3A_1426] : memref<100000x2048xf32, #tpu.memory_space<hbm>> -> memref<100000x2048xf32, #tpu.memory_space<hbm>>
    tpu.wait_indirect_dma semaphore(%arg9 : memref<!tpu.dma_semaphore, #tpu.memory_space<semaphore_mem>>) src(%dma_wait3A_1427 : memref<100000x2048xf32, #tpu.memory_space<hbm>>) dst(%dma_wait3A_1422 : memref<8x2048xf32, #tpu.memory_space<vmem>>)
    %dma_wait3A_1428 = arith.constant 1 : i32
    %dma_wait3A_1429 = arith.constant 0 : i32
    %dma_wait3A_1430 = arith.constant 0 : i32
    %dma_wait3A_1431 = tpu.memref_slice %arg6[%dma_wait3A_1428, %dma_wait3A_1429, %dma_wait3A_1430] : memref<6x8x2048xf32, #tpu.memory_space<vmem>> -> memref<1x8x2048xf32, #tpu.memory_space<vmem>>
    %dma_wait3A_1432 = tpu.memref_squeeze %dma_wait3A_1431 : memref<1x8x2048xf32, #tpu.memory_space<vmem>> -> memref<8x2048xf32, #tpu.memory_space<vmem>>
    %dma_wait3A_1433 = arith.constant 0 : i32
    %dma_wait3A_1434 = tpu.memref_slice %arg4[%select_n3A, %add3A_1402, %dma_wait3A_1433] : memref<4x2048x2048xf32, #tpu.memory_space<hbm>> -> memref<1x8x2048xf32, #tpu.memory_space<hbm>>
    %dma_wait3A_1435 = tpu.memref_squeeze %dma_wait3A_1434 : memref<1x8x2048xf32, #tpu.memory_space<hbm>> -> memref<8x2048xf32, #tpu.memory_space<hbm>>
    %dma_wait3A_1436 = arith.constant 0 : i32
    %dma_wait3A_1437 = tpu.memref_slice %arg4[%select_n3A, %add3A_1402, %dma_wait3A_1436] : memref<4x2048x2048xf32, #tpu.memory_space<hbm>> -> memref<1x8x2048xf32, #tpu.memory_space<hbm>>
    %dma_wait3A_1438 = tpu.memref_squeeze %dma_wait3A_1437 : memref<1x8x2048xf32, #tpu.memory_space<hbm>> -> memref<8x2048xf32, #tpu.memory_space<hbm>>
    %dma_wait3A_1439 = arith.constant 0 : i32
    %dma_wait3A_1440 = arith.constant 0 : i32
    %dma_wait3A_1441 = tpu.memref_slice %arg6[%dma_wait3A_1428, %dma_wait3A_1439, %dma_wait3A_1440] : memref<6x8x2048xf32, #tpu.memory_space<vmem>> -> memref<1x8x2048xf32, #tpu.memory_space<vmem>>
    %dma_wait3A_1442 = tpu.memref_squeeze %dma_wait3A_1441 : memref<1x8x2048xf32, #tpu.memory_space<vmem>> -> memref<8x2048xf32, #tpu.memory_space<vmem>>
    tpu.wait_dma2 semaphore(%arg14 : memref<!tpu.dma_semaphore, #tpu.memory_space<semaphore_mem>>) src(%dma_wait3A_1442 : memref<8x2048xf32, #tpu.memory_space<vmem>>) dst(%dma_wait3A_1438 : memref<8x2048xf32, #tpu.memory_space<hbm>>)
    %dma_start3A_1443 = arith.constant 1 : i32
    %dma_start3A_1444 = arith.constant 0 : i32
    %dma_start3A_1445 = arith.constant 0 : i32
    %dma_start3A_1446 = tpu.memref_slice %arg6[%dma_start3A_1443, %dma_start3A_1444, %dma_start3A_1445] : memref<6x8x2048xf32, #tpu.memory_space<vmem>> -> memref<1x8x2048xf32, #tpu.memory_space<vmem>>
    %dma_start3A_1447 = tpu.memref_squeeze %dma_start3A_1446 : memref<1x8x2048xf32, #tpu.memory_space<vmem>> -> memref<8x2048xf32, #tpu.memory_space<vmem>>
    %dma_start3A_1448 = arith.constant 248 : i32
    %dma_start3A_1449 = tpu.memref_slice %arg5[%dma_start3A_1448] : memref<256xi32, #tpu.memory_space<vmem>> -> memref<8xi32, #tpu.memory_space<vmem>>
    %dma_start3A_1450 = arith.constant 0 : i32
    %dma_start3A_1451 = arith.constant 0 : i32
    %dma_start3A_1452 = tpu.memref_slice %arg3[%dma_start3A_1450, %dma_start3A_1451] : memref<100000x2048xf32, #tpu.memory_space<hbm>> -> memref<100000x2048xf32, #tpu.memory_space<hbm>>
    tpu.enqueue_indirect_dma source(%dma_start3A_1452 : memref<100000x2048xf32, #tpu.memory_space<hbm>>) target(%dma_start3A_1447 : memref<8x2048xf32, #tpu.memory_space<vmem>>) offsets(%dma_start3A_1449 : memref<8xi32, #tpu.memory_space<vmem>>) semaphore(%arg8 : memref<!tpu.dma_semaphore, #tpu.memory_space<semaphore_mem>>)
    %add3A_1453 = arith.constant 208 : i32
    %add3A_1454 = arith.addi %mul3A_32, %add3A_1453 : i32
    %dma_start3A_1455 = arith.constant 2 : i32
    %dma_start3A_1456 = arith.constant 0 : i32
    %dma_start3A_1457 = arith.constant 0 : i32
    %dma_start3A_1458 = tpu.memref_slice %arg6[%dma_start3A_1455, %dma_start3A_1456, %dma_start3A_1457] : memref<6x8x2048xf32, #tpu.memory_space<vmem>> -> memref<1x8x2048xf32, #tpu.memory_space<vmem>>
    %dma_start3A_1459 = tpu.memref_squeeze %dma_start3A_1458 : memref<1x8x2048xf32, #tpu.memory_space<vmem>> -> memref<8x2048xf32, #tpu.memory_space<vmem>>
    %dma_start3A_1460 = arith.constant 0 : i32
    %dma_start3A_1461 = tpu.memref_slice %arg4[%select_n3A, %add3A_1454, %dma_start3A_1460] : memref<4x2048x2048xf32, #tpu.memory_space<hbm>> -> memref<1x8x2048xf32, #tpu.memory_space<hbm>>
    %dma_start3A_1462 = tpu.memref_squeeze %dma_start3A_1461 : memref<1x8x2048xf32, #tpu.memory_space<hbm>> -> memref<8x2048xf32, #tpu.memory_space<hbm>>
    %dma_start3A_1463 = arith.constant 0 : i32
    %dma_start3A_1464 = tpu.memref_slice %arg4[%select_n3A, %add3A_1454, %dma_start3A_1463] : memref<4x2048x2048xf32, #tpu.memory_space<hbm>> -> memref<1x8x2048xf32, #tpu.memory_space<hbm>>
    %dma_start3A_1465 = tpu.memref_squeeze %dma_start3A_1464 : memref<1x8x2048xf32, #tpu.memory_space<hbm>> -> memref<8x2048xf32, #tpu.memory_space<hbm>>
    %dma_start3A_1466 = arith.constant 0 : i32
    %dma_start3A_1467 = arith.constant 0 : i32
    %dma_start3A_1468 = tpu.memref_slice %arg6[%dma_start3A_1455, %dma_start3A_1466, %dma_start3A_1467] : memref<6x8x2048xf32, #tpu.memory_space<vmem>> -> memref<1x8x2048xf32, #tpu.memory_space<vmem>>
    %dma_start3A_1469 = tpu.memref_squeeze %dma_start3A_1468 : memref<1x8x2048xf32, #tpu.memory_space<vmem>> -> memref<8x2048xf32, #tpu.memory_space<vmem>>
    tpu.enqueue_dma source(%dma_start3A_1469 : memref<8x2048xf32, #tpu.memory_space<vmem>>) target(%dma_start3A_1465 : memref<8x2048xf32, #tpu.memory_space<hbm>>) target_semaphore(%arg15 : memref<!tpu.dma_semaphore, #tpu.memory_space<semaphore_mem>>)
    %dma_wait3A_1470 = arith.constant 3 : i32
    %dma_wait3A_1471 = arith.constant 0 : i32
    %dma_wait3A_1472 = arith.constant 0 : i32
    %dma_wait3A_1473 = tpu.memref_slice %arg6[%dma_wait3A_1470, %dma_wait3A_1471, %dma_wait3A_1472] : memref<6x8x2048xf32, #tpu.memory_space<vmem>> -> memref<1x8x2048xf32, #tpu.memory_space<vmem>>
    %dma_wait3A_1474 = tpu.memref_squeeze %dma_wait3A_1473 : memref<1x8x2048xf32, #tpu.memory_space<vmem>> -> memref<8x2048xf32, #tpu.memory_space<vmem>>
    %dma_wait3A_1475 = arith.constant 216 : i32
    %dma_wait3A_1476 = tpu.memref_slice %arg5[%dma_wait3A_1475] : memref<256xi32, #tpu.memory_space<vmem>> -> memref<8xi32, #tpu.memory_space<vmem>>
    %dma_wait3A_1477 = arith.constant 0 : i32
    %dma_wait3A_1478 = arith.constant 0 : i32
    %dma_wait3A_1479 = tpu.memref_slice %arg3[%dma_wait3A_1477, %dma_wait3A_1478] : memref<100000x2048xf32, #tpu.memory_space<hbm>> -> memref<100000x2048xf32, #tpu.memory_space<hbm>>
    tpu.wait_indirect_dma semaphore(%arg10 : memref<!tpu.dma_semaphore, #tpu.memory_space<semaphore_mem>>) src(%dma_wait3A_1479 : memref<100000x2048xf32, #tpu.memory_space<hbm>>) dst(%dma_wait3A_1474 : memref<8x2048xf32, #tpu.memory_space<vmem>>)
    %add3A_1480 = arith.constant 216 : i32
    %add3A_1481 = arith.addi %mul3A_32, %add3A_1480 : i32
    %dma_start3A_1482 = arith.constant 3 : i32
    %dma_start3A_1483 = arith.constant 0 : i32
    %dma_start3A_1484 = arith.constant 0 : i32
    %dma_start3A_1485 = tpu.memref_slice %arg6[%dma_start3A_1482, %dma_start3A_1483, %dma_start3A_1484] : memref<6x8x2048xf32, #tpu.memory_space<vmem>> -> memref<1x8x2048xf32, #tpu.memory_space<vmem>>
    %dma_start3A_1486 = tpu.memref_squeeze %dma_start3A_1485 : memref<1x8x2048xf32, #tpu.memory_space<vmem>> -> memref<8x2048xf32, #tpu.memory_space<vmem>>
    %dma_start3A_1487 = arith.constant 0 : i32
    %dma_start3A_1488 = tpu.memref_slice %arg4[%select_n3A, %add3A_1481, %dma_start3A_1487] : memref<4x2048x2048xf32, #tpu.memory_space<hbm>> -> memref<1x8x2048xf32, #tpu.memory_space<hbm>>
    %dma_start3A_1489 = tpu.memref_squeeze %dma_start3A_1488 : memref<1x8x2048xf32, #tpu.memory_space<hbm>> -> memref<8x2048xf32, #tpu.memory_space<hbm>>
    %dma_start3A_1490 = arith.constant 0 : i32
    %dma_start3A_1491 = tpu.memref_slice %arg4[%select_n3A, %add3A_1481, %dma_start3A_1490] : memref<4x2048x2048xf32, #tpu.memory_space<hbm>> -> memref<1x8x2048xf32, #tpu.memory_space<hbm>>
    %dma_start3A_1492 = tpu.memref_squeeze %dma_start3A_1491 : memref<1x8x2048xf32, #tpu.memory_space<hbm>> -> memref<8x2048xf32, #tpu.memory_space<hbm>>
    %dma_start3A_1493 = arith.constant 0 : i32
    %dma_start3A_1494 = arith.constant 0 : i32
    %dma_start3A_1495 = tpu.memref_slice %arg6[%dma_start3A_1482, %dma_start3A_1493, %dma_start3A_1494] : memref<6x8x2048xf32, #tpu.memory_space<vmem>> -> memref<1x8x2048xf32, #tpu.memory_space<vmem>>
    %dma_start3A_1496 = tpu.memref_squeeze %dma_start3A_1495 : memref<1x8x2048xf32, #tpu.memory_space<vmem>> -> memref<8x2048xf32, #tpu.memory_space<vmem>>
    tpu.enqueue_dma source(%dma_start3A_1496 : memref<8x2048xf32, #tpu.memory_space<vmem>>) target(%dma_start3A_1492 : memref<8x2048xf32, #tpu.memory_space<hbm>>) target_semaphore(%arg16 : memref<!tpu.dma_semaphore, #tpu.memory_space<semaphore_mem>>)
    %dma_wait3A_1497 = arith.constant 4 : i32
    %dma_wait3A_1498 = arith.constant 0 : i32
    %dma_wait3A_1499 = arith.constant 0 : i32
    %dma_wait3A_1500 = tpu.memref_slice %arg6[%dma_wait3A_1497, %dma_wait3A_1498, %dma_wait3A_1499] : memref<6x8x2048xf32, #tpu.memory_space<vmem>> -> memref<1x8x2048xf32, #tpu.memory_space<vmem>>
    %dma_wait3A_1501 = tpu.memref_squeeze %dma_wait3A_1500 : memref<1x8x2048xf32, #tpu.memory_space<vmem>> -> memref<8x2048xf32, #tpu.memory_space<vmem>>
    %dma_wait3A_1502 = arith.constant 224 : i32
    %dma_wait3A_1503 = tpu.memref_slice %arg5[%dma_wait3A_1502] : memref<256xi32, #tpu.memory_space<vmem>> -> memref<8xi32, #tpu.memory_space<vmem>>
    %dma_wait3A_1504 = arith.constant 0 : i32
    %dma_wait3A_1505 = arith.constant 0 : i32
    %dma_wait3A_1506 = tpu.memref_slice %arg3[%dma_wait3A_1504, %dma_wait3A_1505] : memref<100000x2048xf32, #tpu.memory_space<hbm>> -> memref<100000x2048xf32, #tpu.memory_space<hbm>>
    tpu.wait_indirect_dma semaphore(%arg11 : memref<!tpu.dma_semaphore, #tpu.memory_space<semaphore_mem>>) src(%dma_wait3A_1506 : memref<100000x2048xf32, #tpu.memory_space<hbm>>) dst(%dma_wait3A_1501 : memref<8x2048xf32, #tpu.memory_space<vmem>>)
    %add3A_1507 = arith.constant 224 : i32
    %add3A_1508 = arith.addi %mul3A_32, %add3A_1507 : i32
    %dma_start3A_1509 = arith.constant 4 : i32
    %dma_start3A_1510 = arith.constant 0 : i32
    %dma_start3A_1511 = arith.constant 0 : i32
    %dma_start3A_1512 = tpu.memref_slice %arg6[%dma_start3A_1509, %dma_start3A_1510, %dma_start3A_1511] : memref<6x8x2048xf32, #tpu.memory_space<vmem>> -> memref<1x8x2048xf32, #tpu.memory_space<vmem>>
    %dma_start3A_1513 = tpu.memref_squeeze %dma_start3A_1512 : memref<1x8x2048xf32, #tpu.memory_space<vmem>> -> memref<8x2048xf32, #tpu.memory_space<vmem>>
    %dma_start3A_1514 = arith.constant 0 : i32
    %dma_start3A_1515 = tpu.memref_slice %arg4[%select_n3A, %add3A_1508, %dma_start3A_1514] : memref<4x2048x2048xf32, #tpu.memory_space<hbm>> -> memref<1x8x2048xf32, #tpu.memory_space<hbm>>
    %dma_start3A_1516 = tpu.memref_squeeze %dma_start3A_1515 : memref<1x8x2048xf32, #tpu.memory_space<hbm>> -> memref<8x2048xf32, #tpu.memory_space<hbm>>
    %dma_start3A_1517 = arith.constant 0 : i32
    %dma_start3A_1518 = tpu.memref_slice %arg4[%select_n3A, %add3A_1508, %dma_start3A_1517] : memref<4x2048x2048xf32, #tpu.memory_space<hbm>> -> memref<1x8x2048xf32, #tpu.memory_space<hbm>>
    %dma_start3A_1519 = tpu.memref_squeeze %dma_start3A_1518 : memref<1x8x2048xf32, #tpu.memory_space<hbm>> -> memref<8x2048xf32, #tpu.memory_space<hbm>>
    %dma_start3A_1520 = arith.constant 0 : i32
    %dma_start3A_1521 = arith.constant 0 : i32
    %dma_start3A_1522 = tpu.memref_slice %arg6[%dma_start3A_1509, %dma_start3A_1520, %dma_start3A_1521] : memref<6x8x2048xf32, #tpu.memory_space<vmem>> -> memref<1x8x2048xf32, #tpu.memory_space<vmem>>
    %dma_start3A_1523 = tpu.memref_squeeze %dma_start3A_1522 : memref<1x8x2048xf32, #tpu.memory_space<vmem>> -> memref<8x2048xf32, #tpu.memory_space<vmem>>
    tpu.enqueue_dma source(%dma_start3A_1523 : memref<8x2048xf32, #tpu.memory_space<vmem>>) target(%dma_start3A_1519 : memref<8x2048xf32, #tpu.memory_space<hbm>>) target_semaphore(%arg17 : memref<!tpu.dma_semaphore, #tpu.memory_space<semaphore_mem>>)
    %dma_wait3A_1524 = arith.constant 5 : i32
    %dma_wait3A_1525 = arith.constant 0 : i32
    %dma_wait3A_1526 = arith.constant 0 : i32
    %dma_wait3A_1527 = tpu.memref_slice %arg6[%dma_wait3A_1524, %dma_wait3A_1525, %dma_wait3A_1526] : memref<6x8x2048xf32, #tpu.memory_space<vmem>> -> memref<1x8x2048xf32, #tpu.memory_space<vmem>>
    %dma_wait3A_1528 = tpu.memref_squeeze %dma_wait3A_1527 : memref<1x8x2048xf32, #tpu.memory_space<vmem>> -> memref<8x2048xf32, #tpu.memory_space<vmem>>
    %dma_wait3A_1529 = arith.constant 232 : i32
    %dma_wait3A_1530 = tpu.memref_slice %arg5[%dma_wait3A_1529] : memref<256xi32, #tpu.memory_space<vmem>> -> memref<8xi32, #tpu.memory_space<vmem>>
    %dma_wait3A_1531 = arith.constant 0 : i32
    %dma_wait3A_1532 = arith.constant 0 : i32
    %dma_wait3A_1533 = tpu.memref_slice %arg3[%dma_wait3A_1531, %dma_wait3A_1532] : memref<100000x2048xf32, #tpu.memory_space<hbm>> -> memref<100000x2048xf32, #tpu.memory_space<hbm>>
    tpu.wait_indirect_dma semaphore(%arg12 : memref<!tpu.dma_semaphore, #tpu.memory_space<semaphore_mem>>) src(%dma_wait3A_1533 : memref<100000x2048xf32, #tpu.memory_space<hbm>>) dst(%dma_wait3A_1528 : memref<8x2048xf32, #tpu.memory_space<vmem>>)
    %add3A_1534 = arith.constant 232 : i32
    %add3A_1535 = arith.addi %mul3A_32, %add3A_1534 : i32
    %dma_start3A_1536 = arith.constant 5 : i32
    %dma_start3A_1537 = arith.constant 0 : i32
    %dma_start3A_1538 = arith.constant 0 : i32
    %dma_start3A_1539 = tpu.memref_slice %arg6[%dma_start3A_1536, %dma_start3A_1537, %dma_start3A_1538] : memref<6x8x2048xf32, #tpu.memory_space<vmem>> -> memref<1x8x2048xf32, #tpu.memory_space<vmem>>
    %dma_start3A_1540 = tpu.memref_squeeze %dma_start3A_1539 : memref<1x8x2048xf32, #tpu.memory_space<vmem>> -> memref<8x2048xf32, #tpu.memory_space<vmem>>
    %dma_start3A_1541 = arith.constant 0 : i32
    %dma_start3A_1542 = tpu.memref_slice %arg4[%select_n3A, %add3A_1535, %dma_start3A_1541] : memref<4x2048x2048xf32, #tpu.memory_space<hbm>> -> memref<1x8x2048xf32, #tpu.memory_space<hbm>>
    %dma_start3A_1543 = tpu.memref_squeeze %dma_start3A_1542 : memref<1x8x2048xf32, #tpu.memory_space<hbm>> -> memref<8x2048xf32, #tpu.memory_space<hbm>>
    %dma_start3A_1544 = arith.constant 0 : i32
    %dma_start3A_1545 = tpu.memref_slice %arg4[%select_n3A, %add3A_1535, %dma_start3A_1544] : memref<4x2048x2048xf32, #tpu.memory_space<hbm>> -> memref<1x8x2048xf32, #tpu.memory_space<hbm>>
    %dma_start3A_1546 = tpu.memref_squeeze %dma_start3A_1545 : memref<1x8x2048xf32, #tpu.memory_space<hbm>> -> memref<8x2048xf32, #tpu.memory_space<hbm>>
    %dma_start3A_1547 = arith.constant 0 : i32
    %dma_start3A_1548 = arith.constant 0 : i32
    %dma_start3A_1549 = tpu.memref_slice %arg6[%dma_start3A_1536, %dma_start3A_1547, %dma_start3A_1548] : memref<6x8x2048xf32, #tpu.memory_space<vmem>> -> memref<1x8x2048xf32, #tpu.memory_space<vmem>>
    %dma_start3A_1550 = tpu.memref_squeeze %dma_start3A_1549 : memref<1x8x2048xf32, #tpu.memory_space<vmem>> -> memref<8x2048xf32, #tpu.memory_space<vmem>>
    tpu.enqueue_dma source(%dma_start3A_1550 : memref<8x2048xf32, #tpu.memory_space<vmem>>) target(%dma_start3A_1546 : memref<8x2048xf32, #tpu.memory_space<hbm>>) target_semaphore(%arg18 : memref<!tpu.dma_semaphore, #tpu.memory_space<semaphore_mem>>)
    %dma_wait3A_1551 = arith.constant 0 : i32
    %dma_wait3A_1552 = arith.constant 0 : i32
    %dma_wait3A_1553 = arith.constant 0 : i32
    %dma_wait3A_1554 = tpu.memref_slice %arg6[%dma_wait3A_1551, %dma_wait3A_1552, %dma_wait3A_1553] : memref<6x8x2048xf32, #tpu.memory_space<vmem>> -> memref<1x8x2048xf32, #tpu.memory_space<vmem>>
    %dma_wait3A_1555 = tpu.memref_squeeze %dma_wait3A_1554 : memref<1x8x2048xf32, #tpu.memory_space<vmem>> -> memref<8x2048xf32, #tpu.memory_space<vmem>>
    %dma_wait3A_1556 = arith.constant 240 : i32
    %dma_wait3A_1557 = tpu.memref_slice %arg5[%dma_wait3A_1556] : memref<256xi32, #tpu.memory_space<vmem>> -> memref<8xi32, #tpu.memory_space<vmem>>
    %dma_wait3A_1558 = arith.constant 0 : i32
    %dma_wait3A_1559 = arith.constant 0 : i32
    %dma_wait3A_1560 = tpu.memref_slice %arg3[%dma_wait3A_1558, %dma_wait3A_1559] : memref<100000x2048xf32, #tpu.memory_space<hbm>> -> memref<100000x2048xf32, #tpu.memory_space<hbm>>
    tpu.wait_indirect_dma semaphore(%arg7 : memref<!tpu.dma_semaphore, #tpu.memory_space<semaphore_mem>>) src(%dma_wait3A_1560 : memref<100000x2048xf32, #tpu.memory_space<hbm>>) dst(%dma_wait3A_1555 : memref<8x2048xf32, #tpu.memory_space<vmem>>)
    %add3A_1561 = arith.constant 240 : i32
    %add3A_1562 = arith.addi %mul3A_32, %add3A_1561 : i32
    %dma_start3A_1563 = arith.constant 0 : i32
    %dma_start3A_1564 = arith.constant 0 : i32
    %dma_start3A_1565 = arith.constant 0 : i32
    %dma_start3A_1566 = tpu.memref_slice %arg6[%dma_start3A_1563, %dma_start3A_1564, %dma_start3A_1565] : memref<6x8x2048xf32, #tpu.memory_space<vmem>> -> memref<1x8x2048xf32, #tpu.memory_space<vmem>>
    %dma_start3A_1567 = tpu.memref_squeeze %dma_start3A_1566 : memref<1x8x2048xf32, #tpu.memory_space<vmem>> -> memref<8x2048xf32, #tpu.memory_space<vmem>>
    %dma_start3A_1568 = arith.constant 0 : i32
    %dma_start3A_1569 = tpu.memref_slice %arg4[%select_n3A, %add3A_1562, %dma_start3A_1568] : memref<4x2048x2048xf32, #tpu.memory_space<hbm>> -> memref<1x8x2048xf32, #tpu.memory_space<hbm>>
    %dma_start3A_1570 = tpu.memref_squeeze %dma_start3A_1569 : memref<1x8x2048xf32, #tpu.memory_space<hbm>> -> memref<8x2048xf32, #tpu.memory_space<hbm>>
    %dma_start3A_1571 = arith.constant 0 : i32
    %dma_start3A_1572 = tpu.memref_slice %arg4[%select_n3A, %add3A_1562, %dma_start3A_1571] : memref<4x2048x2048xf32, #tpu.memory_space<hbm>> -> memref<1x8x2048xf32, #tpu.memory_space<hbm>>
    %dma_start3A_1573 = tpu.memref_squeeze %dma_start3A_1572 : memref<1x8x2048xf32, #tpu.memory_space<hbm>> -> memref<8x2048xf32, #tpu.memory_space<hbm>>
    %dma_start3A_1574 = arith.constant 0 : i32
    %dma_start3A_1575 = arith.constant 0 : i32
    %dma_start3A_1576 = tpu.memref_slice %arg6[%dma_start3A_1563, %dma_start3A_1574, %dma_start3A_1575] : memref<6x8x2048xf32, #tpu.memory_space<vmem>> -> memref<1x8x2048xf32, #tpu.memory_space<vmem>>
    %dma_start3A_1577 = tpu.memref_squeeze %dma_start3A_1576 : memref<1x8x2048xf32, #tpu.memory_space<vmem>> -> memref<8x2048xf32, #tpu.memory_space<vmem>>
    tpu.enqueue_dma source(%dma_start3A_1577 : memref<8x2048xf32, #tpu.memory_space<vmem>>) target(%dma_start3A_1573 : memref<8x2048xf32, #tpu.memory_space<hbm>>) target_semaphore(%arg13 : memref<!tpu.dma_semaphore, #tpu.memory_space<semaphore_mem>>)
    %dma_wait3A_1578 = arith.constant 1 : i32
    %dma_wait3A_1579 = arith.constant 0 : i32
    %dma_wait3A_1580 = arith.constant 0 : i32
    %dma_wait3A_1581 = tpu.memref_slice %arg6[%dma_wait3A_1578, %dma_wait3A_1579, %dma_wait3A_1580] : memref<6x8x2048xf32, #tpu.memory_space<vmem>> -> memref<1x8x2048xf32, #tpu.memory_space<vmem>>
    %dma_wait3A_1582 = tpu.memref_squeeze %dma_wait3A_1581 : memref<1x8x2048xf32, #tpu.memory_space<vmem>> -> memref<8x2048xf32, #tpu.memory_space<vmem>>
    %dma_wait3A_1583 = arith.constant 248 : i32
    %dma_wait3A_1584 = tpu.memref_slice %arg5[%dma_wait3A_1583] : memref<256xi32, #tpu.memory_space<vmem>> -> memref<8xi32, #tpu.memory_space<vmem>>
    %dma_wait3A_1585 = arith.constant 0 : i32
    %dma_wait3A_1586 = arith.constant 0 : i32
    %dma_wait3A_1587 = tpu.memref_slice %arg3[%dma_wait3A_1585, %dma_wait3A_1586] : memref<100000x2048xf32, #tpu.memory_space<hbm>> -> memref<100000x2048xf32, #tpu.memory_space<hbm>>
    tpu.wait_indirect_dma semaphore(%arg8 : memref<!tpu.dma_semaphore, #tpu.memory_space<semaphore_mem>>) src(%dma_wait3A_1587 : memref<100000x2048xf32, #tpu.memory_space<hbm>>) dst(%dma_wait3A_1582 : memref<8x2048xf32, #tpu.memory_space<vmem>>)
    %add3A_1588 = arith.constant 248 : i32
    %add3A_1589 = arith.addi %mul3A_32, %add3A_1588 : i32
    %dma_start3A_1590 = arith.constant 1 : i32
    %dma_start3A_1591 = arith.constant 0 : i32
    %dma_start3A_1592 = arith.constant 0 : i32
    %dma_start3A_1593 = tpu.memref_slice %arg6[%dma_start3A_1590, %dma_start3A_1591, %dma_start3A_1592] : memref<6x8x2048xf32, #tpu.memory_space<vmem>> -> memref<1x8x2048xf32, #tpu.memory_space<vmem>>
    %dma_start3A_1594 = tpu.memref_squeeze %dma_start3A_1593 : memref<1x8x2048xf32, #tpu.memory_space<vmem>> -> memref<8x2048xf32, #tpu.memory_space<vmem>>
    %dma_start3A_1595 = arith.constant 0 : i32
    %dma_start3A_1596 = tpu.memref_slice %arg4[%select_n3A, %add3A_1589, %dma_start3A_1595] : memref<4x2048x2048xf32, #tpu.memory_space<hbm>> -> memref<1x8x2048xf32, #tpu.memory_space<hbm>>
    %dma_start3A_1597 = tpu.memref_squeeze %dma_start3A_1596 : memref<1x8x2048xf32, #tpu.memory_space<hbm>> -> memref<8x2048xf32, #tpu.memory_space<hbm>>
    %dma_start3A_1598 = arith.constant 0 : i32
    %dma_start3A_1599 = tpu.memref_slice %arg4[%select_n3A, %add3A_1589, %dma_start3A_1598] : memref<4x2048x2048xf32, #tpu.memory_space<hbm>> -> memref<1x8x2048xf32, #tpu.memory_space<hbm>>
    %dma_start3A_1600 = tpu.memref_squeeze %dma_start3A_1599 : memref<1x8x2048xf32, #tpu.memory_space<hbm>> -> memref<8x2048xf32, #tpu.memory_space<hbm>>
    %dma_start3A_1601 = arith.constant 0 : i32
    %dma_start3A_1602 = arith.constant 0 : i32
    %dma_start3A_1603 = tpu.memref_slice %arg6[%dma_start3A_1590, %dma_start3A_1601, %dma_start3A_1602] : memref<6x8x2048xf32, #tpu.memory_space<vmem>> -> memref<1x8x2048xf32, #tpu.memory_space<vmem>>
    %dma_start3A_1604 = tpu.memref_squeeze %dma_start3A_1603 : memref<1x8x2048xf32, #tpu.memory_space<vmem>> -> memref<8x2048xf32, #tpu.memory_space<vmem>>
    tpu.enqueue_dma source(%dma_start3A_1604 : memref<8x2048xf32, #tpu.memory_space<vmem>>) target(%dma_start3A_1600 : memref<8x2048xf32, #tpu.memory_space<hbm>>) target_semaphore(%arg14 : memref<!tpu.dma_semaphore, #tpu.memory_space<semaphore_mem>>)
    %dma_wait3A_1605 = arith.constant 2 : i32
    %dma_wait3A_1606 = arith.constant 0 : i32
    %dma_wait3A_1607 = arith.constant 0 : i32
    %dma_wait3A_1608 = tpu.memref_slice %arg6[%dma_wait3A_1605, %dma_wait3A_1606, %dma_wait3A_1607] : memref<6x8x2048xf32, #tpu.memory_space<vmem>> -> memref<1x8x2048xf32, #tpu.memory_space<vmem>>
    %dma_wait3A_1609 = tpu.memref_squeeze %dma_wait3A_1608 : memref<1x8x2048xf32, #tpu.memory_space<vmem>> -> memref<8x2048xf32, #tpu.memory_space<vmem>>
    %dma_wait3A_1610 = arith.constant 0 : i32
    %dma_wait3A_1611 = tpu.memref_slice %arg4[%select_n3A, %add3A_1454, %dma_wait3A_1610] : memref<4x2048x2048xf32, #tpu.memory_space<hbm>> -> memref<1x8x2048xf32, #tpu.memory_space<hbm>>
    %dma_wait3A_1612 = tpu.memref_squeeze %dma_wait3A_1611 : memref<1x8x2048xf32, #tpu.memory_space<hbm>> -> memref<8x2048xf32, #tpu.memory_space<hbm>>
    %dma_wait3A_1613 = arith.constant 0 : i32
    %dma_wait3A_1614 = tpu.memref_slice %arg4[%select_n3A, %add3A_1454, %dma_wait3A_1613] : memref<4x2048x2048xf32, #tpu.memory_space<hbm>> -> memref<1x8x2048xf32, #tpu.memory_space<hbm>>
    %dma_wait3A_1615 = tpu.memref_squeeze %dma_wait3A_1614 : memref<1x8x2048xf32, #tpu.memory_space<hbm>> -> memref<8x2048xf32, #tpu.memory_space<hbm>>
    %dma_wait3A_1616 = arith.constant 0 : i32
    %dma_wait3A_1617 = arith.constant 0 : i32
    %dma_wait3A_1618 = tpu.memref_slice %arg6[%dma_wait3A_1605, %dma_wait3A_1616, %dma_wait3A_1617] : memref<6x8x2048xf32, #tpu.memory_space<vmem>> -> memref<1x8x2048xf32, #tpu.memory_space<vmem>>
    %dma_wait3A_1619 = tpu.memref_squeeze %dma_wait3A_1618 : memref<1x8x2048xf32, #tpu.memory_space<vmem>> -> memref<8x2048xf32, #tpu.memory_space<vmem>>
    tpu.wait_dma2 semaphore(%arg15 : memref<!tpu.dma_semaphore, #tpu.memory_space<semaphore_mem>>) src(%dma_wait3A_1619 : memref<8x2048xf32, #tpu.memory_space<vmem>>) dst(%dma_wait3A_1615 : memref<8x2048xf32, #tpu.memory_space<hbm>>)
    %dma_wait3A_1620 = arith.constant 3 : i32
    %dma_wait3A_1621 = arith.constant 0 : i32
    %dma_wait3A_1622 = arith.constant 0 : i32
    %dma_wait3A_1623 = tpu.memref_slice %arg6[%dma_wait3A_1620, %dma_wait3A_1621, %dma_wait3A_1622] : memref<6x8x2048xf32, #tpu.memory_space<vmem>> -> memref<1x8x2048xf32, #tpu.memory_space<vmem>>
    %dma_wait3A_1624 = tpu.memref_squeeze %dma_wait3A_1623 : memref<1x8x2048xf32, #tpu.memory_space<vmem>> -> memref<8x2048xf32, #tpu.memory_space<vmem>>
    %dma_wait3A_1625 = arith.constant 0 : i32
    %dma_wait3A_1626 = tpu.memref_slice %arg4[%select_n3A, %add3A_1481, %dma_wait3A_1625] : memref<4x2048x2048xf32, #tpu.memory_space<hbm>> -> memref<1x8x2048xf32, #tpu.memory_space<hbm>>
    %dma_wait3A_1627 = tpu.memref_squeeze %dma_wait3A_1626 : memref<1x8x2048xf32, #tpu.memory_space<hbm>> -> memref<8x2048xf32, #tpu.memory_space<hbm>>
    %dma_wait3A_1628 = arith.constant 0 : i32
    %dma_wait3A_1629 = tpu.memref_slice %arg4[%select_n3A, %add3A_1481, %dma_wait3A_1628] : memref<4x2048x2048xf32, #tpu.memory_space<hbm>> -> memref<1x8x2048xf32, #tpu.memory_space<hbm>>
    %dma_wait3A_1630 = tpu.memref_squeeze %dma_wait3A_1629 : memref<1x8x2048xf32, #tpu.memory_space<hbm>> -> memref<8x2048xf32, #tpu.memory_space<hbm>>
    %dma_wait3A_1631 = arith.constant 0 : i32
    %dma_wait3A_1632 = arith.constant 0 : i32
    %dma_wait3A_1633 = tpu.memref_slice %arg6[%dma_wait3A_1620, %dma_wait3A_1631, %dma_wait3A_1632] : memref<6x8x2048xf32, #tpu.memory_space<vmem>> -> memref<1x8x2048xf32, #tpu.memory_space<vmem>>
    %dma_wait3A_1634 = tpu.memref_squeeze %dma_wait3A_1633 : memref<1x8x2048xf32, #tpu.memory_space<vmem>> -> memref<8x2048xf32, #tpu.memory_space<vmem>>
    tpu.wait_dma2 semaphore(%arg16 : memref<!tpu.dma_semaphore, #tpu.memory_space<semaphore_mem>>) src(%dma_wait3A_1634 : memref<8x2048xf32, #tpu.memory_space<vmem>>) dst(%dma_wait3A_1630 : memref<8x2048xf32, #tpu.memory_space<hbm>>)
    %dma_wait3A_1635 = arith.constant 4 : i32
    %dma_wait3A_1636 = arith.constant 0 : i32
    %dma_wait3A_1637 = arith.constant 0 : i32
    %dma_wait3A_1638 = tpu.memref_slice %arg6[%dma_wait3A_1635, %dma_wait3A_1636, %dma_wait3A_1637] : memref<6x8x2048xf32, #tpu.memory_space<vmem>> -> memref<1x8x2048xf32, #tpu.memory_space<vmem>>
    %dma_wait3A_1639 = tpu.memref_squeeze %dma_wait3A_1638 : memref<1x8x2048xf32, #tpu.memory_space<vmem>> -> memref<8x2048xf32, #tpu.memory_space<vmem>>
    %dma_wait3A_1640 = arith.constant 0 : i32
    %dma_wait3A_1641 = tpu.memref_slice %arg4[%select_n3A, %add3A_1508, %dma_wait3A_1640] : memref<4x2048x2048xf32, #tpu.memory_space<hbm>> -> memref<1x8x2048xf32, #tpu.memory_space<hbm>>
    %dma_wait3A_1642 = tpu.memref_squeeze %dma_wait3A_1641 : memref<1x8x2048xf32, #tpu.memory_space<hbm>> -> memref<8x2048xf32, #tpu.memory_space<hbm>>
    %dma_wait3A_1643 = arith.constant 0 : i32
    %dma_wait3A_1644 = tpu.memref_slice %arg4[%select_n3A, %add3A_1508, %dma_wait3A_1643] : memref<4x2048x2048xf32, #tpu.memory_space<hbm>> -> memref<1x8x2048xf32, #tpu.memory_space<hbm>>
    %dma_wait3A_1645 = tpu.memref_squeeze %dma_wait3A_1644 : memref<1x8x2048xf32, #tpu.memory_space<hbm>> -> memref<8x2048xf32, #tpu.memory_space<hbm>>
    %dma_wait3A_1646 = arith.constant 0 : i32
    %dma_wait3A_1647 = arith.constant 0 : i32
    %dma_wait3A_1648 = tpu.memref_slice %arg6[%dma_wait3A_1635, %dma_wait3A_1646, %dma_wait3A_1647] : memref<6x8x2048xf32, #tpu.memory_space<vmem>> -> memref<1x8x2048xf32, #tpu.memory_space<vmem>>
    %dma_wait3A_1649 = tpu.memref_squeeze %dma_wait3A_1648 : memref<1x8x2048xf32, #tpu.memory_space<vmem>> -> memref<8x2048xf32, #tpu.memory_space<vmem>>
    tpu.wait_dma2 semaphore(%arg17 : memref<!tpu.dma_semaphore, #tpu.memory_space<semaphore_mem>>) src(%dma_wait3A_1649 : memref<8x2048xf32, #tpu.memory_space<vmem>>) dst(%dma_wait3A_1645 : memref<8x2048xf32, #tpu.memory_space<hbm>>)
    %dma_wait3A_1650 = arith.constant 5 : i32
    %dma_wait3A_1651 = arith.constant 0 : i32
    %dma_wait3A_1652 = arith.constant 0 : i32
    %dma_wait3A_1653 = tpu.memref_slice %arg6[%dma_wait3A_1650, %dma_wait3A_1651, %dma_wait3A_1652] : memref<6x8x2048xf32, #tpu.memory_space<vmem>> -> memref<1x8x2048xf32, #tpu.memory_space<vmem>>
    %dma_wait3A_1654 = tpu.memref_squeeze %dma_wait3A_1653 : memref<1x8x2048xf32, #tpu.memory_space<vmem>> -> memref<8x2048xf32, #tpu.memory_space<vmem>>
    %dma_wait3A_1655 = arith.constant 0 : i32
    %dma_wait3A_1656 = tpu.memref_slice %arg4[%select_n3A, %add3A_1535, %dma_wait3A_1655] : memref<4x2048x2048xf32, #tpu.memory_space<hbm>> -> memref<1x8x2048xf32, #tpu.memory_space<hbm>>
    %dma_wait3A_1657 = tpu.memref_squeeze %dma_wait3A_1656 : memref<1x8x2048xf32, #tpu.memory_space<hbm>> -> memref<8x2048xf32, #tpu.memory_space<hbm>>
    %dma_wait3A_1658 = arith.constant 0 : i32
    %dma_wait3A_1659 = tpu.memref_slice %arg4[%select_n3A, %add3A_1535, %dma_wait3A_1658] : memref<4x2048x2048xf32, #tpu.memory_space<hbm>> -> memref<1x8x2048xf32, #tpu.memory_space<hbm>>
    %dma_wait3A_1660 = tpu.memref_squeeze %dma_wait3A_1659 : memref<1x8x2048xf32, #tpu.memory_space<hbm>> -> memref<8x2048xf32, #tpu.memory_space<hbm>>
    %dma_wait3A_1661 = arith.constant 0 : i32
    %dma_wait3A_1662 = arith.constant 0 : i32
    %dma_wait3A_1663 = tpu.memref_slice %arg6[%dma_wait3A_1650, %dma_wait3A_1661, %dma_wait3A_1662] : memref<6x8x2048xf32, #tpu.memory_space<vmem>> -> memref<1x8x2048xf32, #tpu.memory_space<vmem>>
    %dma_wait3A_1664 = tpu.memref_squeeze %dma_wait3A_1663 : memref<1x8x2048xf32, #tpu.memory_space<vmem>> -> memref<8x2048xf32, #tpu.memory_space<vmem>>
    tpu.wait_dma2 semaphore(%arg18 : memref<!tpu.dma_semaphore, #tpu.memory_space<semaphore_mem>>) src(%dma_wait3A_1664 : memref<8x2048xf32, #tpu.memory_space<vmem>>) dst(%dma_wait3A_1660 : memref<8x2048xf32, #tpu.memory_space<hbm>>)
    %dma_wait3A_1665 = arith.constant 0 : i32
    %dma_wait3A_1666 = arith.constant 0 : i32
    %dma_wait3A_1667 = arith.constant 0 : i32
    %dma_wait3A_1668 = tpu.memref_slice %arg6[%dma_wait3A_1665, %dma_wait3A_1666, %dma_wait3A_1667] : memref<6x8x2048xf32, #tpu.memory_space<vmem>> -> memref<1x8x2048xf32, #tpu.memory_space<vmem>>
    %dma_wait3A_1669 = tpu.memref_squeeze %dma_wait3A_1668 : memref<1x8x2048xf32, #tpu.memory_space<vmem>> -> memref<8x2048xf32, #tpu.memory_space<vmem>>
    %dma_wait3A_1670 = arith.constant 0 : i32
    %dma_wait3A_1671 = tpu.memref_slice %arg4[%select_n3A, %add3A_1562, %dma_wait3A_1670] : memref<4x2048x2048xf32, #tpu.memory_space<hbm>> -> memref<1x8x2048xf32, #tpu.memory_space<hbm>>
    %dma_wait3A_1672 = tpu.memref_squeeze %dma_wait3A_1671 : memref<1x8x2048xf32, #tpu.memory_space<hbm>> -> memref<8x2048xf32, #tpu.memory_space<hbm>>
    %dma_wait3A_1673 = arith.constant 0 : i32
    %dma_wait3A_1674 = tpu.memref_slice %arg4[%select_n3A, %add3A_1562, %dma_wait3A_1673] : memref<4x2048x2048xf32, #tpu.memory_space<hbm>> -> memref<1x8x2048xf32, #tpu.memory_space<hbm>>
    %dma_wait3A_1675 = tpu.memref_squeeze %dma_wait3A_1674 : memref<1x8x2048xf32, #tpu.memory_space<hbm>> -> memref<8x2048xf32, #tpu.memory_space<hbm>>
    %dma_wait3A_1676 = arith.constant 0 : i32
    %dma_wait3A_1677 = arith.constant 0 : i32
    %dma_wait3A_1678 = tpu.memref_slice %arg6[%dma_wait3A_1665, %dma_wait3A_1676, %dma_wait3A_1677] : memref<6x8x2048xf32, #tpu.memory_space<vmem>> -> memref<1x8x2048xf32, #tpu.memory_space<vmem>>
    %dma_wait3A_1679 = tpu.memref_squeeze %dma_wait3A_1678 : memref<1x8x2048xf32, #tpu.memory_space<vmem>> -> memref<8x2048xf32, #tpu.memory_space<vmem>>
    tpu.wait_dma2 semaphore(%arg13 : memref<!tpu.dma_semaphore, #tpu.memory_space<semaphore_mem>>) src(%dma_wait3A_1679 : memref<8x2048xf32, #tpu.memory_space<vmem>>) dst(%dma_wait3A_1675 : memref<8x2048xf32, #tpu.memory_space<hbm>>)
    %dma_wait3A_1680 = arith.constant 1 : i32
    %dma_wait3A_1681 = arith.constant 0 : i32
    %dma_wait3A_1682 = arith.constant 0 : i32
    %dma_wait3A_1683 = tpu.memref_slice %arg6[%dma_wait3A_1680, %dma_wait3A_1681, %dma_wait3A_1682] : memref<6x8x2048xf32, #tpu.memory_space<vmem>> -> memref<1x8x2048xf32, #tpu.memory_space<vmem>>
    %dma_wait3A_1684 = tpu.memref_squeeze %dma_wait3A_1683 : memref<1x8x2048xf32, #tpu.memory_space<vmem>> -> memref<8x2048xf32, #tpu.memory_space<vmem>>
    %dma_wait3A_1685 = arith.constant 0 : i32
    %dma_wait3A_1686 = tpu.memref_slice %arg4[%select_n3A, %add3A_1589, %dma_wait3A_1685] : memref<4x2048x2048xf32, #tpu.memory_space<hbm>> -> memref<1x8x2048xf32, #tpu.memory_space<hbm>>
    %dma_wait3A_1687 = tpu.memref_squeeze %dma_wait3A_1686 : memref<1x8x2048xf32, #tpu.memory_space<hbm>> -> memref<8x2048xf32, #tpu.memory_space<hbm>>
    %dma_wait3A_1688 = arith.constant 0 : i32
    %dma_wait3A_1689 = tpu.memref_slice %arg4[%select_n3A, %add3A_1589, %dma_wait3A_1688] : memref<4x2048x2048xf32, #tpu.memory_space<hbm>> -> memref<1x8x2048xf32, #tpu.memory_space<hbm>>
    %dma_wait3A_1690 = tpu.memref_squeeze %dma_wait3A_1689 : memref<1x8x2048xf32, #tpu.memory_space<hbm>> -> memref<8x2048xf32, #tpu.memory_space<hbm>>
    %dma_wait3A_1691 = arith.constant 0 : i32
    %dma_wait3A_1692 = arith.constant 0 : i32
    %dma_wait3A_1693 = tpu.memref_slice %arg6[%dma_wait3A_1680, %dma_wait3A_1691, %dma_wait3A_1692] : memref<6x8x2048xf32, #tpu.memory_space<vmem>> -> memref<1x8x2048xf32, #tpu.memory_space<vmem>>
    %dma_wait3A_1694 = tpu.memref_squeeze %dma_wait3A_1693 : memref<1x8x2048xf32, #tpu.memory_space<vmem>> -> memref<8x2048xf32, #tpu.memory_space<vmem>>
    tpu.wait_dma2 semaphore(%arg14 : memref<!tpu.dma_semaphore, #tpu.memory_space<semaphore_mem>>) src(%dma_wait3A_1694 : memref<8x2048xf32, #tpu.memory_space<vmem>>) dst(%dma_wait3A_1690 : memref<8x2048xf32, #tpu.memory_space<hbm>>)
    return
  }
}

</mosaic_0001>

<sc_bundles>
// kernel: _sc_gather.3.cloned.1.call-start
scs
__scs_entry_jumppad:
0x0: {  	(pc) =	sbr.rel $0x88, $3  }
0x1: {  	(tag) =	ssettag $0x0;
	lr =	simm.s32 $0x1  }
0x2: {  	[smem:$0x3F9F] =	sst lr;
	_ =	strace $0xD0000000  }
0x3: {  	_ = 	snop  }
0x4: {  	_ = 	snop  }
0x5: {  	_ = 	snop  }
0x6: {  	_ = 	snop  }
0x7: {  	_ = 	snop  }
__scs_overlays_trampoline_lowered:
0x8: {  	[smem:$0x3FAE] =	sst s0  }
0x9: {  	[smem:$0x3FAF] =	sst s1  }
0xa: {  	[smem:$0x3FB0] =	sst s2  }
0xb: {  	[smem:$0x3FB1] =	sst s3  }
0xc: {  	[smem:$0x3FB2] =	sst s4  }
0xd: {  	[smem:$0x3FB3] =	sst s5  }
0xe: {  	[smem:$0x3FB4] =	sst s6  }
0xf: {  	[smem:$0x3FB5] =	sst s7  }
0x10: {  	[smem:$0x3FB6] =	sst s8  }
0x11: {  	[smem:$0x3FB7] =	sst s9;
	s0 =	simm.s32 @!p0 $0x0  }
0x12: {  	s1 =	sld [smem:$0x3F9D];
	s0 =	simm.s32 @p0 $0x1  }
0x13: {  	[smem:$0x3FB8] =	sst s0;
	s0 =	simm.s32 @!p1 $0x0  }
0x14: {  	s2 =	sld [smem:$0x3F9C];
	s0 =	simm.s32 @p1 $0x1  }
0x15: {  	[smem:$0x3FB9] =	sst s0;
	s0 =	simm.s32 @!p2 $0x0  }
0x16: {  	s3 =	sld [smem:$0x3FDB];
	s0 =	simm.s32 @p2 $0x1  }
0x17: {  	s4 =	simm.s32 $0x1BF5;
	[smem:$0x3FBB] =	sst s0  }
0x18: {  	s0 =	sld [smem:$0x3F9E];
	_ =	swait.ge [sflag:s4], $0x0  }
0x19: {  	s7 =	sld [smem:$0x3F9F]  }
0x1a: {  	s8 =	sadd.s32 $0xFFFFE003, lr  }
0x1b: {  	s9 =	sadd.s32 $0xFFFFFEF7, lr;
	s5 =	simm.s32 $0xFFFFFFFF;
	p2 =	slt.u32 s8, $0xFFFFF086  }
0x1c: {  	p1 =	slt.u32 s9, $0xF7A;
	s5 =	simm.s32 @!p2 $0x0  }
0x1d: {  	s5 =	simm.s32 @p1 $0x1;
	p0 =	seq.s32 s7, s2  }
0x1e: {  	s7 =	smul.u32 @!p0 $0xF7A, s2;
	p2 =	seq.s32 @!p0 s5, $0x0  }
0x1f: {  	s9 =	smul.u32 $0xF7A, s1;
	s8 =	simm.s32 @!p0 $0x1BF5;
	p2 =	por !p2, p0  }
0x20: {  	[sflag:s8] =	ssyncset.s32 @!p0 $0xFFFFF086;
	s6 =	sadd.s32 @!p0 s3, s7;
	s7 =	simm.s32 @!p0 $0x108  }
0x21: {  	s3 =	sadd.s32 s3, s9;
	s6 =	sadd.s32 @!p0 $0x88, s6;
	s7 =	simm.s32 @p2 $0x1082  }
0x22: {  	[simem:s7], [sflag:s8] =	dma.local @!p0 [hbm:s6], $0xF7A  }
0x23: {  	s9 =	sor.u32 $0xD0000000, s2;
	s6 =	simm.s32 $0x108;
	_ =	swait.ge @!p0 [sflag:s8], $0x0  }
0x24: {  	s3 =	sadd.s32 $0x88, s3;
	s6 =	simm.s32 @!p1 $0x1082;
	[sflag:s4] =	ssyncset.s32 $0xFFFFF086  }
0x25: {  	[simem:s6], [sflag:s4] =	dma.local [hbm:s3], $0xF7A  }
0x26: {  	[smem:$0x3F9F] =	sst s1;
	(tag) =	ssettag s2;
	_ =	strace s9  }
0x27: {  	s1 =	sld [smem:$0x3FAF]  }
0x28: {  	s2 =	sld [smem:$0x3FB0]  }
0x29: {  	s4 =	sld [smem:$0x3FB2]  }
0x2a: {  	p0 =	seq.s32 s5, $0x0;
	s5 =	sld [smem:$0x3FB3]  }
0x2b: {  	s6 =	sld [smem:$0x3FB4]  }
0x2c: {  	s7 =	sld [smem:$0x3FB5]  }
0x2d: {  	s3 =	simm.s32 $0x108;
	s8 =	sld [smem:$0x3FB6]  }
0x2e: {  	s3 =	simm.s32 @!p0 $0x1082;
	s9 =	sld [smem:$0x3FB7]  }
0x2f: {  	lr =	sadd.s32 s0, s3;
	s0 =	sld [smem:$0x3FAE]  }
0x30: {  	s3 =	sld [smem:$0x3FB1]  }
0x31: {  	[smem:$0x3FBA] =	sst s10  }
0x32: {  	s10 =	sld [smem:$0x3FB8];
	_ =	sdelay $0x3  }
0x33: {  	p0 =	seq.s32 s10, $0x1;
	s10 =	sld [smem:$0x3FBA];
	_ =	sdelay $0x3  }
0x34: {  	[smem:$0x3FBA] =	sst s10  }
0x35: {  	s10 =	sld [smem:$0x3FB9];
	_ =	sdelay $0x3  }
0x36: {  	p1 =	seq.s32 s10, $0x1;
	s10 =	sld [smem:$0x3FBA];
	_ =	sdelay $0x3  }
0x37: {  	[smem:$0x3FBA] =	sst s10  }
0x38: {  	s10 =	sld [smem:$0x3FBB]  }
0x39: {  	_ = 	snop;
	(pc) =	sbr.ind lr, $3  }
0x3a: {  	_ = 	snop  }
0x3b: {  	_ = 	snop  }
0x3c: {  	p2 =	seq.s32 s10, $0x1;
	s10 =	sld [smem:$0x3FBA]  }
0x3d: {  	_ =	shalt  }
0x3e: {  	_ =	shalt  }
0x3f: {  	_ =	shalt  }
0x40: {  	_ =	shalt  }
0x41: {  	_ =	shalt  }
0x42: {  	_ =	shalt  }
0x43: {  	_ =	shalt  }
0x44: {  	_ =	shalt  }
0x45: {  	_ =	shalt  }
0x46: {  	_ =	shalt  }
0x47: {  	_ =	shalt  }
0x48: {  	_ =	shalt  }
0x49: {  	_ =	shalt  }
0x4a: {  	_ =	shalt  }
0x4b: {  	_ =	shalt  }
0x4c: {  	_ =	shalt  }
0x4d: {  	_ =	shalt  }
0x4e: {  	_ =	shalt  }
0x4f: {  	_ =	shalt  }
0x50: {  	_ =	shalt  }
0x51: {  	_ =	shalt  }
0x52: {  	_ =	shalt  }
0x53: {  	_ =	shalt  }
0x54: {  	_ =	shalt  }
0x55: {  	_ =	shalt  }
0x56: {  	_ =	shalt  }
0x57: {  	_ =	shalt  }
0x58: {  	_ =	shalt  }
0x59: {  	_ =	shalt  }
0x5a: {  	_ =	shalt  }
0x5b: {  	_ =	shalt  }
0x5c: {  	_ =	shalt  }
0x5d: {  	_ =	shalt  }
0x5e: {  	_ =	shalt  }
0x5f: {  	_ =	shalt  }
0x60: {  	_ =	shalt  }
0x61: {  	_ =	shalt  }
0x62: {  	_ =	shalt  }
0x63: {  	_ =	shalt  }
0x64: {  	_ =	shalt  }
0x65: {  	_ =	shalt  }
0x66: {  	_ =	shalt  }
0x67: {  	_ =	shalt  }
0x68: {  	_ =	shalt  }
0x69: {  	_ =	shalt  }
0x6a: {  	_ =	shalt  }
0x6b: {  	_ =	shalt  }
0x6c: {  	_ =	shalt  }
0x6d: {  	_ =	shalt  }
0x6e: {  	_ =	shalt  }
0x6f: {  	_ =	shalt  }
0x70: {  	_ =	shalt  }
0x71: {  	_ =	shalt  }
0x72: {  	_ =	shalt  }
0x73: {  	_ =	shalt  }
0x74: {  	_ =	shalt  }
0x75: {  	_ =	shalt  }
0x76: {  	_ =	shalt  }
0x77: {  	_ =	shalt  }
0x78: {  	_ =	shalt  }
0x79: {  	_ =	shalt  }
0x7a: {  	_ =	shalt  }
0x7b: {  	_ =	shalt  }
0x7c: {  	_ =	shalt  }
0x7d: {  	_ =	shalt  }
0x7e: {  	_ =	shalt  }
0x7f: {  	_ =	shalt  }
0x80: {  	_ =	shalt  }
0x81: {  	_ =	shalt  }
0x82: {  	_ =	shalt  }
0x83: {  	_ =	shalt  }
0x84: {  	_ =	shalt  }
0x85: {  	_ =	shalt  }
0x86: {  	_ =	shalt  }
0x87: {  	_ =	shalt  }
.Lfunc_end0:
.L_simem_size_0:
called_computation_lowered:
.L_overlay_start_0:
0x88: {  	s2 =	sld [smem:$0x3FD9]  }
0x89: {  	s3 =	sld [smem:$0x3FFE];
	_ =	sdelay $0x1  }
0x8a: {  	s1 =	srdreg.scid  }
0x8b: {  	s0 =	sand.u32 $0x1, s1  }
0x8c: {  	s18 =	sshll.u32 s0, $0xA;
	s2 =	sadd.s32 s3, s2  }
0x8d: {  	s2 =	sadd.s32 s2, s18  }
0x8e: {  	[smem:$0x3FC6] =	sst s2  }
0x8f: {  	_ = 	snop  }
0x90: {  	s2 =	sld [smem:$0x3FC9]  }
0x91: {  	s19 =	sld [smem:$0x3FC8]  }
0x92: {  	s4 =	sld [smem:$0x3FD0];
	(tm) =	ssettm $0x1  }
0x93: {  	s5 =	sld [smem:$0x3FFB];
	_ =	sdelay $0x3  }
0x94: {  	_ =	strace s5  }
0x95: {  	s5 =	sld [smem:$0x3FFC];
	_ =	sdelay $0x3  }
0x96: {  	_ =	strace s5  }
0x97: {  	s5 =	sld [smem:$0x3FFD];
	_ =	sdelay $0x3  }
0x98: {  	_ =	strace s5  }
0x99: {  	_ =	strace $0x8FFFFFFF  }
0x9a: {  	s20 =	sld [smem:$0x3FDB];
	_ =	sdelay $0x1  }
0x9b: {  	s6 =	simm.s32 $_scs_section_size  }
0x9c: {  	s7 =	simm.s32 $_size__tile_overlayer_lowered;
	s8 =	simm.s32 $_tile_overlayer_lowered  }
0x9d: {  	s23 =	simm.s32 $0x1BFF;
	s22 =	sshll.u32 s8, $0x1;
	s5 =	sadd.s32 s6, s20  }
0x9e: {  	s9 =	simm.s32 $0x0;
	s21 =	sshll.u32 s7, $0x1;
	s7 =	sadd.s32 s22, s5  }
0x9f: {  	[timem:s9], [sflag:s23] =	dma.local [hbm:s7], s21  }
0xa0: {  	_ =	swait.ge [sflag:s23], s21  }
0xa1: {  	s6 =	ssub.s32 $0x0, s21;
	[sflag:s23] =	ssyncset.done $0x0  }
0xa2: {  	[sflag:s23] =	ssyncadd.s32 s6;
	_ =	sdelay $0x1  }
0xa3: {  	s24 =	simm.s32 $0x1B8B  }
0xa4: {  	_ =	swait.ge [sflag:s24], $0x1  }
0xa5: {  	[sflag:s24] =	ssyncset.done $0x0  }
0xa6: {  	s25 =	simm.s32 $0x1B8E;
	[sflag:s24] =	ssyncadd.s32 $0xFFFFFFFF  }
0xa7: {  	s26 =	simm.s32 $execute0_lowered;
	[smem:$0x3FD2] =	sst s25  }
0xa8: {  	s6 =	sshll.u32 s26, $0x1;
	_ =	strace $0x80000046;
	[dreg:$0x1] =	wrdreg $0xFFFFFFFF  }
0xa9: {  	s28 =	simm.s32 $_size_execute0_lowered;
	s5 =	sadd.s32 s5, s6;
	[dreg:$0x0] =	wrdreg $0x0  }
0xaa: {  	s6 =	sshll.u32 s28, $0x1;
	[dreg:$0x2] =	wrdreg s5  }
0xab: {  	[dreg:$0x3] =	wrdreg s6  }
0xac: {  	[dreg:$0x4] =	wrdreg $0xC0  }
0xad: {  	_ =	task [dreg:s9], $0x5FFFF  }
0xae: {  	[dreg:$0x1] =	wrdreg $0xFFFFFFFF  }
0xaf: {  	[dreg:$0x0] =	wrdreg $0x60  }
0xb0: {  	[dreg:$0x2] =	wrdreg s2  }
0xb1: {  	[dreg:$0x3] =	wrdreg s19  }
0xb2: {  	[dreg:$0x4] =	wrdreg s4  }
0xb3: {  	[dreg:$0x5] =	wrdreg $0x9  }
0xb4: {  	_ =	task.clear_ibuf [dreg:s9], $0x6FFFF;
	_ =	strace $0x90000046  }
0xb5: {  	s29 =	simm.s32 $0x9;
	_ =	strace $0x80000048  }
0xb6: {  	_ =	swait.ge [sflag:s29], $0x1  }
0xb7: {  	[sflag:s29] =	ssyncadd.s32 $0xFFFFFFFF  }
0xb8: {  	_ =	strace $0x90000048  }
0xb9: {  	_ =	sfence  }
0xba: {  	s30 =	sld [smem:$0x0];
	_ =	sdelay $0x2  }
0xbb: {  	s31 =	sshll.u32 s1, $0xD;
	s1 =	sshrl.u32 s1, $0x2  }
0xbc: {  	s3 =	sand.u32 $0x4000, s31;
	s1 =	sadd.s32 s1, s30  }
0xbd: {  	s0 =	sor.u32 s3, s0;
	s1 =	sshll.u32 s1, $0x11  }
0xbe: {  	s0 =	sor.u32 s1, s0  }
0xbf: {  	s0 =	sadd.s32 $0x8F2B, s0  }
0xc0: {  	[sflag:s0] =	ssyncadd.remote.s32 $0x1  }
0xc1: {  	_ =	sfence.sel $0xFFFF  }
0xc2: {  	[dreg:$0x0] =	wrdreg $0xFFFFFFFF;
	(pc) =	sbr.abs _section_cstart, $3  }
0xc3: {  	[dreg:$0x1] =	wrdreg $0xFFFFFFFF  }
0xc4: {  	_ =	task.clear_ibuf [dreg:s9], $0x2FFFF;
	_ =	strace $0x9FFFFFFF  }
0xc5: {  	(tm) =	ssettm $0x7FFFFFFF  }
tec
execute0_lowered:
.L_overlay_start_1:
0x0: {  	(tag) =	ssettag $0x1  }
0x1: {  	s0 =	rddreg [dreg:$0x0]  }
0x2: {  	s2 =	rddreg [dreg:$0x1]  }
0x3: {  	s1 =	rddreg [dreg:$0x2];
	s6 =	stileid.u32  }
0x4: {  	s4 =	srdreg.scid;
	s3 =	simm.s32 $0x0;
	s5 =	sshll.u32 s6, $0x1  }
0x5: {  	s4 =	sand.u32 $0x1, s4;
	s6 =	sshrl.u32 s6, $0x2;
	s5 =	sand.u32 $0x6, s5  }
0x6: {  	s8 =	sshll.u32 s6, $0x4;
	s6 =	sshll.u32 s6, $0x13;
	s5 =	sor.u32 s4, s5  }
0x7: {  	s0 =	sadd.s32 s0, s8;
	s7 =	sshll.u32 s5, $0x10;
	s5 =	sshll.u32 s5, $0x7  }
0x8: {  	[smem:$0x7FF] =	sst s3;
	s6 =	sor.u32 s6, s7;
	s0 =	sadd.s32 s5, s0  }
0x9: {  	_ =	strace $0x80000047;
	s10 =	sadd.s32 s1, s6;
	[dreg:$0x4] =	wrdreg s0  }
0xa: {  	s21 =	sadd.s32 $0x800, s10;
	[smem:$0x7FA] =	sst s10  }
0xb: {  	s22 =	sadd.s32 $0x1000, s10;
	[dreg:$0x5] =	wrdreg s21  }
0xc: {  	s23 =	sadd.s32 $0x1800, s10;
	[dreg:$0x6] =	wrdreg s22  }
0xd: {  	s24 =	sadd.s32 $0x2000, s10;
	[dreg:$0x7] =	wrdreg s23  }
0xe: {  	s25 =	sadd.s32 $0x2800, s10;
	[dreg:$0x8] =	wrdreg s24  }
0xf: {  	s26 =	sadd.s32 $0x3000, s10;
	[dreg:$0x9] =	wrdreg s25  }
0x10: {  	s28 =	sadd.s32 $0x3800, s10;
	[dreg:$0xa] =	wrdreg s26  }
0x11: {  	s29 =	sadd.s32 $0x4000, s10;
	[dreg:$0xb] =	wrdreg s28  }
0x12: {  	s30 =	sadd.s32 $0x4800, s10;
	[dreg:$0xc] =	wrdreg s29  }
0x13: {  	s1 =	sadd.s32 $0x5000, s10;
	[dreg:$0xd] =	wrdreg s30  }
0x14: {  	s5 =	sadd.s32 $0x5800, s10;
	[dreg:$0xe] =	wrdreg s1  }
0x15: {  	s6 =	sadd.s32 $0x6000, s10;
	[dreg:$0xf] =	wrdreg s5  }
0x16: {  	s7 =	sadd.s32 $0x6800, s10;
	[dreg:$0x10] =	wrdreg s6  }
0x17: {  	s8 =	sadd.s32 $0x7000, s10;
	[dreg:$0x11] =	wrdreg s7  }
0x18: {  	s9 =	sadd.s32 $0x7800, s10;
	[dreg:$0x12] =	wrdreg s8  }
0x19: {  	s11 =	sadd.s32 $0x8000, s10;
	[dreg:$0x13] =	wrdreg s9  }
0x1a: {  	s12 =	sadd.s32 $0x8800, s10;
	[dreg:$0x14] =	wrdreg s11  }
0x1b: {  	s13 =	sadd.s32 $0x9000, s10;
	[dreg:$0x15] =	wrdreg s12  }
0x1c: {  	s14 =	sadd.s32 $0x9800, s10;
	[dreg:$0x16] =	wrdreg s13  }
0x1d: {  	s15 =	sadd.s32 $0xA000, s10;
	[dreg:$0x17] =	wrdreg s14  }
0x1e: {  	s16 =	sadd.s32 $0xA800, s10;
	[dreg:$0x18] =	wrdreg s15  }
0x1f: {  	s31 =	simm.s32 $0x3;
	s17 =	sadd.s32 $0xB000, s10;
	[dreg:$0x19] =	wrdreg s16  }
0x20: {  	s19 =	ssub.s32 $0x2, s4;
	s18 =	sadd.s32 $0xB800, s10;
	[dreg:$0x1a] =	wrdreg s17  }
0x21: {  	s4 =	sshrl.u32 s19, $0x1;
	s20 =	sadd.s32 $0xC000, s10;
	[dreg:$0x1b] =	wrdreg s18  }
0x22: {  	s0 =	simm.s32 $0x1;
	[dreg:$0x1c] =	wrdreg s20;
	s21 =	sadd.s32 $0xC800, s10  }
0x23: {  	s1 =	ssub.s32 s19, s4;
	s22 =	sadd.s32 $0xD000, s10;
	s5 =	sadd.s32 $0x100, s2  }
0x24: {  	s23 =	sadd.s32 $0xD800, s10;
	s6 =	sadd.s32 $0x200, s2;
	s24 =	sadd.s32 $0xE000, s10  }
0x25: {  	s7 =	sadd.s32 $0x300, s2;
	s25 =	sadd.s32 $0xE800, s10;
	[dreg:$0x1d] =	wrdreg s21  }
0x26: {  	s8 =	sadd.s32 $0x400, s2;
	s26 =	sadd.s32 $0xF000, s10;
	[dreg:$0x1e] =	wrdreg s22  }
0x27: {  	s9 =	sadd.s32 $0x500, s2;
	s28 =	sadd.s32 $0xF800, s10;
	[dreg:$0x1f] =	wrdreg s23  }
0x28: {  	s10 =	sadd.s32 $0x600, s2;
	s29 =	simm.s32 $0x80;
	[smem:$0x7F7] =	sst s24  }
0x29: {  	s11 =	sadd.s32 $0x700, s2;
	s30 =	simm.s32 $0x200;
	[smem:$0x7F8] =	sst s25  }
0x2a: {  	s15 =	simm.s32 $0x2;
	s16 =	simm.s32 $0x7;
	[smem:$0x7F9] =	sst s26  }
0x2b: {  	s18 =	simm.s32 $0x8;
	s19 =	simm.s32 $0x4;
	[smem:$0x7FB] =	sst s28  }
0x2c: {  	v0 =	vlaneseq.u32;
	s20 =	simm.s32 $0x9;
	[smem:$0x7FC] =	sst s29;
	s1 =	smax.u32 s1, $0x1  }
0x2d: {  	v1 =	vshrl.u32 v0, $0x3;
	[smem:$0x7FD] =	sst s30;
	s21 =	simm.s32 $0x5;
	s23 =	simm.s32 $0xA  }
0x2e: {  	vm0 =	vmmov $0xffff;
	v0 =	vand.u32 $0x7, v0;
	v1 =	vmul.u32 $0x8, v1;
	s24 =	simm.s32 $0x6;
	s25 =	simm.s32 $0xB;
	s26 =	simm.s32 $0xC  }
.LBB2_1:
0x2f: {  	s29 =	sld [smem:$0x7FC]  }
0x30: {  	s30 =	sld [smem:$0x7FD]  }
0x31: {  	[smem:$0x7F6] =	sst s1  }
0x32: {  	s28 =	rddreg [dreg:$0x4];
	s22 =	simm.s32 $0xD  }
0x33: {  	[tilespmem:s3], [sflag:$0xD] =	stream.strided.gather [hbm4b:s28+s29], $0x100, s30, s29, $0x38;
	[tilespmem:$0x18100] =	vst v63  }
0x34: {  	_ =	swait.ge [sflag:s22], $0x100  }
0x35: {  	[sflag:s22] =	ssyncset.done $0x0  }
0x36: {  	[sflag:s22] =	ssyncadd.s32 $0xFFFFFF00  }
0x37: {  	v2 =	vld.msk [tilespmem:$0x0], $0xff;
	_ =	sdelay $0x4  }
0x38: {  	v3 =	vshll.u32 v2, $0x4  }
0x39: {  	v2 =	vand.u32 $0x7, v2;
	v3 =	vand.u32 $0xFFFFFF80, v3  }
0x3a: {  	v2 =	vor.u32 v2, v3  }
0x3b: {  	v2 =	vperm.xlane v2, v0;
	_ =	sdelay $0x1  }
0x3c: {  	v2 =	vadd.s32 v1, v2;
	_ =	sdelay $0x3  }
0x3d: {  	s28 =	simm.s32 $0x100  }
0x3e: {  	[tilespmem:s28], [sflag:$0x1] =	stream.indirect_vreg.gather [hbm4b:s2+s3], $0x80, v2, vm0, $0xb8;
	[tilespmem:$0x18100] =	vst v63  }
0x3f: {  	s29 =	simm.s32 $0x900  }
0x40: {  	[tilespmem:s29], [sflag:$0x1] =	stream.indirect_vreg.gather [hbm4b:s5+s3], $0x80, v2, vm0, $0xb8;
	[tilespmem:$0x18100] =	vst v63  }
0x41: {  	s30 =	simm.s32 $0x1100  }
0x42: {  	[tilespmem:s30], [sflag:$0x1] =	stream.indirect_vreg.gather [hbm4b:s6+s3], $0x80, v2, vm0, $0xb8;
	[tilespmem:$0x18100] =	vst v63  }
0x43: {  	s4 =	simm.s32 $0x1900  }
0x44: {  	[tilespmem:s4], [sflag:$0x1] =	stream.indirect_vreg.gather [hbm4b:s7+s3], $0x80, v2, vm0, $0xb8;
	[tilespmem:$0x18100] =	vst v63  }
0x45: {  	s12 =	simm.s32 $0x2100  }
0x46: {  	[tilespmem:s12], [sflag:$0x1] =	stream.indirect_vreg.gather [hbm4b:s8+s3], $0x80, v2, vm0, $0xb8;
	[tilespmem:$0x18100] =	vst v63  }
0x47: {  	s14 =	simm.s32 $0x2900  }
0x48: {  	[tilespmem:s14], [sflag:$0x1] =	stream.indirect_vreg.gather [hbm4b:s9+s3], $0x80, v2, vm0, $0xb8;
	[tilespmem:$0x18100] =	vst v63  }
0x49: {  	s28 =	simm.s32 $0x3100  }
0x4a: {  	[tilespmem:s28], [sflag:$0x1] =	stream.indirect_vreg.gather [hbm4b:s10+s3], $0x80, v2, vm0, $0xb8;
	[tilespmem:$0x18100] =	vst v63  }
0x4b: {  	s29 =	simm.s32 $0x3900  }
0x4c: {  	[tilespmem:s29], [sflag:$0x1] =	stream.indirect_vreg.gather [hbm4b:s11+s3], $0x80, v2, vm0, $0xb8;
	[tilespmem:$0x18100] =	vst v63  }
0x4d: {  	v2 =	vld.msk [tilespmem:$0x8], $0xff;
	_ =	sdelay $0x4  }
0x4e: {  	v3 =	vshll.u32 v2, $0x4  }
0x4f: {  	v2 =	vand.u32 $0x7, v2;
	v3 =	vand.u32 $0xFFFFFF80, v3  }
0x50: {  	v2 =	vor.u32 v2, v3  }
0x51: {  	v2 =	vperm.xlane v2, v0;
	_ =	sdelay $0x1  }
0x52: {  	v2 =	vadd.s32 v1, v2;
	_ =	sdelay $0x3  }
0x53: {  	s30 =	simm.s32 $0x4100  }
0x54: {  	[tilespmem:s30], [sflag:$0x2] =	stream.indirect_vreg.gather [hbm4b:s2+s3], $0x80, v2, vm0, $0xb8;
	[tilespmem:$0x18100] =	vst v63  }
0x55: {  	s4 =	simm.s32 $0x4900  }
0x56: {  	[tilespmem:s4], [sflag:$0x2] =	stream.indirect_vreg.gather [hbm4b:s5+s3], $0x80, v2, vm0, $0xb8;
	[tilespmem:$0x18100] =	vst v63  }
0x57: {  	s14 =	simm.s32 $0x5100  }
0x58: {  	[tilespmem:s14], [sflag:$0x2] =	stream.indirect_vreg.gather [hbm4b:s6+s3], $0x80, v2, vm0, $0xb8;
	[tilespmem:$0x18100] =	vst v63  }
0x59: {  	s29 =	simm.s32 $0x5900  }
0x5a: {  	[tilespmem:s29], [sflag:$0x2] =	stream.indirect_vreg.gather [hbm4b:s7+s3], $0x80, v2, vm0, $0xb8;
	[tilespmem:$0x18100] =	vst v63  }
0x5b: {  	s30 =	simm.s32 $0x6100  }
0x5c: {  	[tilespmem:s30], [sflag:$0x2] =	stream.indirect_vreg.gather [hbm4b:s8+s3], $0x80, v2, vm0, $0xb8;
	[tilespmem:$0x18100] =	vst v63  }
0x5d: {  	s1 =	simm.s32 $0x6900  }
0x5e: {  	[tilespmem:s1], [sflag:$0x2] =	stream.indirect_vreg.gather [hbm4b:s9+s3], $0x80, v2, vm0, $0xb8;
	[tilespmem:$0x18100] =	vst v63  }
0x5f: {  	s4 =	simm.s32 $0x7100  }
0x60: {  	[tilespmem:s4], [sflag:$0x2] =	stream.indirect_vreg.gather [hbm4b:s10+s3], $0x80, v2, vm0, $0xb8;
	[tilespmem:$0x18100] =	vst v63  }
0x61: {  	s14 =	simm.s32 $0x7900  }
0x62: {  	[tilespmem:s14], [sflag:$0x2] =	stream.indirect_vreg.gather [hbm4b:s11+s3], $0x80, v2, vm0, $0xb8;
	[tilespmem:$0x18100] =	vst v63  }
0x63: {  	v2 =	vld.msk [tilespmem:$0x10], $0xff;
	_ =	sdelay $0x4  }
0x64: {  	v3 =	vshll.u32 v2, $0x4  }
0x65: {  	v2 =	vand.u32 $0x7, v2;
	v3 =	vand.u32 $0xFFFFFF80, v3  }
0x66: {  	v2 =	vor.u32 v2, v3  }
0x67: {  	v2 =	vperm.xlane v2, v0;
	_ =	sdelay $0x1  }
0x68: {  	v2 =	vadd.s32 v1, v2;
	_ =	sdelay $0x3  }
0x69: {  	s4 =	simm.s32 $0x8100  }
0x6a: {  	[tilespmem:s4], [sflag:$0x3] =	stream.indirect_vreg.gather [hbm4b:s2+s3], $0x80, v2, vm0, $0xb8;
	[tilespmem:$0x18100] =	vst v63  }
0x6b: {  	s29 =	simm.s32 $0x8900  }
0x6c: {  	[tilespmem:s29], [sflag:$0x3] =	stream.indirect_vreg.gather [hbm4b:s5+s3], $0x80, v2, vm0, $0xb8;
	[tilespmem:$0x18100] =	vst v63  }
0x6d: {  	s30 =	simm.s32 $0x9100  }
0x6e: {  	[tilespmem:s30], [sflag:$0x3] =	stream.indirect_vreg.gather [hbm4b:s6+s3], $0x80, v2, vm0, $0xb8;
	[tilespmem:$0x18100] =	vst v63  }
0x6f: {  	s4 =	simm.s32 $0x9900  }
0x70: {  	[tilespmem:s4], [sflag:$0x3] =	stream.indirect_vreg.gather [hbm4b:s7+s3], $0x80, v2, vm0, $0xb8;
	[tilespmem:$0x18100] =	vst v63  }
0x71: {  	s14 =	simm.s32 $0xA100  }
0x72: {  	[tilespmem:s14], [sflag:$0x3] =	stream.indirect_vreg.gather [hbm4b:s8+s3], $0x80, v2, vm0, $0xb8;
	[tilespmem:$0x18100] =	vst v63  }
0x73: {  	s28 =	simm.s32 $0xA900  }
0x74: {  	[tilespmem:s28], [sflag:$0x3] =	stream.indirect_vreg.gather [hbm4b:s9+s3], $0x80, v2, vm0, $0xb8;
	[tilespmem:$0x18100] =	vst v63  }
0x75: {  	s4 =	simm.s32 $0xB100  }
0x76: {  	[tilespmem:s4], [sflag:$0x3] =	stream.indirect_vreg.gather [hbm4b:s10+s3], $0x80, v2, vm0, $0xb8;
	[tilespmem:$0x18100] =	vst v63  }
0x77: {  	s14 =	simm.s32 $0xB900  }
0x78: {  	[tilespmem:s14], [sflag:$0x3] =	stream.indirect_vreg.gather [hbm4b:s11+s3], $0x80, v2, vm0, $0xb8;
	[tilespmem:$0x18100] =	vst v63  }
0x79: {  	v2 =	vld.msk [tilespmem:$0x18], $0xff;
	_ =	sdelay $0x4  }
0x7a: {  	v3 =	vshll.u32 v2, $0x4  }
0x7b: {  	v2 =	vand.u32 $0x7, v2;
	v3 =	vand.u32 $0xFFFFFF80, v3  }
0x7c: {  	v2 =	vor.u32 v2, v3  }
0x7d: {  	v2 =	vperm.xlane v2, v0;
	_ =	sdelay $0x1  }
0x7e: {  	v2 =	vadd.s32 v1, v2;
	_ =	sdelay $0x3  }
0x7f: {  	s28 =	simm.s32 $0xC100  }
0x80: {  	[tilespmem:s28], [sflag:$0x4] =	stream.indirect_vreg.gather [hbm4b:s2+s3], $0x80, v2, vm0, $0xb8;
	[tilespmem:$0x18100] =	vst v63  }
0x81: {  	s4 =	simm.s32 $0xC900  }
0x82: {  	[tilespmem:s4], [sflag:$0x4] =	stream.indirect_vreg.gather [hbm4b:s5+s3], $0x80, v2, vm0, $0xb8;
	[tilespmem:$0x18100] =	vst v63  }
0x83: {  	s14 =	simm.s32 $0xD100  }
0x84: {  	[tilespmem:s14], [sflag:$0x4] =	stream.indirect_vreg.gather [hbm4b:s6+s3], $0x80, v2, vm0, $0xb8;
	[tilespmem:$0x18100] =	vst v63  }
0x85: {  	s28 =	simm.s32 $0xD900  }
0x86: {  	[tilespmem:s28], [sflag:$0x4] =	stream.indirect_vreg.gather [hbm4b:s7+s3], $0x80, v2, vm0, $0xb8;
	[tilespmem:$0x18100] =	vst v63  }
0x87: {  	s4 =	simm.s32 $0xE100  }
0x88: {  	[tilespmem:s4], [sflag:$0x4] =	stream.indirect_vreg.gather [hbm4b:s8+s3], $0x80, v2, vm0, $0xb8;
	[tilespmem:$0x18100] =	vst v63  }
0x89: {  	s14 =	simm.s32 $0xE900  }
0x8a: {  	[tilespmem:s14], [sflag:$0x4] =	stream.indirect_vreg.gather [hbm4b:s9+s3], $0x80, v2, vm0, $0xb8;
	[tilespmem:$0x18100] =	vst v63  }
0x8b: {  	s28 =	simm.s32 $0xF100  }
0x8c: {  	[tilespmem:s28], [sflag:$0x4] =	stream.indirect_vreg.gather [hbm4b:s10+s3], $0x80, v2, vm0, $0xb8;
	[tilespmem:$0x18100] =	vst v63  }
0x8d: {  	s4 =	simm.s32 $0xF900  }
0x8e: {  	[tilespmem:s4], [sflag:$0x4] =	stream.indirect_vreg.gather [hbm4b:s11+s3], $0x80, v2, vm0, $0xb8;
	[tilespmem:$0x18100] =	vst v63  }
0x8f: {  	v2 =	vld.msk [tilespmem:$0x20], $0xff;
	_ =	sdelay $0x4  }
0x90: {  	v3 =	vshll.u32 v2, $0x4  }
0x91: {  	v2 =	vand.u32 $0x7, v2;
	v3 =	vand.u32 $0xFFFFFF80, v3  }
0x92: {  	v2 =	vor.u32 v2, v3  }
0x93: {  	v2 =	vperm.xlane v2, v0;
	_ =	sdelay $0x1  }
0x94: {  	v2 =	vadd.s32 v1, v2;
	_ =	sdelay $0x3  }
0x95: {  	s14 =	simm.s32 $0x10100  }
0x96: {  	[tilespmem:s14], [sflag:$0x5] =	stream.indirect_vreg.gather [hbm4b:s2+s3], $0x80, v2, vm0, $0xb8;
	[tilespmem:$0x18100] =	vst v63  }
0x97: {  	s14 =	simm.s32 $0x10900  }
0x98: {  	[tilespmem:s14], [sflag:$0x5] =	stream.indirect_vreg.gather [hbm4b:s5+s3], $0x80, v2, vm0, $0xb8;
	[tilespmem:$0x18100] =	vst v63  }
0x99: {  	s28 =	simm.s32 $0x11100  }
0x9a: {  	[tilespmem:s28], [sflag:$0x5] =	stream.indirect_vreg.gather [hbm4b:s6+s3], $0x80, v2, vm0, $0xb8;
	[tilespmem:$0x18100] =	vst v63  }
0x9b: {  	s1 =	simm.s32 $0x11900  }
0x9c: {  	[tilespmem:s1], [sflag:$0x5] =	stream.indirect_vreg.gather [hbm4b:s7+s3], $0x80, v2, vm0, $0xb8;
	[tilespmem:$0x18100] =	vst v63  }
0x9d: {  	s4 =	simm.s32 $0x12100  }
0x9e: {  	[tilespmem:s4], [sflag:$0x5] =	stream.indirect_vreg.gather [hbm4b:s8+s3], $0x80, v2, vm0, $0xb8;
	[tilespmem:$0x18100] =	vst v63  }
0x9f: {  	s28 =	simm.s32 $0x12900  }
0xa0: {  	[tilespmem:s28], [sflag:$0x5] =	stream.indirect_vreg.gather [hbm4b:s9+s3], $0x80, v2, vm0, $0xb8;
	[tilespmem:$0x18100] =	vst v63  }
0xa1: {  	s1 =	simm.s32 $0x13100  }
0xa2: {  	[tilespmem:s1], [sflag:$0x5] =	stream.indirect_vreg.gather [hbm4b:s10+s3], $0x80, v2, vm0, $0xb8;
	[tilespmem:$0x18100] =	vst v63  }
0xa3: {  	s4 =	simm.s32 $0x13900  }
0xa4: {  	[tilespmem:s4], [sflag:$0x5] =	stream.indirect_vreg.gather [hbm4b:s11+s3], $0x80, v2, vm0, $0xb8;
	[tilespmem:$0x18100] =	vst v63  }
0xa5: {  	_ =	swait.ge [sflag:s0], $0x4000  }
0xa6: {  	[sflag:s0] =	ssyncset.done $0x0  }
0xa7: {  	[sflag:s0] =	ssyncadd.s32 $0xFFFFC000  }
0xa8: {  	v2 =	vld.msk [tilespmem:$0x28], $0xff;
	_ =	sdelay $0x4  }
0xa9: {  	v3 =	vshll.u32 v2, $0x4  }
0xaa: {  	v2 =	vand.u32 $0x7, v2;
	v3 =	vand.u32 $0xFFFFFF80, v3  }
0xab: {  	v2 =	vor.u32 v2, v3  }
0xac: {  	v2 =	vperm.xlane v2, v0;
	_ =	sdelay $0x1  }
0xad: {  	v2 =	vadd.s32 v1, v2;
	_ =	sdelay $0x3  }
0xae: {  	s28 =	simm.s32 $0x14100  }
0xaf: {  	[tilespmem:s28], [sflag:$0x6] =	stream.indirect_vreg.gather [hbm4b:s2+s3], $0x80, v2, vm0, $0xb8;
	[tilespmem:$0x18100] =	vst v63  }
0xb0: {  	s1 =	simm.s32 $0x14900  }
0xb1: {  	[tilespmem:s1], [sflag:$0x6] =	stream.indirect_vreg.gather [hbm4b:s5+s3], $0x80, v2, vm0, $0xb8;
	[tilespmem:$0x18100] =	vst v63  }
0xb2: {  	s4 =	simm.s32 $0x15100  }
0xb3: {  	[tilespmem:s4], [sflag:$0x6] =	stream.indirect_vreg.gather [hbm4b:s6+s3], $0x80, v2, vm0, $0xb8;
	[tilespmem:$0x18100] =	vst v63  }
0xb4: {  	s14 =	simm.s32 $0x15900  }
0xb5: {  	[tilespmem:s14], [sflag:$0x6] =	stream.indirect_vreg.gather [hbm4b:s7+s3], $0x80, v2, vm0, $0xb8;
	[tilespmem:$0x18100] =	vst v63  }
0xb6: {  	s1 =	simm.s32 $0x16100  }
0xb7: {  	[tilespmem:s1], [sflag:$0x6] =	stream.indirect_vreg.gather [hbm4b:s8+s3], $0x80, v2, vm0, $0xb8;
	[tilespmem:$0x18100] =	vst v63  }
0xb8: {  	s4 =	simm.s32 $0x16900  }
0xb9: {  	[tilespmem:s4], [sflag:$0x6] =	stream.indirect_vreg.gather [hbm4b:s9+s3], $0x80, v2, vm0, $0xb8;
	[tilespmem:$0x18100] =	vst v63  }
0xba: {  	s14 =	simm.s32 $0x17100  }
0xbb: {  	[tilespmem:s14], [sflag:$0x6] =	stream.indirect_vreg.gather [hbm4b:s10+s3], $0x80, v2, vm0, $0xb8;
	[tilespmem:$0x18100] =	vst v63  }
0xbc: {  	s1 =	simm.s32 $0x17900;
	s4 =	sld [smem:$0x7FA]  }
0xbd: {  	[tilespmem:s1], [sflag:$0x6] =	stream.indirect_vreg.gather [hbm4b:s11+s3], $0x80, v2, vm0, $0xb8;
	[tilespmem:$0x18100] =	vst v63  }
0xbe: {  	s22 =	simm.s32 $0x100  }
0xbf: {  	[hbm4b:s4+s3] =	stream.linear.scatter [tilespmem:s22], [sflag:$0x7], $0x4000, $0x38;
	[tilespmem:$0x18100] =	vst v63  }
0xc0: {  	_ =	swait.ge [sflag:s15], $0x4000  }
0xc1: {  	[sflag:s15] =	ssyncset.done $0x0  }
0xc2: {  	[sflag:s15] =	ssyncadd.s32 $0xFFFFC000  }
0xc3: {  	_ =	swait.ge [sflag:s16], $0x4000  }
0xc4: {  	[sflag:s16] =	ssyncset.done $0x0  }
0xc5: {  	[sflag:s16] =	ssyncadd.s32 $0xFFFFC000  }
0xc6: {  	v2 =	vld.msk [tilespmem:$0x30], $0xff;
	_ =	sdelay $0x4  }
0xc7: {  	v3 =	vshll.u32 v2, $0x4  }
0xc8: {  	v2 =	vand.u32 $0x7, v2;
	v3 =	vand.u32 $0xFFFFFF80, v3  }
0xc9: {  	v2 =	vor.u32 v2, v3  }
0xca: {  	v2 =	vperm.xlane v2, v0;
	_ =	sdelay $0x1  }
0xcb: {  	v2 =	vadd.s32 v1, v2;
	_ =	sdelay $0x4  }
0xcc: {  	[tilespmem:s22], [sflag:$0x1] =	stream.indirect_vreg.gather [hbm4b:s2+s3], $0x80, v2, vm0, $0xb8;
	[tilespmem:$0x18100] =	vst v63  }
0xcd: {  	s13 =	simm.s32 $0x900  }
0xce: {  	[tilespmem:s13], [sflag:$0x1] =	stream.indirect_vreg.gather [hbm4b:s5+s3], $0x80, v2, vm0, $0xb8;
	[tilespmem:$0x18100] =	vst v63  }
0xcf: {  	s17 =	simm.s32 $0x1100  }
0xd0: {  	[tilespmem:s17], [sflag:$0x1] =	stream.indirect_vreg.gather [hbm4b:s6+s3], $0x80, v2, vm0, $0xb8;
	[tilespmem:$0x18100] =	vst v63  }
0xd1: {  	s13 =	simm.s32 $0x1900  }
0xd2: {  	[tilespmem:s13], [sflag:$0x1] =	stream.indirect_vreg.gather [hbm4b:s7+s3], $0x80, v2, vm0, $0xb8;
	[tilespmem:$0x18100] =	vst v63  }
0xd3: {  	s17 =	simm.s32 $0x2100  }
0xd4: {  	[tilespmem:s17], [sflag:$0x1] =	stream.indirect_vreg.gather [hbm4b:s8+s3], $0x80, v2, vm0, $0xb8;
	[tilespmem:$0x18100] =	vst v63  }
0xd5: {  	s22 =	simm.s32 $0x2900  }
0xd6: {  	[tilespmem:s22], [sflag:$0x1] =	stream.indirect_vreg.gather [hbm4b:s9+s3], $0x80, v2, vm0, $0xb8;
	[tilespmem:$0x18100] =	vst v63  }
0xd7: {  	s28 =	simm.s32 $0x3100  }
0xd8: {  	[tilespmem:s28], [sflag:$0x1] =	stream.indirect_vreg.gather [hbm4b:s10+s3], $0x80, v2, vm0, $0xb8;
	[tilespmem:$0x18100] =	vst v63  }
0xd9: {  	s13 =	simm.s32 $0x3900  }
0xda: {  	[tilespmem:s13], [sflag:$0x1] =	stream.indirect_vreg.gather [hbm4b:s11+s3], $0x80, v2, vm0, $0xb8;
	[tilespmem:$0x18100] =	vst v63  }
0xdb: {  	s12 =	simm.s32 $0x4100;
	s4 =	rddreg [dreg:$0x5]  }
0xdc: {  	[hbm4b:s4+s3] =	stream.linear.scatter [tilespmem:s12], [sflag:$0x8], $0x4000, $0x38;
	[tilespmem:$0x18100] =	vst v63  }
0xdd: {  	_ =	swait.ge [sflag:s31], $0x4000  }
0xde: {  	[sflag:s31] =	ssyncset.done $0x0  }
0xdf: {  	[sflag:s31] =	ssyncadd.s32 $0xFFFFC000  }
0xe0: {  	_ =	swait.ge [sflag:s18], $0x4000  }
0xe1: {  	[sflag:s18] =	ssyncset.done $0x0  }
0xe2: {  	[sflag:s18] =	ssyncadd.s32 $0xFFFFC000  }
0xe3: {  	v2 =	vld.msk [tilespmem:$0x38], $0xff;
	_ =	sdelay $0x4  }
0xe4: {  	v3 =	vshll.u32 v2, $0x4  }
0xe5: {  	v2 =	vand.u32 $0x7, v2;
	v3 =	vand.u32 $0xFFFFFF80, v3  }
0xe6: {  	v2 =	vor.u32 v2, v3  }
0xe7: {  	v2 =	vperm.xlane v2, v0;
	_ =	sdelay $0x1  }
0xe8: {  	v2 =	vadd.s32 v1, v2;
	_ =	sdelay $0x4  }
0xe9: {  	[tilespmem:s12], [sflag:$0x2] =	stream.indirect_vreg.gather [hbm4b:s2+s3], $0x80, v2, vm0, $0xb8;
	[tilespmem:$0x18100] =	vst v63  }
0xea: {  	s17 =	simm.s32 $0x4900  }
0xeb: {  	[tilespmem:s17], [sflag:$0x2] =	stream.indirect_vreg.gather [hbm4b:s5+s3], $0x80, v2, vm0, $0xb8;
	[tilespmem:$0x18100] =	vst v63  }
0xec: {  	s22 =	simm.s32 $0x5100  }
0xed: {  	[tilespmem:s22], [sflag:$0x2] =	stream.indirect_vreg.gather [hbm4b:s6+s3], $0x80, v2, vm0, $0xb8;
	[tilespmem:$0x18100] =	vst v63  }
0xee: {  	s28 =	simm.s32 $0x5900  }
0xef: {  	[tilespmem:s28], [sflag:$0x2] =	stream.indirect_vreg.gather [hbm4b:s7+s3], $0x80, v2, vm0, $0xb8;
	[tilespmem:$0x18100] =	vst v63  }
0xf0: {  	s4 =	simm.s32 $0x6100  }
0xf1: {  	[tilespmem:s4], [sflag:$0x2] =	stream.indirect_vreg.gather [hbm4b:s8+s3], $0x80, v2, vm0, $0xb8;
	[tilespmem:$0x18100] =	vst v63  }
0xf2: {  	s12 =	simm.s32 $0x6900  }
0xf3: {  	[tilespmem:s12], [sflag:$0x2] =	stream.indirect_vreg.gather [hbm4b:s9+s3], $0x80, v2, vm0, $0xb8;
	[tilespmem:$0x18100] =	vst v63  }
0xf4: {  	s13 =	simm.s32 $0x7100  }
0xf5: {  	[tilespmem:s13], [sflag:$0x2] =	stream.indirect_vreg.gather [hbm4b:s10+s3], $0x80, v2, vm0, $0xb8;
	[tilespmem:$0x18100] =	vst v63  }
0xf6: {  	s22 =	simm.s32 $0x7900  }
0xf7: {  	[tilespmem:s22], [sflag:$0x2] =	stream.indirect_vreg.gather [hbm4b:s11+s3], $0x80, v2, vm0, $0xb8;
	[tilespmem:$0x18100] =	vst v63  }
0xf8: {  	s1 =	simm.s32 $0x8100;
	s17 =	rddreg [dreg:$0x6]  }
0xf9: {  	[hbm4b:s17+s3] =	stream.linear.scatter [tilespmem:s1], [sflag:$0x9], $0x4000, $0x38;
	[tilespmem:$0x18100] =	vst v63  }
0xfa: {  	_ =	swait.ge [sflag:s19], $0x4000  }
0xfb: {  	[sflag:s19] =	ssyncset.done $0x0  }
0xfc: {  	[sflag:s19] =	ssyncadd.s32 $0xFFFFC000  }
0xfd: {  	_ =	swait.ge [sflag:s20], $0x4000  }
0xfe: {  	[sflag:s20] =	ssyncset.done $0x0  }
0xff: {  	[sflag:s20] =	ssyncadd.s32 $0xFFFFC000  }
0x100: {  	v2 =	vld.msk [tilespmem:$0x40], $0xff;
	_ =	sdelay $0x4  }
0x101: {  	v3 =	vshll.u32 v2, $0x4  }
0x102: {  	v2 =	vand.u32 $0x7, v2;
	v3 =	vand.u32 $0xFFFFFF80, v3  }
0x103: {  	v2 =	vor.u32 v2, v3  }
0x104: {  	v2 =	vperm.xlane v2, v0;
	_ =	sdelay $0x1  }
0x105: {  	v2 =	vadd.s32 v1, v2;
	_ =	sdelay $0x4  }
0x106: {  	[tilespmem:s1], [sflag:$0x3] =	stream.indirect_vreg.gather [hbm4b:s2+s3], $0x80, v2, vm0, $0xb8;
	[tilespmem:$0x18100] =	vst v63  }
0x107: {  	s29 =	simm.s32 $0x8900  }
0x108: {  	[tilespmem:s29], [sflag:$0x3] =	stream.indirect_vreg.gather [hbm4b:s5+s3], $0x80, v2, vm0, $0xb8;
	[tilespmem:$0x18100] =	vst v63  }
0x109: {  	s30 =	simm.s32 $0x9100  }
0x10a: {  	[tilespmem:s30], [sflag:$0x3] =	stream.indirect_vreg.gather [hbm4b:s6+s3], $0x80, v2, vm0, $0xb8;
	[tilespmem:$0x18100] =	vst v63  }
0x10b: {  	s12 =	simm.s32 $0x9900  }
0x10c: {  	[tilespmem:s12], [sflag:$0x3] =	stream.indirect_vreg.gather [hbm4b:s7+s3], $0x80, v2, vm0, $0xb8;
	[tilespmem:$0x18100] =	vst v63  }
0x10d: {  	s13 =	simm.s32 $0xA100  }
0x10e: {  	[tilespmem:s13], [sflag:$0x3] =	stream.indirect_vreg.gather [hbm4b:s8+s3], $0x80, v2, vm0, $0xb8;
	[tilespmem:$0x18100] =	vst v63  }
0x10f: {  	s17 =	simm.s32 $0xA900  }
0x110: {  	[tilespmem:s17], [sflag:$0x3] =	stream.indirect_vreg.gather [hbm4b:s9+s3], $0x80, v2, vm0, $0xb8;
	[tilespmem:$0x18100] =	vst v63  }
0x111: {  	s28 =	simm.s32 $0xB100  }
0x112: {  	[tilespmem:s28], [sflag:$0x3] =	stream.indirect_vreg.gather [hbm4b:s10+s3], $0x80, v2, vm0, $0xb8;
	[tilespmem:$0x18100] =	vst v63  }
0x113: {  	s30 =	simm.s32 $0xB900  }
0x114: {  	[tilespmem:s30], [sflag:$0x3] =	stream.indirect_vreg.gather [hbm4b:s11+s3], $0x80, v2, vm0, $0xb8;
	[tilespmem:$0x18100] =	vst v63  }
0x115: {  	s4 =	simm.s32 $0xC100;
	s29 =	rddreg [dreg:$0x7]  }
0x116: {  	[hbm4b:s29+s3] =	stream.linear.scatter [tilespmem:s4], [sflag:$0xA], $0x4000, $0x38;
	[tilespmem:$0x18100] =	vst v63  }
0x117: {  	_ =	swait.ge [sflag:s21], $0x4000  }
0x118: {  	[sflag:s21] =	ssyncset.done $0x0  }
0x119: {  	[sflag:s21] =	ssyncadd.s32 $0xFFFFC000  }
0x11a: {  	_ =	swait.ge [sflag:s23], $0x4000  }
0x11b: {  	[sflag:s23] =	ssyncset.done $0x0  }
0x11c: {  	[sflag:s23] =	ssyncadd.s32 $0xFFFFC000  }
0x11d: {  	v2 =	vld.msk [tilespmem:$0x48], $0xff;
	_ =	sdelay $0x4  }
0x11e: {  	v3 =	vshll.u32 v2, $0x4  }
0x11f: {  	v2 =	vand.u32 $0x7, v2;
	v3 =	vand.u32 $0xFFFFFF80, v3  }
0x120: {  	v2 =	vor.u32 v2, v3  }
0x121: {  	v2 =	vperm.xlane v2, v0;
	_ =	sdelay $0x1  }
0x122: {  	v2 =	vadd.s32 v1, v2;
	_ =	sdelay $0x4  }
0x123: {  	[tilespmem:s4], [sflag:$0x4] =	stream.indirect_vreg.gather [hbm4b:s2+s3], $0x80, v2, vm0, $0xb8;
	[tilespmem:$0x18100] =	vst v63  }
0x124: {  	s4 =	simm.s32 $0xC900  }
0x125: {  	[tilespmem:s4], [sflag:$0x4] =	stream.indirect_vreg.gather [hbm4b:s5+s3], $0x80, v2, vm0, $0xb8;
	[tilespmem:$0x18100] =	vst v63  }
0x126: {  	s12 =	simm.s32 $0xD100  }
0x127: {  	[tilespmem:s12], [sflag:$0x4] =	stream.indirect_vreg.gather [hbm4b:s6+s3], $0x80, v2, vm0, $0xb8;
	[tilespmem:$0x18100] =	vst v63  }
0x128: {  	s13 =	simm.s32 $0xD900  }
0x129: {  	[tilespmem:s13], [sflag:$0x4] =	stream.indirect_vreg.gather [hbm4b:s7+s3], $0x80, v2, vm0, $0xb8;
	[tilespmem:$0x18100] =	vst v63  }
0x12a: {  	s17 =	simm.s32 $0xE100  }
0x12b: {  	[tilespmem:s17], [sflag:$0x4] =	stream.indirect_vreg.gather [hbm4b:s8+s3], $0x80, v2, vm0, $0xb8;
	[tilespmem:$0x18100] =	vst v63  }
0x12c: {  	s28 =	simm.s32 $0xE900  }
0x12d: {  	[tilespmem:s28], [sflag:$0x4] =	stream.indirect_vreg.gather [hbm4b:s9+s3], $0x80, v2, vm0, $0xb8;
	[tilespmem:$0x18100] =	vst v63  }
0x12e: {  	s29 =	simm.s32 $0xF100  }
0x12f: {  	[tilespmem:s29], [sflag:$0x4] =	stream.indirect_vreg.gather [hbm4b:s10+s3], $0x80, v2, vm0, $0xb8;
	[tilespmem:$0x18100] =	vst v63  }
0x130: {  	s13 =	simm.s32 $0xF900  }
0x131: {  	[tilespmem:s13], [sflag:$0x4] =	stream.indirect_vreg.gather [hbm4b:s11+s3], $0x80, v2, vm0, $0xb8;
	[tilespmem:$0x18100] =	vst v63  }
0x132: {  	s12 =	rddreg [dreg:$0x8];
	s17 =	simm.s32 $0x10100  }
0x133: {  	[hbm4b:s12+s3] =	stream.linear.scatter [tilespmem:s17], [sflag:$0xB], $0x4000, $0x38;
	[tilespmem:$0x18100] =	vst v63  }
0x134: {  	_ =	swait.ge [sflag:s24], $0x4000  }
0x135: {  	[sflag:s24] =	ssyncset.done $0x0  }
0x136: {  	[sflag:s24] =	ssyncadd.s32 $0xFFFFC000  }
0x137: {  	_ =	swait.ge [sflag:s25], $0x4000  }
0x138: {  	[sflag:s25] =	ssyncset.done $0x0  }
0x139: {  	[sflag:s25] =	ssyncadd.s32 $0xFFFFC000  }
0x13a: {  	v2 =	vld.msk [tilespmem:$0x50], $0xff;
	_ =	sdelay $0x4  }
0x13b: {  	v3 =	vshll.u32 v2, $0x4  }
0x13c: {  	v2 =	vand.u32 $0x7, v2;
	v3 =	vand.u32 $0xFFFFFF80, v3  }
0x13d: {  	v2 =	vor.u32 v2, v3  }
0x13e: {  	v2 =	vperm.xlane v2, v0;
	_ =	sdelay $0x1  }
0x13f: {  	v2 =	vadd.s32 v1, v2;
	_ =	sdelay $0x4  }
0x140: {  	[tilespmem:s17], [sflag:$0x5] =	stream.indirect_vreg.gather [hbm4b:s2+s3], $0x80, v2, vm0, $0xb8;
	[tilespmem:$0x18100] =	vst v63  }
0x141: {  	s29 =	simm.s32 $0x10900  }
0x142: {  	[tilespmem:s29], [sflag:$0x5] =	stream.indirect_vreg.gather [hbm4b:s5+s3], $0x80, v2, vm0, $0xb8;
	[tilespmem:$0x18100] =	vst v63  }
0x143: {  	s28 =	simm.s32 $0x11100  }
0x144: {  	[tilespmem:s28], [sflag:$0x5] =	stream.indirect_vreg.gather [hbm4b:s6+s3], $0x80, v2, vm0, $0xb8;
	[tilespmem:$0x18100] =	vst v63  }
0x145: {  	s12 =	simm.s32 $0x11900  }
0x146: {  	[tilespmem:s12], [sflag:$0x5] =	stream.indirect_vreg.gather [hbm4b:s7+s3], $0x80, v2, vm0, $0xb8;
	[tilespmem:$0x18100] =	vst v63  }
0x147: {  	s12 =	simm.s32 $0x12100  }
0x148: {  	[tilespmem:s12], [sflag:$0x5] =	stream.indirect_vreg.gather [hbm4b:s8+s3], $0x80, v2, vm0, $0xb8;
	[tilespmem:$0x18100] =	vst v63  }
0x149: {  	s17 =	simm.s32 $0x12900  }
0x14a: {  	[tilespmem:s17], [sflag:$0x5] =	stream.indirect_vreg.gather [hbm4b:s9+s3], $0x80, v2, vm0, $0xb8;
	[tilespmem:$0x18100] =	vst v63  }
0x14b: {  	s28 =	simm.s32 $0x13100  }
0x14c: {  	[tilespmem:s28], [sflag:$0x5] =	stream.indirect_vreg.gather [hbm4b:s10+s3], $0x80, v2, vm0, $0xb8;
	[tilespmem:$0x18100] =	vst v63  }
0x14d: {  	s17 =	simm.s32 $0x13900  }
0x14e: {  	[tilespmem:s17], [sflag:$0x5] =	stream.indirect_vreg.gather [hbm4b:s11+s3], $0x80, v2, vm0, $0xb8;
	[tilespmem:$0x18100] =	vst v63  }
0x14f: {  	s1 =	simm.s32 $0x14100;
	s28 =	rddreg [dreg:$0x9]  }
0x150: {  	[hbm4b:s28+s3] =	stream.linear.scatter [tilespmem:s1], [sflag:$0xC], $0x4000, $0x38;
	[tilespmem:$0x18100] =	vst v63  }
0x151: {  	_ =	swait.ge [sflag:s0], $0x4000  }
0x152: {  	[sflag:s0] =	ssyncset.done $0x0  }
0x153: {  	[sflag:s0] =	ssyncadd.s32 $0xFFFFC000  }
0x154: {  	_ =	swait.ge [sflag:s26], $0x4000  }
0x155: {  	[sflag:s26] =	ssyncset.done $0x0  }
0x156: {  	[sflag:s26] =	ssyncadd.s32 $0xFFFFC000  }
0x157: {  	v2 =	vld.msk [tilespmem:$0x58], $0xff;
	_ =	sdelay $0x4  }
0x158: {  	v3 =	vshll.u32 v2, $0x4  }
0x159: {  	v2 =	vand.u32 $0x7, v2;
	v3 =	vand.u32 $0xFFFFFF80, v3  }
0x15a: {  	v2 =	vor.u32 v2, v3  }
0x15b: {  	v2 =	vperm.xlane v2, v0;
	_ =	sdelay $0x1  }
0x15c: {  	v2 =	vadd.s32 v1, v2;
	_ =	sdelay $0x4  }
0x15d: {  	[tilespmem:s1], [sflag:$0x6] =	stream.indirect_vreg.gather [hbm4b:s2+s3], $0x80, v2, vm0, $0xb8;
	[tilespmem:$0x18100] =	vst v63  }
0x15e: {  	s17 =	simm.s32 $0x14900  }
0x15f: {  	[tilespmem:s17], [sflag:$0x6] =	stream.indirect_vreg.gather [hbm4b:s5+s3], $0x80, v2, vm0, $0xb8;
	[tilespmem:$0x18100] =	vst v63  }
0x160: {  	s28 =	simm.s32 $0x15100  }
0x161: {  	[tilespmem:s28], [sflag:$0x6] =	stream.indirect_vreg.gather [hbm4b:s6+s3], $0x80, v2, vm0, $0xb8;
	[tilespmem:$0x18100] =	vst v63  }
0x162: {  	s17 =	simm.s32 $0x15900  }
0x163: {  	[tilespmem:s17], [sflag:$0x6] =	stream.indirect_vreg.gather [hbm4b:s7+s3], $0x80, v2, vm0, $0xb8;
	[tilespmem:$0x18100] =	vst v63  }
0x164: {  	s28 =	simm.s32 $0x16100  }
0x165: {  	[tilespmem:s28], [sflag:$0x6] =	stream.indirect_vreg.gather [hbm4b:s8+s3], $0x80, v2, vm0, $0xb8;
	[tilespmem:$0x18100] =	vst v63  }
0x166: {  	s17 =	simm.s32 $0x16900  }
0x167: {  	[tilespmem:s17], [sflag:$0x6] =	stream.indirect_vreg.gather [hbm4b:s9+s3], $0x80, v2, vm0, $0xb8;
	[tilespmem:$0x18100] =	vst v63  }
0x168: {  	s28 =	simm.s32 $0x17100  }
0x169: {  	[tilespmem:s28], [sflag:$0x6] =	stream.indirect_vreg.gather [hbm4b:s10+s3], $0x80, v2, vm0, $0xb8;
	[tilespmem:$0x18100] =	vst v63  }
0x16a: {  	s14 =	simm.s32 $0x17900  }
0x16b: {  	[tilespmem:s14], [sflag:$0x6] =	stream.indirect_vreg.gather [hbm4b:s11+s3], $0x80, v2, vm0, $0xb8;
	[tilespmem:$0x18100] =	vst v63  }
0x16c: {  	s1 =	rddreg [dreg:$0xa];
	s14 =	simm.s32 $0x100  }
0x16d: {  	[hbm4b:s1+s3] =	stream.linear.scatter [tilespmem:s14], [sflag:$0x7], $0x4000, $0x38;
	[tilespmem:$0x18100] =	vst v63  }
0x16e: {  	_ =	swait.ge [sflag:s15], $0x4000  }
0x16f: {  	[sflag:s15] =	ssyncset.done $0x0  }
0x170: {  	[sflag:s15] =	ssyncadd.s32 $0xFFFFC000  }
0x171: {  	_ =	swait.ge [sflag:s16], $0x4000  }
0x172: {  	[sflag:s16] =	ssyncset.done $0x0  }
0x173: {  	[sflag:s16] =	ssyncadd.s32 $0xFFFFC000  }
0x174: {  	v2 =	vld.msk [tilespmem:$0x60], $0xff;
	_ =	sdelay $0x4  }
0x175: {  	v3 =	vshll.u32 v2, $0x4  }
0x176: {  	v2 =	vand.u32 $0x7, v2;
	v3 =	vand.u32 $0xFFFFFF80, v3  }
0x177: {  	v2 =	vor.u32 v2, v3  }
0x178: {  	v2 =	vperm.xlane v2, v0;
	_ =	sdelay $0x1  }
0x179: {  	v2 =	vadd.s32 v1, v2;
	_ =	sdelay $0x4  }
0x17a: {  	[tilespmem:s14], [sflag:$0x1] =	stream.indirect_vreg.gather [hbm4b:s2+s3], $0x80, v2, vm0, $0xb8;
	[tilespmem:$0x18100] =	vst v63  }
0x17b: {  	s17 =	simm.s32 $0x900  }
0x17c: {  	[tilespmem:s17], [sflag:$0x1] =	stream.indirect_vreg.gather [hbm4b:s5+s3], $0x80, v2, vm0, $0xb8;
	[tilespmem:$0x18100] =	vst v63  }
0x17d: {  	s28 =	simm.s32 $0x1100  }
0x17e: {  	[tilespmem:s28], [sflag:$0x1] =	stream.indirect_vreg.gather [hbm4b:s6+s3], $0x80, v2, vm0, $0xb8;
	[tilespmem:$0x18100] =	vst v63  }
0x17f: {  	s14 =	simm.s32 $0x1900  }
0x180: {  	[tilespmem:s14], [sflag:$0x1] =	stream.indirect_vreg.gather [hbm4b:s7+s3], $0x80, v2, vm0, $0xb8;
	[tilespmem:$0x18100] =	vst v63  }
0x181: {  	s17 =	simm.s32 $0x2100  }
0x182: {  	[tilespmem:s17], [sflag:$0x1] =	stream.indirect_vreg.gather [hbm4b:s8+s3], $0x80, v2, vm0, $0xb8;
	[tilespmem:$0x18100] =	vst v63  }
0x183: {  	s28 =	simm.s32 $0x2900  }
0x184: {  	[tilespmem:s28], [sflag:$0x1] =	stream.indirect_vreg.gather [hbm4b:s9+s3], $0x80, v2, vm0, $0xb8;
	[tilespmem:$0x18100] =	vst v63  }
0x185: {  	s14 =	simm.s32 $0x3100  }
0x186: {  	[tilespmem:s14], [sflag:$0x1] =	stream.indirect_vreg.gather [hbm4b:s10+s3], $0x80, v2, vm0, $0xb8;
	[tilespmem:$0x18100] =	vst v63  }
0x187: {  	s17 =	simm.s32 $0x3900  }
0x188: {  	[tilespmem:s17], [sflag:$0x1] =	stream.indirect_vreg.gather [hbm4b:s11+s3], $0x80, v2, vm0, $0xb8;
	[tilespmem:$0x18100] =	vst v63  }
0x189: {  	s28 =	rddreg [dreg:$0xb];
	s14 =	simm.s32 $0x4100  }
0x18a: {  	[hbm4b:s28+s3] =	stream.linear.scatter [tilespmem:s14], [sflag:$0x8], $0x4000, $0x38;
	[tilespmem:$0x18100] =	vst v63  }
0x18b: {  	_ =	swait.ge [sflag:s31], $0x4000  }
0x18c: {  	[sflag:s31] =	ssyncset.done $0x0  }
0x18d: {  	[sflag:s31] =	ssyncadd.s32 $0xFFFFC000  }
0x18e: {  	_ =	swait.ge [sflag:s18], $0x4000  }
0x18f: {  	[sflag:s18] =	ssyncset.done $0x0  }
0x190: {  	[sflag:s18] =	ssyncadd.s32 $0xFFFFC000  }
0x191: {  	v2 =	vld.msk [tilespmem:$0x68], $0xff;
	_ =	sdelay $0x4  }
0x192: {  	v3 =	vshll.u32 v2, $0x4  }
0x193: {  	v2 =	vand.u32 $0x7, v2;
	v3 =	vand.u32 $0xFFFFFF80, v3  }
0x194: {  	v2 =	vor.u32 v2, v3  }
0x195: {  	v2 =	vperm.xlane v2, v0;
	_ =	sdelay $0x1  }
0x196: {  	v2 =	vadd.s32 v1, v2;
	_ =	sdelay $0x4  }
0x197: {  	[tilespmem:s14], [sflag:$0x2] =	stream.indirect_vreg.gather [hbm4b:s2+s3], $0x80, v2, vm0, $0xb8;
	[tilespmem:$0x18100] =	vst v63  }
0x198: {  	s17 =	simm.s32 $0x4900  }
0x199: {  	[tilespmem:s17], [sflag:$0x2] =	stream.indirect_vreg.gather [hbm4b:s5+s3], $0x80, v2, vm0, $0xb8;
	[tilespmem:$0x18100] =	vst v63  }
0x19a: {  	s28 =	simm.s32 $0x5100  }
0x19b: {  	[tilespmem:s28], [sflag:$0x2] =	stream.indirect_vreg.gather [hbm4b:s6+s3], $0x80, v2, vm0, $0xb8;
	[tilespmem:$0x18100] =	vst v63  }
0x19c: {  	s14 =	simm.s32 $0x5900  }
0x19d: {  	[tilespmem:s14], [sflag:$0x2] =	stream.indirect_vreg.gather [hbm4b:s7+s3], $0x80, v2, vm0, $0xb8;
	[tilespmem:$0x18100] =	vst v63  }
0x19e: {  	s17 =	simm.s32 $0x6100  }
0x19f: {  	[tilespmem:s17], [sflag:$0x2] =	stream.indirect_vreg.gather [hbm4b:s8+s3], $0x80, v2, vm0, $0xb8;
	[tilespmem:$0x18100] =	vst v63  }
0x1a0: {  	s28 =	simm.s32 $0x6900  }
0x1a1: {  	[tilespmem:s28], [sflag:$0x2] =	stream.indirect_vreg.gather [hbm4b:s9+s3], $0x80, v2, vm0, $0xb8;
	[tilespmem:$0x18100] =	vst v63  }
0x1a2: {  	s14 =	simm.s32 $0x7100  }
0x1a3: {  	[tilespmem:s14], [sflag:$0x2] =	stream.indirect_vreg.gather [hbm4b:s10+s3], $0x80, v2, vm0, $0xb8;
	[tilespmem:$0x18100] =	vst v63  }
0x1a4: {  	s22 =	simm.s32 $0x7900  }
0x1a5: {  	[tilespmem:s22], [sflag:$0x2] =	stream.indirect_vreg.gather [hbm4b:s11+s3], $0x80, v2, vm0, $0xb8;
	[tilespmem:$0x18100] =	vst v63  }
0x1a6: {  	s17 =	rddreg [dreg:$0xc];
	s22 =	simm.s32 $0x8100  }
0x1a7: {  	[hbm4b:s17+s3] =	stream.linear.scatter [tilespmem:s22], [sflag:$0x9], $0x4000, $0x38;
	[tilespmem:$0x18100] =	vst v63  }
0x1a8: {  	_ =	swait.ge [sflag:s19], $0x4000  }
0x1a9: {  	[sflag:s19] =	ssyncset.done $0x0  }
0x1aa: {  	[sflag:s19] =	ssyncadd.s32 $0xFFFFC000  }
0x1ab: {  	_ =	swait.ge [sflag:s20], $0x4000  }
0x1ac: {  	[sflag:s20] =	ssyncset.done $0x0  }
0x1ad: {  	[sflag:s20] =	ssyncadd.s32 $0xFFFFC000  }
0x1ae: {  	v2 =	vld.msk [tilespmem:$0x70], $0xff;
	_ =	sdelay $0x4  }
0x1af: {  	v3 =	vshll.u32 v2, $0x4  }
0x1b0: {  	v2 =	vand.u32 $0x7, v2;
	v3 =	vand.u32 $0xFFFFFF80, v3  }
0x1b1: {  	v2 =	vor.u32 v2, v3  }
0x1b2: {  	v2 =	vperm.xlane v2, v0;
	_ =	sdelay $0x1  }
0x1b3: {  	v2 =	vadd.s32 v1, v2;
	_ =	sdelay $0x4  }
0x1b4: {  	[tilespmem:s22], [sflag:$0x3] =	stream.indirect_vreg.gather [hbm4b:s2+s3], $0x80, v2, vm0, $0xb8;
	[tilespmem:$0x18100] =	vst v63  }
0x1b5: {  	s22 =	simm.s32 $0x8900  }
0x1b6: {  	[tilespmem:s22], [sflag:$0x3] =	stream.indirect_vreg.gather [hbm4b:s5+s3], $0x80, v2, vm0, $0xb8;
	[tilespmem:$0x18100] =	vst v63  }
0x1b7: {  	s28 =	simm.s32 $0x9100  }
0x1b8: {  	[tilespmem:s28], [sflag:$0x3] =	stream.indirect_vreg.gather [hbm4b:s6+s3], $0x80, v2, vm0, $0xb8;
	[tilespmem:$0x18100] =	vst v63  }
0x1b9: {  	s17 =	simm.s32 $0x9900  }
0x1ba: {  	[tilespmem:s17], [sflag:$0x3] =	stream.indirect_vreg.gather [hbm4b:s7+s3], $0x80, v2, vm0, $0xb8;
	[tilespmem:$0x18100] =	vst v63  }
0x1bb: {  	s28 =	simm.s32 $0xA100  }
0x1bc: {  	[tilespmem:s28], [sflag:$0x3] =	stream.indirect_vreg.gather [hbm4b:s8+s3], $0x80, v2, vm0, $0xb8;
	[tilespmem:$0x18100] =	vst v63  }
0x1bd: {  	s17 =	simm.s32 $0xA900  }
0x1be: {  	[tilespmem:s17], [sflag:$0x3] =	stream.indirect_vreg.gather [hbm4b:s9+s3], $0x80, v2, vm0, $0xb8;
	[tilespmem:$0x18100] =	vst v63  }
0x1bf: {  	s28 =	simm.s32 $0xB100  }
0x1c0: {  	[tilespmem:s28], [sflag:$0x3] =	stream.indirect_vreg.gather [hbm4b:s10+s3], $0x80, v2, vm0, $0xb8;
	[tilespmem:$0x18100] =	vst v63  }
0x1c1: {  	s17 =	simm.s32 $0xB900  }
0x1c2: {  	[tilespmem:s17], [sflag:$0x3] =	stream.indirect_vreg.gather [hbm4b:s11+s3], $0x80, v2, vm0, $0xb8;
	[tilespmem:$0x18100] =	vst v63  }
0x1c3: {  	s14 =	simm.s32 $0xC100;
	s28 =	rddreg [dreg:$0xd]  }
0x1c4: {  	[hbm4b:s28+s3] =	stream.linear.scatter [tilespmem:s14], [sflag:$0xA], $0x4000, $0x38;
	[tilespmem:$0x18100] =	vst v63  }
0x1c5: {  	_ =	swait.ge [sflag:s21], $0x4000  }
0x1c6: {  	[sflag:s21] =	ssyncset.done $0x0  }
0x1c7: {  	[sflag:s21] =	ssyncadd.s32 $0xFFFFC000  }
0x1c8: {  	_ =	swait.ge [sflag:s23], $0x4000  }
0x1c9: {  	[sflag:s23] =	ssyncset.done $0x0  }
0x1ca: {  	[sflag:s23] =	ssyncadd.s32 $0xFFFFC000  }
0x1cb: {  	v2 =	vld.msk [tilespmem:$0x78], $0xff;
	_ =	sdelay $0x4  }
0x1cc: {  	v3 =	vshll.u32 v2, $0x4  }
0x1cd: {  	v2 =	vand.u32 $0x7, v2;
	v3 =	vand.u32 $0xFFFFFF80, v3  }
0x1ce: {  	v2 =	vor.u32 v2, v3  }
0x1cf: {  	v2 =	vperm.xlane v2, v0;
	_ =	sdelay $0x1  }
0x1d0: {  	v2 =	vadd.s32 v1, v2;
	_ =	sdelay $0x4  }
0x1d1: {  	[tilespmem:s14], [sflag:$0x4] =	stream.indirect_vreg.gather [hbm4b:s2+s3], $0x80, v2, vm0, $0xb8;
	[tilespmem:$0x18100] =	vst v63  }
0x1d2: {  	_ = 	snop  }
0x1d3: {  	[tilespmem:s4], [sflag:$0x4] =	stream.indirect_vreg.gather [hbm4b:s5+s3], $0x80, v2, vm0, $0xb8;
	[tilespmem:$0x18100] =	vst v63  }
0x1d4: {  	s30 =	simm.s32 $0xD100  }
0x1d5: {  	[tilespmem:s30], [sflag:$0x4] =	stream.indirect_vreg.gather [hbm4b:s6+s3], $0x80, v2, vm0, $0xb8;
	[tilespmem:$0x18100] =	vst v63  }
0x1d6: {  	s30 =	simm.s32 $0xD900  }
0x1d7: {  	[tilespmem:s30], [sflag:$0x4] =	stream.indirect_vreg.gather [hbm4b:s7+s3], $0x80, v2, vm0, $0xb8;
	[tilespmem:$0x18100] =	vst v63  }
0x1d8: {  	s17 =	simm.s32 $0xE100  }
0x1d9: {  	[tilespmem:s17], [sflag:$0x4] =	stream.indirect_vreg.gather [hbm4b:s8+s3], $0x80, v2, vm0, $0xb8;
	[tilespmem:$0x18100] =	vst v63  }
0x1da: {  	s28 =	simm.s32 $0xE900  }
0x1db: {  	[tilespmem:s28], [sflag:$0x4] =	stream.indirect_vreg.gather [hbm4b:s9+s3], $0x80, v2, vm0, $0xb8;
	[tilespmem:$0x18100] =	vst v63  }
0x1dc: {  	s30 =	simm.s32 $0xF100  }
0x1dd: {  	[tilespmem:s30], [sflag:$0x4] =	stream.indirect_vreg.gather [hbm4b:s10+s3], $0x80, v2, vm0, $0xb8;
	[tilespmem:$0x18100] =	vst v63  }
0x1de: {  	s13 =	simm.s32 $0xF900  }
0x1df: {  	[tilespmem:s13], [sflag:$0x4] =	stream.indirect_vreg.gather [hbm4b:s11+s3], $0x80, v2, vm0, $0xb8;
	[tilespmem:$0x18100] =	vst v63  }
0x1e0: {  	s4 =	rddreg [dreg:$0xe];
	s17 =	simm.s32 $0x10100  }
0x1e1: {  	[hbm4b:s4+s3] =	stream.linear.scatter [tilespmem:s17], [sflag:$0xB], $0x4000, $0x38;
	[tilespmem:$0x18100] =	vst v63  }
0x1e2: {  	_ =	swait.ge [sflag:s24], $0x4000  }
0x1e3: {  	[sflag:s24] =	ssyncset.done $0x0  }
0x1e4: {  	[sflag:s24] =	ssyncadd.s32 $0xFFFFC000  }
0x1e5: {  	_ =	swait.ge [sflag:s25], $0x4000  }
0x1e6: {  	[sflag:s25] =	ssyncset.done $0x0  }
0x1e7: {  	[sflag:s25] =	ssyncadd.s32 $0xFFFFC000  }
0x1e8: {  	v2 =	vld.msk [tilespmem:$0x80], $0xff;
	_ =	sdelay $0x4  }
0x1e9: {  	v3 =	vshll.u32 v2, $0x4  }
0x1ea: {  	v2 =	vand.u32 $0x7, v2;
	v3 =	vand.u32 $0xFFFFFF80, v3  }
0x1eb: {  	v2 =	vor.u32 v2, v3  }
0x1ec: {  	v2 =	vperm.xlane v2, v0;
	_ =	sdelay $0x1  }
0x1ed: {  	v2 =	vadd.s32 v1, v2;
	_ =	sdelay $0x4  }
0x1ee: {  	[tilespmem:s17], [sflag:$0x5] =	stream.indirect_vreg.gather [hbm4b:s2+s3], $0x80, v2, vm0, $0xb8;
	[tilespmem:$0x18100] =	vst v63  }
0x1ef: {  	_ = 	snop  }
0x1f0: {  	[tilespmem:s29], [sflag:$0x5] =	stream.indirect_vreg.gather [hbm4b:s5+s3], $0x80, v2, vm0, $0xb8;
	[tilespmem:$0x18100] =	vst v63  }
0x1f1: {  	s30 =	simm.s32 $0x11100  }
0x1f2: {  	[tilespmem:s30], [sflag:$0x5] =	stream.indirect_vreg.gather [hbm4b:s6+s3], $0x80, v2, vm0, $0xb8;
	[tilespmem:$0x18100] =	vst v63  }
0x1f3: {  	s17 =	simm.s32 $0x11900  }
0x1f4: {  	[tilespmem:s17], [sflag:$0x5] =	stream.indirect_vreg.gather [hbm4b:s7+s3], $0x80, v2, vm0, $0xb8;
	[tilespmem:$0x18100] =	vst v63  }
0x1f5: {  	_ = 	snop  }
0x1f6: {  	[tilespmem:s12], [sflag:$0x5] =	stream.indirect_vreg.gather [hbm4b:s8+s3], $0x80, v2, vm0, $0xb8;
	[tilespmem:$0x18100] =	vst v63  }
0x1f7: {  	s28 =	simm.s32 $0x12900  }
0x1f8: {  	[tilespmem:s28], [sflag:$0x5] =	stream.indirect_vreg.gather [hbm4b:s9+s3], $0x80, v2, vm0, $0xb8;
	[tilespmem:$0x18100] =	vst v63  }
0x1f9: {  	s29 =	simm.s32 $0x13100  }
0x1fa: {  	[tilespmem:s29], [sflag:$0x5] =	stream.indirect_vreg.gather [hbm4b:s10+s3], $0x80, v2, vm0, $0xb8;
	[tilespmem:$0x18100] =	vst v63  }
0x1fb: {  	s12 =	simm.s32 $0x13900  }
0x1fc: {  	[tilespmem:s12], [sflag:$0x5] =	stream.indirect_vreg.gather [hbm4b:s11+s3], $0x80, v2, vm0, $0xb8;
	[tilespmem:$0x18100] =	vst v63  }
0x1fd: {  	s30 =	rddreg [dreg:$0xf];
	s17 =	simm.s32 $0x14100  }
0x1fe: {  	[hbm4b:s30+s3] =	stream.linear.scatter [tilespmem:s17], [sflag:$0xC], $0x4000, $0x38;
	[tilespmem:$0x18100] =	vst v63  }
0x1ff: {  	_ =	swait.ge [sflag:s0], $0x4000  }
0x200: {  	[sflag:s0] =	ssyncset.done $0x0  }
0x201: {  	[sflag:s0] =	ssyncadd.s32 $0xFFFFC000  }
0x202: {  	_ =	swait.ge [sflag:s26], $0x4000  }
0x203: {  	[sflag:s26] =	ssyncset.done $0x0  }
0x204: {  	[sflag:s26] =	ssyncadd.s32 $0xFFFFC000  }
0x205: {  	v2 =	vld.msk [tilespmem:$0x88], $0xff;
	_ =	sdelay $0x4  }
0x206: {  	v3 =	vshll.u32 v2, $0x4  }
0x207: {  	v2 =	vand.u32 $0x7, v2;
	v3 =	vand.u32 $0xFFFFFF80, v3  }
0x208: {  	v2 =	vor.u32 v2, v3  }
0x209: {  	v2 =	vperm.xlane v2, v0;
	_ =	sdelay $0x1  }
0x20a: {  	v2 =	vadd.s32 v1, v2;
	_ =	sdelay $0x4  }
0x20b: {  	[tilespmem:s17], [sflag:$0x6] =	stream.indirect_vreg.gather [hbm4b:s2+s3], $0x80, v2, vm0, $0xb8;
	[tilespmem:$0x18100] =	vst v63  }
0x20c: {  	s17 =	simm.s32 $0x14900  }
0x20d: {  	[tilespmem:s17], [sflag:$0x6] =	stream.indirect_vreg.gather [hbm4b:s5+s3], $0x80, v2, vm0, $0xb8;
	[tilespmem:$0x18100] =	vst v63  }
0x20e: {  	s28 =	simm.s32 $0x15100  }
0x20f: {  	[tilespmem:s28], [sflag:$0x6] =	stream.indirect_vreg.gather [hbm4b:s6+s3], $0x80, v2, vm0, $0xb8;
	[tilespmem:$0x18100] =	vst v63  }
0x210: {  	s29 =	simm.s32 $0x15900  }
0x211: {  	[tilespmem:s29], [sflag:$0x6] =	stream.indirect_vreg.gather [hbm4b:s7+s3], $0x80, v2, vm0, $0xb8;
	[tilespmem:$0x18100] =	vst v63  }
0x212: {  	s30 =	simm.s32 $0x16100  }
0x213: {  	[tilespmem:s30], [sflag:$0x6] =	stream.indirect_vreg.gather [hbm4b:s8+s3], $0x80, v2, vm0, $0xb8;
	[tilespmem:$0x18100] =	vst v63  }
0x214: {  	s12 =	simm.s32 $0x16900  }
0x215: {  	[tilespmem:s12], [sflag:$0x6] =	stream.indirect_vreg.gather [hbm4b:s9+s3], $0x80, v2, vm0, $0xb8;
	[tilespmem:$0x18100] =	vst v63  }
0x216: {  	s28 =	simm.s32 $0x17100  }
0x217: {  	[tilespmem:s28], [sflag:$0x6] =	stream.indirect_vreg.gather [hbm4b:s10+s3], $0x80, v2, vm0, $0xb8;
	[tilespmem:$0x18100] =	vst v63  }
0x218: {  	s30 =	simm.s32 $0x17900  }
0x219: {  	[tilespmem:s30], [sflag:$0x6] =	stream.indirect_vreg.gather [hbm4b:s11+s3], $0x80, v2, vm0, $0xb8;
	[tilespmem:$0x18100] =	vst v63  }
0x21a: {  	s4 =	simm.s32 $0x100;
	s29 =	rddreg [dreg:$0x10]  }
0x21b: {  	[hbm4b:s29+s3] =	stream.linear.scatter [tilespmem:s4], [sflag:$0x7], $0x4000, $0x38;
	[tilespmem:$0x18100] =	vst v63  }
0x21c: {  	_ =	swait.ge [sflag:s15], $0x4000  }
0x21d: {  	[sflag:s15] =	ssyncset.done $0x0  }
0x21e: {  	[sflag:s15] =	ssyncadd.s32 $0xFFFFC000  }
0x21f: {  	_ =	swait.ge [sflag:s16], $0x4000  }
0x220: {  	[sflag:s16] =	ssyncset.done $0x0  }
0x221: {  	[sflag:s16] =	ssyncadd.s32 $0xFFFFC000  }
0x222: {  	v2 =	vld.msk [tilespmem:$0x90], $0xff;
	_ =	sdelay $0x4  }
0x223: {  	v3 =	vshll.u32 v2, $0x4  }
0x224: {  	v2 =	vand.u32 $0x7, v2;
	v3 =	vand.u32 $0xFFFFFF80, v3  }
0x225: {  	v2 =	vor.u32 v2, v3  }
0x226: {  	v2 =	vperm.xlane v2, v0;
	_ =	sdelay $0x1  }
0x227: {  	v2 =	vadd.s32 v1, v2;
	_ =	sdelay $0x4  }
0x228: {  	[tilespmem:s4], [sflag:$0x1] =	stream.indirect_vreg.gather [hbm4b:s2+s3], $0x80, v2, vm0, $0xb8;
	[tilespmem:$0x18100] =	vst v63  }
0x229: {  	s29 =	simm.s32 $0x900  }
0x22a: {  	[tilespmem:s29], [sflag:$0x1] =	stream.indirect_vreg.gather [hbm4b:s5+s3], $0x80, v2, vm0, $0xb8;
	[tilespmem:$0x18100] =	vst v63  }
0x22b: {  	s28 =	simm.s32 $0x1100  }
0x22c: {  	[tilespmem:s28], [sflag:$0x1] =	stream.indirect_vreg.gather [hbm4b:s6+s3], $0x80, v2, vm0, $0xb8;
	[tilespmem:$0x18100] =	vst v63  }
0x22d: {  	s30 =	simm.s32 $0x1900  }
0x22e: {  	[tilespmem:s30], [sflag:$0x1] =	stream.indirect_vreg.gather [hbm4b:s7+s3], $0x80, v2, vm0, $0xb8;
	[tilespmem:$0x18100] =	vst v63  }
0x22f: {  	s12 =	simm.s32 $0x2100  }
0x230: {  	[tilespmem:s12], [sflag:$0x1] =	stream.indirect_vreg.gather [hbm4b:s8+s3], $0x80, v2, vm0, $0xb8;
	[tilespmem:$0x18100] =	vst v63  }
0x231: {  	s28 =	simm.s32 $0x2900  }
0x232: {  	[tilespmem:s28], [sflag:$0x1] =	stream.indirect_vreg.gather [hbm4b:s9+s3], $0x80, v2, vm0, $0xb8;
	[tilespmem:$0x18100] =	vst v63  }
0x233: {  	s30 =	simm.s32 $0x3100  }
0x234: {  	[tilespmem:s30], [sflag:$0x1] =	stream.indirect_vreg.gather [hbm4b:s10+s3], $0x80, v2, vm0, $0xb8;
	[tilespmem:$0x18100] =	vst v63  }
0x235: {  	s12 =	simm.s32 $0x3900  }
0x236: {  	[tilespmem:s12], [sflag:$0x1] =	stream.indirect_vreg.gather [hbm4b:s11+s3], $0x80, v2, vm0, $0xb8;
	[tilespmem:$0x18100] =	vst v63  }
0x237: {  	s28 =	rddreg [dreg:$0x11];
	s30 =	simm.s32 $0x4100  }
0x238: {  	[hbm4b:s28+s3] =	stream.linear.scatter [tilespmem:s30], [sflag:$0x8], $0x4000, $0x38;
	[tilespmem:$0x18100] =	vst v63  }
0x239: {  	_ =	swait.ge [sflag:s31], $0x4000  }
0x23a: {  	[sflag:s31] =	ssyncset.done $0x0  }
0x23b: {  	[sflag:s31] =	ssyncadd.s32 $0xFFFFC000  }
0x23c: {  	_ =	swait.ge [sflag:s18], $0x4000  }
0x23d: {  	[sflag:s18] =	ssyncset.done $0x0  }
0x23e: {  	[sflag:s18] =	ssyncadd.s32 $0xFFFFC000  }
0x23f: {  	v2 =	vld.msk [tilespmem:$0x98], $0xff;
	_ =	sdelay $0x4  }
0x240: {  	v3 =	vshll.u32 v2, $0x4  }
0x241: {  	v2 =	vand.u32 $0x7, v2;
	v3 =	vand.u32 $0xFFFFFF80, v3  }
0x242: {  	v2 =	vor.u32 v2, v3  }
0x243: {  	v2 =	vperm.xlane v2, v0;
	_ =	sdelay $0x1  }
0x244: {  	v2 =	vadd.s32 v1, v2;
	_ =	sdelay $0x4  }
0x245: {  	[tilespmem:s30], [sflag:$0x2] =	stream.indirect_vreg.gather [hbm4b:s2+s3], $0x80, v2, vm0, $0xb8;
	[tilespmem:$0x18100] =	vst v63  }
0x246: {  	s30 =	simm.s32 $0x4900  }
0x247: {  	[tilespmem:s30], [sflag:$0x2] =	stream.indirect_vreg.gather [hbm4b:s5+s3], $0x80, v2, vm0, $0xb8;
	[tilespmem:$0x18100] =	vst v63  }
0x248: {  	s4 =	simm.s32 $0x5100  }
0x249: {  	[tilespmem:s4], [sflag:$0x2] =	stream.indirect_vreg.gather [hbm4b:s6+s3], $0x80, v2, vm0, $0xb8;
	[tilespmem:$0x18100] =	vst v63  }
0x24a: {  	s28 =	simm.s32 $0x5900  }
0x24b: {  	[tilespmem:s28], [sflag:$0x2] =	stream.indirect_vreg.gather [hbm4b:s7+s3], $0x80, v2, vm0, $0xb8;
	[tilespmem:$0x18100] =	vst v63  }
0x24c: {  	s4 =	simm.s32 $0x6100  }
0x24d: {  	[tilespmem:s4], [sflag:$0x2] =	stream.indirect_vreg.gather [hbm4b:s8+s3], $0x80, v2, vm0, $0xb8;
	[tilespmem:$0x18100] =	vst v63  }
0x24e: {  	s28 =	simm.s32 $0x6900  }
0x24f: {  	[tilespmem:s28], [sflag:$0x2] =	stream.indirect_vreg.gather [hbm4b:s9+s3], $0x80, v2, vm0, $0xb8;
	[tilespmem:$0x18100] =	vst v63  }
0x250: {  	s4 =	simm.s32 $0x7100  }
0x251: {  	[tilespmem:s4], [sflag:$0x2] =	stream.indirect_vreg.gather [hbm4b:s10+s3], $0x80, v2, vm0, $0xb8;
	[tilespmem:$0x18100] =	vst v63  }
0x252: {  	s12 =	simm.s32 $0x7900  }
0x253: {  	[tilespmem:s12], [sflag:$0x2] =	stream.indirect_vreg.gather [hbm4b:s11+s3], $0x80, v2, vm0, $0xb8;
	[tilespmem:$0x18100] =	vst v63  }
0x254: {  	s1 =	simm.s32 $0x8100;
	s28 =	rddreg [dreg:$0x12]  }
0x255: {  	[hbm4b:s28+s3] =	stream.linear.scatter [tilespmem:s1], [sflag:$0x9], $0x4000, $0x38;
	[tilespmem:$0x18100] =	vst v63  }
0x256: {  	_ =	swait.ge [sflag:s19], $0x4000  }
0x257: {  	[sflag:s19] =	ssyncset.done $0x0  }
0x258: {  	[sflag:s19] =	ssyncadd.s32 $0xFFFFC000  }
0x259: {  	_ =	swait.ge [sflag:s20], $0x4000  }
0x25a: {  	[sflag:s20] =	ssyncset.done $0x0  }
0x25b: {  	[sflag:s20] =	ssyncadd.s32 $0xFFFFC000  }
0x25c: {  	v2 =	vld.msk [tilespmem:$0xA0], $0xff;
	_ =	sdelay $0x4  }
0x25d: {  	v3 =	vshll.u32 v2, $0x4  }
0x25e: {  	v2 =	vand.u32 $0x7, v2;
	v3 =	vand.u32 $0xFFFFFF80, v3  }
0x25f: {  	v2 =	vor.u32 v2, v3  }
0x260: {  	v2 =	vperm.xlane v2, v0;
	_ =	sdelay $0x1  }
0x261: {  	v2 =	vadd.s32 v1, v2;
	_ =	sdelay $0x4  }
0x262: {  	[tilespmem:s1], [sflag:$0x3] =	stream.indirect_vreg.gather [hbm4b:s2+s3], $0x80, v2, vm0, $0xb8;
	[tilespmem:$0x18100] =	vst v63  }
0x263: {  	_ = 	snop  }
0x264: {  	[tilespmem:s22], [sflag:$0x3] =	stream.indirect_vreg.gather [hbm4b:s5+s3], $0x80, v2, vm0, $0xb8;
	[tilespmem:$0x18100] =	vst v63  }
0x265: {  	s28 =	simm.s32 $0x9100  }
0x266: {  	[tilespmem:s28], [sflag:$0x3] =	stream.indirect_vreg.gather [hbm4b:s6+s3], $0x80, v2, vm0, $0xb8;
	[tilespmem:$0x18100] =	vst v63  }
0x267: {  	s4 =	simm.s32 $0x9900  }
0x268: {  	[tilespmem:s4], [sflag:$0x3] =	stream.indirect_vreg.gather [hbm4b:s7+s3], $0x80, v2, vm0, $0xb8;
	[tilespmem:$0x18100] =	vst v63  }
0x269: {  	s12 =	simm.s32 $0xA100  }
0x26a: {  	[tilespmem:s12], [sflag:$0x3] =	stream.indirect_vreg.gather [hbm4b:s8+s3], $0x80, v2, vm0, $0xb8;
	[tilespmem:$0x18100] =	vst v63  }
0x26b: {  	s22 =	simm.s32 $0xA900  }
0x26c: {  	[tilespmem:s22], [sflag:$0x3] =	stream.indirect_vreg.gather [hbm4b:s9+s3], $0x80, v2, vm0, $0xb8;
	[tilespmem:$0x18100] =	vst v63  }
0x26d: {  	s28 =	simm.s32 $0xB100  }
0x26e: {  	[tilespmem:s28], [sflag:$0x3] =	stream.indirect_vreg.gather [hbm4b:s10+s3], $0x80, v2, vm0, $0xb8;
	[tilespmem:$0x18100] =	vst v63  }
0x26f: {  	s12 =	simm.s32 $0xB900  }
0x270: {  	[tilespmem:s12], [sflag:$0x3] =	stream.indirect_vreg.gather [hbm4b:s11+s3], $0x80, v2, vm0, $0xb8;
	[tilespmem:$0x18100] =	vst v63  }
0x271: {  	s14 =	simm.s32 $0xC100;
	s4 =	rddreg [dreg:$0x13]  }
0x272: {  	[hbm4b:s4+s3] =	stream.linear.scatter [tilespmem:s14], [sflag:$0xA], $0x4000, $0x38;
	[tilespmem:$0x18100] =	vst v63  }
0x273: {  	_ =	swait.ge [sflag:s21], $0x4000  }
0x274: {  	[sflag:s21] =	ssyncset.done $0x0  }
0x275: {  	[sflag:s21] =	ssyncadd.s32 $0xFFFFC000  }
0x276: {  	_ =	swait.ge [sflag:s23], $0x4000  }
0x277: {  	[sflag:s23] =	ssyncset.done $0x0  }
0x278: {  	[sflag:s23] =	ssyncadd.s32 $0xFFFFC000  }
0x279: {  	v2 =	vld.msk [tilespmem:$0xA8], $0xff;
	_ =	sdelay $0x4  }
0x27a: {  	v3 =	vshll.u32 v2, $0x4  }
0x27b: {  	v2 =	vand.u32 $0x7, v2;
	v3 =	vand.u32 $0xFFFFFF80, v3  }
0x27c: {  	v2 =	vor.u32 v2, v3  }
0x27d: {  	v2 =	vperm.xlane v2, v0;
	_ =	sdelay $0x1  }
0x27e: {  	v2 =	vadd.s32 v1, v2;
	_ =	sdelay $0x4  }
0x27f: {  	[tilespmem:s14], [sflag:$0x4] =	stream.indirect_vreg.gather [hbm4b:s2+s3], $0x80, v2, vm0, $0xb8;
	[tilespmem:$0x18100] =	vst v63  }
0x280: {  	s14 =	simm.s32 $0xC900  }
0x281: {  	[tilespmem:s14], [sflag:$0x4] =	stream.indirect_vreg.gather [hbm4b:s5+s3], $0x80, v2, vm0, $0xb8;
	[tilespmem:$0x18100] =	vst v63  }
0x282: {  	s22 =	simm.s32 $0xD100  }
0x283: {  	[tilespmem:s22], [sflag:$0x4] =	stream.indirect_vreg.gather [hbm4b:s6+s3], $0x80, v2, vm0, $0xb8;
	[tilespmem:$0x18100] =	vst v63  }
0x284: {  	s28 =	simm.s32 $0xD900  }
0x285: {  	[tilespmem:s28], [sflag:$0x4] =	stream.indirect_vreg.gather [hbm4b:s7+s3], $0x80, v2, vm0, $0xb8;
	[tilespmem:$0x18100] =	vst v63  }
0x286: {  	s4 =	simm.s32 $0xE100  }
0x287: {  	[tilespmem:s4], [sflag:$0x4] =	stream.indirect_vreg.gather [hbm4b:s8+s3], $0x80, v2, vm0, $0xb8;
	[tilespmem:$0x18100] =	vst v63  }
0x288: {  	s12 =	simm.s32 $0xE900  }
0x289: {  	[tilespmem:s12], [sflag:$0x4] =	stream.indirect_vreg.gather [hbm4b:s9+s3], $0x80, v2, vm0, $0xb8;
	[tilespmem:$0x18100] =	vst v63  }
0x28a: {  	s14 =	simm.s32 $0xF100  }
0x28b: {  	[tilespmem:s14], [sflag:$0x4] =	stream.indirect_vreg.gather [hbm4b:s10+s3], $0x80, v2, vm0, $0xb8;
	[tilespmem:$0x18100] =	vst v63  }
0x28c: {  	s4 =	simm.s32 $0xF900  }
0x28d: {  	[tilespmem:s4], [sflag:$0x4] =	stream.indirect_vreg.gather [hbm4b:s11+s3], $0x80, v2, vm0, $0xb8;
	[tilespmem:$0x18100] =	vst v63  }
0x28e: {  	s13 =	simm.s32 $0x10100;
	s22 =	rddreg [dreg:$0x14]  }
0x28f: {  	[hbm4b:s22+s3] =	stream.linear.scatter [tilespmem:s13], [sflag:$0xB], $0x4000, $0x38;
	[tilespmem:$0x18100] =	vst v63  }
0x290: {  	_ =	swait.ge [sflag:s24], $0x4000  }
0x291: {  	[sflag:s24] =	ssyncset.done $0x0  }
0x292: {  	[sflag:s24] =	ssyncadd.s32 $0xFFFFC000  }
0x293: {  	_ =	swait.ge [sflag:s25], $0x4000  }
0x294: {  	[sflag:s25] =	ssyncset.done $0x0  }
0x295: {  	[sflag:s25] =	ssyncadd.s32 $0xFFFFC000  }
0x296: {  	v2 =	vld.msk [tilespmem:$0xB0], $0xff;
	_ =	sdelay $0x4  }
0x297: {  	v3 =	vshll.u32 v2, $0x4  }
0x298: {  	v2 =	vand.u32 $0x7, v2;
	v3 =	vand.u32 $0xFFFFFF80, v3  }
0x299: {  	v2 =	vor.u32 v2, v3  }
0x29a: {  	v2 =	vperm.xlane v2, v0;
	_ =	sdelay $0x1  }
0x29b: {  	v2 =	vadd.s32 v1, v2;
	_ =	sdelay $0x4  }
0x29c: {  	[tilespmem:s13], [sflag:$0x5] =	stream.indirect_vreg.gather [hbm4b:s2+s3], $0x80, v2, vm0, $0xb8;
	[tilespmem:$0x18100] =	vst v63  }
0x29d: {  	s12 =	simm.s32 $0x10900  }
0x29e: {  	[tilespmem:s12], [sflag:$0x5] =	stream.indirect_vreg.gather [hbm4b:s5+s3], $0x80, v2, vm0, $0xb8;
	[tilespmem:$0x18100] =	vst v63  }
0x29f: {  	s13 =	simm.s32 $0x11100  }
0x2a0: {  	[tilespmem:s13], [sflag:$0x5] =	stream.indirect_vreg.gather [hbm4b:s6+s3], $0x80, v2, vm0, $0xb8;
	[tilespmem:$0x18100] =	vst v63  }
0x2a1: {  	s22 =	simm.s32 $0x11900  }
0x2a2: {  	[tilespmem:s22], [sflag:$0x5] =	stream.indirect_vreg.gather [hbm4b:s7+s3], $0x80, v2, vm0, $0xb8;
	[tilespmem:$0x18100] =	vst v63  }
0x2a3: {  	s28 =	simm.s32 $0x12100  }
0x2a4: {  	[tilespmem:s28], [sflag:$0x5] =	stream.indirect_vreg.gather [hbm4b:s8+s3], $0x80, v2, vm0, $0xb8;
	[tilespmem:$0x18100] =	vst v63  }
0x2a5: {  	s4 =	simm.s32 $0x12900  }
0x2a6: {  	[tilespmem:s4], [sflag:$0x5] =	stream.indirect_vreg.gather [hbm4b:s9+s3], $0x80, v2, vm0, $0xb8;
	[tilespmem:$0x18100] =	vst v63  }
0x2a7: {  	s12 =	simm.s32 $0x13100  }
0x2a8: {  	[tilespmem:s12], [sflag:$0x5] =	stream.indirect_vreg.gather [hbm4b:s10+s3], $0x80, v2, vm0, $0xb8;
	[tilespmem:$0x18100] =	vst v63  }
0x2a9: {  	s22 =	simm.s32 $0x13900  }
0x2aa: {  	[tilespmem:s22], [sflag:$0x5] =	stream.indirect_vreg.gather [hbm4b:s11+s3], $0x80, v2, vm0, $0xb8;
	[tilespmem:$0x18100] =	vst v63  }
0x2ab: {  	s13 =	rddreg [dreg:$0x15];
	s4 =	simm.s32 $0x14100  }
0x2ac: {  	[hbm4b:s13+s3] =	stream.linear.scatter [tilespmem:s4], [sflag:$0xC], $0x4000, $0x38;
	[tilespmem:$0x18100] =	vst v63  }
0x2ad: {  	_ =	swait.ge [sflag:s0], $0x4000  }
0x2ae: {  	[sflag:s0] =	ssyncset.done $0x0  }
0x2af: {  	[sflag:s0] =	ssyncadd.s32 $0xFFFFC000  }
0x2b0: {  	_ =	swait.ge [sflag:s26], $0x4000  }
0x2b1: {  	[sflag:s26] =	ssyncset.done $0x0  }
0x2b2: {  	[sflag:s26] =	ssyncadd.s32 $0xFFFFC000  }
0x2b3: {  	v2 =	vld.msk [tilespmem:$0xB8], $0xff;
	_ =	sdelay $0x4  }
0x2b4: {  	v3 =	vshll.u32 v2, $0x4  }
0x2b5: {  	v2 =	vand.u32 $0x7, v2;
	v3 =	vand.u32 $0xFFFFFF80, v3  }
0x2b6: {  	v2 =	vor.u32 v2, v3  }
0x2b7: {  	v2 =	vperm.xlane v2, v0;
	_ =	sdelay $0x1  }
0x2b8: {  	v2 =	vadd.s32 v1, v2;
	_ =	sdelay $0x4  }
0x2b9: {  	[tilespmem:s4], [sflag:$0x6] =	stream.indirect_vreg.gather [hbm4b:s2+s3], $0x80, v2, vm0, $0xb8;
	[tilespmem:$0x18100] =	vst v63  }
0x2ba: {  	_ = 	snop  }
0x2bb: {  	[tilespmem:s17], [sflag:$0x6] =	stream.indirect_vreg.gather [hbm4b:s5+s3], $0x80, v2, vm0, $0xb8;
	[tilespmem:$0x18100] =	vst v63  }
0x2bc: {  	s12 =	simm.s32 $0x15100  }
0x2bd: {  	[tilespmem:s12], [sflag:$0x6] =	stream.indirect_vreg.gather [hbm4b:s6+s3], $0x80, v2, vm0, $0xb8;
	[tilespmem:$0x18100] =	vst v63  }
0x2be: {  	s17 =	simm.s32 $0x15900  }
0x2bf: {  	[tilespmem:s17], [sflag:$0x6] =	stream.indirect_vreg.gather [hbm4b:s7+s3], $0x80, v2, vm0, $0xb8;
	[tilespmem:$0x18100] =	vst v63  }
0x2c0: {  	s22 =	simm.s32 $0x16100  }
0x2c1: {  	[tilespmem:s22], [sflag:$0x6] =	stream.indirect_vreg.gather [hbm4b:s8+s3], $0x80, v2, vm0, $0xb8;
	[tilespmem:$0x18100] =	vst v63  }
0x2c2: {  	s28 =	simm.s32 $0x16900  }
0x2c3: {  	[tilespmem:s28], [sflag:$0x6] =	stream.indirect_vreg.gather [hbm4b:s9+s3], $0x80, v2, vm0, $0xb8;
	[tilespmem:$0x18100] =	vst v63  }
0x2c4: {  	s4 =	simm.s32 $0x17100  }
0x2c5: {  	[tilespmem:s4], [sflag:$0x6] =	stream.indirect_vreg.gather [hbm4b:s10+s3], $0x80, v2, vm0, $0xb8;
	[tilespmem:$0x18100] =	vst v63  }
0x2c6: {  	s17 =	simm.s32 $0x17900  }
0x2c7: {  	[tilespmem:s17], [sflag:$0x6] =	stream.indirect_vreg.gather [hbm4b:s11+s3], $0x80, v2, vm0, $0xb8;
	[tilespmem:$0x18100] =	vst v63  }
0x2c8: {  	s12 =	rddreg [dreg:$0x16];
	s22 =	simm.s32 $0x100  }
0x2c9: {  	[hbm4b:s12+s3] =	stream.linear.scatter [tilespmem:s22], [sflag:$0x7], $0x4000, $0x38;
	[tilespmem:$0x18100] =	vst v63  }
0x2ca: {  	_ =	swait.ge [sflag:s15], $0x4000  }
0x2cb: {  	[sflag:s15] =	ssyncset.done $0x0  }
0x2cc: {  	[sflag:s15] =	ssyncadd.s32 $0xFFFFC000  }
0x2cd: {  	_ =	swait.ge [sflag:s16], $0x4000  }
0x2ce: {  	[sflag:s16] =	ssyncset.done $0x0  }
0x2cf: {  	[sflag:s16] =	ssyncadd.s32 $0xFFFFC000  }
0x2d0: {  	v2 =	vld.msk [tilespmem:$0xC0], $0xff;
	_ =	sdelay $0x4  }
0x2d1: {  	v3 =	vshll.u32 v2, $0x4  }
0x2d2: {  	v2 =	vand.u32 $0x7, v2;
	v3 =	vand.u32 $0xFFFFFF80, v3  }
0x2d3: {  	v2 =	vor.u32 v2, v3  }
0x2d4: {  	v2 =	vperm.xlane v2, v0;
	_ =	sdelay $0x1  }
0x2d5: {  	v2 =	vadd.s32 v1, v2;
	_ =	sdelay $0x4  }
0x2d6: {  	[tilespmem:s22], [sflag:$0x1] =	stream.indirect_vreg.gather [hbm4b:s2+s3], $0x80, v2, vm0, $0xb8;
	[tilespmem:$0x18100] =	vst v63  }
0x2d7: {  	_ = 	snop  }
0x2d8: {  	[tilespmem:s29], [sflag:$0x1] =	stream.indirect_vreg.gather [hbm4b:s5+s3], $0x80, v2, vm0, $0xb8;
	[tilespmem:$0x18100] =	vst v63  }
0x2d9: {  	s4 =	simm.s32 $0x1100  }
0x2da: {  	[tilespmem:s4], [sflag:$0x1] =	stream.indirect_vreg.gather [hbm4b:s6+s3], $0x80, v2, vm0, $0xb8;
	[tilespmem:$0x18100] =	vst v63  }
0x2db: {  	s17 =	simm.s32 $0x1900  }
0x2dc: {  	[tilespmem:s17], [sflag:$0x1] =	stream.indirect_vreg.gather [hbm4b:s7+s3], $0x80, v2, vm0, $0xb8;
	[tilespmem:$0x18100] =	vst v63  }
0x2dd: {  	s22 =	simm.s32 $0x2100  }
0x2de: {  	[tilespmem:s22], [sflag:$0x1] =	stream.indirect_vreg.gather [hbm4b:s8+s3], $0x80, v2, vm0, $0xb8;
	[tilespmem:$0x18100] =	vst v63  }
0x2df: {  	s28 =	simm.s32 $0x2900  }
0x2e0: {  	[tilespmem:s28], [sflag:$0x1] =	stream.indirect_vreg.gather [hbm4b:s9+s3], $0x80, v2, vm0, $0xb8;
	[tilespmem:$0x18100] =	vst v63  }
0x2e1: {  	s29 =	simm.s32 $0x3100  }
0x2e2: {  	[tilespmem:s29], [sflag:$0x1] =	stream.indirect_vreg.gather [hbm4b:s10+s3], $0x80, v2, vm0, $0xb8;
	[tilespmem:$0x18100] =	vst v63  }
0x2e3: {  	s17 =	simm.s32 $0x3900  }
0x2e4: {  	[tilespmem:s17], [sflag:$0x1] =	stream.indirect_vreg.gather [hbm4b:s11+s3], $0x80, v2, vm0, $0xb8;
	[tilespmem:$0x18100] =	vst v63  }
0x2e5: {  	s4 =	rddreg [dreg:$0x17];
	s22 =	simm.s32 $0x4100  }
0x2e6: {  	[hbm4b:s4+s3] =	stream.linear.scatter [tilespmem:s22], [sflag:$0x8], $0x4000, $0x38;
	[tilespmem:$0x18100] =	vst v63  }
0x2e7: {  	_ =	swait.ge [sflag:s31], $0x4000  }
0x2e8: {  	[sflag:s31] =	ssyncset.done $0x0  }
0x2e9: {  	[sflag:s31] =	ssyncadd.s32 $0xFFFFC000  }
0x2ea: {  	_ =	swait.ge [sflag:s18], $0x4000  }
0x2eb: {  	[sflag:s18] =	ssyncset.done $0x0  }
0x2ec: {  	[sflag:s18] =	ssyncadd.s32 $0xFFFFC000  }
0x2ed: {  	v2 =	vld.msk [tilespmem:$0xC8], $0xff;
	_ =	sdelay $0x4  }
0x2ee: {  	v3 =	vshll.u32 v2, $0x4  }
0x2ef: {  	v2 =	vand.u32 $0x7, v2;
	v3 =	vand.u32 $0xFFFFFF80, v3  }
0x2f0: {  	v2 =	vor.u32 v2, v3  }
0x2f1: {  	v2 =	vperm.xlane v2, v0;
	_ =	sdelay $0x1  }
0x2f2: {  	v2 =	vadd.s32 v1, v2;
	_ =	sdelay $0x4  }
0x2f3: {  	[tilespmem:s22], [sflag:$0x2] =	stream.indirect_vreg.gather [hbm4b:s2+s3], $0x80, v2, vm0, $0xb8;
	[tilespmem:$0x18100] =	vst v63  }
0x2f4: {  	_ = 	snop  }
0x2f5: {  	[tilespmem:s30], [sflag:$0x2] =	stream.indirect_vreg.gather [hbm4b:s5+s3], $0x80, v2, vm0, $0xb8;
	[tilespmem:$0x18100] =	vst v63  }
0x2f6: {  	s28 =	simm.s32 $0x5100  }
0x2f7: {  	[tilespmem:s28], [sflag:$0x2] =	stream.indirect_vreg.gather [hbm4b:s6+s3], $0x80, v2, vm0, $0xb8;
	[tilespmem:$0x18100] =	vst v63  }
0x2f8: {  	s29 =	simm.s32 $0x5900  }
0x2f9: {  	[tilespmem:s29], [sflag:$0x2] =	stream.indirect_vreg.gather [hbm4b:s7+s3], $0x80, v2, vm0, $0xb8;
	[tilespmem:$0x18100] =	vst v63  }
0x2fa: {  	s30 =	simm.s32 $0x6100  }
0x2fb: {  	[tilespmem:s30], [sflag:$0x2] =	stream.indirect_vreg.gather [hbm4b:s8+s3], $0x80, v2, vm0, $0xb8;
	[tilespmem:$0x18100] =	vst v63  }
0x2fc: {  	s1 =	simm.s32 $0x6900  }
0x2fd: {  	[tilespmem:s1], [sflag:$0x2] =	stream.indirect_vreg.gather [hbm4b:s9+s3], $0x80, v2, vm0, $0xb8;
	[tilespmem:$0x18100] =	vst v63  }
0x2fe: {  	s17 =	simm.s32 $0x7100  }
0x2ff: {  	[tilespmem:s17], [sflag:$0x2] =	stream.indirect_vreg.gather [hbm4b:s10+s3], $0x80, v2, vm0, $0xb8;
	[tilespmem:$0x18100] =	vst v63  }
0x300: {  	s30 =	simm.s32 $0x7900  }
0x301: {  	[tilespmem:s30], [sflag:$0x2] =	stream.indirect_vreg.gather [hbm4b:s11+s3], $0x80, v2, vm0, $0xb8;
	[tilespmem:$0x18100] =	vst v63  }
0x302: {  	s28 =	rddreg [dreg:$0x18];
	s17 =	simm.s32 $0x8100  }
0x303: {  	[hbm4b:s28+s3] =	stream.linear.scatter [tilespmem:s17], [sflag:$0x9], $0x4000, $0x38;
	[tilespmem:$0x18100] =	vst v63  }
0x304: {  	_ =	swait.ge [sflag:s19], $0x4000  }
0x305: {  	[sflag:s19] =	ssyncset.done $0x0  }
0x306: {  	[sflag:s19] =	ssyncadd.s32 $0xFFFFC000  }
0x307: {  	_ =	swait.ge [sflag:s20], $0x4000  }
0x308: {  	[sflag:s20] =	ssyncset.done $0x0  }
0x309: {  	[sflag:s20] =	ssyncadd.s32 $0xFFFFC000  }
0x30a: {  	v2 =	vld.msk [tilespmem:$0xD0], $0xff;
	_ =	sdelay $0x4  }
0x30b: {  	v3 =	vshll.u32 v2, $0x4  }
0x30c: {  	v2 =	vand.u32 $0x7, v2;
	v3 =	vand.u32 $0xFFFFFF80, v3  }
0x30d: {  	v2 =	vor.u32 v2, v3  }
0x30e: {  	v2 =	vperm.xlane v2, v0;
	_ =	sdelay $0x1  }
0x30f: {  	v2 =	vadd.s32 v1, v2;
	_ =	sdelay $0x4  }
0x310: {  	[tilespmem:s17], [sflag:$0x3] =	stream.indirect_vreg.gather [hbm4b:s2+s3], $0x80, v2, vm0, $0xb8;
	[tilespmem:$0x18100] =	vst v63  }
0x311: {  	s30 =	simm.s32 $0x8900  }
0x312: {  	[tilespmem:s30], [sflag:$0x3] =	stream.indirect_vreg.gather [hbm4b:s5+s3], $0x80, v2, vm0, $0xb8;
	[tilespmem:$0x18100] =	vst v63  }
0x313: {  	s28 =	simm.s32 $0x9100  }
0x314: {  	[tilespmem:s28], [sflag:$0x3] =	stream.indirect_vreg.gather [hbm4b:s6+s3], $0x80, v2, vm0, $0xb8;
	[tilespmem:$0x18100] =	vst v63  }
0x315: {  	s30 =	simm.s32 $0x9900  }
0x316: {  	[tilespmem:s30], [sflag:$0x3] =	stream.indirect_vreg.gather [hbm4b:s7+s3], $0x80, v2, vm0, $0xb8;
	[tilespmem:$0x18100] =	vst v63  }
0x317: {  	s28 =	simm.s32 $0xA100  }
0x318: {  	[tilespmem:s28], [sflag:$0x3] =	stream.indirect_vreg.gather [hbm4b:s8+s3], $0x80, v2, vm0, $0xb8;
	[tilespmem:$0x18100] =	vst v63  }
0x319: {  	s30 =	simm.s32 $0xA900  }
0x31a: {  	[tilespmem:s30], [sflag:$0x3] =	stream.indirect_vreg.gather [hbm4b:s9+s3], $0x80, v2, vm0, $0xb8;
	[tilespmem:$0x18100] =	vst v63  }
0x31b: {  	s28 =	simm.s32 $0xB100  }
0x31c: {  	[tilespmem:s28], [sflag:$0x3] =	stream.indirect_vreg.gather [hbm4b:s10+s3], $0x80, v2, vm0, $0xb8;
	[tilespmem:$0x18100] =	vst v63  }
0x31d: {  	s30 =	simm.s32 $0xB900  }
0x31e: {  	[tilespmem:s30], [sflag:$0x3] =	stream.indirect_vreg.gather [hbm4b:s11+s3], $0x80, v2, vm0, $0xb8;
	[tilespmem:$0x18100] =	vst v63  }
0x31f: {  	s28 =	rddreg [dreg:$0x19];
	s30 =	simm.s32 $0xC100  }
0x320: {  	[hbm4b:s28+s3] =	stream.linear.scatter [tilespmem:s30], [sflag:$0xA], $0x4000, $0x38;
	[tilespmem:$0x18100] =	vst v63  }
0x321: {  	_ =	swait.ge [sflag:s21], $0x4000  }
0x322: {  	[sflag:s21] =	ssyncset.done $0x0  }
0x323: {  	[sflag:s21] =	ssyncadd.s32 $0xFFFFC000  }
0x324: {  	_ =	swait.ge [sflag:s23], $0x4000  }
0x325: {  	[sflag:s23] =	ssyncset.done $0x0  }
0x326: {  	[sflag:s23] =	ssyncadd.s32 $0xFFFFC000  }
0x327: {  	v2 =	vld.msk [tilespmem:$0xD8], $0xff;
	_ =	sdelay $0x4  }
0x328: {  	v3 =	vshll.u32 v2, $0x4  }
0x329: {  	v2 =	vand.u32 $0x7, v2;
	v3 =	vand.u32 $0xFFFFFF80, v3  }
0x32a: {  	v2 =	vor.u32 v2, v3  }
0x32b: {  	v2 =	vperm.xlane v2, v0;
	_ =	sdelay $0x1  }
0x32c: {  	v2 =	vadd.s32 v1, v2;
	_ =	sdelay $0x4  }
0x32d: {  	[tilespmem:s30], [sflag:$0x4] =	stream.indirect_vreg.gather [hbm4b:s2+s3], $0x80, v2, vm0, $0xb8;
	[tilespmem:$0x18100] =	vst v63  }
0x32e: {  	s30 =	simm.s32 $0xC900  }
0x32f: {  	[tilespmem:s30], [sflag:$0x4] =	stream.indirect_vreg.gather [hbm4b:s5+s3], $0x80, v2, vm0, $0xb8;
	[tilespmem:$0x18100] =	vst v63  }
0x330: {  	s30 =	simm.s32 $0xD100  }
0x331: {  	[tilespmem:s30], [sflag:$0x4] =	stream.indirect_vreg.gather [hbm4b:s6+s3], $0x80, v2, vm0, $0xb8;
	[tilespmem:$0x18100] =	vst v63  }
0x332: {  	s30 =	simm.s32 $0xD900  }
0x333: {  	[tilespmem:s30], [sflag:$0x4] =	stream.indirect_vreg.gather [hbm4b:s7+s3], $0x80, v2, vm0, $0xb8;
	[tilespmem:$0x18100] =	vst v63  }
0x334: {  	s30 =	simm.s32 $0xE100  }
0x335: {  	[tilespmem:s30], [sflag:$0x4] =	stream.indirect_vreg.gather [hbm4b:s8+s3], $0x80, v2, vm0, $0xb8;
	[tilespmem:$0x18100] =	vst v63  }
0x336: {  	s30 =	simm.s32 $0xE900  }
0x337: {  	[tilespmem:s30], [sflag:$0x4] =	stream.indirect_vreg.gather [hbm4b:s9+s3], $0x80, v2, vm0, $0xb8;
	[tilespmem:$0x18100] =	vst v63  }
0x338: {  	s30 =	simm.s32 $0xF100  }
0x339: {  	[tilespmem:s30], [sflag:$0x4] =	stream.indirect_vreg.gather [hbm4b:s10+s3], $0x80, v2, vm0, $0xb8;
	[tilespmem:$0x18100] =	vst v63  }
0x33a: {  	s14 =	simm.s32 $0xF900  }
0x33b: {  	[tilespmem:s14], [sflag:$0x4] =	stream.indirect_vreg.gather [hbm4b:s11+s3], $0x80, v2, vm0, $0xb8;
	[tilespmem:$0x18100] =	vst v63  }
0x33c: {  	s28 =	rddreg [dreg:$0x1a];
	s14 =	simm.s32 $0x10100  }
0x33d: {  	[hbm4b:s28+s3] =	stream.linear.scatter [tilespmem:s14], [sflag:$0xB], $0x4000, $0x38;
	[tilespmem:$0x18100] =	vst v63  }
0x33e: {  	_ =	swait.ge [sflag:s24], $0x4000  }
0x33f: {  	[sflag:s24] =	ssyncset.done $0x0  }
0x340: {  	[sflag:s24] =	ssyncadd.s32 $0xFFFFC000  }
0x341: {  	_ =	swait.ge [sflag:s25], $0x4000  }
0x342: {  	[sflag:s25] =	ssyncset.done $0x0  }
0x343: {  	[sflag:s25] =	ssyncadd.s32 $0xFFFFC000  }
0x344: {  	v2 =	vld.msk [tilespmem:$0xE0], $0xff;
	_ =	sdelay $0x4  }
0x345: {  	v3 =	vshll.u32 v2, $0x4  }
0x346: {  	v2 =	vand.u32 $0x7, v2;
	v3 =	vand.u32 $0xFFFFFF80, v3  }
0x347: {  	v2 =	vor.u32 v2, v3  }
0x348: {  	v2 =	vperm.xlane v2, v0;
	_ =	sdelay $0x1  }
0x349: {  	v2 =	vadd.s32 v1, v2;
	_ =	sdelay $0x4  }
0x34a: {  	[tilespmem:s14], [sflag:$0x5] =	stream.indirect_vreg.gather [hbm4b:s2+s3], $0x80, v2, vm0, $0xb8;
	[tilespmem:$0x18100] =	vst v63  }
0x34b: {  	s28 =	simm.s32 $0x10900  }
0x34c: {  	[tilespmem:s28], [sflag:$0x5] =	stream.indirect_vreg.gather [hbm4b:s5+s3], $0x80, v2, vm0, $0xb8;
	[tilespmem:$0x18100] =	vst v63  }
0x34d: {  	s28 =	simm.s32 $0x11100  }
0x34e: {  	[tilespmem:s28], [sflag:$0x5] =	stream.indirect_vreg.gather [hbm4b:s6+s3], $0x80, v2, vm0, $0xb8;
	[tilespmem:$0x18100] =	vst v63  }
0x34f: {  	s28 =	simm.s32 $0x11900  }
0x350: {  	[tilespmem:s28], [sflag:$0x5] =	stream.indirect_vreg.gather [hbm4b:s7+s3], $0x80, v2, vm0, $0xb8;
	[tilespmem:$0x18100] =	vst v63  }
0x351: {  	s28 =	simm.s32 $0x12100  }
0x352: {  	[tilespmem:s28], [sflag:$0x5] =	stream.indirect_vreg.gather [hbm4b:s8+s3], $0x80, v2, vm0, $0xb8;
	[tilespmem:$0x18100] =	vst v63  }
0x353: {  	s28 =	simm.s32 $0x12900  }
0x354: {  	[tilespmem:s28], [sflag:$0x5] =	stream.indirect_vreg.gather [hbm4b:s9+s3], $0x80, v2, vm0, $0xb8;
	[tilespmem:$0x18100] =	vst v63  }
0x355: {  	s28 =	simm.s32 $0x13100  }
0x356: {  	[tilespmem:s28], [sflag:$0x5] =	stream.indirect_vreg.gather [hbm4b:s10+s3], $0x80, v2, vm0, $0xb8;
	[tilespmem:$0x18100] =	vst v63  }
0x357: {  	s14 =	simm.s32 $0x13900  }
0x358: {  	[tilespmem:s14], [sflag:$0x5] =	stream.indirect_vreg.gather [hbm4b:s11+s3], $0x80, v2, vm0, $0xb8;
	[tilespmem:$0x18100] =	vst v63  }
0x359: {  	s13 =	simm.s32 $0x14100;
	s28 =	rddreg [dreg:$0x1b]  }
0x35a: {  	[hbm4b:s28+s3] =	stream.linear.scatter [tilespmem:s13], [sflag:$0xC], $0x4000, $0x38;
	[tilespmem:$0x18100] =	vst v63  }
0x35b: {  	_ =	swait.ge [sflag:s0], $0x4000  }
0x35c: {  	[sflag:s0] =	ssyncset.done $0x0  }
0x35d: {  	[sflag:s0] =	ssyncadd.s32 $0xFFFFC000  }
0x35e: {  	_ =	swait.ge [sflag:s26], $0x4000  }
0x35f: {  	[sflag:s26] =	ssyncset.done $0x0  }
0x360: {  	[sflag:s26] =	ssyncadd.s32 $0xFFFFC000  }
0x361: {  	v2 =	vld.msk [tilespmem:$0xE8], $0xff;
	_ =	sdelay $0x4  }
0x362: {  	v3 =	vshll.u32 v2, $0x4  }
0x363: {  	v2 =	vand.u32 $0x7, v2;
	v3 =	vand.u32 $0xFFFFFF80, v3  }
0x364: {  	v2 =	vor.u32 v2, v3  }
0x365: {  	v2 =	vperm.xlane v2, v0;
	_ =	sdelay $0x1  }
0x366: {  	v2 =	vadd.s32 v1, v2;
	_ =	sdelay $0x4  }
0x367: {  	[tilespmem:s13], [sflag:$0x6] =	stream.indirect_vreg.gather [hbm4b:s2+s3], $0x80, v2, vm0, $0xb8;
	[tilespmem:$0x18100] =	vst v63  }
0x368: {  	s28 =	simm.s32 $0x14900  }
0x369: {  	[tilespmem:s28], [sflag:$0x6] =	stream.indirect_vreg.gather [hbm4b:s5+s3], $0x80, v2, vm0, $0xb8;
	[tilespmem:$0x18100] =	vst v63  }
0x36a: {  	s28 =	simm.s32 $0x15100  }
0x36b: {  	[tilespmem:s28], [sflag:$0x6] =	stream.indirect_vreg.gather [hbm4b:s6+s3], $0x80, v2, vm0, $0xb8;
	[tilespmem:$0x18100] =	vst v63  }
0x36c: {  	s28 =	simm.s32 $0x15900  }
0x36d: {  	[tilespmem:s28], [sflag:$0x6] =	stream.indirect_vreg.gather [hbm4b:s7+s3], $0x80, v2, vm0, $0xb8;
	[tilespmem:$0x18100] =	vst v63  }
0x36e: {  	s28 =	simm.s32 $0x16100  }
0x36f: {  	[tilespmem:s28], [sflag:$0x6] =	stream.indirect_vreg.gather [hbm4b:s8+s3], $0x80, v2, vm0, $0xb8;
	[tilespmem:$0x18100] =	vst v63  }
0x370: {  	s28 =	simm.s32 $0x16900  }
0x371: {  	[tilespmem:s28], [sflag:$0x6] =	stream.indirect_vreg.gather [hbm4b:s9+s3], $0x80, v2, vm0, $0xb8;
	[tilespmem:$0x18100] =	vst v63  }
0x372: {  	s28 =	simm.s32 $0x17100  }
0x373: {  	[tilespmem:s28], [sflag:$0x6] =	stream.indirect_vreg.gather [hbm4b:s10+s3], $0x80, v2, vm0, $0xb8;
	[tilespmem:$0x18100] =	vst v63  }
0x374: {  	s14 =	simm.s32 $0x17900  }
0x375: {  	[tilespmem:s14], [sflag:$0x6] =	stream.indirect_vreg.gather [hbm4b:s11+s3], $0x80, v2, vm0, $0xb8;
	[tilespmem:$0x18100] =	vst v63  }
0x376: {  	s12 =	simm.s32 $0x100;
	s28 =	rddreg [dreg:$0x1c]  }
0x377: {  	[hbm4b:s28+s3] =	stream.linear.scatter [tilespmem:s12], [sflag:$0x7], $0x4000, $0x38;
	[tilespmem:$0x18100] =	vst v63  }
0x378: {  	_ =	swait.ge [sflag:s15], $0x4000  }
0x379: {  	[sflag:s15] =	ssyncset.done $0x0  }
0x37a: {  	[sflag:s15] =	ssyncadd.s32 $0xFFFFC000  }
0x37b: {  	_ =	swait.ge [sflag:s16], $0x4000  }
0x37c: {  	[sflag:s16] =	ssyncset.done $0x0  }
0x37d: {  	[sflag:s16] =	ssyncadd.s32 $0xFFFFC000  }
0x37e: {  	v2 =	vld.msk [tilespmem:$0xF0], $0xff;
	_ =	sdelay $0x4  }
0x37f: {  	v3 =	vshll.u32 v2, $0x4  }
0x380: {  	v2 =	vand.u32 $0x7, v2;
	v3 =	vand.u32 $0xFFFFFF80, v3  }
0x381: {  	v2 =	vor.u32 v2, v3  }
0x382: {  	v2 =	vperm.xlane v2, v0;
	_ =	sdelay $0x1  }
0x383: {  	v2 =	vadd.s32 v1, v2;
	_ =	sdelay $0x4  }
0x384: {  	[tilespmem:s12], [sflag:$0x1] =	stream.indirect_vreg.gather [hbm4b:s2+s3], $0x80, v2, vm0, $0xb8;
	[tilespmem:$0x18100] =	vst v63  }
0x385: {  	s28 =	simm.s32 $0x900  }
0x386: {  	[tilespmem:s28], [sflag:$0x1] =	stream.indirect_vreg.gather [hbm4b:s5+s3], $0x80, v2, vm0, $0xb8;
	[tilespmem:$0x18100] =	vst v63  }
0x387: {  	s28 =	simm.s32 $0x1100  }
0x388: {  	[tilespmem:s28], [sflag:$0x1] =	stream.indirect_vreg.gather [hbm4b:s6+s3], $0x80, v2, vm0, $0xb8;
	[tilespmem:$0x18100] =	vst v63  }
0x389: {  	s28 =	simm.s32 $0x1900  }
0x38a: {  	[tilespmem:s28], [sflag:$0x1] =	stream.indirect_vreg.gather [hbm4b:s7+s3], $0x80, v2, vm0, $0xb8;
	[tilespmem:$0x18100] =	vst v63  }
0x38b: {  	s28 =	simm.s32 $0x2100  }
0x38c: {  	[tilespmem:s28], [sflag:$0x1] =	stream.indirect_vreg.gather [hbm4b:s8+s3], $0x80, v2, vm0, $0xb8;
	[tilespmem:$0x18100] =	vst v63  }
0x38d: {  	s28 =	simm.s32 $0x2900  }
0x38e: {  	[tilespmem:s28], [sflag:$0x1] =	stream.indirect_vreg.gather [hbm4b:s9+s3], $0x80, v2, vm0, $0xb8;
	[tilespmem:$0x18100] =	vst v63  }
0x38f: {  	s28 =	simm.s32 $0x3100  }
0x390: {  	[tilespmem:s28], [sflag:$0x1] =	stream.indirect_vreg.gather [hbm4b:s10+s3], $0x80, v2, vm0, $0xb8;
	[tilespmem:$0x18100] =	vst v63  }
0x391: {  	s14 =	simm.s32 $0x3900  }
0x392: {  	[tilespmem:s14], [sflag:$0x1] =	stream.indirect_vreg.gather [hbm4b:s11+s3], $0x80, v2, vm0, $0xb8;
	[tilespmem:$0x18100] =	vst v63  }
0x393: {  	s4 =	simm.s32 $0x4100;
	s28 =	rddreg [dreg:$0x1d]  }
0x394: {  	[hbm4b:s28+s3] =	stream.linear.scatter [tilespmem:s4], [sflag:$0x8], $0x4000, $0x38;
	[tilespmem:$0x18100] =	vst v63  }
0x395: {  	_ =	swait.ge [sflag:s31], $0x4000  }
0x396: {  	[sflag:s31] =	ssyncset.done $0x0  }
0x397: {  	[sflag:s31] =	ssyncadd.s32 $0xFFFFC000  }
0x398: {  	_ =	swait.ge [sflag:s18], $0x4000  }
0x399: {  	[sflag:s18] =	ssyncset.done $0x0  }
0x39a: {  	[sflag:s18] =	ssyncadd.s32 $0xFFFFC000  }
0x39b: {  	v2 =	vld.msk [tilespmem:$0xF8], $0xff;
	_ =	sdelay $0x4  }
0x39c: {  	v3 =	vshll.u32 v2, $0x4  }
0x39d: {  	v2 =	vand.u32 $0x7, v2;
	v3 =	vand.u32 $0xFFFFFF80, v3  }
0x39e: {  	v2 =	vor.u32 v2, v3  }
0x39f: {  	v2 =	vperm.xlane v2, v0;
	_ =	sdelay $0x1  }
0x3a0: {  	v2 =	vadd.s32 v1, v2;
	_ =	sdelay $0x4  }
0x3a1: {  	[tilespmem:s4], [sflag:$0x2] =	stream.indirect_vreg.gather [hbm4b:s2+s3], $0x80, v2, vm0, $0xb8;
	[tilespmem:$0x18100] =	vst v63  }
0x3a2: {  	s28 =	simm.s32 $0x4900  }
0x3a3: {  	[tilespmem:s28], [sflag:$0x2] =	stream.indirect_vreg.gather [hbm4b:s5+s3], $0x80, v2, vm0, $0xb8;
	[tilespmem:$0x18100] =	vst v63  }
0x3a4: {  	s28 =	simm.s32 $0x5100  }
0x3a5: {  	[tilespmem:s28], [sflag:$0x2] =	stream.indirect_vreg.gather [hbm4b:s6+s3], $0x80, v2, vm0, $0xb8;
	[tilespmem:$0x18100] =	vst v63  }
0x3a6: {  	s22 =	simm.s32 $0x5900  }
0x3a7: {  	[tilespmem:s22], [sflag:$0x2] =	stream.indirect_vreg.gather [hbm4b:s7+s3], $0x80, v2, vm0, $0xb8;
	[tilespmem:$0x18100] =	vst v63  }
0x3a8: {  	s29 =	simm.s32 $0x6100  }
0x3a9: {  	[tilespmem:s29], [sflag:$0x2] =	stream.indirect_vreg.gather [hbm4b:s8+s3], $0x80, v2, vm0, $0xb8;
	[tilespmem:$0x18100] =	vst v63  }
0x3aa: {  	s28 =	simm.s32 $0x6900  }
0x3ab: {  	[tilespmem:s28], [sflag:$0x2] =	stream.indirect_vreg.gather [hbm4b:s9+s3], $0x80, v2, vm0, $0xb8;
	[tilespmem:$0x18100] =	vst v63  }
0x3ac: {  	s29 =	simm.s32 $0x7100  }
0x3ad: {  	[tilespmem:s29], [sflag:$0x2] =	stream.indirect_vreg.gather [hbm4b:s10+s3], $0x80, v2, vm0, $0xb8;
	[tilespmem:$0x18100] =	vst v63  }
0x3ae: {  	s29 =	simm.s32 $0x7900  }
0x3af: {  	[tilespmem:s29], [sflag:$0x2] =	stream.indirect_vreg.gather [hbm4b:s11+s3], $0x80, v2, vm0, $0xb8;
	[tilespmem:$0x18100] =	vst v63  }
0x3b0: {  	s1 =	simm.s32 $0x8100;
	s22 =	rddreg [dreg:$0x1e]  }
0x3b1: {  	[hbm4b:s22+s3] =	stream.linear.scatter [tilespmem:s1], [sflag:$0x9], $0x4000, $0x38;
	[tilespmem:$0x18100] =	vst v63  }
0x3b2: {  	_ =	swait.ge [sflag:s19], $0x4000  }
0x3b3: {  	[sflag:s19] =	ssyncset.done $0x0  }
0x3b4: {  	s17 =	simm.s32 $0xC100;
	s1 =	rddreg [dreg:$0x1f];
	[sflag:s19] =	ssyncadd.s32 $0xFFFFC000  }
0x3b5: {  	[hbm4b:s1+s3] =	stream.linear.scatter [tilespmem:s17], [sflag:$0xA], $0x4000, $0x38;
	[tilespmem:$0x18100] =	vst v63  }
0x3b6: {  	_ =	swait.ge [sflag:s21], $0x4000  }
0x3b7: {  	s14 =	sld [smem:$0x7F7]  }
0x3b8: {  	[sflag:s21] =	ssyncset.done $0x0  }
0x3b9: {  	s30 =	simm.s32 $0x10100;
	[sflag:s21] =	ssyncadd.s32 $0xFFFFC000  }
0x3ba: {  	[hbm4b:s14+s3] =	stream.linear.scatter [tilespmem:s30], [sflag:$0xB], $0x4000, $0x38;
	[tilespmem:$0x18100] =	vst v63  }
0x3bb: {  	_ =	swait.ge [sflag:s24], $0x4000  }
0x3bc: {  	s17 =	sld [smem:$0x7F8]  }
0x3bd: {  	[sflag:s24] =	ssyncset.done $0x0  }
0x3be: {  	[sflag:s24] =	ssyncadd.s32 $0xFFFFC000  }
0x3bf: {  	[hbm4b:s17+s3] =	stream.linear.scatter [tilespmem:s13], [sflag:$0xC], $0x4000, $0x38;
	[tilespmem:$0x18100] =	vst v63  }
0x3c0: {  	_ =	swait.ge [sflag:s0], $0x4000  }
0x3c1: {  	s22 =	sld [smem:$0x7F9]  }
0x3c2: {  	[sflag:s0] =	ssyncset.done $0x0  }
0x3c3: {  	[sflag:s0] =	ssyncadd.s32 $0xFFFFC000  }
0x3c4: {  	[hbm4b:s22+s3] =	stream.linear.scatter [tilespmem:s12], [sflag:$0x7], $0x4000, $0x38;
	[tilespmem:$0x18100] =	vst v63  }
0x3c5: {  	_ =	swait.ge [sflag:s15], $0x4000  }
0x3c6: {  	s29 =	sld [smem:$0x7FB]  }
0x3c7: {  	[sflag:s15] =	ssyncset.done $0x0  }
0x3c8: {  	[sflag:s15] =	ssyncadd.s32 $0xFFFFC000  }
0x3c9: {  	[hbm4b:s29+s3] =	stream.linear.scatter [tilespmem:s4], [sflag:$0x8], $0x4000, $0x38;
	[tilespmem:$0x18100] =	vst v63  }
0x3ca: {  	s30 =	sld [smem:$0x7F6];
	_ =	swait.ge [sflag:s20], $0x4000  }
0x3cb: {  	[sflag:s20] =	ssyncset.done $0x0  }
0x3cc: {  	[sflag:s20] =	ssyncadd.s32 $0xFFFFC000  }
0x3cd: {  	_ =	swait.ge [sflag:s23], $0x4000  }
0x3ce: {  	[sflag:s23] =	ssyncset.done $0x0  }
0x3cf: {  	[sflag:s23] =	ssyncadd.s32 $0xFFFFC000  }
0x3d0: {  	_ =	swait.ge [sflag:s25], $0x4000  }
0x3d1: {  	[sflag:s25] =	ssyncset.done $0x0  }
0x3d2: {  	[sflag:s25] =	ssyncadd.s32 $0xFFFFC000  }
0x3d3: {  	_ =	swait.ge [sflag:s26], $0x4000  }
0x3d4: {  	[sflag:s26] =	ssyncset.done $0x0  }
0x3d5: {  	[sflag:s26] =	ssyncadd.s32 $0xFFFFC000  }
0x3d6: {  	p0 =	sne.s32 s30, $0x1;
	_ =	swait.ge [sflag:s16], $0x4000  }
.Ltmp0:
0x3d7: {  	[sflag:s16] =	ssyncset.done $0x0;
	(pc) =	sbr.rel @p0 .LBB2_1-.Ltmp0, $4  }
0x3d8: {  	[sflag:s16] =	ssyncadd.s32 $0xFFFFC000  }
0x3d9: {  	_ =	swait.ge [sflag:s18], $0x4000  }
0x3da: {  	[sflag:s18] =	ssyncset.done $0x0  }
0x3db: {  	s1 =	sadd.s32 $0xFFFFFFFF, s30;
	[sflag:s18] =	ssyncadd.s32 $0xFFFFC000  }
0x3dc: {  	_ =	sfence.sel $0x180000  }
0x3dd: {  	[bflag:$0x0] =	sbarrier.arrive $0xFFFF  }
0x3de: {  	_ =	strace $0x90000047  }
0x3df: {  	s0 =	stileid.u32;
	[bflag:$0x2] =	sbarrier.arrive $0xFFFF  }
0x3e0: {  	p0 =	sne.s32 s0, $0x0;
	s0 =	rddreg [dreg:$0x3]  }
0x3e1: {  	s0 =	sadd.s32 @!p0 $0x100000, s0  }
0x3e2: {  	[sflag:s0] =	ssyncadd.tile.s32 @!p0 $0x1;
	_ =	shalt  }
.Lfunc_end2:
_tile_overlayer_lowered:
.L_overlay_start_2:
0x3e3: {  	(tag) =	ssettag $0x2  }
0x3e4: {  	s0 =	rddreg [dreg:$0x0];
	s2 =	stileid.u32  }
0x3e5: {  	s1 =	rddreg [dreg:$0x1];
	p0 =	sne.s32 s2, $0x0  }
0x3e6: {  	s3 =	rddreg [dreg:$0x2];
	[bflag:$0x3] =	sbarrier.arrive $0xFFFF;
	s2 =	simm.s32 @!p0 $0x1C0D  }
0x3e7: {  	[timem:s3], [sflag:s2] =	dma.local @!p0 [hbm:s0], s1  }
0x3e8: {  	s0 =	simm.s32 @!p0 $0xD  }
0x3e9: {  	_ =	swait.ge @!p0 [sflag:s0], s1  }
0x3ea: {  	s1 =	ssub.s32 @!p0 $0x0, s1;
	[sflag:s0] =	ssyncset.done @!p0 $0x0  }
0x3eb: {  	[sflag:s0] =	ssyncadd.s32 @!p0 s1  }
0x3ec: {  	[bflag:$0x3] =	sbarrier.arrive $0xFFFF  }
0x3ed: {  	_ =	shalt  }

</sc_bundles>
